<compile_context>
chip_gen: v7x
topology: tpu7x:2x2x1
jax: 0.10.2.dev20260603
libtpu: 0.0.44.dev20260713+nightly
codegen_flags: <defaults>
</compile_context>

<pallas_src>
import functools

import jax
import jax.numpy as jnp
from jax import lax
from jax.experimental import pallas as pl
from jax.experimental.pallas import tpu as pltpu
from jax.experimental.pallas import tpu_sc as plsc

NC = 2
NS = 16
NPAD = 10240
NPADE = 10048


def _scalar_propagate(vals, ei):
  n = vals.shape[0] if vals is not None else 0
  e = ei.shape[1]
  e_w = e // (NC * NS)
  ch = e_w
  n_ch = e_w // ch
  unroll = 8
  slc = NPAD // NS
  mesh = plsc.VectorSubcoreMesh(core_axis_name="c", subcore_axis_name="s")

  vals_scratch = [pltpu.VMEM((n,), jnp.float32)] if vals is not None else []

  @functools.partial(
      pl.kernel,
      mesh=mesh,
      compiler_params=pltpu.CompilerParams(needs_layout_passes=False,
                                           use_tc_tiling_on_sc=False),
      out_type=jax.ShapeDtypeStruct((NC, NPAD), jnp.float32),
      scratch_types=vals_scratch + [
          pltpu.VMEM((NPAD,), jnp.float32),
          pltpu.VMEM((ch,), jnp.int32),
          pltpu.VMEM((ch,), jnp.int32),
          pltpu.VMEM((slc,), jnp.float32),
          pltpu.VMEM((slc,), jnp.float32),
          pltpu.VMEM_SHARED((NS, NPAD), jnp.float32),
      ],
  )
  def k(*refs):
    if vals is not None:
      (vals_hbm, ei_hbm, out_hbm,
       vals_v, acc_v, src_v, dst_v, tmp_v, tot_v, shared) = refs
    else:
      (ei_hbm, out_hbm,
       acc_v, src_v, dst_v, tmp_v, tot_v, shared) = refs
    cid = lax.axis_index("c")
    sid = lax.axis_index("s")
    base = (cid * NS + sid) * e_w
    if vals is not None:
      pltpu.sync_copy(vals_hbm, vals_v)

    zero16 = jnp.zeros((16,), jnp.float32)
    ones16 = jnp.ones((16,), jnp.float32)

    def zero_body(i, _):
      acc_v[pl.ds(i * 16, 16)] = zero16
      return 0
    lax.fori_loop(0, NPAD // 16, zero_body, 0)

    def chunk_body(c, _):
      off = base + c * ch
      pltpu.sync_copy(ei_hbm.at[0, pl.ds(off, ch)], src_v)
      pltpu.sync_copy(ei_hbm.at[1, pl.ds(off, ch)], dst_v)

      @plsc.parallel_loop(0, ch // 16, unroll=unroll)
      def edge_body(j):
        p = j * 16
        d16 = dst_v[pl.ds(p, 16)]
        if vals is not None:
          s16 = src_v[pl.ds(p, 16)]
          v16 = plsc.load_gather(vals_v, [s16])
        else:
          v16 = ones16
        plsc.addupdate_scatter(acc_v, [d16], v16)
      return 0
    lax.fori_loop(0, n_ch, chunk_body, 0)

    pltpu.sync_copy(acc_v, shared.at[sid])
    plsc.subcore_barrier()

    def zt_body(i, _):
      tot_v[pl.ds(i * 16, 16)] = zero16
      return 0
    lax.fori_loop(0, slc // 16, zt_body, 0)

    for j in range(NS):
      pltpu.sync_copy(shared.at[j, pl.ds(sid * slc, slc)], tmp_v)

      def add_body(i, _):
        tot_v[pl.ds(i * 16, 16)] += tmp_v[pl.ds(i * 16, 16)]
        return 0
      lax.fori_loop(0, slc // 16, add_body, 0)

    pltpu.sync_copy(tot_v, out_hbm.at[cid, pl.ds(sid * slc, slc)])

  if vals is not None:
    return k(vals, ei)
  return k(ei)


def _edge_propagate(g, ei4):
  n, d = g.shape
  _, nw, n_ch, kk = ei4.shape
  slc = NPADE // NS
  mesh = plsc.VectorSubcoreMesh(core_axis_name="c", subcore_axis_name="s")

  @functools.partial(
      pl.kernel,
      mesh=mesh,
      compiler_params=pltpu.CompilerParams(needs_layout_passes=False,
                                           use_tc_tiling_on_sc=False),
      out_type=jax.ShapeDtypeStruct((NC, NPADE, d), jnp.float32),
      scratch_types=[
          pltpu.VMEM((n_ch, kk), jnp.int32),
          pltpu.VMEM((n_ch, kk), jnp.int32),
          [pltpu.VMEM((kk, d), jnp.float32)] * 2,
          pltpu.VMEM_SHARED((NPADE, d), jnp.float32),
          [pltpu.SemaphoreType.DMA] * 2,
      ],
  )
  def k(g_hbm, ei_hbm, out_hbm, src_v, dst_v, rows, s_sh, sems):
    cid = lax.axis_index("c")
    sid = lax.axis_index("s")
    wid = cid * NS + sid
    pltpu.sync_copy(ei_hbm.at[0, wid], src_v)
    pltpu.sync_copy(ei_hbm.at[1, wid], dst_v)

    zero16 = jnp.zeros((16,), jnp.float32)

    def zr_body(i, _):
      rows[0][i // (d // 16), pl.ds((i % (d // 16)) * 16, 16)] = zero16
      return 0
    lax.fori_loop(0, kk * (d // 16), zr_body, 0)
    for z in range(slc // kk):
      pltpu.sync_copy(rows[0], s_sh.at[pl.ds(sid * slc + z * kk, kk)])
    rem = slc % kk
    if rem:
      pltpu.sync_copy(rows[0].at[pl.ds(0, rem)],
                      s_sh.at[pl.ds(sid * slc + (slc // kk) * kk, rem)])
    plsc.subcore_barrier()

    pltpu.async_copy(g_hbm.at[src_v.at[0]], rows[0], sems[0])

    def pair_body(q, _):
      c0 = q * 2
      pltpu.async_copy(g_hbm.at[src_v.at[c0 + 1]], rows[1], sems[1])
      pltpu.make_async_copy(g_hbm.at[src_v.at[c0]], rows[0], sems[0]).wait()
      pltpu.sync_copy(rows[0], s_sh.at[dst_v.at[c0]], add=True)

      @pl.when(c0 + 2 < n_ch)
      def _():
        pltpu.async_copy(g_hbm.at[src_v.at[c0 + 2]], rows[0], sems[0])

      pltpu.make_async_copy(g_hbm.at[src_v.at[c0]], rows[1], sems[1]).wait()
      pltpu.sync_copy(rows[1], s_sh.at[dst_v.at[c0 + 1]], add=True)
      return 0
    lax.fori_loop(0, n_ch // 2, pair_body, 0)

    plsc.subcore_barrier()
    pltpu.sync_copy(s_sh.at[pl.ds(sid * slc, slc)],
                    out_hbm.at[cid, pl.ds(sid * slc, slc)])

  return k(g, ei4)


def _tc_matmul(x, w1):
  n, d_in = x.shape
  h = w1.shape[1]
  r = n

  def body(x_r, w_r, o_r):
    o_r[...] = jnp.dot(x_r[...], w_r[...], preferred_element_type=jnp.float32)

  return pl.pallas_call(
      body,
      grid=(n // r,),
      in_specs=[
          pl.BlockSpec((r, d_in), lambda i: (i, 0)),
          pl.BlockSpec((d_in, h), lambda i: (0, 0)),
      ],
      out_specs=pl.BlockSpec((r, h), lambda i: (i, 0)),
      out_shape=jax.ShapeDtypeStruct((n, h), jnp.float32),
  )(x, w1)


def _tc_scale1(cnt_a, cnt_b, h1):
  n, h = h1.shape
  r = n

  def body(ca_r, cb_r, h_r, d_r, g_r):
    deg = ca_r[...] + cb_r[...] + 1.0
    dv = lax.rsqrt(deg)
    d_r[...] = dv
    g_r[...] = h_r[...] * dv

  return pl.pallas_call(
      body,
      grid=(n // r,),
      in_specs=[
          pl.BlockSpec((r, 1), lambda i: (i, 0)),
          pl.BlockSpec((r, 1), lambda i: (i, 0)),
          pl.BlockSpec((r, h), lambda i: (i, 0)),
      ],
      out_specs=[
          pl.BlockSpec((r, 1), lambda i: (i, 0)),
          pl.BlockSpec((r, h), lambda i: (i, 0)),
      ],
      out_shape=[
          jax.ShapeDtypeStruct((n, 1), jnp.float32),
          jax.ShapeDtypeStruct((n, h), jnp.float32),
      ],
  )(cnt_a, cnt_b, h1)


def _tc_mid(s, g_prev, d, b, w):
  n, h_in = g_prev.shape
  h_out = w.shape[1]
  r = n

  def body(sa_r, sb_r, g_r, d_r, b_r, w_r, o_r):
    hid = jnp.maximum(
        d_r[...] * (sa_r[0] + sb_r[0] + g_r[...]) + b_r[...], 0.0)
    o_r[...] = jnp.dot(hid, w_r[...],
                       preferred_element_type=jnp.float32) * d_r[...]

  return pl.pallas_call(
      body,
      grid=(n // r,),
      in_specs=[
          pl.BlockSpec((1, r, h_in), lambda i: (0, i, 0)),
          pl.BlockSpec((1, r, h_in), lambda i: (1, i, 0)),
          pl.BlockSpec((r, h_in), lambda i: (i, 0)),
          pl.BlockSpec((r, 1), lambda i: (i, 0)),
          pl.BlockSpec((1, h_in), lambda i: (0, 0)),
          pl.BlockSpec((h_in, h_out), lambda i: (0, 0)),
      ],
      out_specs=pl.BlockSpec((r, h_out), lambda i: (i, 0)),
      out_shape=jax.ShapeDtypeStruct((n, h_out), jnp.float32),
  )(s, s, g_prev, d, b, w)


def _tc_final(s_a, s_b, g3, d, b3):
  n = g3.shape[0]

  def body(sa_r, sb_r, g_r, d_r, b_r, o_r):
    o_r[...] = d_r[...] * (sa_r[...] + sb_r[...] + g_r[...]) + b_r[...]

  return pl.pallas_call(
      body,
      grid=(1,),
      in_specs=[pl.BlockSpec((n, 1), lambda i: (0, 0))] * 4
      + [pl.BlockSpec((1, 1), lambda i: (0, 0))],
      out_specs=pl.BlockSpec((n, 1), lambda i: (0, 0)),
      out_shape=jax.ShapeDtypeStruct((n, 1), jnp.float32),
  )(s_a, s_b, g3, d, b3)


def kernel(x, edge_index, W1, b1, W2, b2, W3, b3):
  n = x.shape[0]
  e = edge_index.shape[1]
  kk = 100
  n_ch = e // (NC * NS * kk)
  ei4 = edge_index.reshape(2, NC * NS, n_ch, kk)

  cnt = _scalar_propagate(None, edge_index)
  h1 = _tc_matmul(x, W1)
  cnt_a = cnt[0, :n].reshape(n, 1)
  cnt_b = cnt[1, :n].reshape(n, 1)

  d, g1 = _tc_scale1(cnt_a, cnt_b, h1)
  s1 = _edge_propagate(g1, ei4)
  g2 = _tc_mid(s1, g1, d, b1.reshape(1, -1), W2)
  s2 = _edge_propagate(g2, ei4)
  g3 = _tc_mid(s2, g2, d, b2.reshape(1, -1), W3)
  s3 = _scalar_propagate(g3.reshape(n), edge_index)
  out = _tc_final(s3[0, :n].reshape(n, 1), s3[1, :n].reshape(n, 1),
                  g3, d, b3.reshape(1, 1))
  return out

# --- scband reference (transcript-rebuilt; emitter-appended) ---
"""Pipeline reference for scband-multi-layer-gcnnet-36515811950908 (READ-ONLY COPY).

The authoritative reference and input builder live on the scoring server;
editing this copy changes nothing except your own understanding.
"""

import jax, jax.numpy as jnp
import numpy as np

N = 10000
E = 320000
D_IN = 128
H = 128


def gcn_conv(x, src, dst, W, b, num_nodes):
    # add self loops (PyG GCNConv default)
    loop = jnp.arange(num_nodes, dtype=src.dtype)
    src_full = jnp.concatenate([src, loop])
    dst_full = jnp.concatenate([dst, loop])
    deg = jnp.zeros((num_nodes,), dtype=x.dtype).at[dst_full].add(1.0)
    deg_inv_sqrt = jnp.where(deg > 0, jax.lax.rsqrt(jnp.maximum(deg, 1e-12)), 0.0)
    norm = deg_inv_sqrt[src_full] * deg_inv_sqrt[dst_full]
    h = x @ W
    msg = h[src_full] * norm[:, None]
    out = jnp.zeros((num_nodes, W.shape[1]), dtype=x.dtype).at[dst_full].add(msg)
    return out + b


def setup_inputs(seed: int = 0) -> dict:
    key = jax.random.key(seed)
    ks = jax.random.split(key, 9)
    x = jax.random.normal(ks[0], (N, D_IN), dtype=jnp.float32)
    edge_index = jax.random.randint(ks[1], (2, E), 0, N, dtype=jnp.int32)
    W1 = jax.random.normal(ks[2], (D_IN, H), dtype=jnp.float32) * (1.0 / np.sqrt(D_IN))
    b1 = jnp.zeros((H,), dtype=jnp.float32)
    W2 = jax.random.normal(ks[3], (H, H), dtype=jnp.float32) * (1.0 / np.sqrt(H))
    b2 = jnp.zeros((H,), dtype=jnp.float32)
    W3 = jax.random.normal(ks[4], (H, 1), dtype=jnp.float32) * (1.0 / np.sqrt(H))
    b3 = jnp.zeros((1,), dtype=jnp.float32)
    return {"x": x, "edge_index": edge_index, "W1": W1, "b1": b1, "W2": W2, "b2": b2, "W3": W3, "b3": b3}


def reference(x, edge_index, W1, b1, W2, b2, W3, b3):
    src = edge_index[0]
    dst = edge_index[1]
    h = jax.nn.relu(gcn_conv(x, src, dst, W1, b1, N))
    h = jax.nn.relu(gcn_conv(h, src, dst, W2, b2, N))
    out = gcn_conv(h, src, dst, W3, b3, N)
    return out

if __name__ == "__main__":
    import jax
    _d = setup_inputs()
    print(jax.jit(kernel)(*tuple(_d.values())))

</pallas_src>

<mosaic_0001>
#map = affine_map<(d0, d1) -> (0, 0)>
#map1 = affine_map<(d0, d1) -> (0, 0, 0, 0)>
#map2 = affine_map<(d0, d1) -> (0, 0, 0)>
module attributes {stable_mosaic.version = 14 : i64} {
  func.func @k(%arg0: i32, %arg1: i32, %arg2: memref<10000x128xf32, #tpu.memory_space<hbm>>, %arg3: memref<2x32x100x100xi32, #tpu.memory_space<hbm>>, %arg4: memref<2x10048x128xf32, #tpu.memory_space<hbm>>, %arg5: memref<100x100xi32, #tpu.memory_space<vmem>>, %arg6: memref<100x100xi32, #tpu.memory_space<vmem>>, %arg7: memref<100x128xf32, #tpu.memory_space<vmem>>, %arg8: memref<100x128xf32, #tpu.memory_space<vmem>>, %arg9: memref<10048x128xf32, #tpu.memory_space<vmem_shared>>, %arg10: memref<!tpu.dma_semaphore, #tpu.memory_space<semaphore_mem>>, %arg11: memref<!tpu.dma_semaphore, #tpu.memory_space<semaphore_mem>>) attributes {dimension_semantics = [#tpu.dimension_semantics<core_parallel>, #tpu.dimension_semantics<subcore_parallel>], iteration_bounds = array<i64: 2, 16>, scalar_prefetch = 0 : i64, scratch_operands = 7 : i64, tpu.core_type = #tpu.core_type<sc_vector_subcore>, window_params = [{transform_indices = #map}, {transform_indices = #map1}, {transform_indices = #map2}]} {
    %mul3A = arith.constant 16 : i32
    %mul3A_0 = arith.muli %arg0, %mul3A : i32
    %add3A = arith.addi %mul3A_0, %arg1 : i32
    %run_scoped3A = arith.constant 0 : i32
    "tpu.region"() ({
      %run_scoped3A_55 = tpu.sem_alloc : memref<!tpu.dma_semaphore, #tpu.memory_space<semaphore_mem>>
      %dma_start3A_56 = arith.constant 0 : i32
      %dma_start3A_57 = arith.constant 0 : i32
      %dma_start3A_58 = tpu.memref_slice %arg3[%run_scoped3A, %add3A, %dma_start3A_56, %dma_start3A_57] : memref<2x32x100x100xi32, #tpu.memory_space<hbm>> -> memref<1x1x100x100xi32, #tpu.memory_space<hbm>>
      %dma_start3A_59 = tpu.memref_squeeze %dma_start3A_58 : memref<1x1x100x100xi32, #tpu.memory_space<hbm>> -> memref<100x100xi32, #tpu.memory_space<hbm>>
      %dma_start3A_60 = arith.constant 0 : i32
      %dma_start3A_61 = arith.constant 0 : i32
      %dma_start3A_62 = tpu.memref_slice %arg3[%run_scoped3A, %add3A, %dma_start3A_60, %dma_start3A_61] : memref<2x32x100x100xi32, #tpu.memory_space<hbm>> -> memref<1x1x100x100xi32, #tpu.memory_space<hbm>>
      %dma_start3A_63 = tpu.memref_squeeze %dma_start3A_62 : memref<1x1x100x100xi32, #tpu.memory_space<hbm>> -> memref<100x100xi32, #tpu.memory_space<hbm>>
      tpu.enqueue_dma source(%dma_start3A_63 : memref<100x100xi32, #tpu.memory_space<hbm>>) target(%arg5 : memref<100x100xi32, #tpu.memory_space<vmem>>) target_semaphore(%run_scoped3A_55 : memref<!tpu.dma_semaphore, #tpu.memory_space<semaphore_mem>>)
      %dma_wait3A = arith.constant 0 : i32
      %dma_wait3A_64 = arith.constant 0 : i32
      %dma_wait3A_65 = tpu.memref_slice %arg3[%run_scoped3A, %add3A, %dma_wait3A, %dma_wait3A_64] : memref<2x32x100x100xi32, #tpu.memory_space<hbm>> -> memref<1x1x100x100xi32, #tpu.memory_space<hbm>>
      %dma_wait3A_66 = tpu.memref_squeeze %dma_wait3A_65 : memref<1x1x100x100xi32, #tpu.memory_space<hbm>> -> memref<100x100xi32, #tpu.memory_space<hbm>>
      %dma_wait3A_67 = arith.constant 0 : i32
      %dma_wait3A_68 = arith.constant 0 : i32
      %dma_wait3A_69 = tpu.memref_slice %arg3[%run_scoped3A, %add3A, %dma_wait3A_67, %dma_wait3A_68] : memref<2x32x100x100xi32, #tpu.memory_space<hbm>> -> memref<1x1x100x100xi32, #tpu.memory_space<hbm>>
      %dma_wait3A_70 = tpu.memref_squeeze %dma_wait3A_69 : memref<1x1x100x100xi32, #tpu.memory_space<hbm>> -> memref<100x100xi32, #tpu.memory_space<hbm>>
      tpu.wait_dma2 semaphore(%run_scoped3A_55 : memref<!tpu.dma_semaphore, #tpu.memory_space<semaphore_mem>>) src(%dma_wait3A_70 : memref<100x100xi32, #tpu.memory_space<hbm>>) dst(%arg5 : memref<100x100xi32, #tpu.memory_space<vmem>>)
      tpu.yield
    }) : () -> ()
    %run_scoped3A_1 = arith.constant 1 : i32
    "tpu.region"() ({
      %run_scoped3A_55 = tpu.sem_alloc : memref<!tpu.dma_semaphore, #tpu.memory_space<semaphore_mem>>
      %dma_start3A_56 = arith.constant 0 : i32
      %dma_start3A_57 = arith.constant 0 : i32
      %dma_start3A_58 = tpu.memref_slice %arg3[%run_scoped3A_1, %add3A, %dma_start3A_56, %dma_start3A_57] : memref<2x32x100x100xi32, #tpu.memory_space<hbm>> -> memref<1x1x100x100xi32, #tpu.memory_space<hbm>>
      %dma_start3A_59 = tpu.memref_squeeze %dma_start3A_58 : memref<1x1x100x100xi32, #tpu.memory_space<hbm>> -> memref<100x100xi32, #tpu.memory_space<hbm>>
      %dma_start3A_60 = arith.constant 0 : i32
      %dma_start3A_61 = arith.constant 0 : i32
      %dma_start3A_62 = tpu.memref_slice %arg3[%run_scoped3A_1, %add3A, %dma_start3A_60, %dma_start3A_61] : memref<2x32x100x100xi32, #tpu.memory_space<hbm>> -> memref<1x1x100x100xi32, #tpu.memory_space<hbm>>
      %dma_start3A_63 = tpu.memref_squeeze %dma_start3A_62 : memref<1x1x100x100xi32, #tpu.memory_space<hbm>> -> memref<100x100xi32, #tpu.memory_space<hbm>>
      tpu.enqueue_dma source(%dma_start3A_63 : memref<100x100xi32, #tpu.memory_space<hbm>>) target(%arg6 : memref<100x100xi32, #tpu.memory_space<vmem>>) target_semaphore(%run_scoped3A_55 : memref<!tpu.dma_semaphore, #tpu.memory_space<semaphore_mem>>)
      %dma_wait3A = arith.constant 0 : i32
      %dma_wait3A_64 = arith.constant 0 : i32
      %dma_wait3A_65 = tpu.memref_slice %arg3[%run_scoped3A_1, %add3A, %dma_wait3A, %dma_wait3A_64] : memref<2x32x100x100xi32, #tpu.memory_space<hbm>> -> memref<1x1x100x100xi32, #tpu.memory_space<hbm>>
      %dma_wait3A_66 = tpu.memref_squeeze %dma_wait3A_65 : memref<1x1x100x100xi32, #tpu.memory_space<hbm>> -> memref<100x100xi32, #tpu.memory_space<hbm>>
      %dma_wait3A_67 = arith.constant 0 : i32
      %dma_wait3A_68 = arith.constant 0 : i32
      %dma_wait3A_69 = tpu.memref_slice %arg3[%run_scoped3A_1, %add3A, %dma_wait3A_67, %dma_wait3A_68] : memref<2x32x100x100xi32, #tpu.memory_space<hbm>> -> memref<1x1x100x100xi32, #tpu.memory_space<hbm>>
      %dma_wait3A_70 = tpu.memref_squeeze %dma_wait3A_69 : memref<1x1x100x100xi32, #tpu.memory_space<hbm>> -> memref<100x100xi32, #tpu.memory_space<hbm>>
      tpu.wait_dma2 semaphore(%run_scoped3A_55 : memref<!tpu.dma_semaphore, #tpu.memory_space<semaphore_mem>>) src(%dma_wait3A_70 : memref<100x100xi32, #tpu.memory_space<hbm>>) dst(%arg6 : memref<100x100xi32, #tpu.memory_space<vmem>>)
      tpu.yield
    }) : () -> ()
    %broadcast_in_dim3A = arith.constant 0.000000e+00 : f32
    %broadcast_in_dim3A_2 = vector.broadcast %broadcast_in_dim3A : f32 to vector<16xf32>
    %scan3A = arith.constant 0 : i32
    %scan3A_3 = arith.constant 0 : i32
    %scan3A_4 = arith.constant 800 : i32
    %scan3A_5 = arith.addi %scan3A_3, %scan3A_4 : i32
    %scan3A_6 = arith.constant 1 : i32
    %scan3A_7 = scf.for %scan3A_55 = %scan3A_3 to %scan3A_5 step %scan3A_6 iter_args(%scan3A_56 = %scan3A) -> (i32)  : i32 {
      %jit3A = arith.constant 8 : i32
      %div3A = arith.divsi %scan3A_55, %jit3A : i32
      %sign3A = arith.constant 0 : i32
      %sign3A_57 = arith.cmpi sgt, %scan3A_55, %sign3A : i32
      %sign3A_58 = arith.extui %sign3A_57 : i1 to i32
      %sign3A_59 = arith.constant 0 : i32
      %sign3A_60 = arith.cmpi slt, %scan3A_55, %sign3A_59 : i32
      %sign3A_61 = arith.extui %sign3A_60 : i1 to i32
      %sign3A_62 = arith.subi %sign3A_58, %sign3A_61 : i32
      %sign3A_63 = arith.constant 0 : i32
      %sign3A_64 = arith.cmpi sgt, %jit3A, %sign3A_63 : i32
      %sign3A_65 = arith.extui %sign3A_64 : i1 to i32
      %sign3A_66 = arith.constant 0 : i32
      %sign3A_67 = arith.cmpi slt, %jit3A, %sign3A_66 : i32
      %sign3A_68 = arith.extui %sign3A_67 : i1 to i32
      %sign3A_69 = arith.subi %sign3A_65, %sign3A_68 : i32
      %ne3A = arith.cmpi ne, %sign3A_62, %sign3A_69 : i32
      %rem3A = arith.remsi %scan3A_55, %jit3A : i32
      %ne3A_70 = arith.constant 0 : i32
      %ne3A_71 = arith.cmpi ne, %rem3A, %ne3A_70 : i32
      %and3A = arith.andi %ne3A, %ne3A_71 : i1
      %sub3A = arith.constant 1 : i32
      %sub3A_72 = arith.subi %div3A, %sub3A : i32
      %select_n3A = arith.select %and3A, %sub3A_72, %div3A : i32
      %jit3A_73 = arith.constant 8 : i32
      %eq3A = arith.constant 0 : i32
      %eq3A_74 = arith.cmpi eq, %jit3A_73, %eq3A : i32
      %jit3A_75 = arith.constant 1 : i32
      %select_n3A_76 = arith.select %eq3A_74, %jit3A_75, %jit3A_73 : i32
      %rem3A_77 = arith.remsi %scan3A_55, %select_n3A_76 : i32
      %ne3A_78 = arith.constant 0 : i32
      %ne3A_79 = arith.cmpi ne, %rem3A_77, %ne3A_78 : i32
      %lt3A = arith.constant 0 : i32
      %lt3A_80 = arith.cmpi slt, %rem3A_77, %lt3A : i32
      %lt3A_81 = arith.constant 0 : i32
      %lt3A_82 = arith.cmpi slt, %select_n3A_76, %lt3A_81 : i32
      %ne3A_83 = arith.xori %lt3A_80, %lt3A_82 : i1
      %and3A_84 = arith.andi %ne3A_83, %ne3A_79 : i1
      %add3A_85 = arith.addi %rem3A_77, %select_n3A_76 : i32
      %select_n3A_86 = arith.select %and3A_84, %add3A_85, %rem3A_77 : i32
      %mul3A_87 = arith.constant 16 : i32
      %mul3A_88 = arith.muli %select_n3A_86, %mul3A_87 : i32
      %swap3A = arith.index_cast %select_n3A : i32 to index
      %swap3A_89 = arith.index_cast %mul3A_88 : i32 to index
      %swap3A_90 = tpu.vector_load %arg7[%swap3A, %swap3A_89] {strides = array<i32>} : memref<100x128xf32, #tpu.memory_space<vmem>>, vector<16xf32>,
      tpu.vector_store %arg7[%swap3A, %swap3A_89], %broadcast_in_dim3A_2 {strides = array<i32>} : memref<100x128xf32, #tpu.memory_space<vmem>>, vector<16xf32>,
      %scan3A_91 = arith.constant 0 : i32
      scf.yield %scan3A_91 : i32
    }
    %scan3A_8 = arith.constant 800 : i32
    %mul3A_9 = arith.constant 628 : i32
    %mul3A_10 = arith.muli %arg1, %mul3A_9 : i32
    %add3A_11 = arith.constant 0 : i32
    %add3A_12 = arith.addi %mul3A_10, %add3A_11 : i32
    "tpu.region"() ({
      %run_scoped3A_55 = tpu.sem_alloc : memref<!tpu.dma_semaphore, #tpu.memory_space<semaphore_mem>>
      %dma_start3A_56 = arith.constant 0 : i32
      %dma_start3A_57 = tpu.memref_slice %arg9[%add3A_12, %dma_start3A_56] : memref<10048x128xf32, #tpu.memory_space<vmem_shared>> -> memref<100x128xf32, #tpu.memory_space<vmem_shared>>
      %dma_start3A_58 = arith.constant 0 : i32
      %dma_start3A_59 = tpu.memref_slice %arg9[%add3A_12, %dma_start3A_58] : memref<10048x128xf32, #tpu.memory_space<vmem_shared>> -> memref<100x128xf32, #tpu.memory_space<vmem_shared>>
      tpu.enqueue_dma source(%arg7 : memref<100x128xf32, #tpu.memory_space<vmem>>) target(%dma_start3A_59 : memref<100x128xf32, #tpu.memory_space<vmem_shared>>) target_semaphore(%run_scoped3A_55 : memref<!tpu.dma_semaphore, #tpu.memory_space<semaphore_mem>>)
      %dma_wait3A = arith.constant 0 : i32
      %dma_wait3A_60 = tpu.memref_slice %arg9[%add3A_12, %dma_wait3A] : memref<10048x128xf32, #tpu.memory_space<vmem_shared>> -> memref<100x128xf32, #tpu.memory_space<vmem_shared>>
      %dma_wait3A_61 = arith.constant 0 : i32
      %dma_wait3A_62 = tpu.memref_slice %arg9[%add3A_12, %dma_wait3A_61] : memref<10048x128xf32, #tpu.memory_space<vmem_shared>> -> memref<100x128xf32, #tpu.memory_space<vmem_shared>>
      tpu.wait_dma2 semaphore(%run_scoped3A_55 : memref<!tpu.dma_semaphore, #tpu.memory_space<semaphore_mem>>) src(%arg7 : memref<100x128xf32, #tpu.memory_space<vmem>>) dst(%dma_wait3A_62 : memref<100x128xf32, #tpu.memory_space<vmem_shared>>)
      tpu.yield
    }) : () -> ()
    %mul3A_13 = arith.constant 628 : i32
    %mul3A_14 = arith.muli %arg1, %mul3A_13 : i32
    %add3A_15 = arith.constant 100 : i32
    %add3A_16 = arith.addi %mul3A_14, %add3A_15 : i32
    "tpu.region"() ({
      %run_scoped3A_55 = tpu.sem_alloc : memref<!tpu.dma_semaphore, #tpu.memory_space<semaphore_mem>>
      %dma_start3A_56 = arith.constant 0 : i32
      %dma_start3A_57 = tpu.memref_slice %arg9[%add3A_16, %dma_start3A_56] : memref<10048x128xf32, #tpu.memory_space<vmem_shared>> -> memref<100x128xf32, #tpu.memory_space<vmem_shared>>
      %dma_start3A_58 = arith.constant 0 : i32
      %dma_start3A_59 = tpu.memref_slice %arg9[%add3A_16, %dma_start3A_58] : memref<10048x128xf32, #tpu.memory_space<vmem_shared>> -> memref<100x128xf32, #tpu.memory_space<vmem_shared>>
      tpu.enqueue_dma source(%arg7 : memref<100x128xf32, #tpu.memory_space<vmem>>) target(%dma_start3A_59 : memref<100x128xf32, #tpu.memory_space<vmem_shared>>) target_semaphore(%run_scoped3A_55 : memref<!tpu.dma_semaphore, #tpu.memory_space<semaphore_mem>>)
      %dma_wait3A = arith.constant 0 : i32
      %dma_wait3A_60 = tpu.memref_slice %arg9[%add3A_16, %dma_wait3A] : memref<10048x128xf32, #tpu.memory_space<vmem_shared>> -> memref<100x128xf32, #tpu.memory_space<vmem_shared>>
      %dma_wait3A_61 = arith.constant 0 : i32
      %dma_wait3A_62 = tpu.memref_slice %arg9[%add3A_16, %dma_wait3A_61] : memref<10048x128xf32, #tpu.memory_space<vmem_shared>> -> memref<100x128xf32, #tpu.memory_space<vmem_shared>>
      tpu.wait_dma2 semaphore(%run_scoped3A_55 : memref<!tpu.dma_semaphore, #tpu.memory_space<semaphore_mem>>) src(%arg7 : memref<100x128xf32, #tpu.memory_space<vmem>>) dst(%dma_wait3A_62 : memref<100x128xf32, #tpu.memory_space<vmem_shared>>)
      tpu.yield
    }) : () -> ()
    %mul3A_17 = arith.constant 628 : i32
    %mul3A_18 = arith.muli %arg1, %mul3A_17 : i32
    %add3A_19 = arith.constant 200 : i32
    %add3A_20 = arith.addi %mul3A_18, %add3A_19 : i32
    "tpu.region"() ({
      %run_scoped3A_55 = tpu.sem_alloc : memref<!tpu.dma_semaphore, #tpu.memory_space<semaphore_mem>>
      %dma_start3A_56 = arith.constant 0 : i32
      %dma_start3A_57 = tpu.memref_slice %arg9[%add3A_20, %dma_start3A_56] : memref<10048x128xf32, #tpu.memory_space<vmem_shared>> -> memref<100x128xf32, #tpu.memory_space<vmem_shared>>
      %dma_start3A_58 = arith.constant 0 : i32
      %dma_start3A_59 = tpu.memref_slice %arg9[%add3A_20, %dma_start3A_58] : memref<10048x128xf32, #tpu.memory_space<vmem_shared>> -> memref<100x128xf32, #tpu.memory_space<vmem_shared>>
      tpu.enqueue_dma source(%arg7 : memref<100x128xf32, #tpu.memory_space<vmem>>) target(%dma_start3A_59 : memref<100x128xf32, #tpu.memory_space<vmem_shared>>) target_semaphore(%run_scoped3A_55 : memref<!tpu.dma_semaphore, #tpu.memory_space<semaphore_mem>>)
      %dma_wait3A = arith.constant 0 : i32
      %dma_wait3A_60 = tpu.memref_slice %arg9[%add3A_20, %dma_wait3A] : memref<10048x128xf32, #tpu.memory_space<vmem_shared>> -> memref<100x128xf32, #tpu.memory_space<vmem_shared>>
      %dma_wait3A_61 = arith.constant 0 : i32
      %dma_wait3A_62 = tpu.memref_slice %arg9[%add3A_20, %dma_wait3A_61] : memref<10048x128xf32, #tpu.memory_space<vmem_shared>> -> memref<100x128xf32, #tpu.memory_space<vmem_shared>>
      tpu.wait_dma2 semaphore(%run_scoped3A_55 : memref<!tpu.dma_semaphore, #tpu.memory_space<semaphore_mem>>) src(%arg7 : memref<100x128xf32, #tpu.memory_space<vmem>>) dst(%dma_wait3A_62 : memref<100x128xf32, #tpu.memory_space<vmem_shared>>)
      tpu.yield
    }) : () -> ()
    %mul3A_21 = arith.constant 628 : i32
    %mul3A_22 = arith.muli %arg1, %mul3A_21 : i32
    %add3A_23 = arith.constant 300 : i32
    %add3A_24 = arith.addi %mul3A_22, %add3A_23 : i32
    "tpu.region"() ({
      %run_scoped3A_55 = tpu.sem_alloc : memref<!tpu.dma_semaphore, #tpu.memory_space<semaphore_mem>>
      %dma_start3A_56 = arith.constant 0 : i32
      %dma_start3A_57 = tpu.memref_slice %arg9[%add3A_24, %dma_start3A_56] : memref<10048x128xf32, #tpu.memory_space<vmem_shared>> -> memref<100x128xf32, #tpu.memory_space<vmem_shared>>
      %dma_start3A_58 = arith.constant 0 : i32
      %dma_start3A_59 = tpu.memref_slice %arg9[%add3A_24, %dma_start3A_58] : memref<10048x128xf32, #tpu.memory_space<vmem_shared>> -> memref<100x128xf32, #tpu.memory_space<vmem_shared>>
      tpu.enqueue_dma source(%arg7 : memref<100x128xf32, #tpu.memory_space<vmem>>) target(%dma_start3A_59 : memref<100x128xf32, #tpu.memory_space<vmem_shared>>) target_semaphore(%run_scoped3A_55 : memref<!tpu.dma_semaphore, #tpu.memory_space<semaphore_mem>>)
      %dma_wait3A = arith.constant 0 : i32
      %dma_wait3A_60 = tpu.memref_slice %arg9[%add3A_24, %dma_wait3A] : memref<10048x128xf32, #tpu.memory_space<vmem_shared>> -> memref<100x128xf32, #tpu.memory_space<vmem_shared>>
      %dma_wait3A_61 = arith.constant 0 : i32
      %dma_wait3A_62 = tpu.memref_slice %arg9[%add3A_24, %dma_wait3A_61] : memref<10048x128xf32, #tpu.memory_space<vmem_shared>> -> memref<100x128xf32, #tpu.memory_space<vmem_shared>>
      tpu.wait_dma2 semaphore(%run_scoped3A_55 : memref<!tpu.dma_semaphore, #tpu.memory_space<semaphore_mem>>) src(%arg7 : memref<100x128xf32, #tpu.memory_space<vmem>>) dst(%dma_wait3A_62 : memref<100x128xf32, #tpu.memory_space<vmem_shared>>)
      tpu.yield
    }) : () -> ()
    %mul3A_25 = arith.constant 628 : i32
    %mul3A_26 = arith.muli %arg1, %mul3A_25 : i32
    %add3A_27 = arith.constant 400 : i32
    %add3A_28 = arith.addi %mul3A_26, %add3A_27 : i32
    "tpu.region"() ({
      %run_scoped3A_55 = tpu.sem_alloc : memref<!tpu.dma_semaphore, #tpu.memory_space<semaphore_mem>>
      %dma_start3A_56 = arith.constant 0 : i32
      %dma_start3A_57 = tpu.memref_slice %arg9[%add3A_28, %dma_start3A_56] : memref<10048x128xf32, #tpu.memory_space<vmem_shared>> -> memref<100x128xf32, #tpu.memory_space<vmem_shared>>
      %dma_start3A_58 = arith.constant 0 : i32
      %dma_start3A_59 = tpu.memref_slice %arg9[%add3A_28, %dma_start3A_58] : memref<10048x128xf32, #tpu.memory_space<vmem_shared>> -> memref<100x128xf32, #tpu.memory_space<vmem_shared>>
      tpu.enqueue_dma source(%arg7 : memref<100x128xf32, #tpu.memory_space<vmem>>) target(%dma_start3A_59 : memref<100x128xf32, #tpu.memory_space<vmem_shared>>) target_semaphore(%run_scoped3A_55 : memref<!tpu.dma_semaphore, #tpu.memory_space<semaphore_mem>>)
      %dma_wait3A = arith.constant 0 : i32
      %dma_wait3A_60 = tpu.memref_slice %arg9[%add3A_28, %dma_wait3A] : memref<10048x128xf32, #tpu.memory_space<vmem_shared>> -> memref<100x128xf32, #tpu.memory_space<vmem_shared>>
      %dma_wait3A_61 = arith.constant 0 : i32
      %dma_wait3A_62 = tpu.memref_slice %arg9[%add3A_28, %dma_wait3A_61] : memref<10048x128xf32, #tpu.memory_space<vmem_shared>> -> memref<100x128xf32, #tpu.memory_space<vmem_shared>>
      tpu.wait_dma2 semaphore(%run_scoped3A_55 : memref<!tpu.dma_semaphore, #tpu.memory_space<semaphore_mem>>) src(%arg7 : memref<100x128xf32, #tpu.memory_space<vmem>>) dst(%dma_wait3A_62 : memref<100x128xf32, #tpu.memory_space<vmem_shared>>)
      tpu.yield
    }) : () -> ()
    %mul3A_29 = arith.constant 628 : i32
    %mul3A_30 = arith.muli %arg1, %mul3A_29 : i32
    %add3A_31 = arith.constant 500 : i32
    %add3A_32 = arith.addi %mul3A_30, %add3A_31 : i32
    "tpu.region"() ({
      %run_scoped3A_55 = tpu.sem_alloc : memref<!tpu.dma_semaphore, #tpu.memory_space<semaphore_mem>>
      %dma_start3A_56 = arith.constant 0 : i32
      %dma_start3A_57 = tpu.memref_slice %arg9[%add3A_32, %dma_start3A_56] : memref<10048x128xf32, #tpu.memory_space<vmem_shared>> -> memref<100x128xf32, #tpu.memory_space<vmem_shared>>
      %dma_start3A_58 = arith.constant 0 : i32
      %dma_start3A_59 = tpu.memref_slice %arg9[%add3A_32, %dma_start3A_58] : memref<10048x128xf32, #tpu.memory_space<vmem_shared>> -> memref<100x128xf32, #tpu.memory_space<vmem_shared>>
      tpu.enqueue_dma source(%arg7 : memref<100x128xf32, #tpu.memory_space<vmem>>) target(%dma_start3A_59 : memref<100x128xf32, #tpu.memory_space<vmem_shared>>) target_semaphore(%run_scoped3A_55 : memref<!tpu.dma_semaphore, #tpu.memory_space<semaphore_mem>>)
      %dma_wait3A = arith.constant 0 : i32
      %dma_wait3A_60 = tpu.memref_slice %arg9[%add3A_32, %dma_wait3A] : memref<10048x128xf32, #tpu.memory_space<vmem_shared>> -> memref<100x128xf32, #tpu.memory_space<vmem_shared>>
      %dma_wait3A_61 = arith.constant 0 : i32
      %dma_wait3A_62 = tpu.memref_slice %arg9[%add3A_32, %dma_wait3A_61] : memref<10048x128xf32, #tpu.memory_space<vmem_shared>> -> memref<100x128xf32, #tpu.memory_space<vmem_shared>>
      tpu.wait_dma2 semaphore(%run_scoped3A_55 : memref<!tpu.dma_semaphore, #tpu.memory_space<semaphore_mem>>) src(%arg7 : memref<100x128xf32, #tpu.memory_space<vmem>>) dst(%dma_wait3A_62 : memref<100x128xf32, #tpu.memory_space<vmem_shared>>)
      tpu.yield
    }) : () -> ()
    %mul3A_33 = arith.constant 628 : i32
    %mul3A_34 = arith.muli %arg1, %mul3A_33 : i32
    %add3A_35 = arith.constant 600 : i32
    %add3A_36 = arith.addi %mul3A_34, %add3A_35 : i32
    "tpu.region"() ({
      %run_scoped3A_55 = tpu.sem_alloc : memref<!tpu.dma_semaphore, #tpu.memory_space<semaphore_mem>>
      %dma_start3A_56 = arith.constant 0 : i32
      %dma_start3A_57 = arith.constant 0 : i32
      %dma_start3A_58 = tpu.memref_slice %arg7[%dma_start3A_56, %dma_start3A_57] : memref<100x128xf32, #tpu.memory_space<vmem>> -> memref<28x128xf32, #tpu.memory_space<vmem>>
      %dma_start3A_59 = arith.constant 0 : i32
      %dma_start3A_60 = tpu.memref_slice %arg9[%add3A_36, %dma_start3A_59] : memref<10048x128xf32, #tpu.memory_space<vmem_shared>> -> memref<28x128xf32, #tpu.memory_space<vmem_shared>>
      %dma_start3A_61 = arith.constant 0 : i32
      %dma_start3A_62 = tpu.memref_slice %arg9[%add3A_36, %dma_start3A_61] : memref<10048x128xf32, #tpu.memory_space<vmem_shared>> -> memref<28x128xf32, #tpu.memory_space<vmem_shared>>
      %dma_start3A_63 = arith.constant 0 : i32
      %dma_start3A_64 = arith.constant 0 : i32
      %dma_start3A_65 = tpu.memref_slice %arg7[%dma_start3A_63, %dma_start3A_64] : memref<100x128xf32, #tpu.memory_space<vmem>> -> memref<28x128xf32, #tpu.memory_space<vmem>>
      tpu.enqueue_dma source(%dma_start3A_65 : memref<28x128xf32, #tpu.memory_space<vmem>>) target(%dma_start3A_62 : memref<28x128xf32, #tpu.memory_space<vmem_shared>>) target_semaphore(%run_scoped3A_55 : memref<!tpu.dma_semaphore, #tpu.memory_space<semaphore_mem>>)
      %dma_wait3A = arith.constant 0 : i32
      %dma_wait3A_66 = arith.constant 0 : i32
      %dma_wait3A_67 = tpu.memref_slice %arg7[%dma_wait3A, %dma_wait3A_66] : memref<100x128xf32, #tpu.memory_space<vmem>> -> memref<28x128xf32, #tpu.memory_space<vmem>>
      %dma_wait3A_68 = arith.constant 0 : i32
      %dma_wait3A_69 = tpu.memref_slice %arg9[%add3A_36, %dma_wait3A_68] : memref<10048x128xf32, #tpu.memory_space<vmem_shared>> -> memref<28x128xf32, #tpu.memory_space<vmem_shared>>
      %dma_wait3A_70 = arith.constant 0 : i32
      %dma_wait3A_71 = tpu.memref_slice %arg9[%add3A_36, %dma_wait3A_70] : memref<10048x128xf32, #tpu.memory_space<vmem_shared>> -> memref<28x128xf32, #tpu.memory_space<vmem_shared>>
      %dma_wait3A_72 = arith.constant 0 : i32
      %dma_wait3A_73 = arith.constant 0 : i32
      %dma_wait3A_74 = tpu.memref_slice %arg7[%dma_wait3A_72, %dma_wait3A_73] : memref<100x128xf32, #tpu.memory_space<vmem>> -> memref<28x128xf32, #tpu.memory_space<vmem>>
      tpu.wait_dma2 semaphore(%run_scoped3A_55 : memref<!tpu.dma_semaphore, #tpu.memory_space<semaphore_mem>>) src(%dma_wait3A_74 : memref<28x128xf32, #tpu.memory_space<vmem>>) dst(%dma_wait3A_71 : memref<28x128xf32, #tpu.memory_space<vmem_shared>>)
      tpu.yield
    }) : () -> ()
    %barrier3A = arith.constant 0 : index
    tpu.barrier barrier_id(%barrier3A)
    %dma_start3A = arith.constant 0 : i32
    %dma_start3A_37 = arith.constant 0 : i32
    %dma_start3A_38 = tpu.memref_slice %arg5[%dma_start3A, %dma_start3A_37] : memref<100x100xi32, #tpu.memory_space<vmem>> -> memref<1x100xi32, #tpu.memory_space<vmem>>
    %dma_start3A_39 = tpu.memref_squeeze %dma_start3A_38 : memref<1x100xi32, #tpu.memory_space<vmem>> -> memref<100xi32, #tpu.memory_space<vmem>>
    %dma_start3A_40 = arith.constant 0 : i32
    %dma_start3A_41 = arith.constant 0 : i32
    %dma_start3A_42 = tpu.memref_slice %arg2[%dma_start3A_40, %dma_start3A_41] : memref<10000x128xf32, #tpu.memory_space<hbm>> -> memref<10000x128xf32, #tpu.memory_space<hbm>>
    tpu.enqueue_indirect_dma source(%dma_start3A_42 : memref<10000x128xf32, #tpu.memory_space<hbm>>) target(%arg7 : memref<100x128xf32, #tpu.memory_space<vmem>>) offsets(%dma_start3A_39 : memref<100xi32, #tpu.memory_space<vmem>>) semaphore(%arg10 : memref<!tpu.dma_semaphore, #tpu.memory_space<semaphore_mem>>)
    %scan3A_43 = arith.constant 0 : i32
    %scan3A_44 = arith.constant 0 : i32
    %scan3A_45 = arith.constant 50 : i32
    %scan3A_46 = arith.addi %scan3A_44, %scan3A_45 : i32
    %scan3A_47 = arith.constant 1 : i32
    %scan3A_48 = scf.for %scan3A_55 = %scan3A_44 to %scan3A_46 step %scan3A_47 iter_args(%scan3A_56 = %scan3A_43) -> (i32)  : i32 {
      %mul3A_57 = arith.constant 2 : i32
      %mul3A_58 = arith.muli %scan3A_55, %mul3A_57 : i32
      %add3A_59 = arith.constant 1 : i32
      %add3A_60 = arith.addi %mul3A_58, %add3A_59 : i32
      %dma_start3A_61 = arith.constant 0 : i32
      %dma_start3A_62 = tpu.memref_slice %arg5[%add3A_60, %dma_start3A_61] : memref<100x100xi32, #tpu.memory_space<vmem>> -> memref<1x100xi32, #tpu.memory_space<vmem>>
      %dma_start3A_63 = tpu.memref_squeeze %dma_start3A_62 : memref<1x100xi32, #tpu.memory_space<vmem>> -> memref<100xi32, #tpu.memory_space<vmem>>
      %dma_start3A_64 = arith.constant 0 : i32
      %dma_start3A_65 = arith.constant 0 : i32
      %dma_start3A_66 = tpu.memref_slice %arg2[%dma_start3A_64, %dma_start3A_65] : memref<10000x128xf32, #tpu.memory_space<hbm>> -> memref<10000x128xf32, #tpu.memory_space<hbm>>
      tpu.enqueue_indirect_dma source(%dma_start3A_66 : memref<10000x128xf32, #tpu.memory_space<hbm>>) target(%arg8 : memref<100x128xf32, #tpu.memory_space<vmem>>) offsets(%dma_start3A_63 : memref<100xi32, #tpu.memory_space<vmem>>) semaphore(%arg11 : memref<!tpu.dma_semaphore, #tpu.memory_space<semaphore_mem>>)
      %dma_wait3A = arith.constant 0 : i32
      %dma_wait3A_67 = tpu.memref_slice %arg5[%mul3A_58, %dma_wait3A] : memref<100x100xi32, #tpu.memory_space<vmem>> -> memref<1x100xi32, #tpu.memory_space<vmem>>
      %dma_wait3A_68 = tpu.memref_squeeze %dma_wait3A_67 : memref<1x100xi32, #tpu.memory_space<vmem>> -> memref<100xi32, #tpu.memory_space<vmem>>
      %dma_wait3A_69 = arith.constant 0 : i32
      %dma_wait3A_70 = arith.constant 0 : i32
      %dma_wait3A_71 = tpu.memref_slice %arg2[%dma_wait3A_69, %dma_wait3A_70] : memref<10000x128xf32, #tpu.memory_space<hbm>> -> memref<10000x128xf32, #tpu.memory_space<hbm>>
      tpu.wait_indirect_dma semaphore(%arg10 : memref<!tpu.dma_semaphore, #tpu.memory_space<semaphore_mem>>) src(%dma_wait3A_71 : memref<10000x128xf32, #tpu.memory_space<hbm>>) dst(%arg7 : memref<100x128xf32, #tpu.memory_space<vmem>>)
      "tpu.region"() ({
        %run_scoped3A_85 = tpu.sem_alloc : memref<!tpu.dma_semaphore, #tpu.memory_space<semaphore_mem>>
        %dma_start3A_86 = arith.constant 0 : i32
        %dma_start3A_87 = tpu.memref_slice %arg6[%mul3A_58, %dma_start3A_86] : memref<100x100xi32, #tpu.memory_space<vmem>> -> memref<1x100xi32, #tpu.memory_space<vmem>>
        %dma_start3A_88 = tpu.memref_squeeze %dma_start3A_87 : memref<1x100xi32, #tpu.memory_space<vmem>> -> memref<100xi32, #tpu.memory_space<vmem>>
        %dma_start3A_89 = arith.constant 0 : i32
        %dma_start3A_90 = arith.constant 0 : i32
        %dma_start3A_91 = tpu.memref_slice %arg9[%dma_start3A_89, %dma_start3A_90] : memref<10048x128xf32, #tpu.memory_space<vmem_shared>> -> memref<10048x128xf32, #tpu.memory_space<vmem_shared>>
        tpu.enqueue_indirect_dma source(%arg7 : memref<100x128xf32, #tpu.memory_space<vmem>>) target(%dma_start3A_91 : memref<10048x128xf32, #tpu.memory_space<vmem_shared>>) offsets(%dma_start3A_88 : memref<100xi32, #tpu.memory_space<vmem>>) semaphore(%run_scoped3A_85 : memref<!tpu.dma_semaphore, #tpu.memory_space<semaphore_mem>>) {add = true}
        %dma_wait3A_92 = arith.constant 0 : i32
        %dma_wait3A_93 = tpu.memref_slice %arg6[%mul3A_58, %dma_wait3A_92] : memref<100x100xi32, #tpu.memory_space<vmem>> -> memref<1x100xi32, #tpu.memory_space<vmem>>
        %dma_wait3A_94 = tpu.memref_squeeze %dma_wait3A_93 : memref<1x100xi32, #tpu.memory_space<vmem>> -> memref<100xi32, #tpu.memory_space<vmem>>
        %dma_wait3A_95 = arith.constant 0 : i32
        %dma_wait3A_96 = arith.constant 0 : i32
        %dma_wait3A_97 = tpu.memref_slice %arg9[%dma_wait3A_95, %dma_wait3A_96] : memref<10048x128xf32, #tpu.memory_space<vmem_shared>> -> memref<10048x128xf32, #tpu.memory_space<vmem_shared>>
        tpu.wait_indirect_dma semaphore(%run_scoped3A_85 : memref<!tpu.dma_semaphore, #tpu.memory_space<semaphore_mem>>) src(%arg7 : memref<100x128xf32, #tpu.memory_space<vmem>>) dst(%dma_wait3A_97 : memref<10048x128xf32, #tpu.memory_space<vmem_shared>>)
        tpu.yield
      }) : () -> ()
      %add3A_72 = arith.constant 2 : i32
      %add3A_73 = arith.addi %mul3A_58, %add3A_72 : i32
      %lt3A = arith.constant 100 : i32
      %lt3A_74 = arith.cmpi slt, %add3A_73, %lt3A : i32
      %convert_element_type3A = arith.extui %lt3A_74 : i1 to i32
      %cond3A = arith.constant 0 : i32
      %cond3A_75 = arith.cmpi ne, %convert_element_type3A, %cond3A : i32
      scf.if %cond3A_75 {
        %add3A_85 = arith.constant 2 : i32
        %add3A_86 = arith.addi %mul3A_58, %add3A_85 : i32
        %dma_start3A_87 = arith.constant 0 : i32
        %dma_start3A_88 = tpu.memref_slice %arg5[%add3A_86, %dma_start3A_87] : memref<100x100xi32, #tpu.memory_space<vmem>> -> memref<1x100xi32, #tpu.memory_space<vmem>>
        %dma_start3A_89 = tpu.memref_squeeze %dma_start3A_88 : memref<1x100xi32, #tpu.memory_space<vmem>> -> memref<100xi32, #tpu.memory_space<vmem>>
        %dma_start3A_90 = arith.constant 0 : i32
        %dma_start3A_91 = arith.constant 0 : i32
        %dma_start3A_92 = tpu.memref_slice %arg2[%dma_start3A_90, %dma_start3A_91] : memref<10000x128xf32, #tpu.memory_space<hbm>> -> memref<10000x128xf32, #tpu.memory_space<hbm>>
        tpu.enqueue_indirect_dma source(%dma_start3A_92 : memref<10000x128xf32, #tpu.memory_space<hbm>>) target(%arg7 : memref<100x128xf32, #tpu.memory_space<vmem>>) offsets(%dma_start3A_89 : memref<100xi32, #tpu.memory_space<vmem>>) semaphore(%arg10 : memref<!tpu.dma_semaphore, #tpu.memory_space<semaphore_mem>>)
      } else {
      }
      %dma_wait3A_76 = arith.constant 0 : i32
      %dma_wait3A_77 = tpu.memref_slice %arg5[%mul3A_58, %dma_wait3A_76] : memref<100x100xi32, #tpu.memory_space<vmem>> -> memref<1x100xi32, #tpu.memory_space<vmem>>
      %dma_wait3A_78 = tpu.memref_squeeze %dma_wait3A_77 : memref<1x100xi32, #tpu.memory_space<vmem>> -> memref<100xi32, #tpu.memory_space<vmem>>
      %dma_wait3A_79 = arith.constant 0 : i32
      %dma_wait3A_80 = arith.constant 0 : i32
      %dma_wait3A_81 = tpu.memref_slice %arg2[%dma_wait3A_79, %dma_wait3A_80] : memref<10000x128xf32, #tpu.memory_space<hbm>> -> memref<10000x128xf32, #tpu.memory_space<hbm>>
      tpu.wait_indirect_dma semaphore(%arg11 : memref<!tpu.dma_semaphore, #tpu.memory_space<semaphore_mem>>) src(%dma_wait3A_81 : memref<10000x128xf32, #tpu.memory_space<hbm>>) dst(%arg8 : memref<100x128xf32, #tpu.memory_space<vmem>>)
      %add3A_82 = arith.constant 1 : i32
      %add3A_83 = arith.addi %mul3A_58, %add3A_82 : i32
      "tpu.region"() ({
        %run_scoped3A_85 = tpu.sem_alloc : memref<!tpu.dma_semaphore, #tpu.memory_space<semaphore_mem>>
        %dma_start3A_86 = arith.constant 0 : i32
        %dma_start3A_87 = tpu.memref_slice %arg6[%add3A_83, %dma_start3A_86] : memref<100x100xi32, #tpu.memory_space<vmem>> -> memref<1x100xi32, #tpu.memory_space<vmem>>
        %dma_start3A_88 = tpu.memref_squeeze %dma_start3A_87 : memref<1x100xi32, #tpu.memory_space<vmem>> -> memref<100xi32, #tpu.memory_space<vmem>>
        %dma_start3A_89 = arith.constant 0 : i32
        %dma_start3A_90 = arith.constant 0 : i32
        %dma_start3A_91 = tpu.memref_slice %arg9[%dma_start3A_89, %dma_start3A_90] : memref<10048x128xf32, #tpu.memory_space<vmem_shared>> -> memref<10048x128xf32, #tpu.memory_space<vmem_shared>>
        tpu.enqueue_indirect_dma source(%arg8 : memref<100x128xf32, #tpu.memory_space<vmem>>) target(%dma_start3A_91 : memref<10048x128xf32, #tpu.memory_space<vmem_shared>>) offsets(%dma_start3A_88 : memref<100xi32, #tpu.memory_space<vmem>>) semaphore(%run_scoped3A_85 : memref<!tpu.dma_semaphore, #tpu.memory_space<semaphore_mem>>) {add = true}
        %dma_wait3A_92 = arith.constant 0 : i32
        %dma_wait3A_93 = tpu.memref_slice %arg6[%add3A_83, %dma_wait3A_92] : memref<100x100xi32, #tpu.memory_space<vmem>> -> memref<1x100xi32, #tpu.memory_space<vmem>>
        %dma_wait3A_94 = tpu.memref_squeeze %dma_wait3A_93 : memref<1x100xi32, #tpu.memory_space<vmem>> -> memref<100xi32, #tpu.memory_space<vmem>>
        %dma_wait3A_95 = arith.constant 0 : i32
        %dma_wait3A_96 = arith.constant 0 : i32
        %dma_wait3A_97 = tpu.memref_slice %arg9[%dma_wait3A_95, %dma_wait3A_96] : memref<10048x128xf32, #tpu.memory_space<vmem_shared>> -> memref<10048x128xf32, #tpu.memory_space<vmem_shared>>
        tpu.wait_indirect_dma semaphore(%run_scoped3A_85 : memref<!tpu.dma_semaphore, #tpu.memory_space<semaphore_mem>>) src(%arg8 : memref<100x128xf32, #tpu.memory_space<vmem>>) dst(%dma_wait3A_97 : memref<10048x128xf32, #tpu.memory_space<vmem_shared>>)
        tpu.yield
      }) : () -> ()
      %scan3A_84 = arith.constant 0 : i32
      scf.yield %scan3A_84 : i32
    }
    %scan3A_49 = arith.constant 50 : i32
    %barrier3A_50 = arith.constant 0 : index
    tpu.barrier barrier_id(%barrier3A_50)
    %mul3A_51 = arith.constant 628 : i32
    %mul3A_52 = arith.muli %arg1, %mul3A_51 : i32
    %mul3A_53 = arith.constant 628 : i32
    %mul3A_54 = arith.muli %arg1, %mul3A_53 : i32
    "tpu.region"() ({
      %run_scoped3A_55 = tpu.sem_alloc : memref<!tpu.dma_semaphore, #tpu.memory_space<semaphore_mem>>
      %dma_start3A_56 = arith.constant 0 : i32
      %dma_start3A_57 = tpu.memref_slice %arg4[%arg0, %mul3A_54, %dma_start3A_56] : memref<2x10048x128xf32, #tpu.memory_space<hbm>> -> memref<1x628x128xf32, #tpu.memory_space<hbm>>
      %dma_start3A_58 = tpu.memref_squeeze %dma_start3A_57 : memref<1x628x128xf32, #tpu.memory_space<hbm>> -> memref<628x128xf32, #tpu.memory_space<hbm>>
      %dma_start3A_59 = arith.constant 0 : i32
      %dma_start3A_60 = tpu.memref_slice %arg9[%mul3A_52, %dma_start3A_59] : memref<10048x128xf32, #tpu.memory_space<vmem_shared>> -> memref<628x128xf32, #tpu.memory_space<vmem_shared>>
      tpu.enqueue_dma source(%dma_start3A_60 : memref<628x128xf32, #tpu.memory_space<vmem_shared>>) target(%dma_start3A_58 : memref<628x128xf32, #tpu.memory_space<hbm>>) target_semaphore(%run_scoped3A_55 : memref<!tpu.dma_semaphore, #tpu.memory_space<semaphore_mem>>)
      %dma_wait3A = arith.constant 0 : i32
      %dma_wait3A_61 = tpu.memref_slice %arg4[%arg0, %mul3A_54, %dma_wait3A] : memref<2x10048x128xf32, #tpu.memory_space<hbm>> -> memref<1x628x128xf32, #tpu.memory_space<hbm>>
      %dma_wait3A_62 = tpu.memref_squeeze %dma_wait3A_61 : memref<1x628x128xf32, #tpu.memory_space<hbm>> -> memref<628x128xf32, #tpu.memory_space<hbm>>
      %dma_wait3A_63 = arith.constant 0 : i32
      %dma_wait3A_64 = tpu.memref_slice %arg9[%mul3A_52, %dma_wait3A_63] : memref<10048x128xf32, #tpu.memory_space<vmem_shared>> -> memref<628x128xf32, #tpu.memory_space<vmem_shared>>
      tpu.wait_dma2 semaphore(%run_scoped3A_55 : memref<!tpu.dma_semaphore, #tpu.memory_space<semaphore_mem>>) src(%dma_wait3A_64 : memref<628x128xf32, #tpu.memory_space<vmem_shared>>) dst(%dma_wait3A_62 : memref<628x128xf32, #tpu.memory_space<hbm>>)
      tpu.yield
    }) : () -> ()
    return
  }
}

#map = affine_map<(d0, d1) -> (0, 0)>
#map1 = affine_map<(d0, d1) -> (0, 0, 0, 0)>
#map2 = affine_map<(d0, d1) -> (0, 0, 0)>
module attributes {stable_mosaic.version = 14 : i64} {
  func.func @k(%arg0: i32, %arg1: i32, %arg2: memref<10000x128xf32, #tpu.memory_space<hbm>>, %arg3: memref<2x32x100x100xi32, #tpu.memory_space<hbm>>, %arg4: memref<2x10048x128xf32, #tpu.memory_space<hbm>>, %arg5: memref<100x100xi32, #tpu.memory_space<vmem>>, %arg6: memref<100x100xi32, #tpu.memory_space<vmem>>, %arg7: memref<100x128xf32, #tpu.memory_space<vmem>>, %arg8: memref<100x128xf32, #tpu.memory_space<vmem>>, %arg9: memref<10048x128xf32, #tpu.memory_space<vmem_shared>>, %arg10: memref<!tpu.dma_semaphore, #tpu.memory_space<semaphore_mem>>, %arg11: memref<!tpu.dma_semaphore, #tpu.memory_space<semaphore_mem>>) attributes {dimension_semantics = [#tpu.dimension_semantics<core_parallel>, #tpu.dimension_semantics<subcore_parallel>], iteration_bounds = array<i64: 2, 16>, scalar_prefetch = 0 : i64, scratch_operands = 7 : i64, tpu.core_type = #tpu.core_type<sc_vector_subcore>, window_params = [{transform_indices = #map}, {transform_indices = #map1}, {transform_indices = #map2}]} {
    %mul3A = arith.constant 16 : i32
    %mul3A_0 = arith.muli %arg0, %mul3A : i32
    %add3A = arith.addi %mul3A_0, %arg1 : i32
    %run_scoped3A = arith.constant 0 : i32
    "tpu.region"() ({
      %run_scoped3A_55 = tpu.sem_alloc : memref<!tpu.dma_semaphore, #tpu.memory_space<semaphore_mem>>
      %dma_start3A_56 = arith.constant 0 : i32
      %dma_start3A_57 = arith.constant 0 : i32
      %dma_start3A_58 = tpu.memref_slice %arg3[%run_scoped3A, %add3A, %dma_start3A_56, %dma_start3A_57] : memref<2x32x100x100xi32, #tpu.memory_space<hbm>> -> memref<1x1x100x100xi32, #tpu.memory_space<hbm>>
      %dma_start3A_59 = tpu.memref_squeeze %dma_start3A_58 : memref<1x1x100x100xi32, #tpu.memory_space<hbm>> -> memref<100x100xi32, #tpu.memory_space<hbm>>
      %dma_start3A_60 = arith.constant 0 : i32
      %dma_start3A_61 = arith.constant 0 : i32
      %dma_start3A_62 = tpu.memref_slice %arg3[%run_scoped3A, %add3A, %dma_start3A_60, %dma_start3A_61] : memref<2x32x100x100xi32, #tpu.memory_space<hbm>> -> memref<1x1x100x100xi32, #tpu.memory_space<hbm>>
      %dma_start3A_63 = tpu.memref_squeeze %dma_start3A_62 : memref<1x1x100x100xi32, #tpu.memory_space<hbm>> -> memref<100x100xi32, #tpu.memory_space<hbm>>
      tpu.enqueue_dma source(%dma_start3A_63 : memref<100x100xi32, #tpu.memory_space<hbm>>) target(%arg5 : memref<100x100xi32, #tpu.memory_space<vmem>>) target_semaphore(%run_scoped3A_55 : memref<!tpu.dma_semaphore, #tpu.memory_space<semaphore_mem>>)
      %dma_wait3A = arith.constant 0 : i32
      %dma_wait3A_64 = arith.constant 0 : i32
      %dma_wait3A_65 = tpu.memref_slice %arg3[%run_scoped3A, %add3A, %dma_wait3A, %dma_wait3A_64] : memref<2x32x100x100xi32, #tpu.memory_space<hbm>> -> memref<1x1x100x100xi32, #tpu.memory_space<hbm>>
      %dma_wait3A_66 = tpu.memref_squeeze %dma_wait3A_65 : memref<1x1x100x100xi32, #tpu.memory_space<hbm>> -> memref<100x100xi32, #tpu.memory_space<hbm>>
      %dma_wait3A_67 = arith.constant 0 : i32
      %dma_wait3A_68 = arith.constant 0 : i32
      %dma_wait3A_69 = tpu.memref_slice %arg3[%run_scoped3A, %add3A, %dma_wait3A_67, %dma_wait3A_68] : memref<2x32x100x100xi32, #tpu.memory_space<hbm>> -> memref<1x1x100x100xi32, #tpu.memory_space<hbm>>
      %dma_wait3A_70 = tpu.memref_squeeze %dma_wait3A_69 : memref<1x1x100x100xi32, #tpu.memory_space<hbm>> -> memref<100x100xi32, #tpu.memory_space<hbm>>
      tpu.wait_dma2 semaphore(%run_scoped3A_55 : memref<!tpu.dma_semaphore, #tpu.memory_space<semaphore_mem>>) src(%dma_wait3A_70 : memref<100x100xi32, #tpu.memory_space<hbm>>) dst(%arg5 : memref<100x100xi32, #tpu.memory_space<vmem>>)
      tpu.yield
    }) : () -> ()
    %run_scoped3A_1 = arith.constant 1 : i32
    "tpu.region"() ({
      %run_scoped3A_55 = tpu.sem_alloc : memref<!tpu.dma_semaphore, #tpu.memory_space<semaphore_mem>>
      %dma_start3A_56 = arith.constant 0 : i32
      %dma_start3A_57 = arith.constant 0 : i32
      %dma_start3A_58 = tpu.memref_slice %arg3[%run_scoped3A_1, %add3A, %dma_start3A_56, %dma_start3A_57] : memref<2x32x100x100xi32, #tpu.memory_space<hbm>> -> memref<1x1x100x100xi32, #tpu.memory_space<hbm>>
      %dma_start3A_59 = tpu.memref_squeeze %dma_start3A_58 : memref<1x1x100x100xi32, #tpu.memory_space<hbm>> -> memref<100x100xi32, #tpu.memory_space<hbm>>
      %dma_start3A_60 = arith.constant 0 : i32
      %dma_start3A_61 = arith.constant 0 : i32
      %dma_start3A_62 = tpu.memref_slice %arg3[%run_scoped3A_1, %add3A, %dma_start3A_60, %dma_start3A_61] : memref<2x32x100x100xi32, #tpu.memory_space<hbm>> -> memref<1x1x100x100xi32, #tpu.memory_space<hbm>>
      %dma_start3A_63 = tpu.memref_squeeze %dma_start3A_62 : memref<1x1x100x100xi32, #tpu.memory_space<hbm>> -> memref<100x100xi32, #tpu.memory_space<hbm>>
      tpu.enqueue_dma source(%dma_start3A_63 : memref<100x100xi32, #tpu.memory_space<hbm>>) target(%arg6 : memref<100x100xi32, #tpu.memory_space<vmem>>) target_semaphore(%run_scoped3A_55 : memref<!tpu.dma_semaphore, #tpu.memory_space<semaphore_mem>>)
      %dma_wait3A = arith.constant 0 : i32
      %dma_wait3A_64 = arith.constant 0 : i32
      %dma_wait3A_65 = tpu.memref_slice %arg3[%run_scoped3A_1, %add3A, %dma_wait3A, %dma_wait3A_64] : memref<2x32x100x100xi32, #tpu.memory_space<hbm>> -> memref<1x1x100x100xi32, #tpu.memory_space<hbm>>
      %dma_wait3A_66 = tpu.memref_squeeze %dma_wait3A_65 : memref<1x1x100x100xi32, #tpu.memory_space<hbm>> -> memref<100x100xi32, #tpu.memory_space<hbm>>
      %dma_wait3A_67 = arith.constant 0 : i32
      %dma_wait3A_68 = arith.constant 0 : i32
      %dma_wait3A_69 = tpu.memref_slice %arg3[%run_scoped3A_1, %add3A, %dma_wait3A_67, %dma_wait3A_68] : memref<2x32x100x100xi32, #tpu.memory_space<hbm>> -> memref<1x1x100x100xi32, #tpu.memory_space<hbm>>
      %dma_wait3A_70 = tpu.memref_squeeze %dma_wait3A_69 : memref<1x1x100x100xi32, #tpu.memory_space<hbm>> -> memref<100x100xi32, #tpu.memory_space<hbm>>
      tpu.wait_dma2 semaphore(%run_scoped3A_55 : memref<!tpu.dma_semaphore, #tpu.memory_space<semaphore_mem>>) src(%dma_wait3A_70 : memref<100x100xi32, #tpu.memory_space<hbm>>) dst(%arg6 : memref<100x100xi32, #tpu.memory_space<vmem>>)
      tpu.yield
    }) : () -> ()
    %broadcast_in_dim3A = arith.constant 0.000000e+00 : f32
    %broadcast_in_dim3A_2 = vector.broadcast %broadcast_in_dim3A : f32 to vector<16xf32>
    %scan3A = arith.constant 0 : i32
    %scan3A_3 = arith.constant 0 : i32
    %scan3A_4 = arith.constant 800 : i32
    %scan3A_5 = arith.addi %scan3A_3, %scan3A_4 : i32
    %scan3A_6 = arith.constant 1 : i32
    %scan3A_7 = scf.for %scan3A_55 = %scan3A_3 to %scan3A_5 step %scan3A_6 iter_args(%scan3A_56 = %scan3A) -> (i32)  : i32 {
      %jit3A = arith.constant 8 : i32
      %div3A = arith.divsi %scan3A_55, %jit3A : i32
      %sign3A = arith.constant 0 : i32
      %sign3A_57 = arith.cmpi sgt, %scan3A_55, %sign3A : i32
      %sign3A_58 = arith.extui %sign3A_57 : i1 to i32
      %sign3A_59 = arith.constant 0 : i32
      %sign3A_60 = arith.cmpi slt, %scan3A_55, %sign3A_59 : i32
      %sign3A_61 = arith.extui %sign3A_60 : i1 to i32
      %sign3A_62 = arith.subi %sign3A_58, %sign3A_61 : i32
      %sign3A_63 = arith.constant 0 : i32
      %sign3A_64 = arith.cmpi sgt, %jit3A, %sign3A_63 : i32
      %sign3A_65 = arith.extui %sign3A_64 : i1 to i32
      %sign3A_66 = arith.constant 0 : i32
      %sign3A_67 = arith.cmpi slt, %jit3A, %sign3A_66 : i32
      %sign3A_68 = arith.extui %sign3A_67 : i1 to i32
      %sign3A_69 = arith.subi %sign3A_65, %sign3A_68 : i32
      %ne3A = arith.cmpi ne, %sign3A_62, %sign3A_69 : i32
      %rem3A = arith.remsi %scan3A_55, %jit3A : i32
      %ne3A_70 = arith.constant 0 : i32
      %ne3A_71 = arith.cmpi ne, %rem3A, %ne3A_70 : i32
      %and3A = arith.andi %ne3A, %ne3A_71 : i1
      %sub3A = arith.constant 1 : i32
      %sub3A_72 = arith.subi %div3A, %sub3A : i32
      %select_n3A = arith.select %and3A, %sub3A_72, %div3A : i32
      %jit3A_73 = arith.constant 8 : i32
      %eq3A = arith.constant 0 : i32
      %eq3A_74 = arith.cmpi eq, %jit3A_73, %eq3A : i32
      %jit3A_75 = arith.constant 1 : i32
      %select_n3A_76 = arith.select %eq3A_74, %jit3A_75, %jit3A_73 : i32
      %rem3A_77 = arith.remsi %scan3A_55, %select_n3A_76 : i32
      %ne3A_78 = arith.constant 0 : i32
      %ne3A_79 = arith.cmpi ne, %rem3A_77, %ne3A_78 : i32
      %lt3A = arith.constant 0 : i32
      %lt3A_80 = arith.cmpi slt, %rem3A_77, %lt3A : i32
      %lt3A_81 = arith.constant 0 : i32
      %lt3A_82 = arith.cmpi slt, %select_n3A_76, %lt3A_81 : i32
      %ne3A_83 = arith.xori %lt3A_80, %lt3A_82 : i1
      %and3A_84 = arith.andi %ne3A_83, %ne3A_79 : i1
      %add3A_85 = arith.addi %rem3A_77, %select_n3A_76 : i32
      %select_n3A_86 = arith.select %and3A_84, %add3A_85, %rem3A_77 : i32
      %mul3A_87 = arith.constant 16 : i32
      %mul3A_88 = arith.muli %select_n3A_86, %mul3A_87 : i32
      %swap3A = arith.index_cast %select_n3A : i32 to index
      %swap3A_89 = arith.index_cast %mul3A_88 : i32 to index
      %swap3A_90 = tpu.vector_load %arg7[%swap3A, %swap3A_89] {strides = array<i32>} : memref<100x128xf32, #tpu.memory_space<vmem>>, vector<16xf32>,
      tpu.vector_store %arg7[%swap3A, %swap3A_89], %broadcast_in_dim3A_2 {strides = array<i32>} : memref<100x128xf32, #tpu.memory_space<vmem>>, vector<16xf32>,
      %scan3A_91 = arith.constant 0 : i32
      scf.yield %scan3A_91 : i32
    }
    %scan3A_8 = arith.constant 800 : i32
    %mul3A_9 = arith.constant 628 : i32
    %mul3A_10 = arith.muli %arg1, %mul3A_9 : i32
    %add3A_11 = arith.constant 0 : i32
    %add3A_12 = arith.addi %mul3A_10, %add3A_11 : i32
    "tpu.region"() ({
      %run_scoped3A_55 = tpu.sem_alloc : memref<!tpu.dma_semaphore, #tpu.memory_space<semaphore_mem>>
      %dma_start3A_56 = arith.constant 0 : i32
      %dma_start3A_57 = tpu.memref_slice %arg9[%add3A_12, %dma_start3A_56] : memref<10048x128xf32, #tpu.memory_space<vmem_shared>> -> memref<100x128xf32, #tpu.memory_space<vmem_shared>>
      %dma_start3A_58 = arith.constant 0 : i32
      %dma_start3A_59 = tpu.memref_slice %arg9[%add3A_12, %dma_start3A_58] : memref<10048x128xf32, #tpu.memory_space<vmem_shared>> -> memref<100x128xf32, #tpu.memory_space<vmem_shared>>
      tpu.enqueue_dma source(%arg7 : memref<100x128xf32, #tpu.memory_space<vmem>>) target(%dma_start3A_59 : memref<100x128xf32, #tpu.memory_space<vmem_shared>>) target_semaphore(%run_scoped3A_55 : memref<!tpu.dma_semaphore, #tpu.memory_space<semaphore_mem>>)
      %dma_wait3A = arith.constant 0 : i32
      %dma_wait3A_60 = tpu.memref_slice %arg9[%add3A_12, %dma_wait3A] : memref<10048x128xf32, #tpu.memory_space<vmem_shared>> -> memref<100x128xf32, #tpu.memory_space<vmem_shared>>
      %dma_wait3A_61 = arith.constant 0 : i32
      %dma_wait3A_62 = tpu.memref_slice %arg9[%add3A_12, %dma_wait3A_61] : memref<10048x128xf32, #tpu.memory_space<vmem_shared>> -> memref<100x128xf32, #tpu.memory_space<vmem_shared>>
      tpu.wait_dma2 semaphore(%run_scoped3A_55 : memref<!tpu.dma_semaphore, #tpu.memory_space<semaphore_mem>>) src(%arg7 : memref<100x128xf32, #tpu.memory_space<vmem>>) dst(%dma_wait3A_62 : memref<100x128xf32, #tpu.memory_space<vmem_shared>>)
      tpu.yield
    }) : () -> ()
    %mul3A_13 = arith.constant 628 : i32
    %mul3A_14 = arith.muli %arg1, %mul3A_13 : i32
    %add3A_15 = arith.constant 100 : i32
    %add3A_16 = arith.addi %mul3A_14, %add3A_15 : i32
    "tpu.region"() ({
      %run_scoped3A_55 = tpu.sem_alloc : memref<!tpu.dma_semaphore, #tpu.memory_space<semaphore_mem>>
      %dma_start3A_56 = arith.constant 0 : i32
      %dma_start3A_57 = tpu.memref_slice %arg9[%add3A_16, %dma_start3A_56] : memref<10048x128xf32, #tpu.memory_space<vmem_shared>> -> memref<100x128xf32, #tpu.memory_space<vmem_shared>>
      %dma_start3A_58 = arith.constant 0 : i32
      %dma_start3A_59 = tpu.memref_slice %arg9[%add3A_16, %dma_start3A_58] : memref<10048x128xf32, #tpu.memory_space<vmem_shared>> -> memref<100x128xf32, #tpu.memory_space<vmem_shared>>
      tpu.enqueue_dma source(%arg7 : memref<100x128xf32, #tpu.memory_space<vmem>>) target(%dma_start3A_59 : memref<100x128xf32, #tpu.memory_space<vmem_shared>>) target_semaphore(%run_scoped3A_55 : memref<!tpu.dma_semaphore, #tpu.memory_space<semaphore_mem>>)
      %dma_wait3A = arith.constant 0 : i32
      %dma_wait3A_60 = tpu.memref_slice %arg9[%add3A_16, %dma_wait3A] : memref<10048x128xf32, #tpu.memory_space<vmem_shared>> -> memref<100x128xf32, #tpu.memory_space<vmem_shared>>
      %dma_wait3A_61 = arith.constant 0 : i32
      %dma_wait3A_62 = tpu.memref_slice %arg9[%add3A_16, %dma_wait3A_61] : memref<10048x128xf32, #tpu.memory_space<vmem_shared>> -> memref<100x128xf32, #tpu.memory_space<vmem_shared>>
      tpu.wait_dma2 semaphore(%run_scoped3A_55 : memref<!tpu.dma_semaphore, #tpu.memory_space<semaphore_mem>>) src(%arg7 : memref<100x128xf32, #tpu.memory_space<vmem>>) dst(%dma_wait3A_62 : memref<100x128xf32, #tpu.memory_space<vmem_shared>>)
      tpu.yield
    }) : () -> ()
    %mul3A_17 = arith.constant 628 : i32
    %mul3A_18 = arith.muli %arg1, %mul3A_17 : i32
    %add3A_19 = arith.constant 200 : i32
    %add3A_20 = arith.addi %mul3A_18, %add3A_19 : i32
    "tpu.region"() ({
      %run_scoped3A_55 = tpu.sem_alloc : memref<!tpu.dma_semaphore, #tpu.memory_space<semaphore_mem>>
      %dma_start3A_56 = arith.constant 0 : i32
      %dma_start3A_57 = tpu.memref_slice %arg9[%add3A_20, %dma_start3A_56] : memref<10048x128xf32, #tpu.memory_space<vmem_shared>> -> memref<100x128xf32, #tpu.memory_space<vmem_shared>>
      %dma_start3A_58 = arith.constant 0 : i32
      %dma_start3A_59 = tpu.memref_slice %arg9[%add3A_20, %dma_start3A_58] : memref<10048x128xf32, #tpu.memory_space<vmem_shared>> -> memref<100x128xf32, #tpu.memory_space<vmem_shared>>
      tpu.enqueue_dma source(%arg7 : memref<100x128xf32, #tpu.memory_space<vmem>>) target(%dma_start3A_59 : memref<100x128xf32, #tpu.memory_space<vmem_shared>>) target_semaphore(%run_scoped3A_55 : memref<!tpu.dma_semaphore, #tpu.memory_space<semaphore_mem>>)
      %dma_wait3A = arith.constant 0 : i32
      %dma_wait3A_60 = tpu.memref_slice %arg9[%add3A_20, %dma_wait3A] : memref<10048x128xf32, #tpu.memory_space<vmem_shared>> -> memref<100x128xf32, #tpu.memory_space<vmem_shared>>
      %dma_wait3A_61 = arith.constant 0 : i32
      %dma_wait3A_62 = tpu.memref_slice %arg9[%add3A_20, %dma_wait3A_61] : memref<10048x128xf32, #tpu.memory_space<vmem_shared>> -> memref<100x128xf32, #tpu.memory_space<vmem_shared>>
      tpu.wait_dma2 semaphore(%run_scoped3A_55 : memref<!tpu.dma_semaphore, #tpu.memory_space<semaphore_mem>>) src(%arg7 : memref<100x128xf32, #tpu.memory_space<vmem>>) dst(%dma_wait3A_62 : memref<100x128xf32, #tpu.memory_space<vmem_shared>>)
      tpu.yield
    }) : () -> ()
    %mul3A_21 = arith.constant 628 : i32
    %mul3A_22 = arith.muli %arg1, %mul3A_21 : i32
    %add3A_23 = arith.constant 300 : i32
    %add3A_24 = arith.addi %mul3A_22, %add3A_23 : i32
    "tpu.region"() ({
      %run_scoped3A_55 = tpu.sem_alloc : memref<!tpu.dma_semaphore, #tpu.memory_space<semaphore_mem>>
      %dma_start3A_56 = arith.constant 0 : i32
      %dma_start3A_57 = tpu.memref_slice %arg9[%add3A_24, %dma_start3A_56] : memref<10048x128xf32, #tpu.memory_space<vmem_shared>> -> memref<100x128xf32, #tpu.memory_space<vmem_shared>>
      %dma_start3A_58 = arith.constant 0 : i32
      %dma_start3A_59 = tpu.memref_slice %arg9[%add3A_24, %dma_start3A_58] : memref<10048x128xf32, #tpu.memory_space<vmem_shared>> -> memref<100x128xf32, #tpu.memory_space<vmem_shared>>
      tpu.enqueue_dma source(%arg7 : memref<100x128xf32, #tpu.memory_space<vmem>>) target(%dma_start3A_59 : memref<100x128xf32, #tpu.memory_space<vmem_shared>>) target_semaphore(%run_scoped3A_55 : memref<!tpu.dma_semaphore, #tpu.memory_space<semaphore_mem>>)
      %dma_wait3A = arith.constant 0 : i32
      %dma_wait3A_60 = tpu.memref_slice %arg9[%add3A_24, %dma_wait3A] : memref<10048x128xf32, #tpu.memory_space<vmem_shared>> -> memref<100x128xf32, #tpu.memory_space<vmem_shared>>
      %dma_wait3A_61 = arith.constant 0 : i32
      %dma_wait3A_62 = tpu.memref_slice %arg9[%add3A_24, %dma_wait3A_61] : memref<10048x128xf32, #tpu.memory_space<vmem_shared>> -> memref<100x128xf32, #tpu.memory_space<vmem_shared>>
      tpu.wait_dma2 semaphore(%run_scoped3A_55 : memref<!tpu.dma_semaphore, #tpu.memory_space<semaphore_mem>>) src(%arg7 : memref<100x128xf32, #tpu.memory_space<vmem>>) dst(%dma_wait3A_62 : memref<100x128xf32, #tpu.memory_space<vmem_shared>>)
      tpu.yield
    }) : () -> ()
    %mul3A_25 = arith.constant 628 : i32
    %mul3A_26 = arith.muli %arg1, %mul3A_25 : i32
    %add3A_27 = arith.constant 400 : i32
    %add3A_28 = arith.addi %mul3A_26, %add3A_27 : i32
    "tpu.region"() ({
      %run_scoped3A_55 = tpu.sem_alloc : memref<!tpu.dma_semaphore, #tpu.memory_space<semaphore_mem>>
      %dma_start3A_56 = arith.constant 0 : i32
      %dma_start3A_57 = tpu.memref_slice %arg9[%add3A_28, %dma_start3A_56] : memref<10048x128xf32, #tpu.memory_space<vmem_shared>> -> memref<100x128xf32, #tpu.memory_space<vmem_shared>>
      %dma_start3A_58 = arith.constant 0 : i32
      %dma_start3A_59 = tpu.memref_slice %arg9[%add3A_28, %dma_start3A_58] : memref<10048x128xf32, #tpu.memory_space<vmem_shared>> -> memref<100x128xf32, #tpu.memory_space<vmem_shared>>
      tpu.enqueue_dma source(%arg7 : memref<100x128xf32, #tpu.memory_space<vmem>>) target(%dma_start3A_59 : memref<100x128xf32, #tpu.memory_space<vmem_shared>>) target_semaphore(%run_scoped3A_55 : memref<!tpu.dma_semaphore, #tpu.memory_space<semaphore_mem>>)
      %dma_wait3A = arith.constant 0 : i32
      %dma_wait3A_60 = tpu.memref_slice %arg9[%add3A_28, %dma_wait3A] : memref<10048x128xf32, #tpu.memory_space<vmem_shared>> -> memref<100x128xf32, #tpu.memory_space<vmem_shared>>
      %dma_wait3A_61 = arith.constant 0 : i32
      %dma_wait3A_62 = tpu.memref_slice %arg9[%add3A_28, %dma_wait3A_61] : memref<10048x128xf32, #tpu.memory_space<vmem_shared>> -> memref<100x128xf32, #tpu.memory_space<vmem_shared>>
      tpu.wait_dma2 semaphore(%run_scoped3A_55 : memref<!tpu.dma_semaphore, #tpu.memory_space<semaphore_mem>>) src(%arg7 : memref<100x128xf32, #tpu.memory_space<vmem>>) dst(%dma_wait3A_62 : memref<100x128xf32, #tpu.memory_space<vmem_shared>>)
      tpu.yield
    }) : () -> ()
    %mul3A_29 = arith.constant 628 : i32
    %mul3A_30 = arith.muli %arg1, %mul3A_29 : i32
    %add3A_31 = arith.constant 500 : i32
    %add3A_32 = arith.addi %mul3A_30, %add3A_31 : i32
    "tpu.region"() ({
      %run_scoped3A_55 = tpu.sem_alloc : memref<!tpu.dma_semaphore, #tpu.memory_space<semaphore_mem>>
      %dma_start3A_56 = arith.constant 0 : i32
      %dma_start3A_57 = tpu.memref_slice %arg9[%add3A_32, %dma_start3A_56] : memref<10048x128xf32, #tpu.memory_space<vmem_shared>> -> memref<100x128xf32, #tpu.memory_space<vmem_shared>>
      %dma_start3A_58 = arith.constant 0 : i32
      %dma_start3A_59 = tpu.memref_slice %arg9[%add3A_32, %dma_start3A_58] : memref<10048x128xf32, #tpu.memory_space<vmem_shared>> -> memref<100x128xf32, #tpu.memory_space<vmem_shared>>
      tpu.enqueue_dma source(%arg7 : memref<100x128xf32, #tpu.memory_space<vmem>>) target(%dma_start3A_59 : memref<100x128xf32, #tpu.memory_space<vmem_shared>>) target_semaphore(%run_scoped3A_55 : memref<!tpu.dma_semaphore, #tpu.memory_space<semaphore_mem>>)
      %dma_wait3A = arith.constant 0 : i32
      %dma_wait3A_60 = tpu.memref_slice %arg9[%add3A_32, %dma_wait3A] : memref<10048x128xf32, #tpu.memory_space<vmem_shared>> -> memref<100x128xf32, #tpu.memory_space<vmem_shared>>
      %dma_wait3A_61 = arith.constant 0 : i32
      %dma_wait3A_62 = tpu.memref_slice %arg9[%add3A_32, %dma_wait3A_61] : memref<10048x128xf32, #tpu.memory_space<vmem_shared>> -> memref<100x128xf32, #tpu.memory_space<vmem_shared>>
      tpu.wait_dma2 semaphore(%run_scoped3A_55 : memref<!tpu.dma_semaphore, #tpu.memory_space<semaphore_mem>>) src(%arg7 : memref<100x128xf32, #tpu.memory_space<vmem>>) dst(%dma_wait3A_62 : memref<100x128xf32, #tpu.memory_space<vmem_shared>>)
      tpu.yield
    }) : () -> ()
    %mul3A_33 = arith.constant 628 : i32
    %mul3A_34 = arith.muli %arg1, %mul3A_33 : i32
    %add3A_35 = arith.constant 600 : i32
    %add3A_36 = arith.addi %mul3A_34, %add3A_35 : i32
    "tpu.region"() ({
      %run_scoped3A_55 = tpu.sem_alloc : memref<!tpu.dma_semaphore, #tpu.memory_space<semaphore_mem>>
      %dma_start3A_56 = arith.constant 0 : i32
      %dma_start3A_57 = arith.constant 0 : i32
      %dma_start3A_58 = tpu.memref_slice %arg7[%dma_start3A_56, %dma_start3A_57] : memref<100x128xf32, #tpu.memory_space<vmem>> -> memref<28x128xf32, #tpu.memory_space<vmem>>
      %dma_start3A_59 = arith.constant 0 : i32
      %dma_start3A_60 = tpu.memref_slice %arg9[%add3A_36, %dma_start3A_59] : memref<10048x128xf32, #tpu.memory_space<vmem_shared>> -> memref<28x128xf32, #tpu.memory_space<vmem_shared>>
      %dma_start3A_61 = arith.constant 0 : i32
      %dma_start3A_62 = tpu.memref_slice %arg9[%add3A_36, %dma_start3A_61] : memref<10048x128xf32, #tpu.memory_space<vmem_shared>> -> memref<28x128xf32, #tpu.memory_space<vmem_shared>>
      %dma_start3A_63 = arith.constant 0 : i32
      %dma_start3A_64 = arith.constant 0 : i32
      %dma_start3A_65 = tpu.memref_slice %arg7[%dma_start3A_63, %dma_start3A_64] : memref<100x128xf32, #tpu.memory_space<vmem>> -> memref<28x128xf32, #tpu.memory_space<vmem>>
      tpu.enqueue_dma source(%dma_start3A_65 : memref<28x128xf32, #tpu.memory_space<vmem>>) target(%dma_start3A_62 : memref<28x128xf32, #tpu.memory_space<vmem_shared>>) target_semaphore(%run_scoped3A_55 : memref<!tpu.dma_semaphore, #tpu.memory_space<semaphore_mem>>)
      %dma_wait3A = arith.constant 0 : i32
      %dma_wait3A_66 = arith.constant 0 : i32
      %dma_wait3A_67 = tpu.memref_slice %arg7[%dma_wait3A, %dma_wait3A_66] : memref<100x128xf32, #tpu.memory_space<vmem>> -> memref<28x128xf32, #tpu.memory_space<vmem>>
      %dma_wait3A_68 = arith.constant 0 : i32
      %dma_wait3A_69 = tpu.memref_slice %arg9[%add3A_36, %dma_wait3A_68] : memref<10048x128xf32, #tpu.memory_space<vmem_shared>> -> memref<28x128xf32, #tpu.memory_space<vmem_shared>>
      %dma_wait3A_70 = arith.constant 0 : i32
      %dma_wait3A_71 = tpu.memref_slice %arg9[%add3A_36, %dma_wait3A_70] : memref<10048x128xf32, #tpu.memory_space<vmem_shared>> -> memref<28x128xf32, #tpu.memory_space<vmem_shared>>
      %dma_wait3A_72 = arith.constant 0 : i32
      %dma_wait3A_73 = arith.constant 0 : i32
      %dma_wait3A_74 = tpu.memref_slice %arg7[%dma_wait3A_72, %dma_wait3A_73] : memref<100x128xf32, #tpu.memory_space<vmem>> -> memref<28x128xf32, #tpu.memory_space<vmem>>
      tpu.wait_dma2 semaphore(%run_scoped3A_55 : memref<!tpu.dma_semaphore, #tpu.memory_space<semaphore_mem>>) src(%dma_wait3A_74 : memref<28x128xf32, #tpu.memory_space<vmem>>) dst(%dma_wait3A_71 : memref<28x128xf32, #tpu.memory_space<vmem_shared>>)
      tpu.yield
    }) : () -> ()
    %barrier3A = arith.constant 0 : index
    tpu.barrier barrier_id(%barrier3A)
    %dma_start3A = arith.constant 0 : i32
    %dma_start3A_37 = arith.constant 0 : i32
    %dma_start3A_38 = tpu.memref_slice %arg5[%dma_start3A, %dma_start3A_37] : memref<100x100xi32, #tpu.memory_space<vmem>> -> memref<1x100xi32, #tpu.memory_space<vmem>>
    %dma_start3A_39 = tpu.memref_squeeze %dma_start3A_38 : memref<1x100xi32, #tpu.memory_space<vmem>> -> memref<100xi32, #tpu.memory_space<vmem>>
    %dma_start3A_40 = arith.constant 0 : i32
    %dma_start3A_41 = arith.constant 0 : i32
    %dma_start3A_42 = tpu.memref_slice %arg2[%dma_start3A_40, %dma_start3A_41] : memref<10000x128xf32, #tpu.memory_space<hbm>> -> memref<10000x128xf32, #tpu.memory_space<hbm>>
    tpu.enqueue_indirect_dma source(%dma_start3A_42 : memref<10000x128xf32, #tpu.memory_space<hbm>>) target(%arg7 : memref<100x128xf32, #tpu.memory_space<vmem>>) offsets(%dma_start3A_39 : memref<100xi32, #tpu.memory_space<vmem>>) semaphore(%arg10 : memref<!tpu.dma_semaphore, #tpu.memory_space<semaphore_mem>>)
    %scan3A_43 = arith.constant 0 : i32
    %scan3A_44 = arith.constant 0 : i32
    %scan3A_45 = arith.constant 50 : i32
    %scan3A_46 = arith.addi %scan3A_44, %scan3A_45 : i32
    %scan3A_47 = arith.constant 1 : i32
    %scan3A_48 = scf.for %scan3A_55 = %scan3A_44 to %scan3A_46 step %scan3A_47 iter_args(%scan3A_56 = %scan3A_43) -> (i32)  : i32 {
      %mul3A_57 = arith.constant 2 : i32
      %mul3A_58 = arith.muli %scan3A_55, %mul3A_57 : i32
      %add3A_59 = arith.constant 1 : i32
      %add3A_60 = arith.addi %mul3A_58, %add3A_59 : i32
      %dma_start3A_61 = arith.constant 0 : i32
      %dma_start3A_62 = tpu.memref_slice %arg5[%add3A_60, %dma_start3A_61] : memref<100x100xi32, #tpu.memory_space<vmem>> -> memref<1x100xi32, #tpu.memory_space<vmem>>
      %dma_start3A_63 = tpu.memref_squeeze %dma_start3A_62 : memref<1x100xi32, #tpu.memory_space<vmem>> -> memref<100xi32, #tpu.memory_space<vmem>>
      %dma_start3A_64 = arith.constant 0 : i32
      %dma_start3A_65 = arith.constant 0 : i32
      %dma_start3A_66 = tpu.memref_slice %arg2[%dma_start3A_64, %dma_start3A_65] : memref<10000x128xf32, #tpu.memory_space<hbm>> -> memref<10000x128xf32, #tpu.memory_space<hbm>>
      tpu.enqueue_indirect_dma source(%dma_start3A_66 : memref<10000x128xf32, #tpu.memory_space<hbm>>) target(%arg8 : memref<100x128xf32, #tpu.memory_space<vmem>>) offsets(%dma_start3A_63 : memref<100xi32, #tpu.memory_space<vmem>>) semaphore(%arg11 : memref<!tpu.dma_semaphore, #tpu.memory_space<semaphore_mem>>)
      %dma_wait3A = arith.constant 0 : i32
      %dma_wait3A_67 = tpu.memref_slice %arg5[%mul3A_58, %dma_wait3A] : memref<100x100xi32, #tpu.memory_space<vmem>> -> memref<1x100xi32, #tpu.memory_space<vmem>>
      %dma_wait3A_68 = tpu.memref_squeeze %dma_wait3A_67 : memref<1x100xi32, #tpu.memory_space<vmem>> -> memref<100xi32, #tpu.memory_space<vmem>>
      %dma_wait3A_69 = arith.constant 0 : i32
      %dma_wait3A_70 = arith.constant 0 : i32
      %dma_wait3A_71 = tpu.memref_slice %arg2[%dma_wait3A_69, %dma_wait3A_70] : memref<10000x128xf32, #tpu.memory_space<hbm>> -> memref<10000x128xf32, #tpu.memory_space<hbm>>
      tpu.wait_indirect_dma semaphore(%arg10 : memref<!tpu.dma_semaphore, #tpu.memory_space<semaphore_mem>>) src(%dma_wait3A_71 : memref<10000x128xf32, #tpu.memory_space<hbm>>) dst(%arg7 : memref<100x128xf32, #tpu.memory_space<vmem>>)
      "tpu.region"() ({
        %run_scoped3A_85 = tpu.sem_alloc : memref<!tpu.dma_semaphore, #tpu.memory_space<semaphore_mem>>
        %dma_start3A_86 = arith.constant 0 : i32
        %dma_start3A_87 = tpu.memref_slice %arg6[%mul3A_58, %dma_start3A_86] : memref<100x100xi32, #tpu.memory_space<vmem>> -> memref<1x100xi32, #tpu.memory_space<vmem>>
        %dma_start3A_88 = tpu.memref_squeeze %dma_start3A_87 : memref<1x100xi32, #tpu.memory_space<vmem>> -> memref<100xi32, #tpu.memory_space<vmem>>
        %dma_start3A_89 = arith.constant 0 : i32
        %dma_start3A_90 = arith.constant 0 : i32
        %dma_start3A_91 = tpu.memref_slice %arg9[%dma_start3A_89, %dma_start3A_90] : memref<10048x128xf32, #tpu.memory_space<vmem_shared>> -> memref<10048x128xf32, #tpu.memory_space<vmem_shared>>
        tpu.enqueue_indirect_dma source(%arg7 : memref<100x128xf32, #tpu.memory_space<vmem>>) target(%dma_start3A_91 : memref<10048x128xf32, #tpu.memory_space<vmem_shared>>) offsets(%dma_start3A_88 : memref<100xi32, #tpu.memory_space<vmem>>) semaphore(%run_scoped3A_85 : memref<!tpu.dma_semaphore, #tpu.memory_space<semaphore_mem>>) {add = true}
        %dma_wait3A_92 = arith.constant 0 : i32
        %dma_wait3A_93 = tpu.memref_slice %arg6[%mul3A_58, %dma_wait3A_92] : memref<100x100xi32, #tpu.memory_space<vmem>> -> memref<1x100xi32, #tpu.memory_space<vmem>>
        %dma_wait3A_94 = tpu.memref_squeeze %dma_wait3A_93 : memref<1x100xi32, #tpu.memory_space<vmem>> -> memref<100xi32, #tpu.memory_space<vmem>>
        %dma_wait3A_95 = arith.constant 0 : i32
        %dma_wait3A_96 = arith.constant 0 : i32
        %dma_wait3A_97 = tpu.memref_slice %arg9[%dma_wait3A_95, %dma_wait3A_96] : memref<10048x128xf32, #tpu.memory_space<vmem_shared>> -> memref<10048x128xf32, #tpu.memory_space<vmem_shared>>
        tpu.wait_indirect_dma semaphore(%run_scoped3A_85 : memref<!tpu.dma_semaphore, #tpu.memory_space<semaphore_mem>>) src(%arg7 : memref<100x128xf32, #tpu.memory_space<vmem>>) dst(%dma_wait3A_97 : memref<10048x128xf32, #tpu.memory_space<vmem_shared>>)
        tpu.yield
      }) : () -> ()
      %add3A_72 = arith.constant 2 : i32
      %add3A_73 = arith.addi %mul3A_58, %add3A_72 : i32
      %lt3A = arith.constant 100 : i32
      %lt3A_74 = arith.cmpi slt, %add3A_73, %lt3A : i32
      %convert_element_type3A = arith.extui %lt3A_74 : i1 to i32
      %cond3A = arith.constant 0 : i32
      %cond3A_75 = arith.cmpi ne, %convert_element_type3A, %cond3A : i32
      scf.if %cond3A_75 {
        %add3A_85 = arith.constant 2 : i32
        %add3A_86 = arith.addi %mul3A_58, %add3A_85 : i32
        %dma_start3A_87 = arith.constant 0 : i32
        %dma_start3A_88 = tpu.memref_slice %arg5[%add3A_86, %dma_start3A_87] : memref<100x100xi32, #tpu.memory_space<vmem>> -> memref<1x100xi32, #tpu.memory_space<vmem>>
        %dma_start3A_89 = tpu.memref_squeeze %dma_start3A_88 : memref<1x100xi32, #tpu.memory_space<vmem>> -> memref<100xi32, #tpu.memory_space<vmem>>
        %dma_start3A_90 = arith.constant 0 : i32
        %dma_start3A_91 = arith.constant 0 : i32
        %dma_start3A_92 = tpu.memref_slice %arg2[%dma_start3A_90, %dma_start3A_91] : memref<10000x128xf32, #tpu.memory_space<hbm>> -> memref<10000x128xf32, #tpu.memory_space<hbm>>
        tpu.enqueue_indirect_dma source(%dma_start3A_92 : memref<10000x128xf32, #tpu.memory_space<hbm>>) target(%arg7 : memref<100x128xf32, #tpu.memory_space<vmem>>) offsets(%dma_start3A_89 : memref<100xi32, #tpu.memory_space<vmem>>) semaphore(%arg10 : memref<!tpu.dma_semaphore, #tpu.memory_space<semaphore_mem>>)
      } else {
      }
      %dma_wait3A_76 = arith.constant 0 : i32
      %dma_wait3A_77 = tpu.memref_slice %arg5[%mul3A_58, %dma_wait3A_76] : memref<100x100xi32, #tpu.memory_space<vmem>> -> memref<1x100xi32, #tpu.memory_space<vmem>>
      %dma_wait3A_78 = tpu.memref_squeeze %dma_wait3A_77 : memref<1x100xi32, #tpu.memory_space<vmem>> -> memref<100xi32, #tpu.memory_space<vmem>>
      %dma_wait3A_79 = arith.constant 0 : i32
      %dma_wait3A_80 = arith.constant 0 : i32
      %dma_wait3A_81 = tpu.memref_slice %arg2[%dma_wait3A_79, %dma_wait3A_80] : memref<10000x128xf32, #tpu.memory_space<hbm>> -> memref<10000x128xf32, #tpu.memory_space<hbm>>
      tpu.wait_indirect_dma semaphore(%arg11 : memref<!tpu.dma_semaphore, #tpu.memory_space<semaphore_mem>>) src(%dma_wait3A_81 : memref<10000x128xf32, #tpu.memory_space<hbm>>) dst(%arg8 : memref<100x128xf32, #tpu.memory_space<vmem>>)
      %add3A_82 = arith.constant 1 : i32
      %add3A_83 = arith.addi %mul3A_58, %add3A_82 : i32
      "tpu.region"() ({
        %run_scoped3A_85 = tpu.sem_alloc : memref<!tpu.dma_semaphore, #tpu.memory_space<semaphore_mem>>
        %dma_start3A_86 = arith.constant 0 : i32
        %dma_start3A_87 = tpu.memref_slice %arg6[%add3A_83, %dma_start3A_86] : memref<100x100xi32, #tpu.memory_space<vmem>> -> memref<1x100xi32, #tpu.memory_space<vmem>>
        %dma_start3A_88 = tpu.memref_squeeze %dma_start3A_87 : memref<1x100xi32, #tpu.memory_space<vmem>> -> memref<100xi32, #tpu.memory_space<vmem>>
        %dma_start3A_89 = arith.constant 0 : i32
        %dma_start3A_90 = arith.constant 0 : i32
        %dma_start3A_91 = tpu.memref_slice %arg9[%dma_start3A_89, %dma_start3A_90] : memref<10048x128xf32, #tpu.memory_space<vmem_shared>> -> memref<10048x128xf32, #tpu.memory_space<vmem_shared>>
        tpu.enqueue_indirect_dma source(%arg8 : memref<100x128xf32, #tpu.memory_space<vmem>>) target(%dma_start3A_91 : memref<10048x128xf32, #tpu.memory_space<vmem_shared>>) offsets(%dma_start3A_88 : memref<100xi32, #tpu.memory_space<vmem>>) semaphore(%run_scoped3A_85 : memref<!tpu.dma_semaphore, #tpu.memory_space<semaphore_mem>>) {add = true}
        %dma_wait3A_92 = arith.constant 0 : i32
        %dma_wait3A_93 = tpu.memref_slice %arg6[%add3A_83, %dma_wait3A_92] : memref<100x100xi32, #tpu.memory_space<vmem>> -> memref<1x100xi32, #tpu.memory_space<vmem>>
        %dma_wait3A_94 = tpu.memref_squeeze %dma_wait3A_93 : memref<1x100xi32, #tpu.memory_space<vmem>> -> memref<100xi32, #tpu.memory_space<vmem>>
        %dma_wait3A_95 = arith.constant 0 : i32
        %dma_wait3A_96 = arith.constant 0 : i32
        %dma_wait3A_97 = tpu.memref_slice %arg9[%dma_wait3A_95, %dma_wait3A_96] : memref<10048x128xf32, #tpu.memory_space<vmem_shared>> -> memref<10048x128xf32, #tpu.memory_space<vmem_shared>>
        tpu.wait_indirect_dma semaphore(%run_scoped3A_85 : memref<!tpu.dma_semaphore, #tpu.memory_space<semaphore_mem>>) src(%arg8 : memref<100x128xf32, #tpu.memory_space<vmem>>) dst(%dma_wait3A_97 : memref<10048x128xf32, #tpu.memory_space<vmem_shared>>)
        tpu.yield
      }) : () -> ()
      %scan3A_84 = arith.constant 0 : i32
      scf.yield %scan3A_84 : i32
    }
    %scan3A_49 = arith.constant 50 : i32
    %barrier3A_50 = arith.constant 0 : index
    tpu.barrier barrier_id(%barrier3A_50)
    %mul3A_51 = arith.constant 628 : i32
    %mul3A_52 = arith.muli %arg1, %mul3A_51 : i32
    %mul3A_53 = arith.constant 628 : i32
    %mul3A_54 = arith.muli %arg1, %mul3A_53 : i32
    "tpu.region"() ({
      %run_scoped3A_55 = tpu.sem_alloc : memref<!tpu.dma_semaphore, #tpu.memory_space<semaphore_mem>>
      %dma_start3A_56 = arith.constant 0 : i32
      %dma_start3A_57 = tpu.memref_slice %arg4[%arg0, %mul3A_54, %dma_start3A_56] : memref<2x10048x128xf32, #tpu.memory_space<hbm>> -> memref<1x628x128xf32, #tpu.memory_space<hbm>>
      %dma_start3A_58 = tpu.memref_squeeze %dma_start3A_57 : memref<1x628x128xf32, #tpu.memory_space<hbm>> -> memref<628x128xf32, #tpu.memory_space<hbm>>
      %dma_start3A_59 = arith.constant 0 : i32
      %dma_start3A_60 = tpu.memref_slice %arg9[%mul3A_52, %dma_start3A_59] : memref<10048x128xf32, #tpu.memory_space<vmem_shared>> -> memref<628x128xf32, #tpu.memory_space<vmem_shared>>
      tpu.enqueue_dma source(%dma_start3A_60 : memref<628x128xf32, #tpu.memory_space<vmem_shared>>) target(%dma_start3A_58 : memref<628x128xf32, #tpu.memory_space<hbm>>) target_semaphore(%run_scoped3A_55 : memref<!tpu.dma_semaphore, #tpu.memory_space<semaphore_mem>>)
      %dma_wait3A = arith.constant 0 : i32
      %dma_wait3A_61 = tpu.memref_slice %arg4[%arg0, %mul3A_54, %dma_wait3A] : memref<2x10048x128xf32, #tpu.memory_space<hbm>> -> memref<1x628x128xf32, #tpu.memory_space<hbm>>
      %dma_wait3A_62 = tpu.memref_squeeze %dma_wait3A_61 : memref<1x628x128xf32, #tpu.memory_space<hbm>> -> memref<628x128xf32, #tpu.memory_space<hbm>>
      %dma_wait3A_63 = arith.constant 0 : i32
      %dma_wait3A_64 = tpu.memref_slice %arg9[%mul3A_52, %dma_wait3A_63] : memref<10048x128xf32, #tpu.memory_space<vmem_shared>> -> memref<628x128xf32, #tpu.memory_space<vmem_shared>>
      tpu.wait_dma2 semaphore(%run_scoped3A_55 : memref<!tpu.dma_semaphore, #tpu.memory_space<semaphore_mem>>) src(%dma_wait3A_64 : memref<628x128xf32, #tpu.memory_space<vmem_shared>>) dst(%dma_wait3A_62 : memref<628x128xf32, #tpu.memory_space<hbm>>)
      tpu.yield
    }) : () -> ()
    return
  }
}

#map = affine_map<(d0, d1) -> (0, 0)>
module attributes {stable_mosaic.version = 14 : i64} {
  func.func @k(%arg0: i32, %arg1: i32, %arg2: memref<2x320000xi32, #tpu.memory_space<hbm>>, %arg3: memref<2x10240xf32, #tpu.memory_space<hbm>>, %arg4: memref<10240xf32, #tpu.memory_space<vmem>>, %arg5: memref<10000xi32, #tpu.memory_space<vmem>>, %arg6: memref<10000xi32, #tpu.memory_space<vmem>>, %arg7: memref<640xf32, #tpu.memory_space<vmem>>, %arg8: memref<640xf32, #tpu.memory_space<vmem>>, %arg9: memref<16x10240xf32, #tpu.memory_space<vmem_shared>>) attributes {dimension_semantics = [#tpu.dimension_semantics<core_parallel>, #tpu.dimension_semantics<subcore_parallel>], iteration_bounds = array<i64: 2, 16>, scalar_prefetch = 0 : i64, scratch_operands = 6 : i64, tpu.core_type = #tpu.core_type<sc_vector_subcore>, window_params = [{transform_indices = #map}, {transform_indices = #map}]} {
    %mul3A = arith.constant 16 : i32
    %mul3A_0 = arith.muli %arg0, %mul3A : i32
    %add3A = arith.addi %mul3A_0, %arg1 : i32
    %mul3A_1 = arith.constant 10000 : i32
    %mul3A_2 = arith.muli %add3A, %mul3A_1 : i32
    %broadcast_in_dim3A = arith.constant 0.000000e+00 : f32
    %broadcast_in_dim3A_3 = vector.broadcast %broadcast_in_dim3A : f32 to vector<16xf32>
    %broadcast_in_dim3A_4 = arith.constant 1.000000e+00 : f32
    %broadcast_in_dim3A_5 = vector.broadcast %broadcast_in_dim3A_4 : f32 to vector<16xf32>
    %scan3A = arith.constant 0 : i32
    %scan3A_6 = arith.constant 0 : i32
    %scan3A_7 = arith.constant 640 : i32
    %scan3A_8 = arith.addi %scan3A_6, %scan3A_7 : i32
    %scan3A_9 = arith.constant 1 : i32
    %scan3A_10 = scf.for %scan3A_191 = %scan3A_6 to %scan3A_8 step %scan3A_9 iter_args(%scan3A_192 = %scan3A) -> (i32)  : i32 {
      %mul3A_193 = arith.constant 16 : i32
      %mul3A_194 = arith.muli %scan3A_191, %mul3A_193 : i32
      %swap3A = arith.index_cast %mul3A_194 : i32 to index
      %swap3A_195 = tpu.vector_load %arg4[%swap3A] {strides = array<i32>} : memref<10240xf32, #tpu.memory_space<vmem>>, vector<16xf32>,
      tpu.vector_store %arg4[%swap3A], %broadcast_in_dim3A_3 {strides = array<i32>} : memref<10240xf32, #tpu.memory_space<vmem>>, vector<16xf32>,
      %scan3A_196 = arith.constant 0 : i32
      scf.yield %scan3A_196 : i32
    }
    %scan3A_11 = arith.constant 640 : i32
    %scan3A_12 = arith.constant 0 : i32
    %scan3A_13 = arith.constant 0 : i32
    %mul3A_14 = arith.constant 10000 : i32
    %mul3A_15 = arith.muli %scan3A_13, %mul3A_14 : i32
    %add3A_16 = arith.addi %mul3A_2, %mul3A_15 : i32
    %run_scoped3A = arith.constant 0 : i32
    "tpu.region"() ({
      %run_scoped3A_191 = tpu.sem_alloc : memref<!tpu.dma_semaphore, #tpu.memory_space<semaphore_mem>>
      %dma_start3A = tpu.memref_slice %arg2[%run_scoped3A, %add3A_16] : memref<2x320000xi32, #tpu.memory_space<hbm>> -> memref<1x10000xi32, #tpu.memory_space<hbm>>
      %dma_start3A_192 = tpu.memref_squeeze %dma_start3A : memref<1x10000xi32, #tpu.memory_space<hbm>> -> memref<10000xi32, #tpu.memory_space<hbm>>
      %dma_start3A_193 = tpu.memref_slice %arg2[%run_scoped3A, %add3A_16] : memref<2x320000xi32, #tpu.memory_space<hbm>> -> memref<1x10000xi32, #tpu.memory_space<hbm>>
      %dma_start3A_194 = tpu.memref_squeeze %dma_start3A_193 : memref<1x10000xi32, #tpu.memory_space<hbm>> -> memref<10000xi32, #tpu.memory_space<hbm>>
      tpu.enqueue_dma source(%dma_start3A_194 : memref<10000xi32, #tpu.memory_space<hbm>>) target(%arg5 : memref<10000xi32, #tpu.memory_space<vmem>>) target_semaphore(%run_scoped3A_191 : memref<!tpu.dma_semaphore, #tpu.memory_space<semaphore_mem>>)
      %dma_wait3A = tpu.memref_slice %arg2[%run_scoped3A, %add3A_16] : memref<2x320000xi32, #tpu.memory_space<hbm>> -> memref<1x10000xi32, #tpu.memory_space<hbm>>
      %dma_wait3A_195 = tpu.memref_squeeze %dma_wait3A : memref<1x10000xi32, #tpu.memory_space<hbm>> -> memref<10000xi32, #tpu.memory_space<hbm>>
      %dma_wait3A_196 = tpu.memref_slice %arg2[%run_scoped3A, %add3A_16] : memref<2x320000xi32, #tpu.memory_space<hbm>> -> memref<1x10000xi32, #tpu.memory_space<hbm>>
      %dma_wait3A_197 = tpu.memref_squeeze %dma_wait3A_196 : memref<1x10000xi32, #tpu.memory_space<hbm>> -> memref<10000xi32, #tpu.memory_space<hbm>>
      tpu.wait_dma2 semaphore(%run_scoped3A_191 : memref<!tpu.dma_semaphore, #tpu.memory_space<semaphore_mem>>) src(%dma_wait3A_197 : memref<10000xi32, #tpu.memory_space<hbm>>) dst(%arg5 : memref<10000xi32, #tpu.memory_space<vmem>>)
      tpu.yield
    }) : () -> ()
    %run_scoped3A_17 = arith.constant 1 : i32
    "tpu.region"() ({
      %run_scoped3A_191 = tpu.sem_alloc : memref<!tpu.dma_semaphore, #tpu.memory_space<semaphore_mem>>
      %dma_start3A = tpu.memref_slice %arg2[%run_scoped3A_17, %add3A_16] : memref<2x320000xi32, #tpu.memory_space<hbm>> -> memref<1x10000xi32, #tpu.memory_space<hbm>>
      %dma_start3A_192 = tpu.memref_squeeze %dma_start3A : memref<1x10000xi32, #tpu.memory_space<hbm>> -> memref<10000xi32, #tpu.memory_space<hbm>>
      %dma_start3A_193 = tpu.memref_slice %arg2[%run_scoped3A_17, %add3A_16] : memref<2x320000xi32, #tpu.memory_space<hbm>> -> memref<1x10000xi32, #tpu.memory_space<hbm>>
      %dma_start3A_194 = tpu.memref_squeeze %dma_start3A_193 : memref<1x10000xi32, #tpu.memory_space<hbm>> -> memref<10000xi32, #tpu.memory_space<hbm>>
      tpu.enqueue_dma source(%dma_start3A_194 : memref<10000xi32, #tpu.memory_space<hbm>>) target(%arg6 : memref<10000xi32, #tpu.memory_space<vmem>>) target_semaphore(%run_scoped3A_191 : memref<!tpu.dma_semaphore, #tpu.memory_space<semaphore_mem>>)
      %dma_wait3A = tpu.memref_slice %arg2[%run_scoped3A_17, %add3A_16] : memref<2x320000xi32, #tpu.memory_space<hbm>> -> memref<1x10000xi32, #tpu.memory_space<hbm>>
      %dma_wait3A_195 = tpu.memref_squeeze %dma_wait3A : memref<1x10000xi32, #tpu.memory_space<hbm>> -> memref<10000xi32, #tpu.memory_space<hbm>>
      %dma_wait3A_196 = tpu.memref_slice %arg2[%run_scoped3A_17, %add3A_16] : memref<2x320000xi32, #tpu.memory_space<hbm>> -> memref<1x10000xi32, #tpu.memory_space<hbm>>
      %dma_wait3A_197 = tpu.memref_squeeze %dma_wait3A_196 : memref<1x10000xi32, #tpu.memory_space<hbm>> -> memref<10000xi32, #tpu.memory_space<hbm>>
      tpu.wait_dma2 semaphore(%run_scoped3A_191 : memref<!tpu.dma_semaphore, #tpu.memory_space<semaphore_mem>>) src(%dma_wait3A_197 : memref<10000xi32, #tpu.memory_space<hbm>>) dst(%arg6 : memref<10000xi32, #tpu.memory_space<vmem>>)
      tpu.yield
    }) : () -> ()
    %parallel_loop3A = arith.constant 0 : i32
    %parallel_loop3A_18 = arith.constant 625 : i32
    %parallel_loop3A_19 = arith.constant 1 : i32
    scf.for %parallel_loop3A_191 = %parallel_loop3A to %parallel_loop3A_18 step %parallel_loop3A_19  : i32 {
      %parallel_loop3A_192 = arith.constant 16 : i32
      %parallel_loop3A_193 = arith.muli %parallel_loop3A_191, %parallel_loop3A_192 : i32
      %parallel_loop3A_194 = arith.index_cast %parallel_loop3A_193 : i32 to index
      %parallel_loop3A_195 = tpu.vector_load %arg6[%parallel_loop3A_194] {strides = array<i32>} : memref<10000xi32, #tpu.memory_space<vmem>>, vector<16xi32>,
      tpu.vector_store_idx %arg4[%parallel_loop3A_195], %broadcast_in_dim3A_5 {add = true} : memref<10240xf32, #tpu.memory_space<vmem>>[vector<16xi32>], vector<16xf32>,
    } {sc.loop_unroll_factor = 8 : i64, sc.parallel_access}
    %scan3A_20 = arith.constant 0 : i32
    %scan3A_21 = arith.constant 1 : i32
    "tpu.region"() ({
      %run_scoped3A_191 = tpu.sem_alloc : memref<!tpu.dma_semaphore, #tpu.memory_space<semaphore_mem>>
      %dma_start3A = arith.constant 0 : i32
      %dma_start3A_192 = tpu.memref_slice %arg9[%arg1, %dma_start3A] : memref<16x10240xf32, #tpu.memory_space<vmem_shared>> -> memref<1x10240xf32, #tpu.memory_space<vmem_shared>>
      %dma_start3A_193 = tpu.memref_squeeze %dma_start3A_192 : memref<1x10240xf32, #tpu.memory_space<vmem_shared>> -> memref<10240xf32, #tpu.memory_space<vmem_shared>>
      %dma_start3A_194 = arith.constant 0 : i32
      %dma_start3A_195 = tpu.memref_slice %arg9[%arg1, %dma_start3A_194] : memref<16x10240xf32, #tpu.memory_space<vmem_shared>> -> memref<1x10240xf32, #tpu.memory_space<vmem_shared>>
      %dma_start3A_196 = tpu.memref_squeeze %dma_start3A_195 : memref<1x10240xf32, #tpu.memory_space<vmem_shared>> -> memref<10240xf32, #tpu.memory_space<vmem_shared>>
      tpu.enqueue_dma source(%arg4 : memref<10240xf32, #tpu.memory_space<vmem>>) target(%dma_start3A_196 : memref<10240xf32, #tpu.memory_space<vmem_shared>>) target_semaphore(%run_scoped3A_191 : memref<!tpu.dma_semaphore, #tpu.memory_space<semaphore_mem>>)
      %dma_wait3A = arith.constant 0 : i32
      %dma_wait3A_197 = tpu.memref_slice %arg9[%arg1, %dma_wait3A] : memref<16x10240xf32, #tpu.memory_space<vmem_shared>> -> memref<1x10240xf32, #tpu.memory_space<vmem_shared>>
      %dma_wait3A_198 = tpu.memref_squeeze %dma_wait3A_197 : memref<1x10240xf32, #tpu.memory_space<vmem_shared>> -> memref<10240xf32, #tpu.memory_space<vmem_shared>>
      %dma_wait3A_199 = arith.constant 0 : i32
      %dma_wait3A_200 = tpu.memref_slice %arg9[%arg1, %dma_wait3A_199] : memref<16x10240xf32, #tpu.memory_space<vmem_shared>> -> memref<1x10240xf32, #tpu.memory_space<vmem_shared>>
      %dma_wait3A_201 = tpu.memref_squeeze %dma_wait3A_200 : memref<1x10240xf32, #tpu.memory_space<vmem_shared>> -> memref<10240xf32, #tpu.memory_space<vmem_shared>>
      tpu.wait_dma2 semaphore(%run_scoped3A_191 : memref<!tpu.dma_semaphore, #tpu.memory_space<semaphore_mem>>) src(%arg4 : memref<10240xf32, #tpu.memory_space<vmem>>) dst(%dma_wait3A_201 : memref<10240xf32, #tpu.memory_space<vmem_shared>>)
      tpu.yield
    }) : () -> ()
    %barrier3A = arith.constant 0 : index
    tpu.barrier barrier_id(%barrier3A)
    %scan3A_22 = arith.constant 0 : i32
    %scan3A_23 = arith.constant 0 : i32
    %scan3A_24 = arith.constant 40 : i32
    %scan3A_25 = arith.addi %scan3A_23, %scan3A_24 : i32
    %scan3A_26 = arith.constant 1 : i32
    %scan3A_27 = scf.for %scan3A_191 = %scan3A_23 to %scan3A_25 step %scan3A_26 iter_args(%scan3A_192 = %scan3A_22) -> (i32)  : i32 {
      %mul3A_193 = arith.constant 16 : i32
      %mul3A_194 = arith.muli %scan3A_191, %mul3A_193 : i32
      %swap3A = arith.index_cast %mul3A_194 : i32 to index
      %swap3A_195 = tpu.vector_load %arg8[%swap3A] {strides = array<i32>} : memref<640xf32, #tpu.memory_space<vmem>>, vector<16xf32>,
      tpu.vector_store %arg8[%swap3A], %broadcast_in_dim3A_3 {strides = array<i32>} : memref<640xf32, #tpu.memory_space<vmem>>, vector<16xf32>,
      %scan3A_196 = arith.constant 0 : i32
      scf.yield %scan3A_196 : i32
    }
    %scan3A_28 = arith.constant 40 : i32
    %mul3A_29 = arith.constant 640 : i32
    %mul3A_30 = arith.muli %arg1, %mul3A_29 : i32
    %run_scoped3A_31 = arith.constant 0 : i32
    "tpu.region"() ({
      %run_scoped3A_191 = tpu.sem_alloc : memref<!tpu.dma_semaphore, #tpu.memory_space<semaphore_mem>>
      %dma_start3A = tpu.memref_slice %arg9[%run_scoped3A_31, %mul3A_30] : memref<16x10240xf32, #tpu.memory_space<vmem_shared>> -> memref<1x640xf32, #tpu.memory_space<vmem_shared>>
      %dma_start3A_192 = tpu.memref_squeeze %dma_start3A : memref<1x640xf32, #tpu.memory_space<vmem_shared>> -> memref<640xf32, #tpu.memory_space<vmem_shared>>
      %dma_start3A_193 = tpu.memref_slice %arg9[%run_scoped3A_31, %mul3A_30] : memref<16x10240xf32, #tpu.memory_space<vmem_shared>> -> memref<1x640xf32, #tpu.memory_space<vmem_shared>>
      %dma_start3A_194 = tpu.memref_squeeze %dma_start3A_193 : memref<1x640xf32, #tpu.memory_space<vmem_shared>> -> memref<640xf32, #tpu.memory_space<vmem_shared>>
      tpu.enqueue_dma source(%dma_start3A_194 : memref<640xf32, #tpu.memory_space<vmem_shared>>) target(%arg7 : memref<640xf32, #tpu.memory_space<vmem>>) target_semaphore(%run_scoped3A_191 : memref<!tpu.dma_semaphore, #tpu.memory_space<semaphore_mem>>)
      %dma_wait3A = tpu.memref_slice %arg9[%run_scoped3A_31, %mul3A_30] : memref<16x10240xf32, #tpu.memory_space<vmem_shared>> -> memref<1x640xf32, #tpu.memory_space<vmem_shared>>
      %dma_wait3A_195 = tpu.memref_squeeze %dma_wait3A : memref<1x640xf32, #tpu.memory_space<vmem_shared>> -> memref<640xf32, #tpu.memory_space<vmem_shared>>
      %dma_wait3A_196 = tpu.memref_slice %arg9[%run_scoped3A_31, %mul3A_30] : memref<16x10240xf32, #tpu.memory_space<vmem_shared>> -> memref<1x640xf32, #tpu.memory_space<vmem_shared>>
      %dma_wait3A_197 = tpu.memref_squeeze %dma_wait3A_196 : memref<1x640xf32, #tpu.memory_space<vmem_shared>> -> memref<640xf32, #tpu.memory_space<vmem_shared>>
      tpu.wait_dma2 semaphore(%run_scoped3A_191 : memref<!tpu.dma_semaphore, #tpu.memory_space<semaphore_mem>>) src(%dma_wait3A_197 : memref<640xf32, #tpu.memory_space<vmem_shared>>) dst(%arg7 : memref<640xf32, #tpu.memory_space<vmem>>)
      tpu.yield
    }) : () -> ()
    %scan3A_32 = arith.constant 0 : i32
    %scan3A_33 = arith.constant 0 : i32
    %scan3A_34 = arith.constant 40 : i32
    %scan3A_35 = arith.addi %scan3A_33, %scan3A_34 : i32
    %scan3A_36 = arith.constant 1 : i32
    %scan3A_37 = scf.for %scan3A_191 = %scan3A_33 to %scan3A_35 step %scan3A_36 iter_args(%scan3A_192 = %scan3A_32) -> (i32)  : i32 {
      %mul3A_193 = arith.constant 16 : i32
      %mul3A_194 = arith.muli %scan3A_191, %mul3A_193 : i32
      %get3A = arith.index_cast %mul3A_194 : i32 to index
      %get3A_195 = tpu.vector_load %arg8[%get3A] {strides = array<i32>} : memref<640xf32, #tpu.memory_space<vmem>>, vector<16xf32>,
      %mul3A_196 = arith.constant 16 : i32
      %mul3A_197 = arith.muli %scan3A_191, %mul3A_196 : i32
      %get3A_198 = arith.index_cast %mul3A_197 : i32 to index
      %get3A_199 = tpu.vector_load %arg7[%get3A_198] {strides = array<i32>} : memref<640xf32, #tpu.memory_space<vmem>>, vector<16xf32>,
      %add3A_200 = arith.addf %get3A_195, %get3A_199 : vector<16xf32>
      %swap3A = arith.index_cast %mul3A_194 : i32 to index
      %swap3A_201 = tpu.vector_load %arg8[%swap3A] {strides = array<i32>} : memref<640xf32, #tpu.memory_space<vmem>>, vector<16xf32>,
      tpu.vector_store %arg8[%swap3A], %add3A_200 {strides = array<i32>} : memref<640xf32, #tpu.memory_space<vmem>>, vector<16xf32>,
      %scan3A_202 = arith.constant 0 : i32
      scf.yield %scan3A_202 : i32
    }
    %scan3A_38 = arith.constant 40 : i32
    %mul3A_39 = arith.constant 640 : i32
    %mul3A_40 = arith.muli %arg1, %mul3A_39 : i32
    %run_scoped3A_41 = arith.constant 1 : i32
    "tpu.region"() ({
      %run_scoped3A_191 = tpu.sem_alloc : memref<!tpu.dma_semaphore, #tpu.memory_space<semaphore_mem>>
      %dma_start3A = tpu.memref_slice %arg9[%run_scoped3A_41, %mul3A_40] : memref<16x10240xf32, #tpu.memory_space<vmem_shared>> -> memref<1x640xf32, #tpu.memory_space<vmem_shared>>
      %dma_start3A_192 = tpu.memref_squeeze %dma_start3A : memref<1x640xf32, #tpu.memory_space<vmem_shared>> -> memref<640xf32, #tpu.memory_space<vmem_shared>>
      %dma_start3A_193 = tpu.memref_slice %arg9[%run_scoped3A_41, %mul3A_40] : memref<16x10240xf32, #tpu.memory_space<vmem_shared>> -> memref<1x640xf32, #tpu.memory_space<vmem_shared>>
      %dma_start3A_194 = tpu.memref_squeeze %dma_start3A_193 : memref<1x640xf32, #tpu.memory_space<vmem_shared>> -> memref<640xf32, #tpu.memory_space<vmem_shared>>
      tpu.enqueue_dma source(%dma_start3A_194 : memref<640xf32, #tpu.memory_space<vmem_shared>>) target(%arg7 : memref<640xf32, #tpu.memory_space<vmem>>) target_semaphore(%run_scoped3A_191 : memref<!tpu.dma_semaphore, #tpu.memory_space<semaphore_mem>>)
      %dma_wait3A = tpu.memref_slice %arg9[%run_scoped3A_41, %mul3A_40] : memref<16x10240xf32, #tpu.memory_space<vmem_shared>> -> memref<1x640xf32, #tpu.memory_space<vmem_shared>>
      %dma_wait3A_195 = tpu.memref_squeeze %dma_wait3A : memref<1x640xf32, #tpu.memory_space<vmem_shared>> -> memref<640xf32, #tpu.memory_space<vmem_shared>>
      %dma_wait3A_196 = tpu.memref_slice %arg9[%run_scoped3A_41, %mul3A_40] : memref<16x10240xf32, #tpu.memory_space<vmem_shared>> -> memref<1x640xf32, #tpu.memory_space<vmem_shared>>
      %dma_wait3A_197 = tpu.memref_squeeze %dma_wait3A_196 : memref<1x640xf32, #tpu.memory_space<vmem_shared>> -> memref<640xf32, #tpu.memory_space<vmem_shared>>
      tpu.wait_dma2 semaphore(%run_scoped3A_191 : memref<!tpu.dma_semaphore, #tpu.memory_space<semaphore_mem>>) src(%dma_wait3A_197 : memref<640xf32, #tpu.memory_space<vmem_shared>>) dst(%arg7 : memref<640xf32, #tpu.memory_space<vmem>>)
      tpu.yield
    }) : () -> ()
    %scan3A_42 = arith.constant 0 : i32
    %scan3A_43 = arith.constant 0 : i32
    %scan3A_44 = arith.constant 40 : i32
    %scan3A_45 = arith.addi %scan3A_43, %scan3A_44 : i32
    %scan3A_46 = arith.constant 1 : i32
    %scan3A_47 = scf.for %scan3A_191 = %scan3A_43 to %scan3A_45 step %scan3A_46 iter_args(%scan3A_192 = %scan3A_42) -> (i32)  : i32 {
      %mul3A_193 = arith.constant 16 : i32
      %mul3A_194 = arith.muli %scan3A_191, %mul3A_193 : i32
      %get3A = arith.index_cast %mul3A_194 : i32 to index
      %get3A_195 = tpu.vector_load %arg8[%get3A] {strides = array<i32>} : memref<640xf32, #tpu.memory_space<vmem>>, vector<16xf32>,
      %mul3A_196 = arith.constant 16 : i32
      %mul3A_197 = arith.muli %scan3A_191, %mul3A_196 : i32
      %get3A_198 = arith.index_cast %mul3A_197 : i32 to index
      %get3A_199 = tpu.vector_load %arg7[%get3A_198] {strides = array<i32>} : memref<640xf32, #tpu.memory_space<vmem>>, vector<16xf32>,
      %add3A_200 = arith.addf %get3A_195, %get3A_199 : vector<16xf32>
      %swap3A = arith.index_cast %mul3A_194 : i32 to index
      %swap3A_201 = tpu.vector_load %arg8[%swap3A] {strides = array<i32>} : memref<640xf32, #tpu.memory_space<vmem>>, vector<16xf32>,
      tpu.vector_store %arg8[%swap3A], %add3A_200 {strides = array<i32>} : memref<640xf32, #tpu.memory_space<vmem>>, vector<16xf32>,
      %scan3A_202 = arith.constant 0 : i32
      scf.yield %scan3A_202 : i32
    }
    %scan3A_48 = arith.constant 40 : i32
    %mul3A_49 = arith.constant 640 : i32
    %mul3A_50 = arith.muli %arg1, %mul3A_49 : i32
    %run_scoped3A_51 = arith.constant 2 : i32
    "tpu.region"() ({
      %run_scoped3A_191 = tpu.sem_alloc : memref<!tpu.dma_semaphore, #tpu.memory_space<semaphore_mem>>
      %dma_start3A = tpu.memref_slice %arg9[%run_scoped3A_51, %mul3A_50] : memref<16x10240xf32, #tpu.memory_space<vmem_shared>> -> memref<1x640xf32, #tpu.memory_space<vmem_shared>>
      %dma_start3A_192 = tpu.memref_squeeze %dma_start3A : memref<1x640xf32, #tpu.memory_space<vmem_shared>> -> memref<640xf32, #tpu.memory_space<vmem_shared>>
      %dma_start3A_193 = tpu.memref_slice %arg9[%run_scoped3A_51, %mul3A_50] : memref<16x10240xf32, #tpu.memory_space<vmem_shared>> -> memref<1x640xf32, #tpu.memory_space<vmem_shared>>
      %dma_start3A_194 = tpu.memref_squeeze %dma_start3A_193 : memref<1x640xf32, #tpu.memory_space<vmem_shared>> -> memref<640xf32, #tpu.memory_space<vmem_shared>>
      tpu.enqueue_dma source(%dma_start3A_194 : memref<640xf32, #tpu.memory_space<vmem_shared>>) target(%arg7 : memref<640xf32, #tpu.memory_space<vmem>>) target_semaphore(%run_scoped3A_191 : memref<!tpu.dma_semaphore, #tpu.memory_space<semaphore_mem>>)
      %dma_wait3A = tpu.memref_slice %arg9[%run_scoped3A_51, %mul3A_50] : memref<16x10240xf32, #tpu.memory_space<vmem_shared>> -> memref<1x640xf32, #tpu.memory_space<vmem_shared>>
      %dma_wait3A_195 = tpu.memref_squeeze %dma_wait3A : memref<1x640xf32, #tpu.memory_space<vmem_shared>> -> memref<640xf32, #tpu.memory_space<vmem_shared>>
      %dma_wait3A_196 = tpu.memref_slice %arg9[%run_scoped3A_51, %mul3A_50] : memref<16x10240xf32, #tpu.memory_space<vmem_shared>> -> memref<1x640xf32, #tpu.memory_space<vmem_shared>>
      %dma_wait3A_197 = tpu.memref_squeeze %dma_wait3A_196 : memref<1x640xf32, #tpu.memory_space<vmem_shared>> -> memref<640xf32, #tpu.memory_space<vmem_shared>>
      tpu.wait_dma2 semaphore(%run_scoped3A_191 : memref<!tpu.dma_semaphore, #tpu.memory_space<semaphore_mem>>) src(%dma_wait3A_197 : memref<640xf32, #tpu.memory_space<vmem_shared>>) dst(%arg7 : memref<640xf32, #tpu.memory_space<vmem>>)
      tpu.yield
    }) : () -> ()
    %scan3A_52 = arith.constant 0 : i32
    %scan3A_53 = arith.constant 0 : i32
    %scan3A_54 = arith.constant 40 : i32
    %scan3A_55 = arith.addi %scan3A_53, %scan3A_54 : i32
    %scan3A_56 = arith.constant 1 : i32
    %scan3A_57 = scf.for %scan3A_191 = %scan3A_53 to %scan3A_55 step %scan3A_56 iter_args(%scan3A_192 = %scan3A_52) -> (i32)  : i32 {
      %mul3A_193 = arith.constant 16 : i32
      %mul3A_194 = arith.muli %scan3A_191, %mul3A_193 : i32
      %get3A = arith.index_cast %mul3A_194 : i32 to index
      %get3A_195 = tpu.vector_load %arg8[%get3A] {strides = array<i32>} : memref<640xf32, #tpu.memory_space<vmem>>, vector<16xf32>,
      %mul3A_196 = arith.constant 16 : i32
      %mul3A_197 = arith.muli %scan3A_191, %mul3A_196 : i32
      %get3A_198 = arith.index_cast %mul3A_197 : i32 to index
      %get3A_199 = tpu.vector_load %arg7[%get3A_198] {strides = array<i32>} : memref<640xf32, #tpu.memory_space<vmem>>, vector<16xf32>,
      %add3A_200 = arith.addf %get3A_195, %get3A_199 : vector<16xf32>
      %swap3A = arith.index_cast %mul3A_194 : i32 to index
      %swap3A_201 = tpu.vector_load %arg8[%swap3A] {strides = array<i32>} : memref<640xf32, #tpu.memory_space<vmem>>, vector<16xf32>,
      tpu.vector_store %arg8[%swap3A], %add3A_200 {strides = array<i32>} : memref<640xf32, #tpu.memory_space<vmem>>, vector<16xf32>,
      %scan3A_202 = arith.constant 0 : i32
      scf.yield %scan3A_202 : i32
    }
    %scan3A_58 = arith.constant 40 : i32
    %mul3A_59 = arith.constant 640 : i32
    %mul3A_60 = arith.muli %arg1, %mul3A_59 : i32
    %run_scoped3A_61 = arith.constant 3 : i32
    "tpu.region"() ({
      %run_scoped3A_191 = tpu.sem_alloc : memref<!tpu.dma_semaphore, #tpu.memory_space<semaphore_mem>>
      %dma_start3A = tpu.memref_slice %arg9[%run_scoped3A_61, %mul3A_60] : memref<16x10240xf32, #tpu.memory_space<vmem_shared>> -> memref<1x640xf32, #tpu.memory_space<vmem_shared>>
      %dma_start3A_192 = tpu.memref_squeeze %dma_start3A : memref<1x640xf32, #tpu.memory_space<vmem_shared>> -> memref<640xf32, #tpu.memory_space<vmem_shared>>
      %dma_start3A_193 = tpu.memref_slice %arg9[%run_scoped3A_61, %mul3A_60] : memref<16x10240xf32, #tpu.memory_space<vmem_shared>> -> memref<1x640xf32, #tpu.memory_space<vmem_shared>>
      %dma_start3A_194 = tpu.memref_squeeze %dma_start3A_193 : memref<1x640xf32, #tpu.memory_space<vmem_shared>> -> memref<640xf32, #tpu.memory_space<vmem_shared>>
      tpu.enqueue_dma source(%dma_start3A_194 : memref<640xf32, #tpu.memory_space<vmem_shared>>) target(%arg7 : memref<640xf32, #tpu.memory_space<vmem>>) target_semaphore(%run_scoped3A_191 : memref<!tpu.dma_semaphore, #tpu.memory_space<semaphore_mem>>)
      %dma_wait3A = tpu.memref_slice %arg9[%run_scoped3A_61, %mul3A_60] : memref<16x10240xf32, #tpu.memory_space<vmem_shared>> -> memref<1x640xf32, #tpu.memory_space<vmem_shared>>
      %dma_wait3A_195 = tpu.memref_squeeze %dma_wait3A : memref<1x640xf32, #tpu.memory_space<vmem_shared>> -> memref<640xf32, #tpu.memory_space<vmem_shared>>
      %dma_wait3A_196 = tpu.memref_slice %arg9[%run_scoped3A_61, %mul3A_60] : memref<16x10240xf32, #tpu.memory_space<vmem_shared>> -> memref<1x640xf32, #tpu.memory_space<vmem_shared>>
      %dma_wait3A_197 = tpu.memref_squeeze %dma_wait3A_196 : memref<1x640xf32, #tpu.memory_space<vmem_shared>> -> memref<640xf32, #tpu.memory_space<vmem_shared>>
      tpu.wait_dma2 semaphore(%run_scoped3A_191 : memref<!tpu.dma_semaphore, #tpu.memory_space<semaphore_mem>>) src(%dma_wait3A_197 : memref<640xf32, #tpu.memory_space<vmem_shared>>) dst(%arg7 : memref<640xf32, #tpu.memory_space<vmem>>)
      tpu.yield
    }) : () -> ()
    %scan3A_62 = arith.constant 0 : i32
    %scan3A_63 = arith.constant 0 : i32
    %scan3A_64 = arith.constant 40 : i32
    %scan3A_65 = arith.addi %scan3A_63, %scan3A_64 : i32
    %scan3A_66 = arith.constant 1 : i32
    %scan3A_67 = scf.for %scan3A_191 = %scan3A_63 to %scan3A_65 step %scan3A_66 iter_args(%scan3A_192 = %scan3A_62) -> (i32)  : i32 {
      %mul3A_193 = arith.constant 16 : i32
      %mul3A_194 = arith.muli %scan3A_191, %mul3A_193 : i32
      %get3A = arith.index_cast %mul3A_194 : i32 to index
      %get3A_195 = tpu.vector_load %arg8[%get3A] {strides = array<i32>} : memref<640xf32, #tpu.memory_space<vmem>>, vector<16xf32>,
      %mul3A_196 = arith.constant 16 : i32
      %mul3A_197 = arith.muli %scan3A_191, %mul3A_196 : i32
      %get3A_198 = arith.index_cast %mul3A_197 : i32 to index
      %get3A_199 = tpu.vector_load %arg7[%get3A_198] {strides = array<i32>} : memref<640xf32, #tpu.memory_space<vmem>>, vector<16xf32>,
      %add3A_200 = arith.addf %get3A_195, %get3A_199 : vector<16xf32>
      %swap3A = arith.index_cast %mul3A_194 : i32 to index
      %swap3A_201 = tpu.vector_load %arg8[%swap3A] {strides = array<i32>} : memref<640xf32, #tpu.memory_space<vmem>>, vector<16xf32>,
      tpu.vector_store %arg8[%swap3A], %add3A_200 {strides = array<i32>} : memref<640xf32, #tpu.memory_space<vmem>>, vector<16xf32>,
      %scan3A_202 = arith.constant 0 : i32
      scf.yield %scan3A_202 : i32
    }
    %scan3A_68 = arith.constant 40 : i32
    %mul3A_69 = arith.constant 640 : i32
    %mul3A_70 = arith.muli %arg1, %mul3A_69 : i32
    %run_scoped3A_71 = arith.constant 4 : i32
    "tpu.region"() ({
      %run_scoped3A_191 = tpu.sem_alloc : memref<!tpu.dma_semaphore, #tpu.memory_space<semaphore_mem>>
      %dma_start3A = tpu.memref_slice %arg9[%run_scoped3A_71, %mul3A_70] : memref<16x10240xf32, #tpu.memory_space<vmem_shared>> -> memref<1x640xf32, #tpu.memory_space<vmem_shared>>
      %dma_start3A_192 = tpu.memref_squeeze %dma_start3A : memref<1x640xf32, #tpu.memory_space<vmem_shared>> -> memref<640xf32, #tpu.memory_space<vmem_shared>>
      %dma_start3A_193 = tpu.memref_slice %arg9[%run_scoped3A_71, %mul3A_70] : memref<16x10240xf32, #tpu.memory_space<vmem_shared>> -> memref<1x640xf32, #tpu.memory_space<vmem_shared>>
      %dma_start3A_194 = tpu.memref_squeeze %dma_start3A_193 : memref<1x640xf32, #tpu.memory_space<vmem_shared>> -> memref<640xf32, #tpu.memory_space<vmem_shared>>
      tpu.enqueue_dma source(%dma_start3A_194 : memref<640xf32, #tpu.memory_space<vmem_shared>>) target(%arg7 : memref<640xf32, #tpu.memory_space<vmem>>) target_semaphore(%run_scoped3A_191 : memref<!tpu.dma_semaphore, #tpu.memory_space<semaphore_mem>>)
      %dma_wait3A = tpu.memref_slice %arg9[%run_scoped3A_71, %mul3A_70] : memref<16x10240xf32, #tpu.memory_space<vmem_shared>> -> memref<1x640xf32, #tpu.memory_space<vmem_shared>>
      %dma_wait3A_195 = tpu.memref_squeeze %dma_wait3A : memref<1x640xf32, #tpu.memory_space<vmem_shared>> -> memref<640xf32, #tpu.memory_space<vmem_shared>>
      %dma_wait3A_196 = tpu.memref_slice %arg9[%run_scoped3A_71, %mul3A_70] : memref<16x10240xf32, #tpu.memory_space<vmem_shared>> -> memref<1x640xf32, #tpu.memory_space<vmem_shared>>
      %dma_wait3A_197 = tpu.memref_squeeze %dma_wait3A_196 : memref<1x640xf32, #tpu.memory_space<vmem_shared>> -> memref<640xf32, #tpu.memory_space<vmem_shared>>
      tpu.wait_dma2 semaphore(%run_scoped3A_191 : memref<!tpu.dma_semaphore, #tpu.memory_space<semaphore_mem>>) src(%dma_wait3A_197 : memref<640xf32, #tpu.memory_space<vmem_shared>>) dst(%arg7 : memref<640xf32, #tpu.memory_space<vmem>>)
      tpu.yield
    }) : () -> ()
    %scan3A_72 = arith.constant 0 : i32
    %scan3A_73 = arith.constant 0 : i32
    %scan3A_74 = arith.constant 40 : i32
    %scan3A_75 = arith.addi %scan3A_73, %scan3A_74 : i32
    %scan3A_76 = arith.constant 1 : i32
    %scan3A_77 = scf.for %scan3A_191 = %scan3A_73 to %scan3A_75 step %scan3A_76 iter_args(%scan3A_192 = %scan3A_72) -> (i32)  : i32 {
      %mul3A_193 = arith.constant 16 : i32
      %mul3A_194 = arith.muli %scan3A_191, %mul3A_193 : i32
      %get3A = arith.index_cast %mul3A_194 : i32 to index
      %get3A_195 = tpu.vector_load %arg8[%get3A] {strides = array<i32>} : memref<640xf32, #tpu.memory_space<vmem>>, vector<16xf32>,
      %mul3A_196 = arith.constant 16 : i32
      %mul3A_197 = arith.muli %scan3A_191, %mul3A_196 : i32
      %get3A_198 = arith.index_cast %mul3A_197 : i32 to index
      %get3A_199 = tpu.vector_load %arg7[%get3A_198] {strides = array<i32>} : memref<640xf32, #tpu.memory_space<vmem>>, vector<16xf32>,
      %add3A_200 = arith.addf %get3A_195, %get3A_199 : vector<16xf32>
      %swap3A = arith.index_cast %mul3A_194 : i32 to index
      %swap3A_201 = tpu.vector_load %arg8[%swap3A] {strides = array<i32>} : memref<640xf32, #tpu.memory_space<vmem>>, vector<16xf32>,
      tpu.vector_store %arg8[%swap3A], %add3A_200 {strides = array<i32>} : memref<640xf32, #tpu.memory_space<vmem>>, vector<16xf32>,
      %scan3A_202 = arith.constant 0 : i32
      scf.yield %scan3A_202 : i32
    }
    %scan3A_78 = arith.constant 40 : i32
    %mul3A_79 = arith.constant 640 : i32
    %mul3A_80 = arith.muli %arg1, %mul3A_79 : i32
    %run_scoped3A_81 = arith.constant 5 : i32
    "tpu.region"() ({
      %run_scoped3A_191 = tpu.sem_alloc : memref<!tpu.dma_semaphore, #tpu.memory_space<semaphore_mem>>
      %dma_start3A = tpu.memref_slice %arg9[%run_scoped3A_81, %mul3A_80] : memref<16x10240xf32, #tpu.memory_space<vmem_shared>> -> memref<1x640xf32, #tpu.memory_space<vmem_shared>>
      %dma_start3A_192 = tpu.memref_squeeze %dma_start3A : memref<1x640xf32, #tpu.memory_space<vmem_shared>> -> memref<640xf32, #tpu.memory_space<vmem_shared>>
      %dma_start3A_193 = tpu.memref_slice %arg9[%run_scoped3A_81, %mul3A_80] : memref<16x10240xf32, #tpu.memory_space<vmem_shared>> -> memref<1x640xf32, #tpu.memory_space<vmem_shared>>
      %dma_start3A_194 = tpu.memref_squeeze %dma_start3A_193 : memref<1x640xf32, #tpu.memory_space<vmem_shared>> -> memref<640xf32, #tpu.memory_space<vmem_shared>>
      tpu.enqueue_dma source(%dma_start3A_194 : memref<640xf32, #tpu.memory_space<vmem_shared>>) target(%arg7 : memref<640xf32, #tpu.memory_space<vmem>>) target_semaphore(%run_scoped3A_191 : memref<!tpu.dma_semaphore, #tpu.memory_space<semaphore_mem>>)
      %dma_wait3A = tpu.memref_slice %arg9[%run_scoped3A_81, %mul3A_80] : memref<16x10240xf32, #tpu.memory_space<vmem_shared>> -> memref<1x640xf32, #tpu.memory_space<vmem_shared>>
      %dma_wait3A_195 = tpu.memref_squeeze %dma_wait3A : memref<1x640xf32, #tpu.memory_space<vmem_shared>> -> memref<640xf32, #tpu.memory_space<vmem_shared>>
      %dma_wait3A_196 = tpu.memref_slice %arg9[%run_scoped3A_81, %mul3A_80] : memref<16x10240xf32, #tpu.memory_space<vmem_shared>> -> memref<1x640xf32, #tpu.memory_space<vmem_shared>>
      %dma_wait3A_197 = tpu.memref_squeeze %dma_wait3A_196 : memref<1x640xf32, #tpu.memory_space<vmem_shared>> -> memref<640xf32, #tpu.memory_space<vmem_shared>>
      tpu.wait_dma2 semaphore(%run_scoped3A_191 : memref<!tpu.dma_semaphore, #tpu.memory_space<semaphore_mem>>) src(%dma_wait3A_197 : memref<640xf32, #tpu.memory_space<vmem_shared>>) dst(%arg7 : memref<640xf32, #tpu.memory_space<vmem>>)
      tpu.yield
    }) : () -> ()
    %scan3A_82 = arith.constant 0 : i32
    %scan3A_83 = arith.constant 0 : i32
    %scan3A_84 = arith.constant 40 : i32
    %scan3A_85 = arith.addi %scan3A_83, %scan3A_84 : i32
    %scan3A_86 = arith.constant 1 : i32
    %scan3A_87 = scf.for %scan3A_191 = %scan3A_83 to %scan3A_85 step %scan3A_86 iter_args(%scan3A_192 = %scan3A_82) -> (i32)  : i32 {
      %mul3A_193 = arith.constant 16 : i32
      %mul3A_194 = arith.muli %scan3A_191, %mul3A_193 : i32
      %get3A = arith.index_cast %mul3A_194 : i32 to index
      %get3A_195 = tpu.vector_load %arg8[%get3A] {strides = array<i32>} : memref<640xf32, #tpu.memory_space<vmem>>, vector<16xf32>,
      %mul3A_196 = arith.constant 16 : i32
      %mul3A_197 = arith.muli %scan3A_191, %mul3A_196 : i32
      %get3A_198 = arith.index_cast %mul3A_197 : i32 to index
      %get3A_199 = tpu.vector_load %arg7[%get3A_198] {strides = array<i32>} : memref<640xf32, #tpu.memory_space<vmem>>, vector<16xf32>,
      %add3A_200 = arith.addf %get3A_195, %get3A_199 : vector<16xf32>
      %swap3A = arith.index_cast %mul3A_194 : i32 to index
      %swap3A_201 = tpu.vector_load %arg8[%swap3A] {strides = array<i32>} : memref<640xf32, #tpu.memory_space<vmem>>, vector<16xf32>,
      tpu.vector_store %arg8[%swap3A], %add3A_200 {strides = array<i32>} : memref<640xf32, #tpu.memory_space<vmem>>, vector<16xf32>,
      %scan3A_202 = arith.constant 0 : i32
      scf.yield %scan3A_202 : i32
    }
    %scan3A_88 = arith.constant 40 : i32
    %mul3A_89 = arith.constant 640 : i32
    %mul3A_90 = arith.muli %arg1, %mul3A_89 : i32
    %run_scoped3A_91 = arith.constant 6 : i32
    "tpu.region"() ({
      %run_scoped3A_191 = tpu.sem_alloc : memref<!tpu.dma_semaphore, #tpu.memory_space<semaphore_mem>>
      %dma_start3A = tpu.memref_slice %arg9[%run_scoped3A_91, %mul3A_90] : memref<16x10240xf32, #tpu.memory_space<vmem_shared>> -> memref<1x640xf32, #tpu.memory_space<vmem_shared>>
      %dma_start3A_192 = tpu.memref_squeeze %dma_start3A : memref<1x640xf32, #tpu.memory_space<vmem_shared>> -> memref<640xf32, #tpu.memory_space<vmem_shared>>
      %dma_start3A_193 = tpu.memref_slice %arg9[%run_scoped3A_91, %mul3A_90] : memref<16x10240xf32, #tpu.memory_space<vmem_shared>> -> memref<1x640xf32, #tpu.memory_space<vmem_shared>>
      %dma_start3A_194 = tpu.memref_squeeze %dma_start3A_193 : memref<1x640xf32, #tpu.memory_space<vmem_shared>> -> memref<640xf32, #tpu.memory_space<vmem_shared>>
      tpu.enqueue_dma source(%dma_start3A_194 : memref<640xf32, #tpu.memory_space<vmem_shared>>) target(%arg7 : memref<640xf32, #tpu.memory_space<vmem>>) target_semaphore(%run_scoped3A_191 : memref<!tpu.dma_semaphore, #tpu.memory_space<semaphore_mem>>)
      %dma_wait3A = tpu.memref_slice %arg9[%run_scoped3A_91, %mul3A_90] : memref<16x10240xf32, #tpu.memory_space<vmem_shared>> -> memref<1x640xf32, #tpu.memory_space<vmem_shared>>
      %dma_wait3A_195 = tpu.memref_squeeze %dma_wait3A : memref<1x640xf32, #tpu.memory_space<vmem_shared>> -> memref<640xf32, #tpu.memory_space<vmem_shared>>
      %dma_wait3A_196 = tpu.memref_slice %arg9[%run_scoped3A_91, %mul3A_90] : memref<16x10240xf32, #tpu.memory_space<vmem_shared>> -> memref<1x640xf32, #tpu.memory_space<vmem_shared>>
      %dma_wait3A_197 = tpu.memref_squeeze %dma_wait3A_196 : memref<1x640xf32, #tpu.memory_space<vmem_shared>> -> memref<640xf32, #tpu.memory_space<vmem_shared>>
      tpu.wait_dma2 semaphore(%run_scoped3A_191 : memref<!tpu.dma_semaphore, #tpu.memory_space<semaphore_mem>>) src(%dma_wait3A_197 : memref<640xf32, #tpu.memory_space<vmem_shared>>) dst(%arg7 : memref<640xf32, #tpu.memory_space<vmem>>)
      tpu.yield
    }) : () -> ()
    %scan3A_92 = arith.constant 0 : i32
    %scan3A_93 = arith.constant 0 : i32
    %scan3A_94 = arith.constant 40 : i32
    %scan3A_95 = arith.addi %scan3A_93, %scan3A_94 : i32
    %scan3A_96 = arith.constant 1 : i32
    %scan3A_97 = scf.for %scan3A_191 = %scan3A_93 to %scan3A_95 step %scan3A_96 iter_args(%scan3A_192 = %scan3A_92) -> (i32)  : i32 {
      %mul3A_193 = arith.constant 16 : i32
      %mul3A_194 = arith.muli %scan3A_191, %mul3A_193 : i32
      %get3A = arith.index_cast %mul3A_194 : i32 to index
      %get3A_195 = tpu.vector_load %arg8[%get3A] {strides = array<i32>} : memref<640xf32, #tpu.memory_space<vmem>>, vector<16xf32>,
      %mul3A_196 = arith.constant 16 : i32
      %mul3A_197 = arith.muli %scan3A_191, %mul3A_196 : i32
      %get3A_198 = arith.index_cast %mul3A_197 : i32 to index
      %get3A_199 = tpu.vector_load %arg7[%get3A_198] {strides = array<i32>} : memref<640xf32, #tpu.memory_space<vmem>>, vector<16xf32>,
      %add3A_200 = arith.addf %get3A_195, %get3A_199 : vector<16xf32>
      %swap3A = arith.index_cast %mul3A_194 : i32 to index
      %swap3A_201 = tpu.vector_load %arg8[%swap3A] {strides = array<i32>} : memref<640xf32, #tpu.memory_space<vmem>>, vector<16xf32>,
      tpu.vector_store %arg8[%swap3A], %add3A_200 {strides = array<i32>} : memref<640xf32, #tpu.memory_space<vmem>>, vector<16xf32>,
      %scan3A_202 = arith.constant 0 : i32
      scf.yield %scan3A_202 : i32
    }
    %scan3A_98 = arith.constant 40 : i32
    %mul3A_99 = arith.constant 640 : i32
    %mul3A_100 = arith.muli %arg1, %mul3A_99 : i32
    %run_scoped3A_101 = arith.constant 7 : i32
    "tpu.region"() ({
      %run_scoped3A_191 = tpu.sem_alloc : memref<!tpu.dma_semaphore, #tpu.memory_space<semaphore_mem>>
      %dma_start3A = tpu.memref_slice %arg9[%run_scoped3A_101, %mul3A_100] : memref<16x10240xf32, #tpu.memory_space<vmem_shared>> -> memref<1x640xf32, #tpu.memory_space<vmem_shared>>
      %dma_start3A_192 = tpu.memref_squeeze %dma_start3A : memref<1x640xf32, #tpu.memory_space<vmem_shared>> -> memref<640xf32, #tpu.memory_space<vmem_shared>>
      %dma_start3A_193 = tpu.memref_slice %arg9[%run_scoped3A_101, %mul3A_100] : memref<16x10240xf32, #tpu.memory_space<vmem_shared>> -> memref<1x640xf32, #tpu.memory_space<vmem_shared>>
      %dma_start3A_194 = tpu.memref_squeeze %dma_start3A_193 : memref<1x640xf32, #tpu.memory_space<vmem_shared>> -> memref<640xf32, #tpu.memory_space<vmem_shared>>
      tpu.enqueue_dma source(%dma_start3A_194 : memref<640xf32, #tpu.memory_space<vmem_shared>>) target(%arg7 : memref<640xf32, #tpu.memory_space<vmem>>) target_semaphore(%run_scoped3A_191 : memref<!tpu.dma_semaphore, #tpu.memory_space<semaphore_mem>>)
      %dma_wait3A = tpu.memref_slice %arg9[%run_scoped3A_101, %mul3A_100] : memref<16x10240xf32, #tpu.memory_space<vmem_shared>> -> memref<1x640xf32, #tpu.memory_space<vmem_shared>>
      %dma_wait3A_195 = tpu.memref_squeeze %dma_wait3A : memref<1x640xf32, #tpu.memory_space<vmem_shared>> -> memref<640xf32, #tpu.memory_space<vmem_shared>>
      %dma_wait3A_196 = tpu.memref_slice %arg9[%run_scoped3A_101, %mul3A_100] : memref<16x10240xf32, #tpu.memory_space<vmem_shared>> -> memref<1x640xf32, #tpu.memory_space<vmem_shared>>
      %dma_wait3A_197 = tpu.memref_squeeze %dma_wait3A_196 : memref<1x640xf32, #tpu.memory_space<vmem_shared>> -> memref<640xf32, #tpu.memory_space<vmem_shared>>
      tpu.wait_dma2 semaphore(%run_scoped3A_191 : memref<!tpu.dma_semaphore, #tpu.memory_space<semaphore_mem>>) src(%dma_wait3A_197 : memref<640xf32, #tpu.memory_space<vmem_shared>>) dst(%arg7 : memref<640xf32, #tpu.memory_space<vmem>>)
      tpu.yield
    }) : () -> ()
    %scan3A_102 = arith.constant 0 : i32
    %scan3A_103 = arith.constant 0 : i32
    %scan3A_104 = arith.constant 40 : i32
    %scan3A_105 = arith.addi %scan3A_103, %scan3A_104 : i32
    %scan3A_106 = arith.constant 1 : i32
    %scan3A_107 = scf.for %scan3A_191 = %scan3A_103 to %scan3A_105 step %scan3A_106 iter_args(%scan3A_192 = %scan3A_102) -> (i32)  : i32 {
      %mul3A_193 = arith.constant 16 : i32
      %mul3A_194 = arith.muli %scan3A_191, %mul3A_193 : i32
      %get3A = arith.index_cast %mul3A_194 : i32 to index
      %get3A_195 = tpu.vector_load %arg8[%get3A] {strides = array<i32>} : memref<640xf32, #tpu.memory_space<vmem>>, vector<16xf32>,
      %mul3A_196 = arith.constant 16 : i32
      %mul3A_197 = arith.muli %scan3A_191, %mul3A_196 : i32
      %get3A_198 = arith.index_cast %mul3A_197 : i32 to index
      %get3A_199 = tpu.vector_load %arg7[%get3A_198] {strides = array<i32>} : memref<640xf32, #tpu.memory_space<vmem>>, vector<16xf32>,
      %add3A_200 = arith.addf %get3A_195, %get3A_199 : vector<16xf32>
      %swap3A = arith.index_cast %mul3A_194 : i32 to index
      %swap3A_201 = tpu.vector_load %arg8[%swap3A] {strides = array<i32>} : memref<640xf32, #tpu.memory_space<vmem>>, vector<16xf32>,
      tpu.vector_store %arg8[%swap3A], %add3A_200 {strides = array<i32>} : memref<640xf32, #tpu.memory_space<vmem>>, vector<16xf32>,
      %scan3A_202 = arith.constant 0 : i32
      scf.yield %scan3A_202 : i32
    }
    %scan3A_108 = arith.constant 40 : i32
    %mul3A_109 = arith.constant 640 : i32
    %mul3A_110 = arith.muli %arg1, %mul3A_109 : i32
    %run_scoped3A_111 = arith.constant 8 : i32
    "tpu.region"() ({
      %run_scoped3A_191 = tpu.sem_alloc : memref<!tpu.dma_semaphore, #tpu.memory_space<semaphore_mem>>
      %dma_start3A = tpu.memref_slice %arg9[%run_scoped3A_111, %mul3A_110] : memref<16x10240xf32, #tpu.memory_space<vmem_shared>> -> memref<1x640xf32, #tpu.memory_space<vmem_shared>>
      %dma_start3A_192 = tpu.memref_squeeze %dma_start3A : memref<1x640xf32, #tpu.memory_space<vmem_shared>> -> memref<640xf32, #tpu.memory_space<vmem_shared>>
      %dma_start3A_193 = tpu.memref_slice %arg9[%run_scoped3A_111, %mul3A_110] : memref<16x10240xf32, #tpu.memory_space<vmem_shared>> -> memref<1x640xf32, #tpu.memory_space<vmem_shared>>
      %dma_start3A_194 = tpu.memref_squeeze %dma_start3A_193 : memref<1x640xf32, #tpu.memory_space<vmem_shared>> -> memref<640xf32, #tpu.memory_space<vmem_shared>>
      tpu.enqueue_dma source(%dma_start3A_194 : memref<640xf32, #tpu.memory_space<vmem_shared>>) target(%arg7 : memref<640xf32, #tpu.memory_space<vmem>>) target_semaphore(%run_scoped3A_191 : memref<!tpu.dma_semaphore, #tpu.memory_space<semaphore_mem>>)
      %dma_wait3A = tpu.memref_slice %arg9[%run_scoped3A_111, %mul3A_110] : memref<16x10240xf32, #tpu.memory_space<vmem_shared>> -> memref<1x640xf32, #tpu.memory_space<vmem_shared>>
      %dma_wait3A_195 = tpu.memref_squeeze %dma_wait3A : memref<1x640xf32, #tpu.memory_space<vmem_shared>> -> memref<640xf32, #tpu.memory_space<vmem_shared>>
      %dma_wait3A_196 = tpu.memref_slice %arg9[%run_scoped3A_111, %mul3A_110] : memref<16x10240xf32, #tpu.memory_space<vmem_shared>> -> memref<1x640xf32, #tpu.memory_space<vmem_shared>>
      %dma_wait3A_197 = tpu.memref_squeeze %dma_wait3A_196 : memref<1x640xf32, #tpu.memory_space<vmem_shared>> -> memref<640xf32, #tpu.memory_space<vmem_shared>>
      tpu.wait_dma2 semaphore(%run_scoped3A_191 : memref<!tpu.dma_semaphore, #tpu.memory_space<semaphore_mem>>) src(%dma_wait3A_197 : memref<640xf32, #tpu.memory_space<vmem_shared>>) dst(%arg7 : memref<640xf32, #tpu.memory_space<vmem>>)
      tpu.yield
    }) : () -> ()
    %scan3A_112 = arith.constant 0 : i32
    %scan3A_113 = arith.constant 0 : i32
    %scan3A_114 = arith.constant 40 : i32
    %scan3A_115 = arith.addi %scan3A_113, %scan3A_114 : i32
    %scan3A_116 = arith.constant 1 : i32
    %scan3A_117 = scf.for %scan3A_191 = %scan3A_113 to %scan3A_115 step %scan3A_116 iter_args(%scan3A_192 = %scan3A_112) -> (i32)  : i32 {
      %mul3A_193 = arith.constant 16 : i32
      %mul3A_194 = arith.muli %scan3A_191, %mul3A_193 : i32
      %get3A = arith.index_cast %mul3A_194 : i32 to index
      %get3A_195 = tpu.vector_load %arg8[%get3A] {strides = array<i32>} : memref<640xf32, #tpu.memory_space<vmem>>, vector<16xf32>,
      %mul3A_196 = arith.constant 16 : i32
      %mul3A_197 = arith.muli %scan3A_191, %mul3A_196 : i32
      %get3A_198 = arith.index_cast %mul3A_197 : i32 to index
      %get3A_199 = tpu.vector_load %arg7[%get3A_198] {strides = array<i32>} : memref<640xf32, #tpu.memory_space<vmem>>, vector<16xf32>,
      %add3A_200 = arith.addf %get3A_195, %get3A_199 : vector<16xf32>
      %swap3A = arith.index_cast %mul3A_194 : i32 to index
      %swap3A_201 = tpu.vector_load %arg8[%swap3A] {strides = array<i32>} : memref<640xf32, #tpu.memory_space<vmem>>, vector<16xf32>,
      tpu.vector_store %arg8[%swap3A], %add3A_200 {strides = array<i32>} : memref<640xf32, #tpu.memory_space<vmem>>, vector<16xf32>,
      %scan3A_202 = arith.constant 0 : i32
      scf.yield %scan3A_202 : i32
    }
    %scan3A_118 = arith.constant 40 : i32
    %mul3A_119 = arith.constant 640 : i32
    %mul3A_120 = arith.muli %arg1, %mul3A_119 : i32
    %run_scoped3A_121 = arith.constant 9 : i32
    "tpu.region"() ({
      %run_scoped3A_191 = tpu.sem_alloc : memref<!tpu.dma_semaphore, #tpu.memory_space<semaphore_mem>>
      %dma_start3A = tpu.memref_slice %arg9[%run_scoped3A_121, %mul3A_120] : memref<16x10240xf32, #tpu.memory_space<vmem_shared>> -> memref<1x640xf32, #tpu.memory_space<vmem_shared>>
      %dma_start3A_192 = tpu.memref_squeeze %dma_start3A : memref<1x640xf32, #tpu.memory_space<vmem_shared>> -> memref<640xf32, #tpu.memory_space<vmem_shared>>
      %dma_start3A_193 = tpu.memref_slice %arg9[%run_scoped3A_121, %mul3A_120] : memref<16x10240xf32, #tpu.memory_space<vmem_shared>> -> memref<1x640xf32, #tpu.memory_space<vmem_shared>>
      %dma_start3A_194 = tpu.memref_squeeze %dma_start3A_193 : memref<1x640xf32, #tpu.memory_space<vmem_shared>> -> memref<640xf32, #tpu.memory_space<vmem_shared>>
      tpu.enqueue_dma source(%dma_start3A_194 : memref<640xf32, #tpu.memory_space<vmem_shared>>) target(%arg7 : memref<640xf32, #tpu.memory_space<vmem>>) target_semaphore(%run_scoped3A_191 : memref<!tpu.dma_semaphore, #tpu.memory_space<semaphore_mem>>)
      %dma_wait3A = tpu.memref_slice %arg9[%run_scoped3A_121, %mul3A_120] : memref<16x10240xf32, #tpu.memory_space<vmem_shared>> -> memref<1x640xf32, #tpu.memory_space<vmem_shared>>
      %dma_wait3A_195 = tpu.memref_squeeze %dma_wait3A : memref<1x640xf32, #tpu.memory_space<vmem_shared>> -> memref<640xf32, #tpu.memory_space<vmem_shared>>
      %dma_wait3A_196 = tpu.memref_slice %arg9[%run_scoped3A_121, %mul3A_120] : memref<16x10240xf32, #tpu.memory_space<vmem_shared>> -> memref<1x640xf32, #tpu.memory_space<vmem_shared>>
      %dma_wait3A_197 = tpu.memref_squeeze %dma_wait3A_196 : memref<1x640xf32, #tpu.memory_space<vmem_shared>> -> memref<640xf32, #tpu.memory_space<vmem_shared>>
      tpu.wait_dma2 semaphore(%run_scoped3A_191 : memref<!tpu.dma_semaphore, #tpu.memory_space<semaphore_mem>>) src(%dma_wait3A_197 : memref<640xf32, #tpu.memory_space<vmem_shared>>) dst(%arg7 : memref<640xf32, #tpu.memory_space<vmem>>)
      tpu.yield
    }) : () -> ()
    %scan3A_122 = arith.constant 0 : i32
    %scan3A_123 = arith.constant 0 : i32
    %scan3A_124 = arith.constant 40 : i32
    %scan3A_125 = arith.addi %scan3A_123, %scan3A_124 : i32
    %scan3A_126 = arith.constant 1 : i32
    %scan3A_127 = scf.for %scan3A_191 = %scan3A_123 to %scan3A_125 step %scan3A_126 iter_args(%scan3A_192 = %scan3A_122) -> (i32)  : i32 {
      %mul3A_193 = arith.constant 16 : i32
      %mul3A_194 = arith.muli %scan3A_191, %mul3A_193 : i32
      %get3A = arith.index_cast %mul3A_194 : i32 to index
      %get3A_195 = tpu.vector_load %arg8[%get3A] {strides = array<i32>} : memref<640xf32, #tpu.memory_space<vmem>>, vector<16xf32>,
      %mul3A_196 = arith.constant 16 : i32
      %mul3A_197 = arith.muli %scan3A_191, %mul3A_196 : i32
      %get3A_198 = arith.index_cast %mul3A_197 : i32 to index
      %get3A_199 = tpu.vector_load %arg7[%get3A_198] {strides = array<i32>} : memref<640xf32, #tpu.memory_space<vmem>>, vector<16xf32>,
      %add3A_200 = arith.addf %get3A_195, %get3A_199 : vector<16xf32>
      %swap3A = arith.index_cast %mul3A_194 : i32 to index
      %swap3A_201 = tpu.vector_load %arg8[%swap3A] {strides = array<i32>} : memref<640xf32, #tpu.memory_space<vmem>>, vector<16xf32>,
      tpu.vector_store %arg8[%swap3A], %add3A_200 {strides = array<i32>} : memref<640xf32, #tpu.memory_space<vmem>>, vector<16xf32>,
      %scan3A_202 = arith.constant 0 : i32
      scf.yield %scan3A_202 : i32
    }
    %scan3A_128 = arith.constant 40 : i32
    %mul3A_129 = arith.constant 640 : i32
    %mul3A_130 = arith.muli %arg1, %mul3A_129 : i32
    %run_scoped3A_131 = arith.constant 10 : i32
    "tpu.region"() ({
      %run_scoped3A_191 = tpu.sem_alloc : memref<!tpu.dma_semaphore, #tpu.memory_space<semaphore_mem>>
      %dma_start3A = tpu.memref_slice %arg9[%run_scoped3A_131, %mul3A_130] : memref<16x10240xf32, #tpu.memory_space<vmem_shared>> -> memref<1x640xf32, #tpu.memory_space<vmem_shared>>
      %dma_start3A_192 = tpu.memref_squeeze %dma_start3A : memref<1x640xf32, #tpu.memory_space<vmem_shared>> -> memref<640xf32, #tpu.memory_space<vmem_shared>>
      %dma_start3A_193 = tpu.memref_slice %arg9[%run_scoped3A_131, %mul3A_130] : memref<16x10240xf32, #tpu.memory_space<vmem_shared>> -> memref<1x640xf32, #tpu.memory_space<vmem_shared>>
      %dma_start3A_194 = tpu.memref_squeeze %dma_start3A_193 : memref<1x640xf32, #tpu.memory_space<vmem_shared>> -> memref<640xf32, #tpu.memory_space<vmem_shared>>
      tpu.enqueue_dma source(%dma_start3A_194 : memref<640xf32, #tpu.memory_space<vmem_shared>>) target(%arg7 : memref<640xf32, #tpu.memory_space<vmem>>) target_semaphore(%run_scoped3A_191 : memref<!tpu.dma_semaphore, #tpu.memory_space<semaphore_mem>>)
      %dma_wait3A = tpu.memref_slice %arg9[%run_scoped3A_131, %mul3A_130] : memref<16x10240xf32, #tpu.memory_space<vmem_shared>> -> memref<1x640xf32, #tpu.memory_space<vmem_shared>>
      %dma_wait3A_195 = tpu.memref_squeeze %dma_wait3A : memref<1x640xf32, #tpu.memory_space<vmem_shared>> -> memref<640xf32, #tpu.memory_space<vmem_shared>>
      %dma_wait3A_196 = tpu.memref_slice %arg9[%run_scoped3A_131, %mul3A_130] : memref<16x10240xf32, #tpu.memory_space<vmem_shared>> -> memref<1x640xf32, #tpu.memory_space<vmem_shared>>
      %dma_wait3A_197 = tpu.memref_squeeze %dma_wait3A_196 : memref<1x640xf32, #tpu.memory_space<vmem_shared>> -> memref<640xf32, #tpu.memory_space<vmem_shared>>
      tpu.wait_dma2 semaphore(%run_scoped3A_191 : memref<!tpu.dma_semaphore, #tpu.memory_space<semaphore_mem>>) src(%dma_wait3A_197 : memref<640xf32, #tpu.memory_space<vmem_shared>>) dst(%arg7 : memref<640xf32, #tpu.memory_space<vmem>>)
      tpu.yield
    }) : () -> ()
    %scan3A_132 = arith.constant 0 : i32
    %scan3A_133 = arith.constant 0 : i32
    %scan3A_134 = arith.constant 40 : i32
    %scan3A_135 = arith.addi %scan3A_133, %scan3A_134 : i32
    %scan3A_136 = arith.constant 1 : i32
    %scan3A_137 = scf.for %scan3A_191 = %scan3A_133 to %scan3A_135 step %scan3A_136 iter_args(%scan3A_192 = %scan3A_132) -> (i32)  : i32 {
      %mul3A_193 = arith.constant 16 : i32
      %mul3A_194 = arith.muli %scan3A_191, %mul3A_193 : i32
      %get3A = arith.index_cast %mul3A_194 : i32 to index
      %get3A_195 = tpu.vector_load %arg8[%get3A] {strides = array<i32>} : memref<640xf32, #tpu.memory_space<vmem>>, vector<16xf32>,
      %mul3A_196 = arith.constant 16 : i32
      %mul3A_197 = arith.muli %scan3A_191, %mul3A_196 : i32
      %get3A_198 = arith.index_cast %mul3A_197 : i32 to index
      %get3A_199 = tpu.vector_load %arg7[%get3A_198] {strides = array<i32>} : memref<640xf32, #tpu.memory_space<vmem>>, vector<16xf32>,
      %add3A_200 = arith.addf %get3A_195, %get3A_199 : vector<16xf32>
      %swap3A = arith.index_cast %mul3A_194 : i32 to index
      %swap3A_201 = tpu.vector_load %arg8[%swap3A] {strides = array<i32>} : memref<640xf32, #tpu.memory_space<vmem>>, vector<16xf32>,
      tpu.vector_store %arg8[%swap3A], %add3A_200 {strides = array<i32>} : memref<640xf32, #tpu.memory_space<vmem>>, vector<16xf32>,
      %scan3A_202 = arith.constant 0 : i32
      scf.yield %scan3A_202 : i32
    }
    %scan3A_138 = arith.constant 40 : i32
    %mul3A_139 = arith.constant 640 : i32
    %mul3A_140 = arith.muli %arg1, %mul3A_139 : i32
    %run_scoped3A_141 = arith.constant 11 : i32
    "tpu.region"() ({
      %run_scoped3A_191 = tpu.sem_alloc : memref<!tpu.dma_semaphore, #tpu.memory_space<semaphore_mem>>
      %dma_start3A = tpu.memref_slice %arg9[%run_scoped3A_141, %mul3A_140] : memref<16x10240xf32, #tpu.memory_space<vmem_shared>> -> memref<1x640xf32, #tpu.memory_space<vmem_shared>>
      %dma_start3A_192 = tpu.memref_squeeze %dma_start3A : memref<1x640xf32, #tpu.memory_space<vmem_shared>> -> memref<640xf32, #tpu.memory_space<vmem_shared>>
      %dma_start3A_193 = tpu.memref_slice %arg9[%run_scoped3A_141, %mul3A_140] : memref<16x10240xf32, #tpu.memory_space<vmem_shared>> -> memref<1x640xf32, #tpu.memory_space<vmem_shared>>
      %dma_start3A_194 = tpu.memref_squeeze %dma_start3A_193 : memref<1x640xf32, #tpu.memory_space<vmem_shared>> -> memref<640xf32, #tpu.memory_space<vmem_shared>>
      tpu.enqueue_dma source(%dma_start3A_194 : memref<640xf32, #tpu.memory_space<vmem_shared>>) target(%arg7 : memref<640xf32, #tpu.memory_space<vmem>>) target_semaphore(%run_scoped3A_191 : memref<!tpu.dma_semaphore, #tpu.memory_space<semaphore_mem>>)
      %dma_wait3A = tpu.memref_slice %arg9[%run_scoped3A_141, %mul3A_140] : memref<16x10240xf32, #tpu.memory_space<vmem_shared>> -> memref<1x640xf32, #tpu.memory_space<vmem_shared>>
      %dma_wait3A_195 = tpu.memref_squeeze %dma_wait3A : memref<1x640xf32, #tpu.memory_space<vmem_shared>> -> memref<640xf32, #tpu.memory_space<vmem_shared>>
      %dma_wait3A_196 = tpu.memref_slice %arg9[%run_scoped3A_141, %mul3A_140] : memref<16x10240xf32, #tpu.memory_space<vmem_shared>> -> memref<1x640xf32, #tpu.memory_space<vmem_shared>>
      %dma_wait3A_197 = tpu.memref_squeeze %dma_wait3A_196 : memref<1x640xf32, #tpu.memory_space<vmem_shared>> -> memref<640xf32, #tpu.memory_space<vmem_shared>>
      tpu.wait_dma2 semaphore(%run_scoped3A_191 : memref<!tpu.dma_semaphore, #tpu.memory_space<semaphore_mem>>) src(%dma_wait3A_197 : memref<640xf32, #tpu.memory_space<vmem_shared>>) dst(%arg7 : memref<640xf32, #tpu.memory_space<vmem>>)
      tpu.yield
    }) : () -> ()
    %scan3A_142 = arith.constant 0 : i32
    %scan3A_143 = arith.constant 0 : i32
    %scan3A_144 = arith.constant 40 : i32
    %scan3A_145 = arith.addi %scan3A_143, %scan3A_144 : i32
    %scan3A_146 = arith.constant 1 : i32
    %scan3A_147 = scf.for %scan3A_191 = %scan3A_143 to %scan3A_145 step %scan3A_146 iter_args(%scan3A_192 = %scan3A_142) -> (i32)  : i32 {
      %mul3A_193 = arith.constant 16 : i32
      %mul3A_194 = arith.muli %scan3A_191, %mul3A_193 : i32
      %get3A = arith.index_cast %mul3A_194 : i32 to index
      %get3A_195 = tpu.vector_load %arg8[%get3A] {strides = array<i32>} : memref<640xf32, #tpu.memory_space<vmem>>, vector<16xf32>,
      %mul3A_196 = arith.constant 16 : i32
      %mul3A_197 = arith.muli %scan3A_191, %mul3A_196 : i32
      %get3A_198 = arith.index_cast %mul3A_197 : i32 to index
      %get3A_199 = tpu.vector_load %arg7[%get3A_198] {strides = array<i32>} : memref<640xf32, #tpu.memory_space<vmem>>, vector<16xf32>,
      %add3A_200 = arith.addf %get3A_195, %get3A_199 : vector<16xf32>
      %swap3A = arith.index_cast %mul3A_194 : i32 to index
      %swap3A_201 = tpu.vector_load %arg8[%swap3A] {strides = array<i32>} : memref<640xf32, #tpu.memory_space<vmem>>, vector<16xf32>,
      tpu.vector_store %arg8[%swap3A], %add3A_200 {strides = array<i32>} : memref<640xf32, #tpu.memory_space<vmem>>, vector<16xf32>,
      %scan3A_202 = arith.constant 0 : i32
      scf.yield %scan3A_202 : i32
    }
    %scan3A_148 = arith.constant 40 : i32
    %mul3A_149 = arith.constant 640 : i32
    %mul3A_150 = arith.muli %arg1, %mul3A_149 : i32
    %run_scoped3A_151 = arith.constant 12 : i32
    "tpu.region"() ({
      %run_scoped3A_191 = tpu.sem_alloc : memref<!tpu.dma_semaphore, #tpu.memory_space<semaphore_mem>>
      %dma_start3A = tpu.memref_slice %arg9[%run_scoped3A_151, %mul3A_150] : memref<16x10240xf32, #tpu.memory_space<vmem_shared>> -> memref<1x640xf32, #tpu.memory_space<vmem_shared>>
      %dma_start3A_192 = tpu.memref_squeeze %dma_start3A : memref<1x640xf32, #tpu.memory_space<vmem_shared>> -> memref<640xf32, #tpu.memory_space<vmem_shared>>
      %dma_start3A_193 = tpu.memref_slice %arg9[%run_scoped3A_151, %mul3A_150] : memref<16x10240xf32, #tpu.memory_space<vmem_shared>> -> memref<1x640xf32, #tpu.memory_space<vmem_shared>>
      %dma_start3A_194 = tpu.memref_squeeze %dma_start3A_193 : memref<1x640xf32, #tpu.memory_space<vmem_shared>> -> memref<640xf32, #tpu.memory_space<vmem_shared>>
      tpu.enqueue_dma source(%dma_start3A_194 : memref<640xf32, #tpu.memory_space<vmem_shared>>) target(%arg7 : memref<640xf32, #tpu.memory_space<vmem>>) target_semaphore(%run_scoped3A_191 : memref<!tpu.dma_semaphore, #tpu.memory_space<semaphore_mem>>)
      %dma_wait3A = tpu.memref_slice %arg9[%run_scoped3A_151, %mul3A_150] : memref<16x10240xf32, #tpu.memory_space<vmem_shared>> -> memref<1x640xf32, #tpu.memory_space<vmem_shared>>
      %dma_wait3A_195 = tpu.memref_squeeze %dma_wait3A : memref<1x640xf32, #tpu.memory_space<vmem_shared>> -> memref<640xf32, #tpu.memory_space<vmem_shared>>
      %dma_wait3A_196 = tpu.memref_slice %arg9[%run_scoped3A_151, %mul3A_150] : memref<16x10240xf32, #tpu.memory_space<vmem_shared>> -> memref<1x640xf32, #tpu.memory_space<vmem_shared>>
      %dma_wait3A_197 = tpu.memref_squeeze %dma_wait3A_196 : memref<1x640xf32, #tpu.memory_space<vmem_shared>> -> memref<640xf32, #tpu.memory_space<vmem_shared>>
      tpu.wait_dma2 semaphore(%run_scoped3A_191 : memref<!tpu.dma_semaphore, #tpu.memory_space<semaphore_mem>>) src(%dma_wait3A_197 : memref<640xf32, #tpu.memory_space<vmem_shared>>) dst(%arg7 : memref<640xf32, #tpu.memory_space<vmem>>)
      tpu.yield
    }) : () -> ()
    %scan3A_152 = arith.constant 0 : i32
    %scan3A_153 = arith.constant 0 : i32
    %scan3A_154 = arith.constant 40 : i32
    %scan3A_155 = arith.addi %scan3A_153, %scan3A_154 : i32
    %scan3A_156 = arith.constant 1 : i32
    %scan3A_157 = scf.for %scan3A_191 = %scan3A_153 to %scan3A_155 step %scan3A_156 iter_args(%scan3A_192 = %scan3A_152) -> (i32)  : i32 {
      %mul3A_193 = arith.constant 16 : i32
      %mul3A_194 = arith.muli %scan3A_191, %mul3A_193 : i32
      %get3A = arith.index_cast %mul3A_194 : i32 to index
      %get3A_195 = tpu.vector_load %arg8[%get3A] {strides = array<i32>} : memref<640xf32, #tpu.memory_space<vmem>>, vector<16xf32>,
      %mul3A_196 = arith.constant 16 : i32
      %mul3A_197 = arith.muli %scan3A_191, %mul3A_196 : i32
      %get3A_198 = arith.index_cast %mul3A_197 : i32 to index
      %get3A_199 = tpu.vector_load %arg7[%get3A_198] {strides = array<i32>} : memref<640xf32, #tpu.memory_space<vmem>>, vector<16xf32>,
      %add3A_200 = arith.addf %get3A_195, %get3A_199 : vector<16xf32>
      %swap3A = arith.index_cast %mul3A_194 : i32 to index
      %swap3A_201 = tpu.vector_load %arg8[%swap3A] {strides = array<i32>} : memref<640xf32, #tpu.memory_space<vmem>>, vector<16xf32>,
      tpu.vector_store %arg8[%swap3A], %add3A_200 {strides = array<i32>} : memref<640xf32, #tpu.memory_space<vmem>>, vector<16xf32>,
      %scan3A_202 = arith.constant 0 : i32
      scf.yield %scan3A_202 : i32
    }
    %scan3A_158 = arith.constant 40 : i32
    %mul3A_159 = arith.constant 640 : i32
    %mul3A_160 = arith.muli %arg1, %mul3A_159 : i32
    %run_scoped3A_161 = arith.constant 13 : i32
    "tpu.region"() ({
      %run_scoped3A_191 = tpu.sem_alloc : memref<!tpu.dma_semaphore, #tpu.memory_space<semaphore_mem>>
      %dma_start3A = tpu.memref_slice %arg9[%run_scoped3A_161, %mul3A_160] : memref<16x10240xf32, #tpu.memory_space<vmem_shared>> -> memref<1x640xf32, #tpu.memory_space<vmem_shared>>
      %dma_start3A_192 = tpu.memref_squeeze %dma_start3A : memref<1x640xf32, #tpu.memory_space<vmem_shared>> -> memref<640xf32, #tpu.memory_space<vmem_shared>>
      %dma_start3A_193 = tpu.memref_slice %arg9[%run_scoped3A_161, %mul3A_160] : memref<16x10240xf32, #tpu.memory_space<vmem_shared>> -> memref<1x640xf32, #tpu.memory_space<vmem_shared>>
      %dma_start3A_194 = tpu.memref_squeeze %dma_start3A_193 : memref<1x640xf32, #tpu.memory_space<vmem_shared>> -> memref<640xf32, #tpu.memory_space<vmem_shared>>
      tpu.enqueue_dma source(%dma_start3A_194 : memref<640xf32, #tpu.memory_space<vmem_shared>>) target(%arg7 : memref<640xf32, #tpu.memory_space<vmem>>) target_semaphore(%run_scoped3A_191 : memref<!tpu.dma_semaphore, #tpu.memory_space<semaphore_mem>>)
      %dma_wait3A = tpu.memref_slice %arg9[%run_scoped3A_161, %mul3A_160] : memref<16x10240xf32, #tpu.memory_space<vmem_shared>> -> memref<1x640xf32, #tpu.memory_space<vmem_shared>>
      %dma_wait3A_195 = tpu.memref_squeeze %dma_wait3A : memref<1x640xf32, #tpu.memory_space<vmem_shared>> -> memref<640xf32, #tpu.memory_space<vmem_shared>>
      %dma_wait3A_196 = tpu.memref_slice %arg9[%run_scoped3A_161, %mul3A_160] : memref<16x10240xf32, #tpu.memory_space<vmem_shared>> -> memref<1x640xf32, #tpu.memory_space<vmem_shared>>
      %dma_wait3A_197 = tpu.memref_squeeze %dma_wait3A_196 : memref<1x640xf32, #tpu.memory_space<vmem_shared>> -> memref<640xf32, #tpu.memory_space<vmem_shared>>
      tpu.wait_dma2 semaphore(%run_scoped3A_191 : memref<!tpu.dma_semaphore, #tpu.memory_space<semaphore_mem>>) src(%dma_wait3A_197 : memref<640xf32, #tpu.memory_space<vmem_shared>>) dst(%arg7 : memref<640xf32, #tpu.memory_space<vmem>>)
      tpu.yield
    }) : () -> ()
    %scan3A_162 = arith.constant 0 : i32
    %scan3A_163 = arith.constant 0 : i32
    %scan3A_164 = arith.constant 40 : i32
    %scan3A_165 = arith.addi %scan3A_163, %scan3A_164 : i32
    %scan3A_166 = arith.constant 1 : i32
    %scan3A_167 = scf.for %scan3A_191 = %scan3A_163 to %scan3A_165 step %scan3A_166 iter_args(%scan3A_192 = %scan3A_162) -> (i32)  : i32 {
      %mul3A_193 = arith.constant 16 : i32
      %mul3A_194 = arith.muli %scan3A_191, %mul3A_193 : i32
      %get3A = arith.index_cast %mul3A_194 : i32 to index
      %get3A_195 = tpu.vector_load %arg8[%get3A] {strides = array<i32>} : memref<640xf32, #tpu.memory_space<vmem>>, vector<16xf32>,
      %mul3A_196 = arith.constant 16 : i32
      %mul3A_197 = arith.muli %scan3A_191, %mul3A_196 : i32
      %get3A_198 = arith.index_cast %mul3A_197 : i32 to index
      %get3A_199 = tpu.vector_load %arg7[%get3A_198] {strides = array<i32>} : memref<640xf32, #tpu.memory_space<vmem>>, vector<16xf32>,
      %add3A_200 = arith.addf %get3A_195, %get3A_199 : vector<16xf32>
      %swap3A = arith.index_cast %mul3A_194 : i32 to index
      %swap3A_201 = tpu.vector_load %arg8[%swap3A] {strides = array<i32>} : memref<640xf32, #tpu.memory_space<vmem>>, vector<16xf32>,
      tpu.vector_store %arg8[%swap3A], %add3A_200 {strides = array<i32>} : memref<640xf32, #tpu.memory_space<vmem>>, vector<16xf32>,
      %scan3A_202 = arith.constant 0 : i32
      scf.yield %scan3A_202 : i32
    }
    %scan3A_168 = arith.constant 40 : i32
    %mul3A_169 = arith.constant 640 : i32
    %mul3A_170 = arith.muli %arg1, %mul3A_169 : i32
    %run_scoped3A_171 = arith.constant 14 : i32
    "tpu.region"() ({
      %run_scoped3A_191 = tpu.sem_alloc : memref<!tpu.dma_semaphore, #tpu.memory_space<semaphore_mem>>
      %dma_start3A = tpu.memref_slice %arg9[%run_scoped3A_171, %mul3A_170] : memref<16x10240xf32, #tpu.memory_space<vmem_shared>> -> memref<1x640xf32, #tpu.memory_space<vmem_shared>>
      %dma_start3A_192 = tpu.memref_squeeze %dma_start3A : memref<1x640xf32, #tpu.memory_space<vmem_shared>> -> memref<640xf32, #tpu.memory_space<vmem_shared>>
      %dma_start3A_193 = tpu.memref_slice %arg9[%run_scoped3A_171, %mul3A_170] : memref<16x10240xf32, #tpu.memory_space<vmem_shared>> -> memref<1x640xf32, #tpu.memory_space<vmem_shared>>
      %dma_start3A_194 = tpu.memref_squeeze %dma_start3A_193 : memref<1x640xf32, #tpu.memory_space<vmem_shared>> -> memref<640xf32, #tpu.memory_space<vmem_shared>>
      tpu.enqueue_dma source(%dma_start3A_194 : memref<640xf32, #tpu.memory_space<vmem_shared>>) target(%arg7 : memref<640xf32, #tpu.memory_space<vmem>>) target_semaphore(%run_scoped3A_191 : memref<!tpu.dma_semaphore, #tpu.memory_space<semaphore_mem>>)
      %dma_wait3A = tpu.memref_slice %arg9[%run_scoped3A_171, %mul3A_170] : memref<16x10240xf32, #tpu.memory_space<vmem_shared>> -> memref<1x640xf32, #tpu.memory_space<vmem_shared>>
      %dma_wait3A_195 = tpu.memref_squeeze %dma_wait3A : memref<1x640xf32, #tpu.memory_space<vmem_shared>> -> memref<640xf32, #tpu.memory_space<vmem_shared>>
      %dma_wait3A_196 = tpu.memref_slice %arg9[%run_scoped3A_171, %mul3A_170] : memref<16x10240xf32, #tpu.memory_space<vmem_shared>> -> memref<1x640xf32, #tpu.memory_space<vmem_shared>>
      %dma_wait3A_197 = tpu.memref_squeeze %dma_wait3A_196 : memref<1x640xf32, #tpu.memory_space<vmem_shared>> -> memref<640xf32, #tpu.memory_space<vmem_shared>>
      tpu.wait_dma2 semaphore(%run_scoped3A_191 : memref<!tpu.dma_semaphore, #tpu.memory_space<semaphore_mem>>) src(%dma_wait3A_197 : memref<640xf32, #tpu.memory_space<vmem_shared>>) dst(%arg7 : memref<640xf32, #tpu.memory_space<vmem>>)
      tpu.yield
    }) : () -> ()
    %scan3A_172 = arith.constant 0 : i32
    %scan3A_173 = arith.constant 0 : i32
    %scan3A_174 = arith.constant 40 : i32
    %scan3A_175 = arith.addi %scan3A_173, %scan3A_174 : i32
    %scan3A_176 = arith.constant 1 : i32
    %scan3A_177 = scf.for %scan3A_191 = %scan3A_173 to %scan3A_175 step %scan3A_176 iter_args(%scan3A_192 = %scan3A_172) -> (i32)  : i32 {
      %mul3A_193 = arith.constant 16 : i32
      %mul3A_194 = arith.muli %scan3A_191, %mul3A_193 : i32
      %get3A = arith.index_cast %mul3A_194 : i32 to index
      %get3A_195 = tpu.vector_load %arg8[%get3A] {strides = array<i32>} : memref<640xf32, #tpu.memory_space<vmem>>, vector<16xf32>,
      %mul3A_196 = arith.constant 16 : i32
      %mul3A_197 = arith.muli %scan3A_191, %mul3A_196 : i32
      %get3A_198 = arith.index_cast %mul3A_197 : i32 to index
      %get3A_199 = tpu.vector_load %arg7[%get3A_198] {strides = array<i32>} : memref<640xf32, #tpu.memory_space<vmem>>, vector<16xf32>,
      %add3A_200 = arith.addf %get3A_195, %get3A_199 : vector<16xf32>
      %swap3A = arith.index_cast %mul3A_194 : i32 to index
      %swap3A_201 = tpu.vector_load %arg8[%swap3A] {strides = array<i32>} : memref<640xf32, #tpu.memory_space<vmem>>, vector<16xf32>,
      tpu.vector_store %arg8[%swap3A], %add3A_200 {strides = array<i32>} : memref<640xf32, #tpu.memory_space<vmem>>, vector<16xf32>,
      %scan3A_202 = arith.constant 0 : i32
      scf.yield %scan3A_202 : i32
    }
    %scan3A_178 = arith.constant 40 : i32
    %mul3A_179 = arith.constant 640 : i32
    %mul3A_180 = arith.muli %arg1, %mul3A_179 : i32
    %run_scoped3A_181 = arith.constant 15 : i32
    "tpu.region"() ({
      %run_scoped3A_191 = tpu.sem_alloc : memref<!tpu.dma_semaphore, #tpu.memory_space<semaphore_mem>>
      %dma_start3A = tpu.memref_slice %arg9[%run_scoped3A_181, %mul3A_180] : memref<16x10240xf32, #tpu.memory_space<vmem_shared>> -> memref<1x640xf32, #tpu.memory_space<vmem_shared>>
      %dma_start3A_192 = tpu.memref_squeeze %dma_start3A : memref<1x640xf32, #tpu.memory_space<vmem_shared>> -> memref<640xf32, #tpu.memory_space<vmem_shared>>
      %dma_start3A_193 = tpu.memref_slice %arg9[%run_scoped3A_181, %mul3A_180] : memref<16x10240xf32, #tpu.memory_space<vmem_shared>> -> memref<1x640xf32, #tpu.memory_space<vmem_shared>>
      %dma_start3A_194 = tpu.memref_squeeze %dma_start3A_193 : memref<1x640xf32, #tpu.memory_space<vmem_shared>> -> memref<640xf32, #tpu.memory_space<vmem_shared>>
      tpu.enqueue_dma source(%dma_start3A_194 : memref<640xf32, #tpu.memory_space<vmem_shared>>) target(%arg7 : memref<640xf32, #tpu.memory_space<vmem>>) target_semaphore(%run_scoped3A_191 : memref<!tpu.dma_semaphore, #tpu.memory_space<semaphore_mem>>)
      %dma_wait3A = tpu.memref_slice %arg9[%run_scoped3A_181, %mul3A_180] : memref<16x10240xf32, #tpu.memory_space<vmem_shared>> -> memref<1x640xf32, #tpu.memory_space<vmem_shared>>
      %dma_wait3A_195 = tpu.memref_squeeze %dma_wait3A : memref<1x640xf32, #tpu.memory_space<vmem_shared>> -> memref<640xf32, #tpu.memory_space<vmem_shared>>
      %dma_wait3A_196 = tpu.memref_slice %arg9[%run_scoped3A_181, %mul3A_180] : memref<16x10240xf32, #tpu.memory_space<vmem_shared>> -> memref<1x640xf32, #tpu.memory_space<vmem_shared>>
      %dma_wait3A_197 = tpu.memref_squeeze %dma_wait3A_196 : memref<1x640xf32, #tpu.memory_space<vmem_shared>> -> memref<640xf32, #tpu.memory_space<vmem_shared>>
      tpu.wait_dma2 semaphore(%run_scoped3A_191 : memref<!tpu.dma_semaphore, #tpu.memory_space<semaphore_mem>>) src(%dma_wait3A_197 : memref<640xf32, #tpu.memory_space<vmem_shared>>) dst(%arg7 : memref<640xf32, #tpu.memory_space<vmem>>)
      tpu.yield
    }) : () -> ()
    %scan3A_182 = arith.constant 0 : i32
    %scan3A_183 = arith.constant 0 : i32
    %scan3A_184 = arith.constant 40 : i32
    %scan3A_185 = arith.addi %scan3A_183, %scan3A_184 : i32
    %scan3A_186 = arith.constant 1 : i32
    %scan3A_187 = scf.for %scan3A_191 = %scan3A_183 to %scan3A_185 step %scan3A_186 iter_args(%scan3A_192 = %scan3A_182) -> (i32)  : i32 {
      %mul3A_193 = arith.constant 16 : i32
      %mul3A_194 = arith.muli %scan3A_191, %mul3A_193 : i32
      %get3A = arith.index_cast %mul3A_194 : i32 to index
      %get3A_195 = tpu.vector_load %arg8[%get3A] {strides = array<i32>} : memref<640xf32, #tpu.memory_space<vmem>>, vector<16xf32>,
      %mul3A_196 = arith.constant 16 : i32
      %mul3A_197 = arith.muli %scan3A_191, %mul3A_196 : i32
      %get3A_198 = arith.index_cast %mul3A_197 : i32 to index
      %get3A_199 = tpu.vector_load %arg7[%get3A_198] {strides = array<i32>} : memref<640xf32, #tpu.memory_space<vmem>>, vector<16xf32>,
      %add3A_200 = arith.addf %get3A_195, %get3A_199 : vector<16xf32>
      %swap3A = arith.index_cast %mul3A_194 : i32 to index
      %swap3A_201 = tpu.vector_load %arg8[%swap3A] {strides = array<i32>} : memref<640xf32, #tpu.memory_space<vmem>>, vector<16xf32>,
      tpu.vector_store %arg8[%swap3A], %add3A_200 {strides = array<i32>} : memref<640xf32, #tpu.memory_space<vmem>>, vector<16xf32>,
      %scan3A_202 = arith.constant 0 : i32
      scf.yield %scan3A_202 : i32
    }
    %scan3A_188 = arith.constant 40 : i32
    %mul3A_189 = arith.constant 640 : i32
    %mul3A_190 = arith.muli %arg1, %mul3A_189 : i32
    "tpu.region"() ({
      %run_scoped3A_191 = tpu.sem_alloc : memref<!tpu.dma_semaphore, #tpu.memory_space<semaphore_mem>>
      %dma_start3A = tpu.memref_slice %arg3[%arg0, %mul3A_190] : memref<2x10240xf32, #tpu.memory_space<hbm>> -> memref<1x640xf32, #tpu.memory_space<hbm>>
      %dma_start3A_192 = tpu.memref_squeeze %dma_start3A : memref<1x640xf32, #tpu.memory_space<hbm>> -> memref<640xf32, #tpu.memory_space<hbm>>
      %dma_start3A_193 = tpu.memref_slice %arg3[%arg0, %mul3A_190] : memref<2x10240xf32, #tpu.memory_space<hbm>> -> memref<1x640xf32, #tpu.memory_space<hbm>>
      %dma_start3A_194 = tpu.memref_squeeze %dma_start3A_193 : memref<1x640xf32, #tpu.memory_space<hbm>> -> memref<640xf32, #tpu.memory_space<hbm>>
      tpu.enqueue_dma source(%arg8 : memref<640xf32, #tpu.memory_space<vmem>>) target(%dma_start3A_194 : memref<640xf32, #tpu.memory_space<hbm>>) target_semaphore(%run_scoped3A_191 : memref<!tpu.dma_semaphore, #tpu.memory_space<semaphore_mem>>)
      %dma_wait3A = tpu.memref_slice %arg3[%arg0, %mul3A_190] : memref<2x10240xf32, #tpu.memory_space<hbm>> -> memref<1x640xf32, #tpu.memory_space<hbm>>
      %dma_wait3A_195 = tpu.memref_squeeze %dma_wait3A : memref<1x640xf32, #tpu.memory_space<hbm>> -> memref<640xf32, #tpu.memory_space<hbm>>
      %dma_wait3A_196 = tpu.memref_slice %arg3[%arg0, %mul3A_190] : memref<2x10240xf32, #tpu.memory_space<hbm>> -> memref<1x640xf32, #tpu.memory_space<hbm>>
      %dma_wait3A_197 = tpu.memref_squeeze %dma_wait3A_196 : memref<1x640xf32, #tpu.memory_space<hbm>> -> memref<640xf32, #tpu.memory_space<hbm>>
      tpu.wait_dma2 semaphore(%run_scoped3A_191 : memref<!tpu.dma_semaphore, #tpu.memory_space<semaphore_mem>>) src(%arg8 : memref<640xf32, #tpu.memory_space<vmem>>) dst(%dma_wait3A_197 : memref<640xf32, #tpu.memory_space<hbm>>)
      tpu.yield
    }) : () -> ()
    return
  }
}

#map = affine_map<(d0, d1) -> (0)>
#map1 = affine_map<(d0, d1) -> (0, 0)>
module attributes {stable_mosaic.version = 14 : i64} {
  func.func @k(%arg0: i32, %arg1: i32, %arg2: memref<10000xf32, #tpu.memory_space<hbm>>, %arg3: memref<2x320000xi32, #tpu.memory_space<hbm>>, %arg4: memref<2x10240xf32, #tpu.memory_space<hbm>>, %arg5: memref<10000xf32, #tpu.memory_space<vmem>>, %arg6: memref<10240xf32, #tpu.memory_space<vmem>>, %arg7: memref<10000xi32, #tpu.memory_space<vmem>>, %arg8: memref<10000xi32, #tpu.memory_space<vmem>>, %arg9: memref<640xf32, #tpu.memory_space<vmem>>, %arg10: memref<640xf32, #tpu.memory_space<vmem>>, %arg11: memref<16x10240xf32, #tpu.memory_space<vmem_shared>>) attributes {dimension_semantics = [#tpu.dimension_semantics<core_parallel>, #tpu.dimension_semantics<subcore_parallel>], iteration_bounds = array<i64: 2, 16>, scalar_prefetch = 0 : i64, scratch_operands = 7 : i64, tpu.core_type = #tpu.core_type<sc_vector_subcore>, window_params = [{transform_indices = #map}, {transform_indices = #map1}, {transform_indices = #map1}]} {
    %mul3A = arith.constant 16 : i32
    %mul3A_0 = arith.muli %arg0, %mul3A : i32
    %add3A = arith.addi %mul3A_0, %arg1 : i32
    %mul3A_1 = arith.constant 10000 : i32
    %mul3A_2 = arith.muli %add3A, %mul3A_1 : i32
    "tpu.region"() ({
      %run_scoped3A_191 = tpu.sem_alloc : memref<!tpu.dma_semaphore, #tpu.memory_space<semaphore_mem>>
      tpu.enqueue_dma source(%arg2 : memref<10000xf32, #tpu.memory_space<hbm>>) target(%arg5 : memref<10000xf32, #tpu.memory_space<vmem>>) target_semaphore(%run_scoped3A_191 : memref<!tpu.dma_semaphore, #tpu.memory_space<semaphore_mem>>)
      tpu.wait_dma2 semaphore(%run_scoped3A_191 : memref<!tpu.dma_semaphore, #tpu.memory_space<semaphore_mem>>) src(%arg2 : memref<10000xf32, #tpu.memory_space<hbm>>) dst(%arg5 : memref<10000xf32, #tpu.memory_space<vmem>>)
      tpu.yield
    }) : () -> ()
    %broadcast_in_dim3A = arith.constant 0.000000e+00 : f32
    %broadcast_in_dim3A_3 = vector.broadcast %broadcast_in_dim3A : f32 to vector<16xf32>
    %broadcast_in_dim3A_4 = arith.constant 1.000000e+00 : f32
    %broadcast_in_dim3A_5 = vector.broadcast %broadcast_in_dim3A_4 : f32 to vector<16xf32>
    %scan3A = arith.constant 0 : i32
    %scan3A_6 = arith.constant 0 : i32
    %scan3A_7 = arith.constant 640 : i32
    %scan3A_8 = arith.addi %scan3A_6, %scan3A_7 : i32
    %scan3A_9 = arith.constant 1 : i32
    %scan3A_10 = scf.for %scan3A_191 = %scan3A_6 to %scan3A_8 step %scan3A_9 iter_args(%scan3A_192 = %scan3A) -> (i32)  : i32 {
      %mul3A_193 = arith.constant 16 : i32
      %mul3A_194 = arith.muli %scan3A_191, %mul3A_193 : i32
      %swap3A = arith.index_cast %mul3A_194 : i32 to index
      %swap3A_195 = tpu.vector_load %arg6[%swap3A] {strides = array<i32>} : memref<10240xf32, #tpu.memory_space<vmem>>, vector<16xf32>,
      tpu.vector_store %arg6[%swap3A], %broadcast_in_dim3A_3 {strides = array<i32>} : memref<10240xf32, #tpu.memory_space<vmem>>, vector<16xf32>,
      %scan3A_196 = arith.constant 0 : i32
      scf.yield %scan3A_196 : i32
    }
    %scan3A_11 = arith.constant 640 : i32
    %scan3A_12 = arith.constant 0 : i32
    %scan3A_13 = arith.constant 0 : i32
    %mul3A_14 = arith.constant 10000 : i32
    %mul3A_15 = arith.muli %scan3A_13, %mul3A_14 : i32
    %add3A_16 = arith.addi %mul3A_2, %mul3A_15 : i32
    %run_scoped3A = arith.constant 0 : i32
    "tpu.region"() ({
      %run_scoped3A_191 = tpu.sem_alloc : memref<!tpu.dma_semaphore, #tpu.memory_space<semaphore_mem>>
      %dma_start3A = tpu.memref_slice %arg3[%run_scoped3A, %add3A_16] : memref<2x320000xi32, #tpu.memory_space<hbm>> -> memref<1x10000xi32, #tpu.memory_space<hbm>>
      %dma_start3A_192 = tpu.memref_squeeze %dma_start3A : memref<1x10000xi32, #tpu.memory_space<hbm>> -> memref<10000xi32, #tpu.memory_space<hbm>>
      %dma_start3A_193 = tpu.memref_slice %arg3[%run_scoped3A, %add3A_16] : memref<2x320000xi32, #tpu.memory_space<hbm>> -> memref<1x10000xi32, #tpu.memory_space<hbm>>
      %dma_start3A_194 = tpu.memref_squeeze %dma_start3A_193 : memref<1x10000xi32, #tpu.memory_space<hbm>> -> memref<10000xi32, #tpu.memory_space<hbm>>
      tpu.enqueue_dma source(%dma_start3A_194 : memref<10000xi32, #tpu.memory_space<hbm>>) target(%arg7 : memref<10000xi32, #tpu.memory_space<vmem>>) target_semaphore(%run_scoped3A_191 : memref<!tpu.dma_semaphore, #tpu.memory_space<semaphore_mem>>)
      %dma_wait3A = tpu.memref_slice %arg3[%run_scoped3A, %add3A_16] : memref<2x320000xi32, #tpu.memory_space<hbm>> -> memref<1x10000xi32, #tpu.memory_space<hbm>>
      %dma_wait3A_195 = tpu.memref_squeeze %dma_wait3A : memref<1x10000xi32, #tpu.memory_space<hbm>> -> memref<10000xi32, #tpu.memory_space<hbm>>
      %dma_wait3A_196 = tpu.memref_slice %arg3[%run_scoped3A, %add3A_16] : memref<2x320000xi32, #tpu.memory_space<hbm>> -> memref<1x10000xi32, #tpu.memory_space<hbm>>
      %dma_wait3A_197 = tpu.memref_squeeze %dma_wait3A_196 : memref<1x10000xi32, #tpu.memory_space<hbm>> -> memref<10000xi32, #tpu.memory_space<hbm>>
      tpu.wait_dma2 semaphore(%run_scoped3A_191 : memref<!tpu.dma_semaphore, #tpu.memory_space<semaphore_mem>>) src(%dma_wait3A_197 : memref<10000xi32, #tpu.memory_space<hbm>>) dst(%arg7 : memref<10000xi32, #tpu.memory_space<vmem>>)
      tpu.yield
    }) : () -> ()
    %run_scoped3A_17 = arith.constant 1 : i32
    "tpu.region"() ({
      %run_scoped3A_191 = tpu.sem_alloc : memref<!tpu.dma_semaphore, #tpu.memory_space<semaphore_mem>>
      %dma_start3A = tpu.memref_slice %arg3[%run_scoped3A_17, %add3A_16] : memref<2x320000xi32, #tpu.memory_space<hbm>> -> memref<1x10000xi32, #tpu.memory_space<hbm>>
      %dma_start3A_192 = tpu.memref_squeeze %dma_start3A : memref<1x10000xi32, #tpu.memory_space<hbm>> -> memref<10000xi32, #tpu.memory_space<hbm>>
      %dma_start3A_193 = tpu.memref_slice %arg3[%run_scoped3A_17, %add3A_16] : memref<2x320000xi32, #tpu.memory_space<hbm>> -> memref<1x10000xi32, #tpu.memory_space<hbm>>
      %dma_start3A_194 = tpu.memref_squeeze %dma_start3A_193 : memref<1x10000xi32, #tpu.memory_space<hbm>> -> memref<10000xi32, #tpu.memory_space<hbm>>
      tpu.enqueue_dma source(%dma_start3A_194 : memref<10000xi32, #tpu.memory_space<hbm>>) target(%arg8 : memref<10000xi32, #tpu.memory_space<vmem>>) target_semaphore(%run_scoped3A_191 : memref<!tpu.dma_semaphore, #tpu.memory_space<semaphore_mem>>)
      %dma_wait3A = tpu.memref_slice %arg3[%run_scoped3A_17, %add3A_16] : memref<2x320000xi32, #tpu.memory_space<hbm>> -> memref<1x10000xi32, #tpu.memory_space<hbm>>
      %dma_wait3A_195 = tpu.memref_squeeze %dma_wait3A : memref<1x10000xi32, #tpu.memory_space<hbm>> -> memref<10000xi32, #tpu.memory_space<hbm>>
      %dma_wait3A_196 = tpu.memref_slice %arg3[%run_scoped3A_17, %add3A_16] : memref<2x320000xi32, #tpu.memory_space<hbm>> -> memref<1x10000xi32, #tpu.memory_space<hbm>>
      %dma_wait3A_197 = tpu.memref_squeeze %dma_wait3A_196 : memref<1x10000xi32, #tpu.memory_space<hbm>> -> memref<10000xi32, #tpu.memory_space<hbm>>
      tpu.wait_dma2 semaphore(%run_scoped3A_191 : memref<!tpu.dma_semaphore, #tpu.memory_space<semaphore_mem>>) src(%dma_wait3A_197 : memref<10000xi32, #tpu.memory_space<hbm>>) dst(%arg8 : memref<10000xi32, #tpu.memory_space<vmem>>)
      tpu.yield
    }) : () -> ()
    %parallel_loop3A = arith.constant 0 : i32
    %parallel_loop3A_18 = arith.constant 625 : i32
    %parallel_loop3A_19 = arith.constant 1 : i32
    scf.for %parallel_loop3A_191 = %parallel_loop3A to %parallel_loop3A_18 step %parallel_loop3A_19  : i32 {
      %parallel_loop3A_192 = arith.constant 16 : i32
      %parallel_loop3A_193 = arith.muli %parallel_loop3A_191, %parallel_loop3A_192 : i32
      %parallel_loop3A_194 = arith.index_cast %parallel_loop3A_193 : i32 to index
      %parallel_loop3A_195 = tpu.vector_load %arg8[%parallel_loop3A_194] {strides = array<i32>} : memref<10000xi32, #tpu.memory_space<vmem>>, vector<16xi32>,
      %parallel_loop3A_196 = arith.index_cast %parallel_loop3A_193 : i32 to index
      %parallel_loop3A_197 = tpu.vector_load %arg7[%parallel_loop3A_196] {strides = array<i32>} : memref<10000xi32, #tpu.memory_space<vmem>>, vector<16xi32>,
      %parallel_loop3A_198 = tpu.vector_load_idx %arg5[%parallel_loop3A_197] : memref<10000xf32, #tpu.memory_space<vmem>>[vector<16xi32>], vector<16xf32>,
      tpu.vector_store_idx %arg6[%parallel_loop3A_195], %parallel_loop3A_198 {add = true} : memref<10240xf32, #tpu.memory_space<vmem>>[vector<16xi32>], vector<16xf32>,
    } {sc.loop_unroll_factor = 8 : i64, sc.parallel_access}
    %scan3A_20 = arith.constant 0 : i32
    %scan3A_21 = arith.constant 1 : i32
    "tpu.region"() ({
      %run_scoped3A_191 = tpu.sem_alloc : memref<!tpu.dma_semaphore, #tpu.memory_space<semaphore_mem>>
      %dma_start3A = arith.constant 0 : i32
      %dma_start3A_192 = tpu.memref_slice %arg11[%arg1, %dma_start3A] : memref<16x10240xf32, #tpu.memory_space<vmem_shared>> -> memref<1x10240xf32, #tpu.memory_space<vmem_shared>>
      %dma_start3A_193 = tpu.memref_squeeze %dma_start3A_192 : memref<1x10240xf32, #tpu.memory_space<vmem_shared>> -> memref<10240xf32, #tpu.memory_space<vmem_shared>>
      %dma_start3A_194 = arith.constant 0 : i32
      %dma_start3A_195 = tpu.memref_slice %arg11[%arg1, %dma_start3A_194] : memref<16x10240xf32, #tpu.memory_space<vmem_shared>> -> memref<1x10240xf32, #tpu.memory_space<vmem_shared>>
      %dma_start3A_196 = tpu.memref_squeeze %dma_start3A_195 : memref<1x10240xf32, #tpu.memory_space<vmem_shared>> -> memref<10240xf32, #tpu.memory_space<vmem_shared>>
      tpu.enqueue_dma source(%arg6 : memref<10240xf32, #tpu.memory_space<vmem>>) target(%dma_start3A_196 : memref<10240xf32, #tpu.memory_space<vmem_shared>>) target_semaphore(%run_scoped3A_191 : memref<!tpu.dma_semaphore, #tpu.memory_space<semaphore_mem>>)
      %dma_wait3A = arith.constant 0 : i32
      %dma_wait3A_197 = tpu.memref_slice %arg11[%arg1, %dma_wait3A] : memref<16x10240xf32, #tpu.memory_space<vmem_shared>> -> memref<1x10240xf32, #tpu.memory_space<vmem_shared>>
      %dma_wait3A_198 = tpu.memref_squeeze %dma_wait3A_197 : memref<1x10240xf32, #tpu.memory_space<vmem_shared>> -> memref<10240xf32, #tpu.memory_space<vmem_shared>>
      %dma_wait3A_199 = arith.constant 0 : i32
      %dma_wait3A_200 = tpu.memref_slice %arg11[%arg1, %dma_wait3A_199] : memref<16x10240xf32, #tpu.memory_space<vmem_shared>> -> memref<1x10240xf32, #tpu.memory_space<vmem_shared>>
      %dma_wait3A_201 = tpu.memref_squeeze %dma_wait3A_200 : memref<1x10240xf32, #tpu.memory_space<vmem_shared>> -> memref<10240xf32, #tpu.memory_space<vmem_shared>>
      tpu.wait_dma2 semaphore(%run_scoped3A_191 : memref<!tpu.dma_semaphore, #tpu.memory_space<semaphore_mem>>) src(%arg6 : memref<10240xf32, #tpu.memory_space<vmem>>) dst(%dma_wait3A_201 : memref<10240xf32, #tpu.memory_space<vmem_shared>>)
      tpu.yield
    }) : () -> ()
    %barrier3A = arith.constant 0 : index
    tpu.barrier barrier_id(%barrier3A)
    %scan3A_22 = arith.constant 0 : i32
    %scan3A_23 = arith.constant 0 : i32
    %scan3A_24 = arith.constant 40 : i32
    %scan3A_25 = arith.addi %scan3A_23, %scan3A_24 : i32
    %scan3A_26 = arith.constant 1 : i32
    %scan3A_27 = scf.for %scan3A_191 = %scan3A_23 to %scan3A_25 step %scan3A_26 iter_args(%scan3A_192 = %scan3A_22) -> (i32)  : i32 {
      %mul3A_193 = arith.constant 16 : i32
      %mul3A_194 = arith.muli %scan3A_191, %mul3A_193 : i32
      %swap3A = arith.index_cast %mul3A_194 : i32 to index
      %swap3A_195 = tpu.vector_load %arg10[%swap3A] {strides = array<i32>} : memref<640xf32, #tpu.memory_space<vmem>>, vector<16xf32>,
      tpu.vector_store %arg10[%swap3A], %broadcast_in_dim3A_3 {strides = array<i32>} : memref<640xf32, #tpu.memory_space<vmem>>, vector<16xf32>,
      %scan3A_196 = arith.constant 0 : i32
      scf.yield %scan3A_196 : i32
    }
    %scan3A_28 = arith.constant 40 : i32
    %mul3A_29 = arith.constant 640 : i32
    %mul3A_30 = arith.muli %arg1, %mul3A_29 : i32
    %run_scoped3A_31 = arith.constant 0 : i32
    "tpu.region"() ({
      %run_scoped3A_191 = tpu.sem_alloc : memref<!tpu.dma_semaphore, #tpu.memory_space<semaphore_mem>>
      %dma_start3A = tpu.memref_slice %arg11[%run_scoped3A_31, %mul3A_30] : memref<16x10240xf32, #tpu.memory_space<vmem_shared>> -> memref<1x640xf32, #tpu.memory_space<vmem_shared>>
      %dma_start3A_192 = tpu.memref_squeeze %dma_start3A : memref<1x640xf32, #tpu.memory_space<vmem_shared>> -> memref<640xf32, #tpu.memory_space<vmem_shared>>
      %dma_start3A_193 = tpu.memref_slice %arg11[%run_scoped3A_31, %mul3A_30] : memref<16x10240xf32, #tpu.memory_space<vmem_shared>> -> memref<1x640xf32, #tpu.memory_space<vmem_shared>>
      %dma_start3A_194 = tpu.memref_squeeze %dma_start3A_193 : memref<1x640xf32, #tpu.memory_space<vmem_shared>> -> memref<640xf32, #tpu.memory_space<vmem_shared>>
      tpu.enqueue_dma source(%dma_start3A_194 : memref<640xf32, #tpu.memory_space<vmem_shared>>) target(%arg9 : memref<640xf32, #tpu.memory_space<vmem>>) target_semaphore(%run_scoped3A_191 : memref<!tpu.dma_semaphore, #tpu.memory_space<semaphore_mem>>)
      %dma_wait3A = tpu.memref_slice %arg11[%run_scoped3A_31, %mul3A_30] : memref<16x10240xf32, #tpu.memory_space<vmem_shared>> -> memref<1x640xf32, #tpu.memory_space<vmem_shared>>
      %dma_wait3A_195 = tpu.memref_squeeze %dma_wait3A : memref<1x640xf32, #tpu.memory_space<vmem_shared>> -> memref<640xf32, #tpu.memory_space<vmem_shared>>
      %dma_wait3A_196 = tpu.memref_slice %arg11[%run_scoped3A_31, %mul3A_30] : memref<16x10240xf32, #tpu.memory_space<vmem_shared>> -> memref<1x640xf32, #tpu.memory_space<vmem_shared>>
      %dma_wait3A_197 = tpu.memref_squeeze %dma_wait3A_196 : memref<1x640xf32, #tpu.memory_space<vmem_shared>> -> memref<640xf32, #tpu.memory_space<vmem_shared>>
      tpu.wait_dma2 semaphore(%run_scoped3A_191 : memref<!tpu.dma_semaphore, #tpu.memory_space<semaphore_mem>>) src(%dma_wait3A_197 : memref<640xf32, #tpu.memory_space<vmem_shared>>) dst(%arg9 : memref<640xf32, #tpu.memory_space<vmem>>)
      tpu.yield
    }) : () -> ()
    %scan3A_32 = arith.constant 0 : i32
    %scan3A_33 = arith.constant 0 : i32
    %scan3A_34 = arith.constant 40 : i32
    %scan3A_35 = arith.addi %scan3A_33, %scan3A_34 : i32
    %scan3A_36 = arith.constant 1 : i32
    %scan3A_37 = scf.for %scan3A_191 = %scan3A_33 to %scan3A_35 step %scan3A_36 iter_args(%scan3A_192 = %scan3A_32) -> (i32)  : i32 {
      %mul3A_193 = arith.constant 16 : i32
      %mul3A_194 = arith.muli %scan3A_191, %mul3A_193 : i32
      %get3A = arith.index_cast %mul3A_194 : i32 to index
      %get3A_195 = tpu.vector_load %arg10[%get3A] {strides = array<i32>} : memref<640xf32, #tpu.memory_space<vmem>>, vector<16xf32>,
      %mul3A_196 = arith.constant 16 : i32
      %mul3A_197 = arith.muli %scan3A_191, %mul3A_196 : i32
      %get3A_198 = arith.index_cast %mul3A_197 : i32 to index
      %get3A_199 = tpu.vector_load %arg9[%get3A_198] {strides = array<i32>} : memref<640xf32, #tpu.memory_space<vmem>>, vector<16xf32>,
      %add3A_200 = arith.addf %get3A_195, %get3A_199 : vector<16xf32>
      %swap3A = arith.index_cast %mul3A_194 : i32 to index
      %swap3A_201 = tpu.vector_load %arg10[%swap3A] {strides = array<i32>} : memref<640xf32, #tpu.memory_space<vmem>>, vector<16xf32>,
      tpu.vector_store %arg10[%swap3A], %add3A_200 {strides = array<i32>} : memref<640xf32, #tpu.memory_space<vmem>>, vector<16xf32>,
      %scan3A_202 = arith.constant 0 : i32
      scf.yield %scan3A_202 : i32
    }
    %scan3A_38 = arith.constant 40 : i32
    %mul3A_39 = arith.constant 640 : i32
    %mul3A_40 = arith.muli %arg1, %mul3A_39 : i32
    %run_scoped3A_41 = arith.constant 1 : i32
    "tpu.region"() ({
      %run_scoped3A_191 = tpu.sem_alloc : memref<!tpu.dma_semaphore, #tpu.memory_space<semaphore_mem>>
      %dma_start3A = tpu.memref_slice %arg11[%run_scoped3A_41, %mul3A_40] : memref<16x10240xf32, #tpu.memory_space<vmem_shared>> -> memref<1x640xf32, #tpu.memory_space<vmem_shared>>
      %dma_start3A_192 = tpu.memref_squeeze %dma_start3A : memref<1x640xf32, #tpu.memory_space<vmem_shared>> -> memref<640xf32, #tpu.memory_space<vmem_shared>>
      %dma_start3A_193 = tpu.memref_slice %arg11[%run_scoped3A_41, %mul3A_40] : memref<16x10240xf32, #tpu.memory_space<vmem_shared>> -> memref<1x640xf32, #tpu.memory_space<vmem_shared>>
      %dma_start3A_194 = tpu.memref_squeeze %dma_start3A_193 : memref<1x640xf32, #tpu.memory_space<vmem_shared>> -> memref<640xf32, #tpu.memory_space<vmem_shared>>
      tpu.enqueue_dma source(%dma_start3A_194 : memref<640xf32, #tpu.memory_space<vmem_shared>>) target(%arg9 : memref<640xf32, #tpu.memory_space<vmem>>) target_semaphore(%run_scoped3A_191 : memref<!tpu.dma_semaphore, #tpu.memory_space<semaphore_mem>>)
      %dma_wait3A = tpu.memref_slice %arg11[%run_scoped3A_41, %mul3A_40] : memref<16x10240xf32, #tpu.memory_space<vmem_shared>> -> memref<1x640xf32, #tpu.memory_space<vmem_shared>>
      %dma_wait3A_195 = tpu.memref_squeeze %dma_wait3A : memref<1x640xf32, #tpu.memory_space<vmem_shared>> -> memref<640xf32, #tpu.memory_space<vmem_shared>>
      %dma_wait3A_196 = tpu.memref_slice %arg11[%run_scoped3A_41, %mul3A_40] : memref<16x10240xf32, #tpu.memory_space<vmem_shared>> -> memref<1x640xf32, #tpu.memory_space<vmem_shared>>
      %dma_wait3A_197 = tpu.memref_squeeze %dma_wait3A_196 : memref<1x640xf32, #tpu.memory_space<vmem_shared>> -> memref<640xf32, #tpu.memory_space<vmem_shared>>
      tpu.wait_dma2 semaphore(%run_scoped3A_191 : memref<!tpu.dma_semaphore, #tpu.memory_space<semaphore_mem>>) src(%dma_wait3A_197 : memref<640xf32, #tpu.memory_space<vmem_shared>>) dst(%arg9 : memref<640xf32, #tpu.memory_space<vmem>>)
      tpu.yield
    }) : () -> ()
    %scan3A_42 = arith.constant 0 : i32
    %scan3A_43 = arith.constant 0 : i32
    %scan3A_44 = arith.constant 40 : i32
    %scan3A_45 = arith.addi %scan3A_43, %scan3A_44 : i32
    %scan3A_46 = arith.constant 1 : i32
    %scan3A_47 = scf.for %scan3A_191 = %scan3A_43 to %scan3A_45 step %scan3A_46 iter_args(%scan3A_192 = %scan3A_42) -> (i32)  : i32 {
      %mul3A_193 = arith.constant 16 : i32
      %mul3A_194 = arith.muli %scan3A_191, %mul3A_193 : i32
      %get3A = arith.index_cast %mul3A_194 : i32 to index
      %get3A_195 = tpu.vector_load %arg10[%get3A] {strides = array<i32>} : memref<640xf32, #tpu.memory_space<vmem>>, vector<16xf32>,
      %mul3A_196 = arith.constant 16 : i32
      %mul3A_197 = arith.muli %scan3A_191, %mul3A_196 : i32
      %get3A_198 = arith.index_cast %mul3A_197 : i32 to index
      %get3A_199 = tpu.vector_load %arg9[%get3A_198] {strides = array<i32>} : memref<640xf32, #tpu.memory_space<vmem>>, vector<16xf32>,
      %add3A_200 = arith.addf %get3A_195, %get3A_199 : vector<16xf32>
      %swap3A = arith.index_cast %mul3A_194 : i32 to index
      %swap3A_201 = tpu.vector_load %arg10[%swap3A] {strides = array<i32>} : memref<640xf32, #tpu.memory_space<vmem>>, vector<16xf32>,
      tpu.vector_store %arg10[%swap3A], %add3A_200 {strides = array<i32>} : memref<640xf32, #tpu.memory_space<vmem>>, vector<16xf32>,
      %scan3A_202 = arith.constant 0 : i32
      scf.yield %scan3A_202 : i32
    }
    %scan3A_48 = arith.constant 40 : i32
    %mul3A_49 = arith.constant 640 : i32
    %mul3A_50 = arith.muli %arg1, %mul3A_49 : i32
    %run_scoped3A_51 = arith.constant 2 : i32
    "tpu.region"() ({
      %run_scoped3A_191 = tpu.sem_alloc : memref<!tpu.dma_semaphore, #tpu.memory_space<semaphore_mem>>
      %dma_start3A = tpu.memref_slice %arg11[%run_scoped3A_51, %mul3A_50] : memref<16x10240xf32, #tpu.memory_space<vmem_shared>> -> memref<1x640xf32, #tpu.memory_space<vmem_shared>>
      %dma_start3A_192 = tpu.memref_squeeze %dma_start3A : memref<1x640xf32, #tpu.memory_space<vmem_shared>> -> memref<640xf32, #tpu.memory_space<vmem_shared>>
      %dma_start3A_193 = tpu.memref_slice %arg11[%run_scoped3A_51, %mul3A_50] : memref<16x10240xf32, #tpu.memory_space<vmem_shared>> -> memref<1x640xf32, #tpu.memory_space<vmem_shared>>
      %dma_start3A_194 = tpu.memref_squeeze %dma_start3A_193 : memref<1x640xf32, #tpu.memory_space<vmem_shared>> -> memref<640xf32, #tpu.memory_space<vmem_shared>>
      tpu.enqueue_dma source(%dma_start3A_194 : memref<640xf32, #tpu.memory_space<vmem_shared>>) target(%arg9 : memref<640xf32, #tpu.memory_space<vmem>>) target_semaphore(%run_scoped3A_191 : memref<!tpu.dma_semaphore, #tpu.memory_space<semaphore_mem>>)
      %dma_wait3A = tpu.memref_slice %arg11[%run_scoped3A_51, %mul3A_50] : memref<16x10240xf32, #tpu.memory_space<vmem_shared>> -> memref<1x640xf32, #tpu.memory_space<vmem_shared>>
      %dma_wait3A_195 = tpu.memref_squeeze %dma_wait3A : memref<1x640xf32, #tpu.memory_space<vmem_shared>> -> memref<640xf32, #tpu.memory_space<vmem_shared>>
      %dma_wait3A_196 = tpu.memref_slice %arg11[%run_scoped3A_51, %mul3A_50] : memref<16x10240xf32, #tpu.memory_space<vmem_shared>> -> memref<1x640xf32, #tpu.memory_space<vmem_shared>>
      %dma_wait3A_197 = tpu.memref_squeeze %dma_wait3A_196 : memref<1x640xf32, #tpu.memory_space<vmem_shared>> -> memref<640xf32, #tpu.memory_space<vmem_shared>>
      tpu.wait_dma2 semaphore(%run_scoped3A_191 : memref<!tpu.dma_semaphore, #tpu.memory_space<semaphore_mem>>) src(%dma_wait3A_197 : memref<640xf32, #tpu.memory_space<vmem_shared>>) dst(%arg9 : memref<640xf32, #tpu.memory_space<vmem>>)
      tpu.yield
    }) : () -> ()
    %scan3A_52 = arith.constant 0 : i32
    %scan3A_53 = arith.constant 0 : i32
    %scan3A_54 = arith.constant 40 : i32
    %scan3A_55 = arith.addi %scan3A_53, %scan3A_54 : i32
    %scan3A_56 = arith.constant 1 : i32
    %scan3A_57 = scf.for %scan3A_191 = %scan3A_53 to %scan3A_55 step %scan3A_56 iter_args(%scan3A_192 = %scan3A_52) -> (i32)  : i32 {
      %mul3A_193 = arith.constant 16 : i32
      %mul3A_194 = arith.muli %scan3A_191, %mul3A_193 : i32
      %get3A = arith.index_cast %mul3A_194 : i32 to index
      %get3A_195 = tpu.vector_load %arg10[%get3A] {strides = array<i32>} : memref<640xf32, #tpu.memory_space<vmem>>, vector<16xf32>,
      %mul3A_196 = arith.constant 16 : i32
      %mul3A_197 = arith.muli %scan3A_191, %mul3A_196 : i32
      %get3A_198 = arith.index_cast %mul3A_197 : i32 to index
      %get3A_199 = tpu.vector_load %arg9[%get3A_198] {strides = array<i32>} : memref<640xf32, #tpu.memory_space<vmem>>, vector<16xf32>,
      %add3A_200 = arith.addf %get3A_195, %get3A_199 : vector<16xf32>
      %swap3A = arith.index_cast %mul3A_194 : i32 to index
      %swap3A_201 = tpu.vector_load %arg10[%swap3A] {strides = array<i32>} : memref<640xf32, #tpu.memory_space<vmem>>, vector<16xf32>,
      tpu.vector_store %arg10[%swap3A], %add3A_200 {strides = array<i32>} : memref<640xf32, #tpu.memory_space<vmem>>, vector<16xf32>,
      %scan3A_202 = arith.constant 0 : i32
      scf.yield %scan3A_202 : i32
    }
    %scan3A_58 = arith.constant 40 : i32
    %mul3A_59 = arith.constant 640 : i32
    %mul3A_60 = arith.muli %arg1, %mul3A_59 : i32
    %run_scoped3A_61 = arith.constant 3 : i32
    "tpu.region"() ({
      %run_scoped3A_191 = tpu.sem_alloc : memref<!tpu.dma_semaphore, #tpu.memory_space<semaphore_mem>>
      %dma_start3A = tpu.memref_slice %arg11[%run_scoped3A_61, %mul3A_60] : memref<16x10240xf32, #tpu.memory_space<vmem_shared>> -> memref<1x640xf32, #tpu.memory_space<vmem_shared>>
      %dma_start3A_192 = tpu.memref_squeeze %dma_start3A : memref<1x640xf32, #tpu.memory_space<vmem_shared>> -> memref<640xf32, #tpu.memory_space<vmem_shared>>
      %dma_start3A_193 = tpu.memref_slice %arg11[%run_scoped3A_61, %mul3A_60] : memref<16x10240xf32, #tpu.memory_space<vmem_shared>> -> memref<1x640xf32, #tpu.memory_space<vmem_shared>>
      %dma_start3A_194 = tpu.memref_squeeze %dma_start3A_193 : memref<1x640xf32, #tpu.memory_space<vmem_shared>> -> memref<640xf32, #tpu.memory_space<vmem_shared>>
      tpu.enqueue_dma source(%dma_start3A_194 : memref<640xf32, #tpu.memory_space<vmem_shared>>) target(%arg9 : memref<640xf32, #tpu.memory_space<vmem>>) target_semaphore(%run_scoped3A_191 : memref<!tpu.dma_semaphore, #tpu.memory_space<semaphore_mem>>)
      %dma_wait3A = tpu.memref_slice %arg11[%run_scoped3A_61, %mul3A_60] : memref<16x10240xf32, #tpu.memory_space<vmem_shared>> -> memref<1x640xf32, #tpu.memory_space<vmem_shared>>
      %dma_wait3A_195 = tpu.memref_squeeze %dma_wait3A : memref<1x640xf32, #tpu.memory_space<vmem_shared>> -> memref<640xf32, #tpu.memory_space<vmem_shared>>
      %dma_wait3A_196 = tpu.memref_slice %arg11[%run_scoped3A_61, %mul3A_60] : memref<16x10240xf32, #tpu.memory_space<vmem_shared>> -> memref<1x640xf32, #tpu.memory_space<vmem_shared>>
      %dma_wait3A_197 = tpu.memref_squeeze %dma_wait3A_196 : memref<1x640xf32, #tpu.memory_space<vmem_shared>> -> memref<640xf32, #tpu.memory_space<vmem_shared>>
      tpu.wait_dma2 semaphore(%run_scoped3A_191 : memref<!tpu.dma_semaphore, #tpu.memory_space<semaphore_mem>>) src(%dma_wait3A_197 : memref<640xf32, #tpu.memory_space<vmem_shared>>) dst(%arg9 : memref<640xf32, #tpu.memory_space<vmem>>)
      tpu.yield
    }) : () -> ()
    %scan3A_62 = arith.constant 0 : i32
    %scan3A_63 = arith.constant 0 : i32
    %scan3A_64 = arith.constant 40 : i32
    %scan3A_65 = arith.addi %scan3A_63, %scan3A_64 : i32
    %scan3A_66 = arith.constant 1 : i32
    %scan3A_67 = scf.for %scan3A_191 = %scan3A_63 to %scan3A_65 step %scan3A_66 iter_args(%scan3A_192 = %scan3A_62) -> (i32)  : i32 {
      %mul3A_193 = arith.constant 16 : i32
      %mul3A_194 = arith.muli %scan3A_191, %mul3A_193 : i32
      %get3A = arith.index_cast %mul3A_194 : i32 to index
      %get3A_195 = tpu.vector_load %arg10[%get3A] {strides = array<i32>} : memref<640xf32, #tpu.memory_space<vmem>>, vector<16xf32>,
      %mul3A_196 = arith.constant 16 : i32
      %mul3A_197 = arith.muli %scan3A_191, %mul3A_196 : i32
      %get3A_198 = arith.index_cast %mul3A_197 : i32 to index
      %get3A_199 = tpu.vector_load %arg9[%get3A_198] {strides = array<i32>} : memref<640xf32, #tpu.memory_space<vmem>>, vector<16xf32>,
      %add3A_200 = arith.addf %get3A_195, %get3A_199 : vector<16xf32>
      %swap3A = arith.index_cast %mul3A_194 : i32 to index
      %swap3A_201 = tpu.vector_load %arg10[%swap3A] {strides = array<i32>} : memref<640xf32, #tpu.memory_space<vmem>>, vector<16xf32>,
      tpu.vector_store %arg10[%swap3A], %add3A_200 {strides = array<i32>} : memref<640xf32, #tpu.memory_space<vmem>>, vector<16xf32>,
      %scan3A_202 = arith.constant 0 : i32
      scf.yield %scan3A_202 : i32
    }
    %scan3A_68 = arith.constant 40 : i32
    %mul3A_69 = arith.constant 640 : i32
    %mul3A_70 = arith.muli %arg1, %mul3A_69 : i32
    %run_scoped3A_71 = arith.constant 4 : i32
    "tpu.region"() ({
      %run_scoped3A_191 = tpu.sem_alloc : memref<!tpu.dma_semaphore, #tpu.memory_space<semaphore_mem>>
      %dma_start3A = tpu.memref_slice %arg11[%run_scoped3A_71, %mul3A_70] : memref<16x10240xf32, #tpu.memory_space<vmem_shared>> -> memref<1x640xf32, #tpu.memory_space<vmem_shared>>
      %dma_start3A_192 = tpu.memref_squeeze %dma_start3A : memref<1x640xf32, #tpu.memory_space<vmem_shared>> -> memref<640xf32, #tpu.memory_space<vmem_shared>>
      %dma_start3A_193 = tpu.memref_slice %arg11[%run_scoped3A_71, %mul3A_70] : memref<16x10240xf32, #tpu.memory_space<vmem_shared>> -> memref<1x640xf32, #tpu.memory_space<vmem_shared>>
      %dma_start3A_194 = tpu.memref_squeeze %dma_start3A_193 : memref<1x640xf32, #tpu.memory_space<vmem_shared>> -> memref<640xf32, #tpu.memory_space<vmem_shared>>
      tpu.enqueue_dma source(%dma_start3A_194 : memref<640xf32, #tpu.memory_space<vmem_shared>>) target(%arg9 : memref<640xf32, #tpu.memory_space<vmem>>) target_semaphore(%run_scoped3A_191 : memref<!tpu.dma_semaphore, #tpu.memory_space<semaphore_mem>>)
      %dma_wait3A = tpu.memref_slice %arg11[%run_scoped3A_71, %mul3A_70] : memref<16x10240xf32, #tpu.memory_space<vmem_shared>> -> memref<1x640xf32, #tpu.memory_space<vmem_shared>>
      %dma_wait3A_195 = tpu.memref_squeeze %dma_wait3A : memref<1x640xf32, #tpu.memory_space<vmem_shared>> -> memref<640xf32, #tpu.memory_space<vmem_shared>>
      %dma_wait3A_196 = tpu.memref_slice %arg11[%run_scoped3A_71, %mul3A_70] : memref<16x10240xf32, #tpu.memory_space<vmem_shared>> -> memref<1x640xf32, #tpu.memory_space<vmem_shared>>
      %dma_wait3A_197 = tpu.memref_squeeze %dma_wait3A_196 : memref<1x640xf32, #tpu.memory_space<vmem_shared>> -> memref<640xf32, #tpu.memory_space<vmem_shared>>
      tpu.wait_dma2 semaphore(%run_scoped3A_191 : memref<!tpu.dma_semaphore, #tpu.memory_space<semaphore_mem>>) src(%dma_wait3A_197 : memref<640xf32, #tpu.memory_space<vmem_shared>>) dst(%arg9 : memref<640xf32, #tpu.memory_space<vmem>>)
      tpu.yield
    }) : () -> ()
    %scan3A_72 = arith.constant 0 : i32
    %scan3A_73 = arith.constant 0 : i32
    %scan3A_74 = arith.constant 40 : i32
    %scan3A_75 = arith.addi %scan3A_73, %scan3A_74 : i32
    %scan3A_76 = arith.constant 1 : i32
    %scan3A_77 = scf.for %scan3A_191 = %scan3A_73 to %scan3A_75 step %scan3A_76 iter_args(%scan3A_192 = %scan3A_72) -> (i32)  : i32 {
      %mul3A_193 = arith.constant 16 : i32
      %mul3A_194 = arith.muli %scan3A_191, %mul3A_193 : i32
      %get3A = arith.index_cast %mul3A_194 : i32 to index
      %get3A_195 = tpu.vector_load %arg10[%get3A] {strides = array<i32>} : memref<640xf32, #tpu.memory_space<vmem>>, vector<16xf32>,
      %mul3A_196 = arith.constant 16 : i32
      %mul3A_197 = arith.muli %scan3A_191, %mul3A_196 : i32
      %get3A_198 = arith.index_cast %mul3A_197 : i32 to index
      %get3A_199 = tpu.vector_load %arg9[%get3A_198] {strides = array<i32>} : memref<640xf32, #tpu.memory_space<vmem>>, vector<16xf32>,
      %add3A_200 = arith.addf %get3A_195, %get3A_199 : vector<16xf32>
      %swap3A = arith.index_cast %mul3A_194 : i32 to index
      %swap3A_201 = tpu.vector_load %arg10[%swap3A] {strides = array<i32>} : memref<640xf32, #tpu.memory_space<vmem>>, vector<16xf32>,
      tpu.vector_store %arg10[%swap3A], %add3A_200 {strides = array<i32>} : memref<640xf32, #tpu.memory_space<vmem>>, vector<16xf32>,
      %scan3A_202 = arith.constant 0 : i32
      scf.yield %scan3A_202 : i32
    }
    %scan3A_78 = arith.constant 40 : i32
    %mul3A_79 = arith.constant 640 : i32
    %mul3A_80 = arith.muli %arg1, %mul3A_79 : i32
    %run_scoped3A_81 = arith.constant 5 : i32
    "tpu.region"() ({
      %run_scoped3A_191 = tpu.sem_alloc : memref<!tpu.dma_semaphore, #tpu.memory_space<semaphore_mem>>
      %dma_start3A = tpu.memref_slice %arg11[%run_scoped3A_81, %mul3A_80] : memref<16x10240xf32, #tpu.memory_space<vmem_shared>> -> memref<1x640xf32, #tpu.memory_space<vmem_shared>>
      %dma_start3A_192 = tpu.memref_squeeze %dma_start3A : memref<1x640xf32, #tpu.memory_space<vmem_shared>> -> memref<640xf32, #tpu.memory_space<vmem_shared>>
      %dma_start3A_193 = tpu.memref_slice %arg11[%run_scoped3A_81, %mul3A_80] : memref<16x10240xf32, #tpu.memory_space<vmem_shared>> -> memref<1x640xf32, #tpu.memory_space<vmem_shared>>
      %dma_start3A_194 = tpu.memref_squeeze %dma_start3A_193 : memref<1x640xf32, #tpu.memory_space<vmem_shared>> -> memref<640xf32, #tpu.memory_space<vmem_shared>>
      tpu.enqueue_dma source(%dma_start3A_194 : memref<640xf32, #tpu.memory_space<vmem_shared>>) target(%arg9 : memref<640xf32, #tpu.memory_space<vmem>>) target_semaphore(%run_scoped3A_191 : memref<!tpu.dma_semaphore, #tpu.memory_space<semaphore_mem>>)
      %dma_wait3A = tpu.memref_slice %arg11[%run_scoped3A_81, %mul3A_80] : memref<16x10240xf32, #tpu.memory_space<vmem_shared>> -> memref<1x640xf32, #tpu.memory_space<vmem_shared>>
      %dma_wait3A_195 = tpu.memref_squeeze %dma_wait3A : memref<1x640xf32, #tpu.memory_space<vmem_shared>> -> memref<640xf32, #tpu.memory_space<vmem_shared>>
      %dma_wait3A_196 = tpu.memref_slice %arg11[%run_scoped3A_81, %mul3A_80] : memref<16x10240xf32, #tpu.memory_space<vmem_shared>> -> memref<1x640xf32, #tpu.memory_space<vmem_shared>>
      %dma_wait3A_197 = tpu.memref_squeeze %dma_wait3A_196 : memref<1x640xf32, #tpu.memory_space<vmem_shared>> -> memref<640xf32, #tpu.memory_space<vmem_shared>>
      tpu.wait_dma2 semaphore(%run_scoped3A_191 : memref<!tpu.dma_semaphore, #tpu.memory_space<semaphore_mem>>) src(%dma_wait3A_197 : memref<640xf32, #tpu.memory_space<vmem_shared>>) dst(%arg9 : memref<640xf32, #tpu.memory_space<vmem>>)
      tpu.yield
    }) : () -> ()
    %scan3A_82 = arith.constant 0 : i32
    %scan3A_83 = arith.constant 0 : i32
    %scan3A_84 = arith.constant 40 : i32
    %scan3A_85 = arith.addi %scan3A_83, %scan3A_84 : i32
    %scan3A_86 = arith.constant 1 : i32
    %scan3A_87 = scf.for %scan3A_191 = %scan3A_83 to %scan3A_85 step %scan3A_86 iter_args(%scan3A_192 = %scan3A_82) -> (i32)  : i32 {
      %mul3A_193 = arith.constant 16 : i32
      %mul3A_194 = arith.muli %scan3A_191, %mul3A_193 : i32
      %get3A = arith.index_cast %mul3A_194 : i32 to index
      %get3A_195 = tpu.vector_load %arg10[%get3A] {strides = array<i32>} : memref<640xf32, #tpu.memory_space<vmem>>, vector<16xf32>,
      %mul3A_196 = arith.constant 16 : i32
      %mul3A_197 = arith.muli %scan3A_191, %mul3A_196 : i32
      %get3A_198 = arith.index_cast %mul3A_197 : i32 to index
      %get3A_199 = tpu.vector_load %arg9[%get3A_198] {strides = array<i32>} : memref<640xf32, #tpu.memory_space<vmem>>, vector<16xf32>,
      %add3A_200 = arith.addf %get3A_195, %get3A_199 : vector<16xf32>
      %swap3A = arith.index_cast %mul3A_194 : i32 to index
      %swap3A_201 = tpu.vector_load %arg10[%swap3A] {strides = array<i32>} : memref<640xf32, #tpu.memory_space<vmem>>, vector<16xf32>,
      tpu.vector_store %arg10[%swap3A], %add3A_200 {strides = array<i32>} : memref<640xf32, #tpu.memory_space<vmem>>, vector<16xf32>,
      %scan3A_202 = arith.constant 0 : i32
      scf.yield %scan3A_202 : i32
    }
    %scan3A_88 = arith.constant 40 : i32
    %mul3A_89 = arith.constant 640 : i32
    %mul3A_90 = arith.muli %arg1, %mul3A_89 : i32
    %run_scoped3A_91 = arith.constant 6 : i32
    "tpu.region"() ({
      %run_scoped3A_191 = tpu.sem_alloc : memref<!tpu.dma_semaphore, #tpu.memory_space<semaphore_mem>>
      %dma_start3A = tpu.memref_slice %arg11[%run_scoped3A_91, %mul3A_90] : memref<16x10240xf32, #tpu.memory_space<vmem_shared>> -> memref<1x640xf32, #tpu.memory_space<vmem_shared>>
      %dma_start3A_192 = tpu.memref_squeeze %dma_start3A : memref<1x640xf32, #tpu.memory_space<vmem_shared>> -> memref<640xf32, #tpu.memory_space<vmem_shared>>
      %dma_start3A_193 = tpu.memref_slice %arg11[%run_scoped3A_91, %mul3A_90] : memref<16x10240xf32, #tpu.memory_space<vmem_shared>> -> memref<1x640xf32, #tpu.memory_space<vmem_shared>>
      %dma_start3A_194 = tpu.memref_squeeze %dma_start3A_193 : memref<1x640xf32, #tpu.memory_space<vmem_shared>> -> memref<640xf32, #tpu.memory_space<vmem_shared>>
      tpu.enqueue_dma source(%dma_start3A_194 : memref<640xf32, #tpu.memory_space<vmem_shared>>) target(%arg9 : memref<640xf32, #tpu.memory_space<vmem>>) target_semaphore(%run_scoped3A_191 : memref<!tpu.dma_semaphore, #tpu.memory_space<semaphore_mem>>)
      %dma_wait3A = tpu.memref_slice %arg11[%run_scoped3A_91, %mul3A_90] : memref<16x10240xf32, #tpu.memory_space<vmem_shared>> -> memref<1x640xf32, #tpu.memory_space<vmem_shared>>
      %dma_wait3A_195 = tpu.memref_squeeze %dma_wait3A : memref<1x640xf32, #tpu.memory_space<vmem_shared>> -> memref<640xf32, #tpu.memory_space<vmem_shared>>
      %dma_wait3A_196 = tpu.memref_slice %arg11[%run_scoped3A_91, %mul3A_90] : memref<16x10240xf32, #tpu.memory_space<vmem_shared>> -> memref<1x640xf32, #tpu.memory_space<vmem_shared>>
      %dma_wait3A_197 = tpu.memref_squeeze %dma_wait3A_196 : memref<1x640xf32, #tpu.memory_space<vmem_shared>> -> memref<640xf32, #tpu.memory_space<vmem_shared>>
      tpu.wait_dma2 semaphore(%run_scoped3A_191 : memref<!tpu.dma_semaphore, #tpu.memory_space<semaphore_mem>>) src(%dma_wait3A_197 : memref<640xf32, #tpu.memory_space<vmem_shared>>) dst(%arg9 : memref<640xf32, #tpu.memory_space<vmem>>)
      tpu.yield
    }) : () -> ()
    %scan3A_92 = arith.constant 0 : i32
    %scan3A_93 = arith.constant 0 : i32
    %scan3A_94 = arith.constant 40 : i32
    %scan3A_95 = arith.addi %scan3A_93, %scan3A_94 : i32
    %scan3A_96 = arith.constant 1 : i32
    %scan3A_97 = scf.for %scan3A_191 = %scan3A_93 to %scan3A_95 step %scan3A_96 iter_args(%scan3A_192 = %scan3A_92) -> (i32)  : i32 {
      %mul3A_193 = arith.constant 16 : i32
      %mul3A_194 = arith.muli %scan3A_191, %mul3A_193 : i32
      %get3A = arith.index_cast %mul3A_194 : i32 to index
      %get3A_195 = tpu.vector_load %arg10[%get3A] {strides = array<i32>} : memref<640xf32, #tpu.memory_space<vmem>>, vector<16xf32>,
      %mul3A_196 = arith.constant 16 : i32
      %mul3A_197 = arith.muli %scan3A_191, %mul3A_196 : i32
      %get3A_198 = arith.index_cast %mul3A_197 : i32 to index
      %get3A_199 = tpu.vector_load %arg9[%get3A_198] {strides = array<i32>} : memref<640xf32, #tpu.memory_space<vmem>>, vector<16xf32>,
      %add3A_200 = arith.addf %get3A_195, %get3A_199 : vector<16xf32>
      %swap3A = arith.index_cast %mul3A_194 : i32 to index
      %swap3A_201 = tpu.vector_load %arg10[%swap3A] {strides = array<i32>} : memref<640xf32, #tpu.memory_space<vmem>>, vector<16xf32>,
      tpu.vector_store %arg10[%swap3A], %add3A_200 {strides = array<i32>} : memref<640xf32, #tpu.memory_space<vmem>>, vector<16xf32>,
      %scan3A_202 = arith.constant 0 : i32
      scf.yield %scan3A_202 : i32
    }
    %scan3A_98 = arith.constant 40 : i32
    %mul3A_99 = arith.constant 640 : i32
    %mul3A_100 = arith.muli %arg1, %mul3A_99 : i32
    %run_scoped3A_101 = arith.constant 7 : i32
    "tpu.region"() ({
      %run_scoped3A_191 = tpu.sem_alloc : memref<!tpu.dma_semaphore, #tpu.memory_space<semaphore_mem>>
      %dma_start3A = tpu.memref_slice %arg11[%run_scoped3A_101, %mul3A_100] : memref<16x10240xf32, #tpu.memory_space<vmem_shared>> -> memref<1x640xf32, #tpu.memory_space<vmem_shared>>
      %dma_start3A_192 = tpu.memref_squeeze %dma_start3A : memref<1x640xf32, #tpu.memory_space<vmem_shared>> -> memref<640xf32, #tpu.memory_space<vmem_shared>>
      %dma_start3A_193 = tpu.memref_slice %arg11[%run_scoped3A_101, %mul3A_100] : memref<16x10240xf32, #tpu.memory_space<vmem_shared>> -> memref<1x640xf32, #tpu.memory_space<vmem_shared>>
      %dma_start3A_194 = tpu.memref_squeeze %dma_start3A_193 : memref<1x640xf32, #tpu.memory_space<vmem_shared>> -> memref<640xf32, #tpu.memory_space<vmem_shared>>
      tpu.enqueue_dma source(%dma_start3A_194 : memref<640xf32, #tpu.memory_space<vmem_shared>>) target(%arg9 : memref<640xf32, #tpu.memory_space<vmem>>) target_semaphore(%run_scoped3A_191 : memref<!tpu.dma_semaphore, #tpu.memory_space<semaphore_mem>>)
      %dma_wait3A = tpu.memref_slice %arg11[%run_scoped3A_101, %mul3A_100] : memref<16x10240xf32, #tpu.memory_space<vmem_shared>> -> memref<1x640xf32, #tpu.memory_space<vmem_shared>>
      %dma_wait3A_195 = tpu.memref_squeeze %dma_wait3A : memref<1x640xf32, #tpu.memory_space<vmem_shared>> -> memref<640xf32, #tpu.memory_space<vmem_shared>>
      %dma_wait3A_196 = tpu.memref_slice %arg11[%run_scoped3A_101, %mul3A_100] : memref<16x10240xf32, #tpu.memory_space<vmem_shared>> -> memref<1x640xf32, #tpu.memory_space<vmem_shared>>
      %dma_wait3A_197 = tpu.memref_squeeze %dma_wait3A_196 : memref<1x640xf32, #tpu.memory_space<vmem_shared>> -> memref<640xf32, #tpu.memory_space<vmem_shared>>
      tpu.wait_dma2 semaphore(%run_scoped3A_191 : memref<!tpu.dma_semaphore, #tpu.memory_space<semaphore_mem>>) src(%dma_wait3A_197 : memref<640xf32, #tpu.memory_space<vmem_shared>>) dst(%arg9 : memref<640xf32, #tpu.memory_space<vmem>>)
      tpu.yield
    }) : () -> ()
    %scan3A_102 = arith.constant 0 : i32
    %scan3A_103 = arith.constant 0 : i32
    %scan3A_104 = arith.constant 40 : i32
    %scan3A_105 = arith.addi %scan3A_103, %scan3A_104 : i32
    %scan3A_106 = arith.constant 1 : i32
    %scan3A_107 = scf.for %scan3A_191 = %scan3A_103 to %scan3A_105 step %scan3A_106 iter_args(%scan3A_192 = %scan3A_102) -> (i32)  : i32 {
      %mul3A_193 = arith.constant 16 : i32
      %mul3A_194 = arith.muli %scan3A_191, %mul3A_193 : i32
      %get3A = arith.index_cast %mul3A_194 : i32 to index
      %get3A_195 = tpu.vector_load %arg10[%get3A] {strides = array<i32>} : memref<640xf32, #tpu.memory_space<vmem>>, vector<16xf32>,
      %mul3A_196 = arith.constant 16 : i32
      %mul3A_197 = arith.muli %scan3A_191, %mul3A_196 : i32
      %get3A_198 = arith.index_cast %mul3A_197 : i32 to index
      %get3A_199 = tpu.vector_load %arg9[%get3A_198] {strides = array<i32>} : memref<640xf32, #tpu.memory_space<vmem>>, vector<16xf32>,
      %add3A_200 = arith.addf %get3A_195, %get3A_199 : vector<16xf32>
      %swap3A = arith.index_cast %mul3A_194 : i32 to index
      %swap3A_201 = tpu.vector_load %arg10[%swap3A] {strides = array<i32>} : memref<640xf32, #tpu.memory_space<vmem>>, vector<16xf32>,
      tpu.vector_store %arg10[%swap3A], %add3A_200 {strides = array<i32>} : memref<640xf32, #tpu.memory_space<vmem>>, vector<16xf32>,
      %scan3A_202 = arith.constant 0 : i32
      scf.yield %scan3A_202 : i32
    }
    %scan3A_108 = arith.constant 40 : i32
    %mul3A_109 = arith.constant 640 : i32
    %mul3A_110 = arith.muli %arg1, %mul3A_109 : i32
    %run_scoped3A_111 = arith.constant 8 : i32
    "tpu.region"() ({
      %run_scoped3A_191 = tpu.sem_alloc : memref<!tpu.dma_semaphore, #tpu.memory_space<semaphore_mem>>
      %dma_start3A = tpu.memref_slice %arg11[%run_scoped3A_111, %mul3A_110] : memref<16x10240xf32, #tpu.memory_space<vmem_shared>> -> memref<1x640xf32, #tpu.memory_space<vmem_shared>>
      %dma_start3A_192 = tpu.memref_squeeze %dma_start3A : memref<1x640xf32, #tpu.memory_space<vmem_shared>> -> memref<640xf32, #tpu.memory_space<vmem_shared>>
      %dma_start3A_193 = tpu.memref_slice %arg11[%run_scoped3A_111, %mul3A_110] : memref<16x10240xf32, #tpu.memory_space<vmem_shared>> -> memref<1x640xf32, #tpu.memory_space<vmem_shared>>
      %dma_start3A_194 = tpu.memref_squeeze %dma_start3A_193 : memref<1x640xf32, #tpu.memory_space<vmem_shared>> -> memref<640xf32, #tpu.memory_space<vmem_shared>>
      tpu.enqueue_dma source(%dma_start3A_194 : memref<640xf32, #tpu.memory_space<vmem_shared>>) target(%arg9 : memref<640xf32, #tpu.memory_space<vmem>>) target_semaphore(%run_scoped3A_191 : memref<!tpu.dma_semaphore, #tpu.memory_space<semaphore_mem>>)
      %dma_wait3A = tpu.memref_slice %arg11[%run_scoped3A_111, %mul3A_110] : memref<16x10240xf32, #tpu.memory_space<vmem_shared>> -> memref<1x640xf32, #tpu.memory_space<vmem_shared>>
      %dma_wait3A_195 = tpu.memref_squeeze %dma_wait3A : memref<1x640xf32, #tpu.memory_space<vmem_shared>> -> memref<640xf32, #tpu.memory_space<vmem_shared>>
      %dma_wait3A_196 = tpu.memref_slice %arg11[%run_scoped3A_111, %mul3A_110] : memref<16x10240xf32, #tpu.memory_space<vmem_shared>> -> memref<1x640xf32, #tpu.memory_space<vmem_shared>>
      %dma_wait3A_197 = tpu.memref_squeeze %dma_wait3A_196 : memref<1x640xf32, #tpu.memory_space<vmem_shared>> -> memref<640xf32, #tpu.memory_space<vmem_shared>>
      tpu.wait_dma2 semaphore(%run_scoped3A_191 : memref<!tpu.dma_semaphore, #tpu.memory_space<semaphore_mem>>) src(%dma_wait3A_197 : memref<640xf32, #tpu.memory_space<vmem_shared>>) dst(%arg9 : memref<640xf32, #tpu.memory_space<vmem>>)
      tpu.yield
    }) : () -> ()
    %scan3A_112 = arith.constant 0 : i32
    %scan3A_113 = arith.constant 0 : i32
    %scan3A_114 = arith.constant 40 : i32
    %scan3A_115 = arith.addi %scan3A_113, %scan3A_114 : i32
    %scan3A_116 = arith.constant 1 : i32
    %scan3A_117 = scf.for %scan3A_191 = %scan3A_113 to %scan3A_115 step %scan3A_116 iter_args(%scan3A_192 = %scan3A_112) -> (i32)  : i32 {
      %mul3A_193 = arith.constant 16 : i32
      %mul3A_194 = arith.muli %scan3A_191, %mul3A_193 : i32
      %get3A = arith.index_cast %mul3A_194 : i32 to index
      %get3A_195 = tpu.vector_load %arg10[%get3A] {strides = array<i32>} : memref<640xf32, #tpu.memory_space<vmem>>, vector<16xf32>,
      %mul3A_196 = arith.constant 16 : i32
      %mul3A_197 = arith.muli %scan3A_191, %mul3A_196 : i32
      %get3A_198 = arith.index_cast %mul3A_197 : i32 to index
      %get3A_199 = tpu.vector_load %arg9[%get3A_198] {strides = array<i32>} : memref<640xf32, #tpu.memory_space<vmem>>, vector<16xf32>,
      %add3A_200 = arith.addf %get3A_195, %get3A_199 : vector<16xf32>
      %swap3A = arith.index_cast %mul3A_194 : i32 to index
      %swap3A_201 = tpu.vector_load %arg10[%swap3A] {strides = array<i32>} : memref<640xf32, #tpu.memory_space<vmem>>, vector<16xf32>,
      tpu.vector_store %arg10[%swap3A], %add3A_200 {strides = array<i32>} : memref<640xf32, #tpu.memory_space<vmem>>, vector<16xf32>,
      %scan3A_202 = arith.constant 0 : i32
      scf.yield %scan3A_202 : i32
    }
    %scan3A_118 = arith.constant 40 : i32
    %mul3A_119 = arith.constant 640 : i32
    %mul3A_120 = arith.muli %arg1, %mul3A_119 : i32
    %run_scoped3A_121 = arith.constant 9 : i32
    "tpu.region"() ({
      %run_scoped3A_191 = tpu.sem_alloc : memref<!tpu.dma_semaphore, #tpu.memory_space<semaphore_mem>>
      %dma_start3A = tpu.memref_slice %arg11[%run_scoped3A_121, %mul3A_120] : memref<16x10240xf32, #tpu.memory_space<vmem_shared>> -> memref<1x640xf32, #tpu.memory_space<vmem_shared>>
      %dma_start3A_192 = tpu.memref_squeeze %dma_start3A : memref<1x640xf32, #tpu.memory_space<vmem_shared>> -> memref<640xf32, #tpu.memory_space<vmem_shared>>
      %dma_start3A_193 = tpu.memref_slice %arg11[%run_scoped3A_121, %mul3A_120] : memref<16x10240xf32, #tpu.memory_space<vmem_shared>> -> memref<1x640xf32, #tpu.memory_space<vmem_shared>>
      %dma_start3A_194 = tpu.memref_squeeze %dma_start3A_193 : memref<1x640xf32, #tpu.memory_space<vmem_shared>> -> memref<640xf32, #tpu.memory_space<vmem_shared>>
      tpu.enqueue_dma source(%dma_start3A_194 : memref<640xf32, #tpu.memory_space<vmem_shared>>) target(%arg9 : memref<640xf32, #tpu.memory_space<vmem>>) target_semaphore(%run_scoped3A_191 : memref<!tpu.dma_semaphore, #tpu.memory_space<semaphore_mem>>)
      %dma_wait3A = tpu.memref_slice %arg11[%run_scoped3A_121, %mul3A_120] : memref<16x10240xf32, #tpu.memory_space<vmem_shared>> -> memref<1x640xf32, #tpu.memory_space<vmem_shared>>
      %dma_wait3A_195 = tpu.memref_squeeze %dma_wait3A : memref<1x640xf32, #tpu.memory_space<vmem_shared>> -> memref<640xf32, #tpu.memory_space<vmem_shared>>
      %dma_wait3A_196 = tpu.memref_slice %arg11[%run_scoped3A_121, %mul3A_120] : memref<16x10240xf32, #tpu.memory_space<vmem_shared>> -> memref<1x640xf32, #tpu.memory_space<vmem_shared>>
      %dma_wait3A_197 = tpu.memref_squeeze %dma_wait3A_196 : memref<1x640xf32, #tpu.memory_space<vmem_shared>> -> memref<640xf32, #tpu.memory_space<vmem_shared>>
      tpu.wait_dma2 semaphore(%run_scoped3A_191 : memref<!tpu.dma_semaphore, #tpu.memory_space<semaphore_mem>>) src(%dma_wait3A_197 : memref<640xf32, #tpu.memory_space<vmem_shared>>) dst(%arg9 : memref<640xf32, #tpu.memory_space<vmem>>)
      tpu.yield
    }) : () -> ()
    %scan3A_122 = arith.constant 0 : i32
    %scan3A_123 = arith.constant 0 : i32
    %scan3A_124 = arith.constant 40 : i32
    %scan3A_125 = arith.addi %scan3A_123, %scan3A_124 : i32
    %scan3A_126 = arith.constant 1 : i32
    %scan3A_127 = scf.for %scan3A_191 = %scan3A_123 to %scan3A_125 step %scan3A_126 iter_args(%scan3A_192 = %scan3A_122) -> (i32)  : i32 {
      %mul3A_193 = arith.constant 16 : i32
      %mul3A_194 = arith.muli %scan3A_191, %mul3A_193 : i32
      %get3A = arith.index_cast %mul3A_194 : i32 to index
      %get3A_195 = tpu.vector_load %arg10[%get3A] {strides = array<i32>} : memref<640xf32, #tpu.memory_space<vmem>>, vector<16xf32>,
      %mul3A_196 = arith.constant 16 : i32
      %mul3A_197 = arith.muli %scan3A_191, %mul3A_196 : i32
      %get3A_198 = arith.index_cast %mul3A_197 : i32 to index
      %get3A_199 = tpu.vector_load %arg9[%get3A_198] {strides = array<i32>} : memref<640xf32, #tpu.memory_space<vmem>>, vector<16xf32>,
      %add3A_200 = arith.addf %get3A_195, %get3A_199 : vector<16xf32>
      %swap3A = arith.index_cast %mul3A_194 : i32 to index
      %swap3A_201 = tpu.vector_load %arg10[%swap3A] {strides = array<i32>} : memref<640xf32, #tpu.memory_space<vmem>>, vector<16xf32>,
      tpu.vector_store %arg10[%swap3A], %add3A_200 {strides = array<i32>} : memref<640xf32, #tpu.memory_space<vmem>>, vector<16xf32>,
      %scan3A_202 = arith.constant 0 : i32
      scf.yield %scan3A_202 : i32
    }
    %scan3A_128 = arith.constant 40 : i32
    %mul3A_129 = arith.constant 640 : i32
    %mul3A_130 = arith.muli %arg1, %mul3A_129 : i32
    %run_scoped3A_131 = arith.constant 10 : i32
    "tpu.region"() ({
      %run_scoped3A_191 = tpu.sem_alloc : memref<!tpu.dma_semaphore, #tpu.memory_space<semaphore_mem>>
      %dma_start3A = tpu.memref_slice %arg11[%run_scoped3A_131, %mul3A_130] : memref<16x10240xf32, #tpu.memory_space<vmem_shared>> -> memref<1x640xf32, #tpu.memory_space<vmem_shared>>
      %dma_start3A_192 = tpu.memref_squeeze %dma_start3A : memref<1x640xf32, #tpu.memory_space<vmem_shared>> -> memref<640xf32, #tpu.memory_space<vmem_shared>>
      %dma_start3A_193 = tpu.memref_slice %arg11[%run_scoped3A_131, %mul3A_130] : memref<16x10240xf32, #tpu.memory_space<vmem_shared>> -> memref<1x640xf32, #tpu.memory_space<vmem_shared>>
      %dma_start3A_194 = tpu.memref_squeeze %dma_start3A_193 : memref<1x640xf32, #tpu.memory_space<vmem_shared>> -> memref<640xf32, #tpu.memory_space<vmem_shared>>
      tpu.enqueue_dma source(%dma_start3A_194 : memref<640xf32, #tpu.memory_space<vmem_shared>>) target(%arg9 : memref<640xf32, #tpu.memory_space<vmem>>) target_semaphore(%run_scoped3A_191 : memref<!tpu.dma_semaphore, #tpu.memory_space<semaphore_mem>>)
      %dma_wait3A = tpu.memref_slice %arg11[%run_scoped3A_131, %mul3A_130] : memref<16x10240xf32, #tpu.memory_space<vmem_shared>> -> memref<1x640xf32, #tpu.memory_space<vmem_shared>>
      %dma_wait3A_195 = tpu.memref_squeeze %dma_wait3A : memref<1x640xf32, #tpu.memory_space<vmem_shared>> -> memref<640xf32, #tpu.memory_space<vmem_shared>>
      %dma_wait3A_196 = tpu.memref_slice %arg11[%run_scoped3A_131, %mul3A_130] : memref<16x10240xf32, #tpu.memory_space<vmem_shared>> -> memref<1x640xf32, #tpu.memory_space<vmem_shared>>
      %dma_wait3A_197 = tpu.memref_squeeze %dma_wait3A_196 : memref<1x640xf32, #tpu.memory_space<vmem_shared>> -> memref<640xf32, #tpu.memory_space<vmem_shared>>
      tpu.wait_dma2 semaphore(%run_scoped3A_191 : memref<!tpu.dma_semaphore, #tpu.memory_space<semaphore_mem>>) src(%dma_wait3A_197 : memref<640xf32, #tpu.memory_space<vmem_shared>>) dst(%arg9 : memref<640xf32, #tpu.memory_space<vmem>>)
      tpu.yield
    }) : () -> ()
    %scan3A_132 = arith.constant 0 : i32
    %scan3A_133 = arith.constant 0 : i32
    %scan3A_134 = arith.constant 40 : i32
    %scan3A_135 = arith.addi %scan3A_133, %scan3A_134 : i32
    %scan3A_136 = arith.constant 1 : i32
    %scan3A_137 = scf.for %scan3A_191 = %scan3A_133 to %scan3A_135 step %scan3A_136 iter_args(%scan3A_192 = %scan3A_132) -> (i32)  : i32 {
      %mul3A_193 = arith.constant 16 : i32
      %mul3A_194 = arith.muli %scan3A_191, %mul3A_193 : i32
      %get3A = arith.index_cast %mul3A_194 : i32 to index
      %get3A_195 = tpu.vector_load %arg10[%get3A] {strides = array<i32>} : memref<640xf32, #tpu.memory_space<vmem>>, vector<16xf32>,
      %mul3A_196 = arith.constant 16 : i32
      %mul3A_197 = arith.muli %scan3A_191, %mul3A_196 : i32
      %get3A_198 = arith.index_cast %mul3A_197 : i32 to index
      %get3A_199 = tpu.vector_load %arg9[%get3A_198] {strides = array<i32>} : memref<640xf32, #tpu.memory_space<vmem>>, vector<16xf32>,
      %add3A_200 = arith.addf %get3A_195, %get3A_199 : vector<16xf32>
      %swap3A = arith.index_cast %mul3A_194 : i32 to index
      %swap3A_201 = tpu.vector_load %arg10[%swap3A] {strides = array<i32>} : memref<640xf32, #tpu.memory_space<vmem>>, vector<16xf32>,
      tpu.vector_store %arg10[%swap3A], %add3A_200 {strides = array<i32>} : memref<640xf32, #tpu.memory_space<vmem>>, vector<16xf32>,
      %scan3A_202 = arith.constant 0 : i32
      scf.yield %scan3A_202 : i32
    }
    %scan3A_138 = arith.constant 40 : i32
    %mul3A_139 = arith.constant 640 : i32
    %mul3A_140 = arith.muli %arg1, %mul3A_139 : i32
    %run_scoped3A_141 = arith.constant 11 : i32
    "tpu.region"() ({
      %run_scoped3A_191 = tpu.sem_alloc : memref<!tpu.dma_semaphore, #tpu.memory_space<semaphore_mem>>
      %dma_start3A = tpu.memref_slice %arg11[%run_scoped3A_141, %mul3A_140] : memref<16x10240xf32, #tpu.memory_space<vmem_shared>> -> memref<1x640xf32, #tpu.memory_space<vmem_shared>>
      %dma_start3A_192 = tpu.memref_squeeze %dma_start3A : memref<1x640xf32, #tpu.memory_space<vmem_shared>> -> memref<640xf32, #tpu.memory_space<vmem_shared>>
      %dma_start3A_193 = tpu.memref_slice %arg11[%run_scoped3A_141, %mul3A_140] : memref<16x10240xf32, #tpu.memory_space<vmem_shared>> -> memref<1x640xf32, #tpu.memory_space<vmem_shared>>
      %dma_start3A_194 = tpu.memref_squeeze %dma_start3A_193 : memref<1x640xf32, #tpu.memory_space<vmem_shared>> -> memref<640xf32, #tpu.memory_space<vmem_shared>>
      tpu.enqueue_dma source(%dma_start3A_194 : memref<640xf32, #tpu.memory_space<vmem_shared>>) target(%arg9 : memref<640xf32, #tpu.memory_space<vmem>>) target_semaphore(%run_scoped3A_191 : memref<!tpu.dma_semaphore, #tpu.memory_space<semaphore_mem>>)
      %dma_wait3A = tpu.memref_slice %arg11[%run_scoped3A_141, %mul3A_140] : memref<16x10240xf32, #tpu.memory_space<vmem_shared>> -> memref<1x640xf32, #tpu.memory_space<vmem_shared>>
      %dma_wait3A_195 = tpu.memref_squeeze %dma_wait3A : memref<1x640xf32, #tpu.memory_space<vmem_shared>> -> memref<640xf32, #tpu.memory_space<vmem_shared>>
      %dma_wait3A_196 = tpu.memref_slice %arg11[%run_scoped3A_141, %mul3A_140] : memref<16x10240xf32, #tpu.memory_space<vmem_shared>> -> memref<1x640xf32, #tpu.memory_space<vmem_shared>>
      %dma_wait3A_197 = tpu.memref_squeeze %dma_wait3A_196 : memref<1x640xf32, #tpu.memory_space<vmem_shared>> -> memref<640xf32, #tpu.memory_space<vmem_shared>>
      tpu.wait_dma2 semaphore(%run_scoped3A_191 : memref<!tpu.dma_semaphore, #tpu.memory_space<semaphore_mem>>) src(%dma_wait3A_197 : memref<640xf32, #tpu.memory_space<vmem_shared>>) dst(%arg9 : memref<640xf32, #tpu.memory_space<vmem>>)
      tpu.yield
    }) : () -> ()
    %scan3A_142 = arith.constant 0 : i32
    %scan3A_143 = arith.constant 0 : i32
    %scan3A_144 = arith.constant 40 : i32
    %scan3A_145 = arith.addi %scan3A_143, %scan3A_144 : i32
    %scan3A_146 = arith.constant 1 : i32
    %scan3A_147 = scf.for %scan3A_191 = %scan3A_143 to %scan3A_145 step %scan3A_146 iter_args(%scan3A_192 = %scan3A_142) -> (i32)  : i32 {
      %mul3A_193 = arith.constant 16 : i32
      %mul3A_194 = arith.muli %scan3A_191, %mul3A_193 : i32
      %get3A = arith.index_cast %mul3A_194 : i32 to index
      %get3A_195 = tpu.vector_load %arg10[%get3A] {strides = array<i32>} : memref<640xf32, #tpu.memory_space<vmem>>, vector<16xf32>,
      %mul3A_196 = arith.constant 16 : i32
      %mul3A_197 = arith.muli %scan3A_191, %mul3A_196 : i32
      %get3A_198 = arith.index_cast %mul3A_197 : i32 to index
      %get3A_199 = tpu.vector_load %arg9[%get3A_198] {strides = array<i32>} : memref<640xf32, #tpu.memory_space<vmem>>, vector<16xf32>,
      %add3A_200 = arith.addf %get3A_195, %get3A_199 : vector<16xf32>
      %swap3A = arith.index_cast %mul3A_194 : i32 to index
      %swap3A_201 = tpu.vector_load %arg10[%swap3A] {strides = array<i32>} : memref<640xf32, #tpu.memory_space<vmem>>, vector<16xf32>,
      tpu.vector_store %arg10[%swap3A], %add3A_200 {strides = array<i32>} : memref<640xf32, #tpu.memory_space<vmem>>, vector<16xf32>,
      %scan3A_202 = arith.constant 0 : i32
      scf.yield %scan3A_202 : i32
    }
    %scan3A_148 = arith.constant 40 : i32
    %mul3A_149 = arith.constant 640 : i32
    %mul3A_150 = arith.muli %arg1, %mul3A_149 : i32
    %run_scoped3A_151 = arith.constant 12 : i32
    "tpu.region"() ({
      %run_scoped3A_191 = tpu.sem_alloc : memref<!tpu.dma_semaphore, #tpu.memory_space<semaphore_mem>>
      %dma_start3A = tpu.memref_slice %arg11[%run_scoped3A_151, %mul3A_150] : memref<16x10240xf32, #tpu.memory_space<vmem_shared>> -> memref<1x640xf32, #tpu.memory_space<vmem_shared>>
      %dma_start3A_192 = tpu.memref_squeeze %dma_start3A : memref<1x640xf32, #tpu.memory_space<vmem_shared>> -> memref<640xf32, #tpu.memory_space<vmem_shared>>
      %dma_start3A_193 = tpu.memref_slice %arg11[%run_scoped3A_151, %mul3A_150] : memref<16x10240xf32, #tpu.memory_space<vmem_shared>> -> memref<1x640xf32, #tpu.memory_space<vmem_shared>>
      %dma_start3A_194 = tpu.memref_squeeze %dma_start3A_193 : memref<1x640xf32, #tpu.memory_space<vmem_shared>> -> memref<640xf32, #tpu.memory_space<vmem_shared>>
      tpu.enqueue_dma source(%dma_start3A_194 : memref<640xf32, #tpu.memory_space<vmem_shared>>) target(%arg9 : memref<640xf32, #tpu.memory_space<vmem>>) target_semaphore(%run_scoped3A_191 : memref<!tpu.dma_semaphore, #tpu.memory_space<semaphore_mem>>)
      %dma_wait3A = tpu.memref_slice %arg11[%run_scoped3A_151, %mul3A_150] : memref<16x10240xf32, #tpu.memory_space<vmem_shared>> -> memref<1x640xf32, #tpu.memory_space<vmem_shared>>
      %dma_wait3A_195 = tpu.memref_squeeze %dma_wait3A : memref<1x640xf32, #tpu.memory_space<vmem_shared>> -> memref<640xf32, #tpu.memory_space<vmem_shared>>
      %dma_wait3A_196 = tpu.memref_slice %arg11[%run_scoped3A_151, %mul3A_150] : memref<16x10240xf32, #tpu.memory_space<vmem_shared>> -> memref<1x640xf32, #tpu.memory_space<vmem_shared>>
      %dma_wait3A_197 = tpu.memref_squeeze %dma_wait3A_196 : memref<1x640xf32, #tpu.memory_space<vmem_shared>> -> memref<640xf32, #tpu.memory_space<vmem_shared>>
      tpu.wait_dma2 semaphore(%run_scoped3A_191 : memref<!tpu.dma_semaphore, #tpu.memory_space<semaphore_mem>>) src(%dma_wait3A_197 : memref<640xf32, #tpu.memory_space<vmem_shared>>) dst(%arg9 : memref<640xf32, #tpu.memory_space<vmem>>)
      tpu.yield
    }) : () -> ()
    %scan3A_152 = arith.constant 0 : i32
    %scan3A_153 = arith.constant 0 : i32
    %scan3A_154 = arith.constant 40 : i32
    %scan3A_155 = arith.addi %scan3A_153, %scan3A_154 : i32
    %scan3A_156 = arith.constant 1 : i32
    %scan3A_157 = scf.for %scan3A_191 = %scan3A_153 to %scan3A_155 step %scan3A_156 iter_args(%scan3A_192 = %scan3A_152) -> (i32)  : i32 {
      %mul3A_193 = arith.constant 16 : i32
      %mul3A_194 = arith.muli %scan3A_191, %mul3A_193 : i32
      %get3A = arith.index_cast %mul3A_194 : i32 to index
      %get3A_195 = tpu.vector_load %arg10[%get3A] {strides = array<i32>} : memref<640xf32, #tpu.memory_space<vmem>>, vector<16xf32>,
      %mul3A_196 = arith.constant 16 : i32
      %mul3A_197 = arith.muli %scan3A_191, %mul3A_196 : i32
      %get3A_198 = arith.index_cast %mul3A_197 : i32 to index
      %get3A_199 = tpu.vector_load %arg9[%get3A_198] {strides = array<i32>} : memref<640xf32, #tpu.memory_space<vmem>>, vector<16xf32>,
      %add3A_200 = arith.addf %get3A_195, %get3A_199 : vector<16xf32>
      %swap3A = arith.index_cast %mul3A_194 : i32 to index
      %swap3A_201 = tpu.vector_load %arg10[%swap3A] {strides = array<i32>} : memref<640xf32, #tpu.memory_space<vmem>>, vector<16xf32>,
      tpu.vector_store %arg10[%swap3A], %add3A_200 {strides = array<i32>} : memref<640xf32, #tpu.memory_space<vmem>>, vector<16xf32>,
      %scan3A_202 = arith.constant 0 : i32
      scf.yield %scan3A_202 : i32
    }
    %scan3A_158 = arith.constant 40 : i32
    %mul3A_159 = arith.constant 640 : i32
    %mul3A_160 = arith.muli %arg1, %mul3A_159 : i32
    %run_scoped3A_161 = arith.constant 13 : i32
    "tpu.region"() ({
      %run_scoped3A_191 = tpu.sem_alloc : memref<!tpu.dma_semaphore, #tpu.memory_space<semaphore_mem>>
      %dma_start3A = tpu.memref_slice %arg11[%run_scoped3A_161, %mul3A_160] : memref<16x10240xf32, #tpu.memory_space<vmem_shared>> -> memref<1x640xf32, #tpu.memory_space<vmem_shared>>
      %dma_start3A_192 = tpu.memref_squeeze %dma_start3A : memref<1x640xf32, #tpu.memory_space<vmem_shared>> -> memref<640xf32, #tpu.memory_space<vmem_shared>>
      %dma_start3A_193 = tpu.memref_slice %arg11[%run_scoped3A_161, %mul3A_160] : memref<16x10240xf32, #tpu.memory_space<vmem_shared>> -> memref<1x640xf32, #tpu.memory_space<vmem_shared>>
      %dma_start3A_194 = tpu.memref_squeeze %dma_start3A_193 : memref<1x640xf32, #tpu.memory_space<vmem_shared>> -> memref<640xf32, #tpu.memory_space<vmem_shared>>
      tpu.enqueue_dma source(%dma_start3A_194 : memref<640xf32, #tpu.memory_space<vmem_shared>>) target(%arg9 : memref<640xf32, #tpu.memory_space<vmem>>) target_semaphore(%run_scoped3A_191 : memref<!tpu.dma_semaphore, #tpu.memory_space<semaphore_mem>>)
      %dma_wait3A = tpu.memref_slice %arg11[%run_scoped3A_161, %mul3A_160] : memref<16x10240xf32, #tpu.memory_space<vmem_shared>> -> memref<1x640xf32, #tpu.memory_space<vmem_shared>>
      %dma_wait3A_195 = tpu.memref_squeeze %dma_wait3A : memref<1x640xf32, #tpu.memory_space<vmem_shared>> -> memref<640xf32, #tpu.memory_space<vmem_shared>>
      %dma_wait3A_196 = tpu.memref_slice %arg11[%run_scoped3A_161, %mul3A_160] : memref<16x10240xf32, #tpu.memory_space<vmem_shared>> -> memref<1x640xf32, #tpu.memory_space<vmem_shared>>
      %dma_wait3A_197 = tpu.memref_squeeze %dma_wait3A_196 : memref<1x640xf32, #tpu.memory_space<vmem_shared>> -> memref<640xf32, #tpu.memory_space<vmem_shared>>
      tpu.wait_dma2 semaphore(%run_scoped3A_191 : memref<!tpu.dma_semaphore, #tpu.memory_space<semaphore_mem>>) src(%dma_wait3A_197 : memref<640xf32, #tpu.memory_space<vmem_shared>>) dst(%arg9 : memref<640xf32, #tpu.memory_space<vmem>>)
      tpu.yield
    }) : () -> ()
    %scan3A_162 = arith.constant 0 : i32
    %scan3A_163 = arith.constant 0 : i32
    %scan3A_164 = arith.constant 40 : i32
    %scan3A_165 = arith.addi %scan3A_163, %scan3A_164 : i32
    %scan3A_166 = arith.constant 1 : i32
    %scan3A_167 = scf.for %scan3A_191 = %scan3A_163 to %scan3A_165 step %scan3A_166 iter_args(%scan3A_192 = %scan3A_162) -> (i32)  : i32 {
      %mul3A_193 = arith.constant 16 : i32
      %mul3A_194 = arith.muli %scan3A_191, %mul3A_193 : i32
      %get3A = arith.index_cast %mul3A_194 : i32 to index
      %get3A_195 = tpu.vector_load %arg10[%get3A] {strides = array<i32>} : memref<640xf32, #tpu.memory_space<vmem>>, vector<16xf32>,
      %mul3A_196 = arith.constant 16 : i32
      %mul3A_197 = arith.muli %scan3A_191, %mul3A_196 : i32
      %get3A_198 = arith.index_cast %mul3A_197 : i32 to index
      %get3A_199 = tpu.vector_load %arg9[%get3A_198] {strides = array<i32>} : memref<640xf32, #tpu.memory_space<vmem>>, vector<16xf32>,
      %add3A_200 = arith.addf %get3A_195, %get3A_199 : vector<16xf32>
      %swap3A = arith.index_cast %mul3A_194 : i32 to index
      %swap3A_201 = tpu.vector_load %arg10[%swap3A] {strides = array<i32>} : memref<640xf32, #tpu.memory_space<vmem>>, vector<16xf32>,
      tpu.vector_store %arg10[%swap3A], %add3A_200 {strides = array<i32>} : memref<640xf32, #tpu.memory_space<vmem>>, vector<16xf32>,
      %scan3A_202 = arith.constant 0 : i32
      scf.yield %scan3A_202 : i32
    }
    %scan3A_168 = arith.constant 40 : i32
    %mul3A_169 = arith.constant 640 : i32
    %mul3A_170 = arith.muli %arg1, %mul3A_169 : i32
    %run_scoped3A_171 = arith.constant 14 : i32
    "tpu.region"() ({
      %run_scoped3A_191 = tpu.sem_alloc : memref<!tpu.dma_semaphore, #tpu.memory_space<semaphore_mem>>
      %dma_start3A = tpu.memref_slice %arg11[%run_scoped3A_171, %mul3A_170] : memref<16x10240xf32, #tpu.memory_space<vmem_shared>> -> memref<1x640xf32, #tpu.memory_space<vmem_shared>>
      %dma_start3A_192 = tpu.memref_squeeze %dma_start3A : memref<1x640xf32, #tpu.memory_space<vmem_shared>> -> memref<640xf32, #tpu.memory_space<vmem_shared>>
      %dma_start3A_193 = tpu.memref_slice %arg11[%run_scoped3A_171, %mul3A_170] : memref<16x10240xf32, #tpu.memory_space<vmem_shared>> -> memref<1x640xf32, #tpu.memory_space<vmem_shared>>
      %dma_start3A_194 = tpu.memref_squeeze %dma_start3A_193 : memref<1x640xf32, #tpu.memory_space<vmem_shared>> -> memref<640xf32, #tpu.memory_space<vmem_shared>>
      tpu.enqueue_dma source(%dma_start3A_194 : memref<640xf32, #tpu.memory_space<vmem_shared>>) target(%arg9 : memref<640xf32, #tpu.memory_space<vmem>>) target_semaphore(%run_scoped3A_191 : memref<!tpu.dma_semaphore, #tpu.memory_space<semaphore_mem>>)
      %dma_wait3A = tpu.memref_slice %arg11[%run_scoped3A_171, %mul3A_170] : memref<16x10240xf32, #tpu.memory_space<vmem_shared>> -> memref<1x640xf32, #tpu.memory_space<vmem_shared>>
      %dma_wait3A_195 = tpu.memref_squeeze %dma_wait3A : memref<1x640xf32, #tpu.memory_space<vmem_shared>> -> memref<640xf32, #tpu.memory_space<vmem_shared>>
      %dma_wait3A_196 = tpu.memref_slice %arg11[%run_scoped3A_171, %mul3A_170] : memref<16x10240xf32, #tpu.memory_space<vmem_shared>> -> memref<1x640xf32, #tpu.memory_space<vmem_shared>>
      %dma_wait3A_197 = tpu.memref_squeeze %dma_wait3A_196 : memref<1x640xf32, #tpu.memory_space<vmem_shared>> -> memref<640xf32, #tpu.memory_space<vmem_shared>>
      tpu.wait_dma2 semaphore(%run_scoped3A_191 : memref<!tpu.dma_semaphore, #tpu.memory_space<semaphore_mem>>) src(%dma_wait3A_197 : memref<640xf32, #tpu.memory_space<vmem_shared>>) dst(%arg9 : memref<640xf32, #tpu.memory_space<vmem>>)
      tpu.yield
    }) : () -> ()
    %scan3A_172 = arith.constant 0 : i32
    %scan3A_173 = arith.constant 0 : i32
    %scan3A_174 = arith.constant 40 : i32
    %scan3A_175 = arith.addi %scan3A_173, %scan3A_174 : i32
    %scan3A_176 = arith.constant 1 : i32
    %scan3A_177 = scf.for %scan3A_191 = %scan3A_173 to %scan3A_175 step %scan3A_176 iter_args(%scan3A_192 = %scan3A_172) -> (i32)  : i32 {
      %mul3A_193 = arith.constant 16 : i32
      %mul3A_194 = arith.muli %scan3A_191, %mul3A_193 : i32
      %get3A = arith.index_cast %mul3A_194 : i32 to index
      %get3A_195 = tpu.vector_load %arg10[%get3A] {strides = array<i32>} : memref<640xf32, #tpu.memory_space<vmem>>, vector<16xf32>,
      %mul3A_196 = arith.constant 16 : i32
      %mul3A_197 = arith.muli %scan3A_191, %mul3A_196 : i32
      %get3A_198 = arith.index_cast %mul3A_197 : i32 to index
      %get3A_199 = tpu.vector_load %arg9[%get3A_198] {strides = array<i32>} : memref<640xf32, #tpu.memory_space<vmem>>, vector<16xf32>,
      %add3A_200 = arith.addf %get3A_195, %get3A_199 : vector<16xf32>
      %swap3A = arith.index_cast %mul3A_194 : i32 to index
      %swap3A_201 = tpu.vector_load %arg10[%swap3A] {strides = array<i32>} : memref<640xf32, #tpu.memory_space<vmem>>, vector<16xf32>,
      tpu.vector_store %arg10[%swap3A], %add3A_200 {strides = array<i32>} : memref<640xf32, #tpu.memory_space<vmem>>, vector<16xf32>,
      %scan3A_202 = arith.constant 0 : i32
      scf.yield %scan3A_202 : i32
    }
    %scan3A_178 = arith.constant 40 : i32
    %mul3A_179 = arith.constant 640 : i32
    %mul3A_180 = arith.muli %arg1, %mul3A_179 : i32
    %run_scoped3A_181 = arith.constant 15 : i32
    "tpu.region"() ({
      %run_scoped3A_191 = tpu.sem_alloc : memref<!tpu.dma_semaphore, #tpu.memory_space<semaphore_mem>>
      %dma_start3A = tpu.memref_slice %arg11[%run_scoped3A_181, %mul3A_180] : memref<16x10240xf32, #tpu.memory_space<vmem_shared>> -> memref<1x640xf32, #tpu.memory_space<vmem_shared>>
      %dma_start3A_192 = tpu.memref_squeeze %dma_start3A : memref<1x640xf32, #tpu.memory_space<vmem_shared>> -> memref<640xf32, #tpu.memory_space<vmem_shared>>
      %dma_start3A_193 = tpu.memref_slice %arg11[%run_scoped3A_181, %mul3A_180] : memref<16x10240xf32, #tpu.memory_space<vmem_shared>> -> memref<1x640xf32, #tpu.memory_space<vmem_shared>>
      %dma_start3A_194 = tpu.memref_squeeze %dma_start3A_193 : memref<1x640xf32, #tpu.memory_space<vmem_shared>> -> memref<640xf32, #tpu.memory_space<vmem_shared>>
      tpu.enqueue_dma source(%dma_start3A_194 : memref<640xf32, #tpu.memory_space<vmem_shared>>) target(%arg9 : memref<640xf32, #tpu.memory_space<vmem>>) target_semaphore(%run_scoped3A_191 : memref<!tpu.dma_semaphore, #tpu.memory_space<semaphore_mem>>)
      %dma_wait3A = tpu.memref_slice %arg11[%run_scoped3A_181, %mul3A_180] : memref<16x10240xf32, #tpu.memory_space<vmem_shared>> -> memref<1x640xf32, #tpu.memory_space<vmem_shared>>
      %dma_wait3A_195 = tpu.memref_squeeze %dma_wait3A : memref<1x640xf32, #tpu.memory_space<vmem_shared>> -> memref<640xf32, #tpu.memory_space<vmem_shared>>
      %dma_wait3A_196 = tpu.memref_slice %arg11[%run_scoped3A_181, %mul3A_180] : memref<16x10240xf32, #tpu.memory_space<vmem_shared>> -> memref<1x640xf32, #tpu.memory_space<vmem_shared>>
      %dma_wait3A_197 = tpu.memref_squeeze %dma_wait3A_196 : memref<1x640xf32, #tpu.memory_space<vmem_shared>> -> memref<640xf32, #tpu.memory_space<vmem_shared>>
      tpu.wait_dma2 semaphore(%run_scoped3A_191 : memref<!tpu.dma_semaphore, #tpu.memory_space<semaphore_mem>>) src(%dma_wait3A_197 : memref<640xf32, #tpu.memory_space<vmem_shared>>) dst(%arg9 : memref<640xf32, #tpu.memory_space<vmem>>)
      tpu.yield
    }) : () -> ()
    %scan3A_182 = arith.constant 0 : i32
    %scan3A_183 = arith.constant 0 : i32
    %scan3A_184 = arith.constant 40 : i32
    %scan3A_185 = arith.addi %scan3A_183, %scan3A_184 : i32
    %scan3A_186 = arith.constant 1 : i32
    %scan3A_187 = scf.for %scan3A_191 = %scan3A_183 to %scan3A_185 step %scan3A_186 iter_args(%scan3A_192 = %scan3A_182) -> (i32)  : i32 {
      %mul3A_193 = arith.constant 16 : i32
      %mul3A_194 = arith.muli %scan3A_191, %mul3A_193 : i32
      %get3A = arith.index_cast %mul3A_194 : i32 to index
      %get3A_195 = tpu.vector_load %arg10[%get3A] {strides = array<i32>} : memref<640xf32, #tpu.memory_space<vmem>>, vector<16xf32>,
      %mul3A_196 = arith.constant 16 : i32
      %mul3A_197 = arith.muli %scan3A_191, %mul3A_196 : i32
      %get3A_198 = arith.index_cast %mul3A_197 : i32 to index
      %get3A_199 = tpu.vector_load %arg9[%get3A_198] {strides = array<i32>} : memref<640xf32, #tpu.memory_space<vmem>>, vector<16xf32>,
      %add3A_200 = arith.addf %get3A_195, %get3A_199 : vector<16xf32>
      %swap3A = arith.index_cast %mul3A_194 : i32 to index
      %swap3A_201 = tpu.vector_load %arg10[%swap3A] {strides = array<i32>} : memref<640xf32, #tpu.memory_space<vmem>>, vector<16xf32>,
      tpu.vector_store %arg10[%swap3A], %add3A_200 {strides = array<i32>} : memref<640xf32, #tpu.memory_space<vmem>>, vector<16xf32>,
      %scan3A_202 = arith.constant 0 : i32
      scf.yield %scan3A_202 : i32
    }
    %scan3A_188 = arith.constant 40 : i32
    %mul3A_189 = arith.constant 640 : i32
    %mul3A_190 = arith.muli %arg1, %mul3A_189 : i32
    "tpu.region"() ({
      %run_scoped3A_191 = tpu.sem_alloc : memref<!tpu.dma_semaphore, #tpu.memory_space<semaphore_mem>>
      %dma_start3A = tpu.memref_slice %arg4[%arg0, %mul3A_190] : memref<2x10240xf32, #tpu.memory_space<hbm>> -> memref<1x640xf32, #tpu.memory_space<hbm>>
      %dma_start3A_192 = tpu.memref_squeeze %dma_start3A : memref<1x640xf32, #tpu.memory_space<hbm>> -> memref<640xf32, #tpu.memory_space<hbm>>
      %dma_start3A_193 = tpu.memref_slice %arg4[%arg0, %mul3A_190] : memref<2x10240xf32, #tpu.memory_space<hbm>> -> memref<1x640xf32, #tpu.memory_space<hbm>>
      %dma_start3A_194 = tpu.memref_squeeze %dma_start3A_193 : memref<1x640xf32, #tpu.memory_space<hbm>> -> memref<640xf32, #tpu.memory_space<hbm>>
      tpu.enqueue_dma source(%arg10 : memref<640xf32, #tpu.memory_space<vmem>>) target(%dma_start3A_194 : memref<640xf32, #tpu.memory_space<hbm>>) target_semaphore(%run_scoped3A_191 : memref<!tpu.dma_semaphore, #tpu.memory_space<semaphore_mem>>)
      %dma_wait3A = tpu.memref_slice %arg4[%arg0, %mul3A_190] : memref<2x10240xf32, #tpu.memory_space<hbm>> -> memref<1x640xf32, #tpu.memory_space<hbm>>
      %dma_wait3A_195 = tpu.memref_squeeze %dma_wait3A : memref<1x640xf32, #tpu.memory_space<hbm>> -> memref<640xf32, #tpu.memory_space<hbm>>
      %dma_wait3A_196 = tpu.memref_slice %arg4[%arg0, %mul3A_190] : memref<2x10240xf32, #tpu.memory_space<hbm>> -> memref<1x640xf32, #tpu.memory_space<hbm>>
      %dma_wait3A_197 = tpu.memref_squeeze %dma_wait3A_196 : memref<1x640xf32, #tpu.memory_space<hbm>> -> memref<640xf32, #tpu.memory_space<hbm>>
      tpu.wait_dma2 semaphore(%run_scoped3A_191 : memref<!tpu.dma_semaphore, #tpu.memory_space<semaphore_mem>>) src(%arg10 : memref<640xf32, #tpu.memory_space<vmem>>) dst(%dma_wait3A_197 : memref<640xf32, #tpu.memory_space<hbm>>)
      tpu.yield
    }) : () -> ()
    return
  }
}

module attributes {stable_mosaic.version = 14 : i64} {
  func.func @body(%arg0: i32, %arg1: memref<10000x128xf32, #tpu.memory_space<vmem>>, %arg2: memref<128x128xf32, #tpu.memory_space<vmem>>, %arg3: memref<10000x128xf32, #tpu.memory_space<vmem>>) attributes {dimension_semantics = [#tpu.dimension_semantics<arbitrary>], iteration_bounds = array<i64: 1>, scalar_prefetch = 0 : i64, scratch_operands = 0 : i64, tpu.core_type = #tpu.core_type<tc>, window_params = [{transform_indices = @transform_0, window_bounds = array<i64: 10000, 128>}, {pipeline_mode = #tpu.pipeline_mode<synchronous>, transform_indices = @transform_1, window_bounds = array<i64: 128, 128>}, {transform_indices = @transform_2, window_bounds = array<i64: 10000, 128>}]} {
    %get3A = arith.constant 0 : index
    %get3A_0 = arith.constant 0 : index
    %get3A_1 = vector.load %arg1[%get3A, %get3A_0] : memref<10000x128xf32, #tpu.memory_space<vmem>>, vector<10000x128xf32>
    %get3A_2 = arith.constant 0 : index
    %get3A_3 = arith.constant 0 : index
    %get3A_4 = vector.load %arg2[%get3A_2, %get3A_3] : memref<128x128xf32, #tpu.memory_space<vmem>>, vector<128x128xf32>
    %dot_general3A = arith.constant dense<0.000000e+00> : vector<10000x128xf32>
    %dot_general3A_5 = tpu.matmul %get3A_1, %get3A_4, %dot_general3A {dimension_numbers = #tpu.dot_dimension_numbers<[1], [0], [0], [1], [0, 0, 1, 1], [], []>, transpose_lhs_hint = false} : vector<10000x128xf32>, vector<128x128xf32>, vector<10000x128xf32> -> vector<10000x128xf32>
    %swap3A = arith.constant 0 : index
    %swap3A_6 = arith.constant 0 : index
    %swap3A_7 = vector.load %arg3[%swap3A, %swap3A_6] : memref<10000x128xf32, #tpu.memory_space<vmem>>, vector<10000x128xf32>
    tpu.vector_store %arg3[%swap3A, %swap3A_6], %dot_general3A_5 {strides = array<i32>} : memref<10000x128xf32, #tpu.memory_space<vmem>>, vector<10000x128xf32>,
    return
  }
  func.func @transform_0(%arg0: i32) -> (i32, i32) {
    %c0_i32 = arith.constant 0 : i32
    %c0_i32_0 = arith.constant 0 : i32
    return %arg0, %c0_i32 : i32, i32
  }
  func.func @transform_1(%arg0: i32) -> (i32, i32) {
    %c0_i32 = arith.constant 0 : i32
    %c0_i32_0 = arith.constant 0 : i32
    %c0_i32_1 = arith.constant 0 : i32
    return %c0_i32, %c0_i32_0 : i32, i32
  }
  func.func @transform_2(%arg0: i32) -> (i32, i32) {
    %c0_i32 = arith.constant 0 : i32
    %c0_i32_0 = arith.constant 0 : i32
    return %arg0, %c0_i32 : i32, i32
  }
}

module attributes {stable_mosaic.version = 14 : i64} {
  func.func @body(%arg0: i32, %arg1: memref<10000x1xf32, #tpu.memory_space<vmem>>, %arg2: memref<10000x1xf32, #tpu.memory_space<vmem>>, %arg3: memref<10000x128xf32, #tpu.memory_space<vmem>>, %arg4: memref<10000x1xf32, #tpu.memory_space<vmem>>, %arg5: memref<10000x128xf32, #tpu.memory_space<vmem>>) attributes {dimension_semantics = [#tpu.dimension_semantics<arbitrary>], iteration_bounds = array<i64: 1>, scalar_prefetch = 0 : i64, scratch_operands = 0 : i64, tpu.core_type = #tpu.core_type<tc>, window_params = [{transform_indices = @transform_0, window_bounds = array<i64: 10000, 1>}, {transform_indices = @transform_1, window_bounds = array<i64: 10000, 1>}, {transform_indices = @transform_2, window_bounds = array<i64: 10000, 128>}, {transform_indices = @transform_3, window_bounds = array<i64: 10000, 1>}, {transform_indices = @transform_4, window_bounds = array<i64: 10000, 128>}]} {
    %get3A = arith.constant 0 : index
    %get3A_0 = arith.constant 0 : index
    %get3A_1 = vector.load %arg1[%get3A, %get3A_0] : memref<10000x1xf32, #tpu.memory_space<vmem>>, vector<10000x1xf32>
    %get3A_2 = arith.constant 0 : index
    %get3A_3 = arith.constant 0 : index
    %get3A_4 = vector.load %arg2[%get3A_2, %get3A_3] : memref<10000x1xf32, #tpu.memory_space<vmem>>, vector<10000x1xf32>
    %add3A = arith.addf %get3A_1, %get3A_4 : vector<10000x1xf32>
    %add3A_5 = arith.constant 1.000000e+00 : f32
    %add3A_6 = vector.broadcast %add3A_5 : f32 to vector<10000x1xf32>
    %add3A_7 = arith.addf %add3A, %add3A_6 : vector<10000x1xf32>
    %rsqrt3A = math.rsqrt %add3A_7 : vector<10000x1xf32>
    %swap3A = arith.constant 0 : index
    %swap3A_8 = arith.constant 0 : index
    %swap3A_9 = vector.load %arg4[%swap3A, %swap3A_8] : memref<10000x1xf32, #tpu.memory_space<vmem>>, vector<10000x1xf32>
    tpu.vector_store %arg4[%swap3A, %swap3A_8], %rsqrt3A {strides = array<i32>} : memref<10000x1xf32, #tpu.memory_space<vmem>>, vector<10000x1xf32>,
    %get3A_10 = arith.constant 0 : index
    %get3A_11 = arith.constant 0 : index
    %get3A_12 = vector.load %arg3[%get3A_10, %get3A_11] : memref<10000x128xf32, #tpu.memory_space<vmem>>, vector<10000x128xf32>
    %mul3A = vector.broadcast %rsqrt3A : vector<10000x1xf32> to vector<10000x128xf32>
    %mul3A_13 = arith.mulf %get3A_12, %mul3A : vector<10000x128xf32>
    %swap3A_14 = arith.constant 0 : index
    %swap3A_15 = arith.constant 0 : index
    %swap3A_16 = vector.load %arg5[%swap3A_14, %swap3A_15] : memref<10000x128xf32, #tpu.memory_space<vmem>>, vector<10000x128xf32>
    tpu.vector_store %arg5[%swap3A_14, %swap3A_15], %mul3A_13 {strides = array<i32>} : memref<10000x128xf32, #tpu.memory_space<vmem>>, vector<10000x128xf32>,
    return
  }
  func.func @transform_0(%arg0: i32) -> (i32, i32) {
    %c0_i32 = arith.constant 0 : i32
    %c0_i32_0 = arith.constant 0 : i32
    return %arg0, %c0_i32 : i32, i32
  }
  func.func @transform_1(%arg0: i32) -> (i32, i32) {
    %c0_i32 = arith.constant 0 : i32
    %c0_i32_0 = arith.constant 0 : i32
    return %arg0, %c0_i32 : i32, i32
  }
  func.func @transform_2(%arg0: i32) -> (i32, i32) {
    %c0_i32 = arith.constant 0 : i32
    %c0_i32_0 = arith.constant 0 : i32
    return %arg0, %c0_i32 : i32, i32
  }
  func.func @transform_3(%arg0: i32) -> (i32, i32) {
    %c0_i32 = arith.constant 0 : i32
    %c0_i32_0 = arith.constant 0 : i32
    return %arg0, %c0_i32 : i32, i32
  }
  func.func @transform_4(%arg0: i32) -> (i32, i32) {
    %c0_i32 = arith.constant 0 : i32
    %c0_i32_0 = arith.constant 0 : i32
    return %arg0, %c0_i32 : i32, i32
  }
}

module attributes {stable_mosaic.version = 14 : i64} {
  func.func @body(%arg0: i32, %arg1: memref<1x10000x128xf32, #tpu.memory_space<vmem>>, %arg2: memref<1x10000x128xf32, #tpu.memory_space<vmem>>, %arg3: memref<10000x128xf32, #tpu.memory_space<vmem>>, %arg4: memref<10000x1xf32, #tpu.memory_space<vmem>>, %arg5: memref<1x128xf32, #tpu.memory_space<vmem>>, %arg6: memref<128x128xf32, #tpu.memory_space<vmem>>, %arg7: memref<10000x128xf32, #tpu.memory_space<vmem>>) attributes {dimension_semantics = [#tpu.dimension_semantics<arbitrary>], iteration_bounds = array<i64: 1>, scalar_prefetch = 0 : i64, scratch_operands = 0 : i64, tpu.core_type = #tpu.core_type<tc>, window_params = [{transform_indices = @transform_0, window_bounds = array<i64: 1, 10000, 128>}, {transform_indices = @transform_1, window_bounds = array<i64: 1, 10000, 128>}, {transform_indices = @transform_2, window_bounds = array<i64: 10000, 128>}, {transform_indices = @transform_3, window_bounds = array<i64: 10000, 1>}, {pipeline_mode = #tpu.pipeline_mode<synchronous>, transform_indices = @transform_4, window_bounds = array<i64: 1, 128>}, {pipeline_mode = #tpu.pipeline_mode<synchronous>, transform_indices = @transform_5, window_bounds = array<i64: 128, 128>}, {transform_indices = @transform_6, window_bounds = array<i64: 10000, 128>}]} {
    %get3A = arith.constant 0 : index
    %get3A_0 = arith.constant 0 : index
    %get3A_1 = vector.load %arg4[%get3A, %get3A_0] : memref<10000x1xf32, #tpu.memory_space<vmem>>, vector<10000x1xf32>
    %get3A_2 = arith.constant 0 : index
    %get3A_3 = arith.constant 0 : index
    %get3A_4 = arith.constant 0 : index
    %get3A_5 = vector.load %arg1[%get3A_2, %get3A_3, %get3A_4] : memref<1x10000x128xf32, #tpu.memory_space<vmem>>, vector<1x10000x128xf32>
    %get3A_6 = vector.shape_cast %get3A_5 : vector<1x10000x128xf32> to vector<10000x128xf32>
    %get3A_7 = arith.constant 0 : index
    %get3A_8 = arith.constant 0 : index
    %get3A_9 = arith.constant 0 : index
    %get3A_10 = vector.load %arg2[%get3A_7, %get3A_8, %get3A_9] : memref<1x10000x128xf32, #tpu.memory_space<vmem>>, vector<1x10000x128xf32>
    %get3A_11 = vector.shape_cast %get3A_10 : vector<1x10000x128xf32> to vector<10000x128xf32>
    %add3A = arith.addf %get3A_6, %get3A_11 : vector<10000x128xf32>
    %get3A_12 = arith.constant 0 : index
    %get3A_13 = arith.constant 0 : index
    %get3A_14 = vector.load %arg3[%get3A_12, %get3A_13] : memref<10000x128xf32, #tpu.memory_space<vmem>>, vector<10000x128xf32>
    %add3A_15 = arith.addf %add3A, %get3A_14 : vector<10000x128xf32>
    %mul3A = vector.broadcast %get3A_1 : vector<10000x1xf32> to vector<10000x128xf32>
    %mul3A_16 = arith.mulf %mul3A, %add3A_15 : vector<10000x128xf32>
    %get3A_17 = arith.constant 0 : index
    %get3A_18 = arith.constant 0 : index
    %get3A_19 = vector.load %arg5[%get3A_17, %get3A_18] : memref<1x128xf32, #tpu.memory_space<vmem>>, vector<1x128xf32>
    %add3A_20 = vector.broadcast %get3A_19 : vector<1x128xf32> to vector<10000x128xf32>
    %add3A_21 = arith.addf %mul3A_16, %add3A_20 : vector<10000x128xf32>
    %max3A = arith.constant 0.000000e+00 : f32
    %max3A_22 = vector.broadcast %max3A : f32 to vector<10000x128xf32>
    %max3A_23 = arith.maximumf %add3A_21, %max3A_22 : vector<10000x128xf32>
    %get3A_24 = arith.constant 0 : index
    %get3A_25 = arith.constant 0 : index
    %get3A_26 = vector.load %arg6[%get3A_24, %get3A_25] : memref<128x128xf32, #tpu.memory_space<vmem>>, vector<128x128xf32>
    %dot_general3A = arith.constant dense<0.000000e+00> : vector<10000x128xf32>
    %dot_general3A_27 = tpu.matmul %max3A_23, %get3A_26, %dot_general3A {dimension_numbers = #tpu.dot_dimension_numbers<[1], [0], [0], [1], [0, 0, 1, 1], [], []>, transpose_lhs_hint = false} : vector<10000x128xf32>, vector<128x128xf32>, vector<10000x128xf32> -> vector<10000x128xf32>
    %get3A_28 = arith.constant 0 : index
    %get3A_29 = arith.constant 0 : index
    %get3A_30 = vector.load %arg4[%get3A_28, %get3A_29] : memref<10000x1xf32, #tpu.memory_space<vmem>>, vector<10000x1xf32>
    %mul3A_31 = vector.broadcast %get3A_30 : vector<10000x1xf32> to vector<10000x128xf32>
    %mul3A_32 = arith.mulf %dot_general3A_27, %mul3A_31 : vector<10000x128xf32>
    %swap3A = arith.constant 0 : index
    %swap3A_33 = arith.constant 0 : index
    %swap3A_34 = vector.load %arg7[%swap3A, %swap3A_33] : memref<10000x128xf32, #tpu.memory_space<vmem>>, vector<10000x128xf32>
    tpu.vector_store %arg7[%swap3A, %swap3A_33], %mul3A_32 {strides = array<i32>} : memref<10000x128xf32, #tpu.memory_space<vmem>>, vector<10000x128xf32>,
    return
  }
  func.func @transform_0(%arg0: i32) -> (i32, i32, i32) {
    %c0_i32 = arith.constant 0 : i32
    %c0_i32_0 = arith.constant 0 : i32
    %c0_i32_1 = arith.constant 0 : i32
    return %c0_i32, %arg0, %c0_i32_0 : i32, i32, i32
  }
  func.func @transform_1(%arg0: i32) -> (i32, i32, i32) {
    %c1_i32 = arith.constant 1 : i32
    %c0_i32 = arith.constant 0 : i32
    %c0_i32_0 = arith.constant 0 : i32
    return %c1_i32, %arg0, %c0_i32 : i32, i32, i32
  }
  func.func @transform_2(%arg0: i32) -> (i32, i32) {
    %c0_i32 = arith.constant 0 : i32
    %c0_i32_0 = arith.constant 0 : i32
    return %arg0, %c0_i32 : i32, i32
  }
  func.func @transform_3(%arg0: i32) -> (i32, i32) {
    %c0_i32 = arith.constant 0 : i32
    %c0_i32_0 = arith.constant 0 : i32
    return %arg0, %c0_i32 : i32, i32
  }
  func.func @transform_4(%arg0: i32) -> (i32, i32) {
    %c0_i32 = arith.constant 0 : i32
    %c0_i32_0 = arith.constant 0 : i32
    %c0_i32_1 = arith.constant 0 : i32
    return %c0_i32, %c0_i32_0 : i32, i32
  }
  func.func @transform_5(%arg0: i32) -> (i32, i32) {
    %c0_i32 = arith.constant 0 : i32
    %c0_i32_0 = arith.constant 0 : i32
    %c0_i32_1 = arith.constant 0 : i32
    return %c0_i32, %c0_i32_0 : i32, i32
  }
  func.func @transform_6(%arg0: i32) -> (i32, i32) {
    %c0_i32 = arith.constant 0 : i32
    %c0_i32_0 = arith.constant 0 : i32
    return %arg0, %c0_i32 : i32, i32
  }
}

module attributes {stable_mosaic.version = 14 : i64} {
  func.func @body(%arg0: i32, %arg1: memref<1x10000x128xf32, #tpu.memory_space<vmem>>, %arg2: memref<1x10000x128xf32, #tpu.memory_space<vmem>>, %arg3: memref<10000x128xf32, #tpu.memory_space<vmem>>, %arg4: memref<10000x1xf32, #tpu.memory_space<vmem>>, %arg5: memref<1x128xf32, #tpu.memory_space<vmem>>, %arg6: memref<128x1xf32, #tpu.memory_space<vmem>>, %arg7: memref<10000x1xf32, #tpu.memory_space<vmem>>) attributes {dimension_semantics = [#tpu.dimension_semantics<arbitrary>], iteration_bounds = array<i64: 1>, scalar_prefetch = 0 : i64, scratch_operands = 0 : i64, tpu.core_type = #tpu.core_type<tc>, window_params = [{transform_indices = @transform_0, window_bounds = array<i64: 1, 10000, 128>}, {transform_indices = @transform_1, window_bounds = array<i64: 1, 10000, 128>}, {transform_indices = @transform_2, window_bounds = array<i64: 10000, 128>}, {transform_indices = @transform_3, window_bounds = array<i64: 10000, 1>}, {pipeline_mode = #tpu.pipeline_mode<synchronous>, transform_indices = @transform_4, window_bounds = array<i64: 1, 128>}, {pipeline_mode = #tpu.pipeline_mode<synchronous>, transform_indices = @transform_5, window_bounds = array<i64: 128, 1>}, {transform_indices = @transform_6, window_bounds = array<i64: 10000, 1>}]} {
    %get3A = arith.constant 0 : index
    %get3A_0 = arith.constant 0 : index
    %get3A_1 = vector.load %arg4[%get3A, %get3A_0] : memref<10000x1xf32, #tpu.memory_space<vmem>>, vector<10000x1xf32>
    %get3A_2 = arith.constant 0 : index
    %get3A_3 = arith.constant 0 : index
    %get3A_4 = arith.constant 0 : index
    %get3A_5 = vector.load %arg1[%get3A_2, %get3A_3, %get3A_4] : memref<1x10000x128xf32, #tpu.memory_space<vmem>>, vector<1x10000x128xf32>
    %get3A_6 = vector.shape_cast %get3A_5 : vector<1x10000x128xf32> to vector<10000x128xf32>
    %get3A_7 = arith.constant 0 : index
    %get3A_8 = arith.constant 0 : index
    %get3A_9 = arith.constant 0 : index
    %get3A_10 = vector.load %arg2[%get3A_7, %get3A_8, %get3A_9] : memref<1x10000x128xf32, #tpu.memory_space<vmem>>, vector<1x10000x128xf32>
    %get3A_11 = vector.shape_cast %get3A_10 : vector<1x10000x128xf32> to vector<10000x128xf32>
    %add3A = arith.addf %get3A_6, %get3A_11 : vector<10000x128xf32>
    %get3A_12 = arith.constant 0 : index
    %get3A_13 = arith.constant 0 : index
    %get3A_14 = vector.load %arg3[%get3A_12, %get3A_13] : memref<10000x128xf32, #tpu.memory_space<vmem>>, vector<10000x128xf32>
    %add3A_15 = arith.addf %add3A, %get3A_14 : vector<10000x128xf32>
    %mul3A = vector.broadcast %get3A_1 : vector<10000x1xf32> to vector<10000x128xf32>
    %mul3A_16 = arith.mulf %mul3A, %add3A_15 : vector<10000x128xf32>
    %get3A_17 = arith.constant 0 : index
    %get3A_18 = arith.constant 0 : index
    %get3A_19 = vector.load %arg5[%get3A_17, %get3A_18] : memref<1x128xf32, #tpu.memory_space<vmem>>, vector<1x128xf32>
    %add3A_20 = vector.broadcast %get3A_19 : vector<1x128xf32> to vector<10000x128xf32>
    %add3A_21 = arith.addf %mul3A_16, %add3A_20 : vector<10000x128xf32>
    %max3A = arith.constant 0.000000e+00 : f32
    %max3A_22 = vector.broadcast %max3A : f32 to vector<10000x128xf32>
    %max3A_23 = arith.maximumf %add3A_21, %max3A_22 : vector<10000x128xf32>
    %get3A_24 = arith.constant 0 : index
    %get3A_25 = arith.constant 0 : index
    %get3A_26 = vector.load %arg6[%get3A_24, %get3A_25] : memref<128x1xf32, #tpu.memory_space<vmem>>, vector<128x1xf32>
    %dot_general3A = arith.constant dense<0.000000e+00> : vector<10000x1xf32>
    %dot_general3A_27 = tpu.matmul %max3A_23, %get3A_26, %dot_general3A {dimension_numbers = #tpu.dot_dimension_numbers<[1], [0], [0], [1], [0, 0, 1, 1], [], []>, transpose_lhs_hint = false} : vector<10000x128xf32>, vector<128x1xf32>, vector<10000x1xf32> -> vector<10000x1xf32>
    %get3A_28 = arith.constant 0 : index
    %get3A_29 = arith.constant 0 : index
    %get3A_30 = vector.load %arg4[%get3A_28, %get3A_29] : memref<10000x1xf32, #tpu.memory_space<vmem>>, vector<10000x1xf32>
    %mul3A_31 = arith.mulf %dot_general3A_27, %get3A_30 : vector<10000x1xf32>
    %swap3A = arith.constant 0 : index
    %swap3A_32 = arith.constant 0 : index
    %swap3A_33 = vector.load %arg7[%swap3A, %swap3A_32] : memref<10000x1xf32, #tpu.memory_space<vmem>>, vector<10000x1xf32>
    tpu.vector_store %arg7[%swap3A, %swap3A_32], %mul3A_31 {strides = array<i32>} : memref<10000x1xf32, #tpu.memory_space<vmem>>, vector<10000x1xf32>,
    return
  }
  func.func @transform_0(%arg0: i32) -> (i32, i32, i32) {
    %c0_i32 = arith.constant 0 : i32
    %c0_i32_0 = arith.constant 0 : i32
    %c0_i32_1 = arith.constant 0 : i32
    return %c0_i32, %arg0, %c0_i32_0 : i32, i32, i32
  }
  func.func @transform_1(%arg0: i32) -> (i32, i32, i32) {
    %c1_i32 = arith.constant 1 : i32
    %c0_i32 = arith.constant 0 : i32
    %c0_i32_0 = arith.constant 0 : i32
    return %c1_i32, %arg0, %c0_i32 : i32, i32, i32
  }
  func.func @transform_2(%arg0: i32) -> (i32, i32) {
    %c0_i32 = arith.constant 0 : i32
    %c0_i32_0 = arith.constant 0 : i32
    return %arg0, %c0_i32 : i32, i32
  }
  func.func @transform_3(%arg0: i32) -> (i32, i32) {
    %c0_i32 = arith.constant 0 : i32
    %c0_i32_0 = arith.constant 0 : i32
    return %arg0, %c0_i32 : i32, i32
  }
  func.func @transform_4(%arg0: i32) -> (i32, i32) {
    %c0_i32 = arith.constant 0 : i32
    %c0_i32_0 = arith.constant 0 : i32
    %c0_i32_1 = arith.constant 0 : i32
    return %c0_i32, %c0_i32_0 : i32, i32
  }
  func.func @transform_5(%arg0: i32) -> (i32, i32) {
    %c0_i32 = arith.constant 0 : i32
    %c0_i32_0 = arith.constant 0 : i32
    %c0_i32_1 = arith.constant 0 : i32
    return %c0_i32, %c0_i32_0 : i32, i32
  }
  func.func @transform_6(%arg0: i32) -> (i32, i32) {
    %c0_i32 = arith.constant 0 : i32
    %c0_i32_0 = arith.constant 0 : i32
    return %arg0, %c0_i32 : i32, i32
  }
}

module attributes {stable_mosaic.version = 14 : i64} {
  func.func @body(%arg0: i32, %arg1: memref<10000x1xf32, #tpu.memory_space<vmem>>, %arg2: memref<10000x1xf32, #tpu.memory_space<vmem>>, %arg3: memref<10000x1xf32, #tpu.memory_space<vmem>>, %arg4: memref<10000x1xf32, #tpu.memory_space<vmem>>, %arg5: memref<1x1xf32, #tpu.memory_space<vmem>>, %arg6: memref<10000x1xf32, #tpu.memory_space<vmem>>) attributes {dimension_semantics = [#tpu.dimension_semantics<arbitrary>], iteration_bounds = array<i64: 1>, scalar_prefetch = 0 : i64, scratch_operands = 0 : i64, tpu.core_type = #tpu.core_type<tc>, window_params = [{pipeline_mode = #tpu.pipeline_mode<synchronous>, transform_indices = @transform_0, window_bounds = array<i64: 10000, 1>}, {pipeline_mode = #tpu.pipeline_mode<synchronous>, transform_indices = @transform_1, window_bounds = array<i64: 10000, 1>}, {pipeline_mode = #tpu.pipeline_mode<synchronous>, transform_indices = @transform_2, window_bounds = array<i64: 10000, 1>}, {pipeline_mode = #tpu.pipeline_mode<synchronous>, transform_indices = @transform_3, window_bounds = array<i64: 10000, 1>}, {pipeline_mode = #tpu.pipeline_mode<synchronous>, transform_indices = @transform_4, window_bounds = array<i64: 1, 1>}, {pipeline_mode = #tpu.pipeline_mode<synchronous>, transform_indices = @transform_5, window_bounds = array<i64: 10000, 1>}]} {
    %get3A = arith.constant 0 : index
    %get3A_0 = arith.constant 0 : index
    %get3A_1 = vector.load %arg4[%get3A, %get3A_0] : memref<10000x1xf32, #tpu.memory_space<vmem>>, vector<10000x1xf32>
    %get3A_2 = arith.constant 0 : index
    %get3A_3 = arith.constant 0 : index
    %get3A_4 = vector.load %arg1[%get3A_2, %get3A_3] : memref<10000x1xf32, #tpu.memory_space<vmem>>, vector<10000x1xf32>
    %get3A_5 = arith.constant 0 : index
    %get3A_6 = arith.constant 0 : index
    %get3A_7 = vector.load %arg2[%get3A_5, %get3A_6] : memref<10000x1xf32, #tpu.memory_space<vmem>>, vector<10000x1xf32>
    %add3A = arith.addf %get3A_4, %get3A_7 : vector<10000x1xf32>
    %get3A_8 = arith.constant 0 : index
    %get3A_9 = arith.constant 0 : index
    %get3A_10 = vector.load %arg3[%get3A_8, %get3A_9] : memref<10000x1xf32, #tpu.memory_space<vmem>>, vector<10000x1xf32>
    %add3A_11 = arith.addf %add3A, %get3A_10 : vector<10000x1xf32>
    %mul3A = arith.mulf %get3A_1, %add3A_11 : vector<10000x1xf32>
    %get3A_12 = arith.constant 0 : index
    %get3A_13 = arith.constant 0 : index
    %get3A_14 = vector.load %arg5[%get3A_12, %get3A_13] : memref<1x1xf32, #tpu.memory_space<vmem>>, vector<1x1xf32>
    %add3A_15 = vector.broadcast %get3A_14 : vector<1x1xf32> to vector<10000x1xf32>
    %add3A_16 = arith.addf %mul3A, %add3A_15 : vector<10000x1xf32>
    %swap3A = arith.constant 0 : index
    %swap3A_17 = arith.constant 0 : index
    %swap3A_18 = vector.load %arg6[%swap3A, %swap3A_17] : memref<10000x1xf32, #tpu.memory_space<vmem>>, vector<10000x1xf32>
    tpu.vector_store %arg6[%swap3A, %swap3A_17], %add3A_16 {strides = array<i32>} : memref<10000x1xf32, #tpu.memory_space<vmem>>, vector<10000x1xf32>,
    return
  }
  func.func @transform_0(%arg0: i32) -> (i32, i32) {
    %c0_i32 = arith.constant 0 : i32
    %c0_i32_0 = arith.constant 0 : i32
    %c0_i32_1 = arith.constant 0 : i32
    return %c0_i32, %c0_i32_0 : i32, i32
  }
  func.func @transform_1(%arg0: i32) -> (i32, i32) {
    %c0_i32 = arith.constant 0 : i32
    %c0_i32_0 = arith.constant 0 : i32
    %c0_i32_1 = arith.constant 0 : i32
    return %c0_i32, %c0_i32_0 : i32, i32
  }
  func.func @transform_2(%arg0: i32) -> (i32, i32) {
    %c0_i32 = arith.constant 0 : i32
    %c0_i32_0 = arith.constant 0 : i32
    %c0_i32_1 = arith.constant 0 : i32
    return %c0_i32, %c0_i32_0 : i32, i32
  }
  func.func @transform_3(%arg0: i32) -> (i32, i32) {
    %c0_i32 = arith.constant 0 : i32
    %c0_i32_0 = arith.constant 0 : i32
    %c0_i32_1 = arith.constant 0 : i32
    return %c0_i32, %c0_i32_0 : i32, i32
  }
  func.func @transform_4(%arg0: i32) -> (i32, i32) {
    %c0_i32 = arith.constant 0 : i32
    %c0_i32_0 = arith.constant 0 : i32
    %c0_i32_1 = arith.constant 0 : i32
    return %c0_i32, %c0_i32_0 : i32, i32
  }
  func.func @transform_5(%arg0: i32) -> (i32, i32) {
    %c0_i32 = arith.constant 0 : i32
    %c0_i32_0 = arith.constant 0 : i32
    %c0_i32_1 = arith.constant 0 : i32
    return %c0_i32, %c0_i32_0 : i32, i32
  }
}

</mosaic_0001>

<sc_bundles>
// kernel: kernel.11.cloned.1.call-start
scs
__scs_entry_jumppad:
0x0: {  	(pc) =	sbr.rel $0x88, $3  }
0x1: {  	(tag) =	ssettag $0x0;
	lr =	simm.s32 $0x1  }
0x2: {  	[smem:$0x3F99] =	sst lr;
	_ =	strace $0xD0000000  }
0x3: {  	_ = 	snop  }
0x4: {  	_ = 	snop  }
0x5: {  	_ = 	snop  }
0x6: {  	_ = 	snop  }
0x7: {  	_ = 	snop  }
__scs_overlays_trampoline_lowered:
0x8: {  	[smem:$0x3FA8] =	sst s0  }
0x9: {  	[smem:$0x3FA9] =	sst s1  }
0xa: {  	[smem:$0x3FAA] =	sst s2  }
0xb: {  	[smem:$0x3FAB] =	sst s3  }
0xc: {  	[smem:$0x3FAC] =	sst s4  }
0xd: {  	[smem:$0x3FAD] =	sst s5  }
0xe: {  	[smem:$0x3FAE] =	sst s6  }
0xf: {  	[smem:$0x3FAF] =	sst s7  }
0x10: {  	[smem:$0x3FB0] =	sst s8  }
0x11: {  	[smem:$0x3FB1] =	sst s9;
	s0 =	simm.s32 @!p0 $0x0  }
0x12: {  	s1 =	sld [smem:$0x3F97];
	s0 =	simm.s32 @p0 $0x1  }
0x13: {  	[smem:$0x3FB2] =	sst s0;
	s0 =	simm.s32 @!p1 $0x0  }
0x14: {  	s2 =	sld [smem:$0x3F96];
	s0 =	simm.s32 @p1 $0x1  }
0x15: {  	[smem:$0x3FB3] =	sst s0;
	s0 =	simm.s32 @!p2 $0x0  }
0x16: {  	s3 =	sld [smem:$0x3FDB];
	s0 =	simm.s32 @p2 $0x1  }
0x17: {  	s4 =	simm.s32 $0x1BF5;
	[smem:$0x3FB5] =	sst s0  }
0x18: {  	s0 =	sld [smem:$0x3F98];
	_ =	swait.ge [sflag:s4], $0x0  }
0x19: {  	s7 =	sld [smem:$0x3F99]  }
0x1a: {  	s8 =	sadd.s32 $0xFFFFE003, lr  }
0x1b: {  	s9 =	sadd.s32 $0xFFFFFEF7, lr;
	s5 =	simm.s32 $0xFFFFFFFF;
	p2 =	slt.u32 s8, $0xFFFFF086  }
0x1c: {  	p1 =	slt.u32 s9, $0xF7A;
	s5 =	simm.s32 @!p2 $0x0  }
0x1d: {  	s5 =	simm.s32 @p1 $0x1;
	p0 =	seq.s32 s7, s2  }
0x1e: {  	s7 =	smul.u32 @!p0 $0xF7A, s2;
	p2 =	seq.s32 @!p0 s5, $0x0  }
0x1f: {  	s9 =	smul.u32 $0xF7A, s1;
	s8 =	simm.s32 @!p0 $0x1BF5;
	p2 =	por !p2, p0  }
0x20: {  	[sflag:s8] =	ssyncset.s32 @!p0 $0xFFFFF086;
	s6 =	sadd.s32 @!p0 s3, s7;
	s7 =	simm.s32 @!p0 $0x108  }
0x21: {  	s3 =	sadd.s32 s3, s9;
	s6 =	sadd.s32 @!p0 $0x88, s6;
	s7 =	simm.s32 @p2 $0x1082  }
0x22: {  	[simem:s7], [sflag:s8] =	dma.local @!p0 [hbm:s6], $0xF7A  }
0x23: {  	s9 =	sor.u32 $0xD0000000, s2;
	s6 =	simm.s32 $0x108;
	_ =	swait.ge @!p0 [sflag:s8], $0x0  }
0x24: {  	s3 =	sadd.s32 $0x88, s3;
	s6 =	simm.s32 @!p1 $0x1082;
	[sflag:s4] =	ssyncset.s32 $0xFFFFF086  }
0x25: {  	[simem:s6], [sflag:s4] =	dma.local [hbm:s3], $0xF7A  }
0x26: {  	[smem:$0x3F99] =	sst s1;
	(tag) =	ssettag s2;
	_ =	strace s9  }
0x27: {  	s1 =	sld [smem:$0x3FA9]  }
0x28: {  	s2 =	sld [smem:$0x3FAA]  }
0x29: {  	s4 =	sld [smem:$0x3FAC]  }
0x2a: {  	p0 =	seq.s32 s5, $0x0;
	s5 =	sld [smem:$0x3FAD]  }
0x2b: {  	s6 =	sld [smem:$0x3FAE]  }
0x2c: {  	s7 =	sld [smem:$0x3FAF]  }
0x2d: {  	s3 =	simm.s32 $0x108;
	s8 =	sld [smem:$0x3FB0]  }
0x2e: {  	s3 =	simm.s32 @!p0 $0x1082;
	s9 =	sld [smem:$0x3FB1]  }
0x2f: {  	lr =	sadd.s32 s0, s3;
	s0 =	sld [smem:$0x3FA8]  }
0x30: {  	s3 =	sld [smem:$0x3FAB]  }
0x31: {  	[smem:$0x3FB4] =	sst s10  }
0x32: {  	s10 =	sld [smem:$0x3FB2];
	_ =	sdelay $0x3  }
0x33: {  	p0 =	seq.s32 s10, $0x1;
	s10 =	sld [smem:$0x3FB4];
	_ =	sdelay $0x3  }
0x34: {  	[smem:$0x3FB4] =	sst s10  }
0x35: {  	s10 =	sld [smem:$0x3FB3];
	_ =	sdelay $0x3  }
0x36: {  	p1 =	seq.s32 s10, $0x1;
	s10 =	sld [smem:$0x3FB4];
	_ =	sdelay $0x3  }
0x37: {  	[smem:$0x3FB4] =	sst s10  }
0x38: {  	s10 =	sld [smem:$0x3FB5]  }
0x39: {  	_ = 	snop;
	(pc) =	sbr.ind lr, $3  }
0x3a: {  	_ = 	snop  }
0x3b: {  	_ = 	snop  }
0x3c: {  	p2 =	seq.s32 s10, $0x1;
	s10 =	sld [smem:$0x3FB4]  }
0x3d: {  	_ =	shalt  }
0x3e: {  	_ =	shalt  }
0x3f: {  	_ =	shalt  }
0x40: {  	_ =	shalt  }
0x41: {  	_ =	shalt  }
0x42: {  	_ =	shalt  }
0x43: {  	_ =	shalt  }
0x44: {  	_ =	shalt  }
0x45: {  	_ =	shalt  }
0x46: {  	_ =	shalt  }
0x47: {  	_ =	shalt  }
0x48: {  	_ =	shalt  }
0x49: {  	_ =	shalt  }
0x4a: {  	_ =	shalt  }
0x4b: {  	_ =	shalt  }
0x4c: {  	_ =	shalt  }
0x4d: {  	_ =	shalt  }
0x4e: {  	_ =	shalt  }
0x4f: {  	_ =	shalt  }
0x50: {  	_ =	shalt  }
0x51: {  	_ =	shalt  }
0x52: {  	_ =	shalt  }
0x53: {  	_ =	shalt  }
0x54: {  	_ =	shalt  }
0x55: {  	_ =	shalt  }
0x56: {  	_ =	shalt  }
0x57: {  	_ =	shalt  }
0x58: {  	_ =	shalt  }
0x59: {  	_ =	shalt  }
0x5a: {  	_ =	shalt  }
0x5b: {  	_ =	shalt  }
0x5c: {  	_ =	shalt  }
0x5d: {  	_ =	shalt  }
0x5e: {  	_ =	shalt  }
0x5f: {  	_ =	shalt  }
0x60: {  	_ =	shalt  }
0x61: {  	_ =	shalt  }
0x62: {  	_ =	shalt  }
0x63: {  	_ =	shalt  }
0x64: {  	_ =	shalt  }
0x65: {  	_ =	shalt  }
0x66: {  	_ =	shalt  }
0x67: {  	_ =	shalt  }
0x68: {  	_ =	shalt  }
0x69: {  	_ =	shalt  }
0x6a: {  	_ =	shalt  }
0x6b: {  	_ =	shalt  }
0x6c: {  	_ =	shalt  }
0x6d: {  	_ =	shalt  }
0x6e: {  	_ =	shalt  }
0x6f: {  	_ =	shalt  }
0x70: {  	_ =	shalt  }
0x71: {  	_ =	shalt  }
0x72: {  	_ =	shalt  }
0x73: {  	_ =	shalt  }
0x74: {  	_ =	shalt  }
0x75: {  	_ =	shalt  }
0x76: {  	_ =	shalt  }
0x77: {  	_ =	shalt  }
0x78: {  	_ =	shalt  }
0x79: {  	_ =	shalt  }
0x7a: {  	_ =	shalt  }
0x7b: {  	_ =	shalt  }
0x7c: {  	_ =	shalt  }
0x7d: {  	_ =	shalt  }
0x7e: {  	_ =	shalt  }
0x7f: {  	_ =	shalt  }
0x80: {  	_ =	shalt  }
0x81: {  	_ =	shalt  }
0x82: {  	_ =	shalt  }
0x83: {  	_ =	shalt  }
0x84: {  	_ =	shalt  }
0x85: {  	_ =	shalt  }
0x86: {  	_ =	shalt  }
0x87: {  	_ =	shalt  }
.Lfunc_end0:
.L_simem_size_0:
called_computation_lowered:
.L_overlay_start_0:
0x88: {  	s2 =	sld [smem:$0x3FD9]  }
0x89: {  	s3 =	sld [smem:$0x3FFE];
	_ =	sdelay $0x1  }
0x8a: {  	s1 =	srdreg.scid  }
0x8b: {  	s0 =	sand.u32 $0x1, s1  }
0x8c: {  	s16 =	sshll.u32 s0, $0xA;
	s2 =	sadd.s32 s3, s2  }
0x8d: {  	s2 =	sadd.s32 s2, s16  }
0x8e: {  	[smem:$0x3FC0] =	sst s2  }
0x8f: {  	_ = 	snop  }
0x90: {  	(tm) =	ssettm $0x1  }
0x91: {  	s17 =	sld [smem:$0x3FFB];
	_ =	sdelay $0x3  }
0x92: {  	_ =	strace s17  }
0x93: {  	s2 =	sld [smem:$0x3FFC];
	_ =	sdelay $0x3  }
0x94: {  	_ =	strace s2  }
0x95: {  	s2 =	sld [smem:$0x3FFD];
	_ =	sdelay $0x3  }
0x96: {  	_ =	strace s2  }
0x97: {  	_ =	strace $0x8FFFFFFF  }
0x98: {  	s18 =	sld [smem:$0x3FDB];
	_ =	sdelay $0x1  }
0x99: {  	s19 =	simm.s32 $_scs_section_size  }
0x9a: {  	s4 =	simm.s32 $_size__tile_overlayer_lowered;
	s5 =	simm.s32 $_tile_overlayer_lowered  }
0x9b: {  	s22 =	simm.s32 $0x1BFF;
	s21 =	sshll.u32 s5, $0x1;
	s2 =	sadd.s32 s19, s18  }
0x9c: {  	s6 =	simm.s32 $0x0;
	s20 =	sshll.u32 s4, $0x1;
	s4 =	sadd.s32 s21, s2  }
0x9d: {  	[timem:s6], [sflag:s22] =	dma.local [hbm:s4], s20  }
0x9e: {  	_ =	swait.ge [sflag:s22], s20  }
0x9f: {  	s3 =	ssub.s32 $0x0, s20;
	[sflag:s22] =	ssyncset.done $0x0  }
0xa0: {  	[sflag:s22] =	ssyncadd.s32 s3;
	_ =	sdelay $0x1  }
0xa1: {  	s23 =	simm.s32 $0x1B8B  }
0xa2: {  	_ =	swait.ge [sflag:s23], $0x1  }
0xa3: {  	[sflag:s23] =	ssyncset.done $0x0  }
0xa4: {  	s25 =	simm.s32 $0x1B8E;
	s24 =	sld [smem:$0x3FFE];
	[sflag:s23] =	ssyncadd.s32 $0xFFFFFFFF  }
0xa5: {  	s26 =	simm.s32 $execute0_lowered;
	[smem:$0x3FD2] =	sst s25  }
0xa6: {  	s4 =	sshll.u32 s26, $0x1;
	_ =	strace $0x80000046;
	[dreg:$0x1] =	wrdreg $0xFFFFFFFF  }
0xa7: {  	s28 =	simm.s32 $_size_execute0_lowered;
	s2 =	sadd.s32 s2, s4;
	[dreg:$0x0] =	wrdreg $0x0  }
0xa8: {  	s4 =	sshll.u32 s28, $0x1;
	[dreg:$0x2] =	wrdreg s2  }
0xa9: {  	[dreg:$0x3] =	wrdreg s4  }
0xaa: {  	[dreg:$0x4] =	wrdreg $0xC0  }
0xab: {  	_ =	task [dreg:s6], $0x5FFFF  }
0xac: {  	[dreg:$0x1] =	wrdreg $0xFFFFFFFF  }
0xad: {  	[dreg:$0x0] =	wrdreg $0x60  }
0xae: {  	[dreg:$0x2] =	wrdreg s24  }
0xaf: {  	[dreg:$0x3] =	wrdreg $0x7B200  }
0xb0: {  	[dreg:$0x4] =	wrdreg $0x9  }
0xb1: {  	_ =	task.clear_ibuf [dreg:s6], $0x5FFFF;
	_ =	strace $0x90000046  }
0xb2: {  	s29 =	simm.s32 $0x9;
	_ =	strace $0x80000048  }
0xb3: {  	_ =	swait.ge [sflag:s29], $0x1  }
0xb4: {  	[sflag:s29] =	ssyncadd.s32 $0xFFFFFFFF  }
0xb5: {  	_ =	strace $0x90000048  }
0xb6: {  	_ =	sfence  }
0xb7: {  	s30 =	sld [smem:$0x0];
	_ =	sdelay $0x2  }
0xb8: {  	s31 =	sshll.u32 s1, $0xD;
	s1 =	sshrl.u32 s1, $0x2  }
0xb9: {  	s3 =	sand.u32 $0x4000, s31;
	s1 =	sadd.s32 s1, s30  }
0xba: {  	s0 =	sor.u32 s3, s0;
	s1 =	sshll.u32 s1, $0x11  }
0xbb: {  	s0 =	sor.u32 s1, s0  }
0xbc: {  	s0 =	sadd.s32 $0x8F2B, s0  }
0xbd: {  	[sflag:s0] =	ssyncadd.remote.s32 $0x1  }
0xbe: {  	_ =	sfence.sel $0xFFFF  }
0xbf: {  	[dreg:$0x0] =	wrdreg $0xFFFFFFFF;
	(pc) =	sbr.abs _section_cstart, $3  }
0xc0: {  	[dreg:$0x1] =	wrdreg $0xFFFFFFFF  }
0xc1: {  	_ =	task.clear_ibuf [dreg:s6], $0x2FFFF;
	_ =	strace $0x9FFFFFFF  }
0xc2: {  	(tm) =	ssettm $0x7FFFFFFF  }
0xc3: {  	_ =	shalt  }
tec
execute0_lowered:
.L_overlay_start_1:
0x0: {  	(tag) =	ssettag $0x1  }
0x1: {  	s0 =	srdreg.scid;
	s3 =	rddreg [dreg:$0x0]  }
0x2: {  	s26 =	stileid.u32;
	s6 =	rddreg [dreg:$0x1];
	s24 =	simm.s32 $0x2800  }
0x3: {  	s25 =	simm.s32 $0x1;
	s28 =	simm.s32 $0x7620;
	s29 =	simm.s32 $0x78A0  }
0x4: {  	s30 =	simm.s32 $0x0;
	s1 =	sand.u32 $0x1, s0;
	s9 =	smul.u32 $0xA000, s26  }
0x5: {  	s2 =	sshll.u32 s1, $0x4;
	s7 =	smul.u32 $0x2800, s1;
	s1 =	ssub.s32 $0x2, s1  }
0x6: {  	s5 =	smul.u32 $0x280, s26;
	s2 =	sor.u32 s26, s2;
	s8 =	sshrl.u32 s1, $0x1  }
0x7: {  	s31 =	sshrl.u32 s9, $0x2;
	s26 =	simm.s32 $0x4F10;
	s4 =	smul.u32 $0x2710, s2  }
0x8: {  	s2 =	simm.s32 $0x0;
	s7 =	sadd.s32 s5, s7;
	s1 =	ssub.s32 s1, s8  }
0x9: {  	s5 =	sadd.s32 s5, s6;
	s6 =	sadd.s32 s31, s6;
	[smem:$0x7FF] =	sst s2  }
0xa: {  	s7 =	sshrl.u32 s7, $0x3;
	s8 =	sadd.s32 $0x5000, s5;
	s9 =	sadd.s32 $0x7800, s5  }
0xb: {  	s10 =	sadd.s32 $0xA000, s5;
	s11 =	sadd.s32 $0xC800, s5;
	s12 =	sadd.s32 $0xF000, s5  }
0xc: {  	s13 =	sadd.s32 $0x11800, s5;
	s14 =	sadd.s32 $0x14000, s5;
	s15 =	sadd.s32 $0x16800, s5  }
0xd: {  	s16 =	sadd.s32 $0x19000, s5;
	s17 =	sadd.s32 $0x1B800, s5;
	s18 =	sadd.s32 $0x1E000, s5  }
0xe: {  	s19 =	sadd.s32 $0x20800, s5;
	s20 =	sadd.s32 $0x23000, s5;
	s21 =	sadd.s32 $0x25800, s5  }
0xf: {  	s23 =	smax.u32 s1, $0x1;
	_ =	strace $0x80000047;
	s4 =	sshrl.u32 s4, $0x3  }
0x10: {  	s22 =	sadd.s32 s7, s3;
	s7 =	sadd.s32 $0x2800, s5;
	s4 =	sadd.s32 s4, s3  }
0x11: {  	v0 =	vimm.f32 $0.0e+00;
	v1 =	vimm.f32 $1.000000000e+00;
	s22 =	sadd.s32 $0x16C00, s22;
	s3 =	sadd.s32 $0x3200, s4;
	s4 =	sadd.s32 $0xCE40, s4  }
.LBB2_1:
0x12: {  	s1 =	simm.s32 $0x40;
	s31 =	simm.s32 $0x0  }
.LBB2_2:
0x13: {  	p0 =	sne.s32 s1, $0x9FC0;
	[tilespmem:s31+$0x0] =	vst v0;
	s31 =	smov.u32 s1;
	s1 =	sadd.s32 $0x40, s1  }
.Ltmp0:
0x14: {  	(pc) =	sbr.rel @p0 .LBB2_2-.Ltmp0, $2  }
0x15: {  	_ =	sdelay $0x2  }
0x16: {  	s31 =	sshra.s32 s31, $0x2  }
0x17: {  	[tilespmem:s31+$0x0] =	vst v0  }
0x18: {  	[tilespmem:s24], [sflag:$0x1] =	stream.linear.gather [hbm4b:s3+s2], $0x2710, $0x38;
	[tilespmem:$0xA320] =	vst v63  }
0x19: {  	_ =	swait.ge [sflag:s25], $0x2710  }
0x1a: {  	[sflag:s25] =	ssyncset.done $0x0  }
0x1b: {  	[sflag:s25] =	ssyncadd.s32 $0xFFFFD8F0  }
0x1c: {  	[tilespmem:s26], [sflag:$0x1] =	stream.linear.gather [hbm4b:s4+s2], $0x2710, $0x38;
	[tilespmem:$0xA320] =	vst v63  }
0x1d: {  	_ =	swait.ge [sflag:s25], $0x2710  }
0x1e: {  	[sflag:s25] =	ssyncset.done $0x0  }
0x1f: {  	s31 =	simm.s32 $0x4F50;
	[sflag:s25] =	ssyncadd.s32 $0xFFFFD8F0  }
0x20: {  	v3 =	vld [tilespmem:s31+$0xFFFFFFC0]  }
0x21: {  	v4 =	vld [tilespmem:s31+$0x30]  }
0x22: {  	v5 =	vld [tilespmem:s31+$0x20]  }
0x23: {  	v6 =	vld [tilespmem:s31+$0x10]  }
0x24: {  	v7 =	vld [tilespmem:s31+$0x0]  }
0x25: {  	v8 =	vld [tilespmem:s31+$0xFFFFFFF0]  }
0x26: {  	v9 =	vld [tilespmem:s31+$0xFFFFFFE0]  }
0x27: {  	v2 =	vld [tilespmem:s31+$0xFFFFFFD0]  }
0x28: {  	[tilespmem:v3+s2+$0x0] =	vst.idx.add.f32.msk $0xffff, v1  }
0x29: {  	[tilespmem:v4+s2+$0x0] =	vst.idx.add.f32.msk $0xffff, v1  }
0x2a: {  	[tilespmem:v5+s2+$0x0] =	vst.idx.add.f32.msk $0xffff, v1  }
0x2b: {  	[tilespmem:v6+s2+$0x0] =	vst.idx.add.f32.msk $0xffff, v1  }
0x2c: {  	[tilespmem:v7+s2+$0x0] =	vst.idx.add.f32.msk $0xffff, v1  }
0x2d: {  	[tilespmem:v8+s2+$0x0] =	vst.idx.add.f32.msk $0xffff, v1  }
0x2e: {  	s1 =	simm.s32 $0x0;
	[tilespmem:v9+s2+$0x0] =	vst.idx.add.f32.msk $0xffff, v1  }
.LBB2_4:
0x2f: {  	s1 =	sadd.s32 $0x8, s1;
	[tilespmem:v2+s2+$0x0] =	vst.idx.add.f32.msk $0xffff, v1;
	s31 =	sadd.s32 $0x80, s31  }
0x30: {  	v3 =	vld [tilespmem:s31+$0xFFFFFFC0];
	p0 =	slt.u32 s1, $0x268  }
0x31: {  	v4 =	vld [tilespmem:s31+$0x30]  }
0x32: {  	v5 =	vld [tilespmem:s31+$0x20]  }
0x33: {  	v6 =	vld [tilespmem:s31+$0x10]  }
0x34: {  	v7 =	vld [tilespmem:s31+$0x0]  }
0x35: {  	v8 =	vld [tilespmem:s31+$0xFFFFFFF0]  }
0x36: {  	v9 =	vld [tilespmem:s31+$0xFFFFFFE0]  }
0x37: {  	v2 =	vld [tilespmem:s31+$0xFFFFFFD0]  }
0x38: {  	[tilespmem:v3+s2+$0x0] =	vst.idx.add.f32.msk $0xffff, v1  }
0x39: {  	[tilespmem:v4+s2+$0x0] =	vst.idx.add.f32.msk $0xffff, v1  }
.Ltmp1:
0x3a: {  	[tilespmem:v5+s2+$0x0] =	vst.idx.add.f32.msk $0xffff, v1;
	(pc) =	sbr.rel @p0 .LBB2_4-.Ltmp1, $4  }
0x3b: {  	[tilespmem:v6+s2+$0x0] =	vst.idx.add.f32.msk $0xffff, v1  }
0x3c: {  	[tilespmem:v7+s2+$0x0] =	vst.idx.add.f32.msk $0xffff, v1  }
0x3d: {  	[tilespmem:v8+s2+$0x0] =	vst.idx.add.f32.msk $0xffff, v1  }
0x3e: {  	[tilespmem:v9+s2+$0x0] =	vst.idx.add.f32.msk $0xffff, v1  }
0x3f: {  	_ =	sdelay $0x3  }
0x40: {  	[tilespmem:v2+s2+$0x0] =	vst.idx.add.f32.msk $0xffff, v1  }
0x41: {  	v2 =	vld [tilespmem:$0x7610];
	_ =	sdelay $0x6  }
0x42: {  	s1 =	simm.s32 $0x0  }
0x43: {  	[tilespmem:v2+s1+$0x0] =	vst.idx.add.f32.msk $0xffff, v1  }
0x44: {  	[spmem:s6] =	stream.linear.scatter [tilespmem:s1], [sflag:$0x1], $0x2800, $0x38;
	[tilespmem:$0xA320] =	vst v63  }
0x45: {  	_ =	swait.ge [sflag:s25], $0x2800  }
0x46: {  	[sflag:s25] =	ssyncset.done $0x0  }
0x47: {  	[sflag:s25] =	ssyncadd.s32 $0xFFFFD800  }
0x48: {  	[bflag:$0x0] =	sbarrier.arrive $0xFFFF  }
0x49: {  	[tilespmem:$0x78A0] =	vst v0  }
0x4a: {  	[tilespmem:$0x78B0] =	vst v0  }
0x4b: {  	[tilespmem:$0x78C0] =	vst v0  }
0x4c: {  	[tilespmem:$0x78D0] =	vst v0  }
0x4d: {  	[tilespmem:$0x78E0] =	vst v0  }
0x4e: {  	[tilespmem:$0x78F0] =	vst v0  }
0x4f: {  	[tilespmem:$0x7900] =	vst v0  }
0x50: {  	[tilespmem:$0x7910] =	vst v0  }
0x51: {  	[tilespmem:$0x7920] =	vst v0  }
0x52: {  	[tilespmem:$0x7930] =	vst v0  }
0x53: {  	[tilespmem:$0x7940] =	vst v0  }
0x54: {  	[tilespmem:$0x7950] =	vst v0  }
0x55: {  	[tilespmem:$0x7960] =	vst v0  }
0x56: {  	[tilespmem:$0x7970] =	vst v0  }
0x57: {  	[tilespmem:$0x7980] =	vst v0  }
0x58: {  	[tilespmem:$0x7990] =	vst v0  }
0x59: {  	[tilespmem:$0x79A0] =	vst v0  }
0x5a: {  	[tilespmem:$0x79B0] =	vst v0  }
0x5b: {  	[tilespmem:$0x79C0] =	vst v0  }
0x5c: {  	[tilespmem:$0x79D0] =	vst v0  }
0x5d: {  	[tilespmem:$0x79E0] =	vst v0  }
0x5e: {  	[tilespmem:$0x79F0] =	vst v0  }
0x5f: {  	[tilespmem:$0x7A00] =	vst v0  }
0x60: {  	[tilespmem:$0x7A10] =	vst v0  }
0x61: {  	[tilespmem:$0x7A20] =	vst v0  }
0x62: {  	[tilespmem:$0x7A30] =	vst v0  }
0x63: {  	[tilespmem:$0x7A40] =	vst v0  }
0x64: {  	[tilespmem:$0x7A50] =	vst v0  }
0x65: {  	[tilespmem:$0x7A60] =	vst v0  }
0x66: {  	[tilespmem:$0x7A70] =	vst v0  }
0x67: {  	[tilespmem:$0x7A80] =	vst v0  }
0x68: {  	[tilespmem:$0x7A90] =	vst v0  }
0x69: {  	[tilespmem:$0x7AA0] =	vst v0  }
0x6a: {  	[tilespmem:$0x7AB0] =	vst v0  }
0x6b: {  	[tilespmem:$0x7AC0] =	vst v0  }
0x6c: {  	[tilespmem:$0x7AD0] =	vst v0  }
0x6d: {  	[tilespmem:$0x7AE0] =	vst v0  }
0x6e: {  	[tilespmem:$0x7AF0] =	vst v0  }
0x6f: {  	[tilespmem:$0x7B00] =	vst v0  }
0x70: {  	[tilespmem:$0x7B10] =	vst v0  }
0x71: {  	[tilespmem:s28], [sflag:$0x1] =	stream.linear.gather [spmem:s5], $0x280, $0x38;
	[tilespmem:$0xA320] =	vst v63  }
0x72: {  	_ =	swait.ge [sflag:s25], $0x280  }
0x73: {  	[sflag:s25] =	ssyncset.done $0x0  }
0x74: {  	s1 =	simm.s32 $0x0;
	[sflag:s25] =	ssyncadd.s32 $0xFFFFFD80  }
0x75: {  	s31 =	simm.s32 $0x40;
	v2 =	vld [tilespmem:s1+$0x7620]  }
.LBB2_6:
0x76: {  	p0 =	sne.s32 s31, $0x9C0;
	v3 =	vld [tilespmem:s1+$0x78A0];
	_ =	sdelay $0x2  }
.Ltmp2:
0x77: {  	(pc) =	sbr.rel @p0 .LBB2_6-.Ltmp2, $4  }
0x78: {  	_ = 	snop  }
0x79: {  	v3 =	vadd.f32 v2, v3  }
0x7a: {  	s0 =	sshra.s32 s31, $0x2  }
0x7b: {  	s31 =	sadd.s32 $0x40, s31;
	v2 =	vld [tilespmem:s0+$0x7620];
	[tilespmem:s1+$0x78A0] =	vst v3;
	s1 =	smov.u32 s0  }
0x7c: {  	v3 =	vld [tilespmem:s1+$0x78A0];
	_ =	sdelay $0x4  }
0x7d: {  	v2 =	vadd.f32 v2, v3;
	_ =	sdelay $0x1  }
0x7e: {  	[tilespmem:s1+$0x78A0] =	vst v2  }
0x7f: {  	[tilespmem:s28], [sflag:$0x1] =	stream.linear.gather [spmem:s7], $0x280, $0x38;
	[tilespmem:$0xA320] =	vst v63  }
0x80: {  	_ =	swait.ge [sflag:s25], $0x280  }
0x81: {  	[sflag:s25] =	ssyncset.done $0x0  }
0x82: {  	s1 =	simm.s32 $0x0;
	[sflag:s25] =	ssyncadd.s32 $0xFFFFFD80  }
0x83: {  	s31 =	simm.s32 $0x40;
	v2 =	vld [tilespmem:s1+$0x7620]  }
.LBB2_8:
0x84: {  	p0 =	sne.s32 s31, $0x9C0;
	v3 =	vld [tilespmem:s1+$0x78A0];
	_ =	sdelay $0x2  }
.Ltmp3:
0x85: {  	(pc) =	sbr.rel @p0 .LBB2_8-.Ltmp3, $4  }
0x86: {  	_ = 	snop  }
0x87: {  	v3 =	vadd.f32 v2, v3  }
0x88: {  	s0 =	sshra.s32 s31, $0x2  }
0x89: {  	s31 =	sadd.s32 $0x40, s31;
	v2 =	vld [tilespmem:s0+$0x7620];
	[tilespmem:s1+$0x78A0] =	vst v3;
	s1 =	smov.u32 s0  }
0x8a: {  	v3 =	vld [tilespmem:s1+$0x78A0];
	_ =	sdelay $0x4  }
0x8b: {  	v2 =	vadd.f32 v2, v3;
	_ =	sdelay $0x1  }
0x8c: {  	[tilespmem:s1+$0x78A0] =	vst v2  }
0x8d: {  	[tilespmem:s28], [sflag:$0x1] =	stream.linear.gather [spmem:s8], $0x280, $0x38;
	[tilespmem:$0xA320] =	vst v63  }
0x8e: {  	_ =	swait.ge [sflag:s25], $0x280  }
0x8f: {  	[sflag:s25] =	ssyncset.done $0x0  }
0x90: {  	s1 =	simm.s32 $0x0;
	[sflag:s25] =	ssyncadd.s32 $0xFFFFFD80  }
0x91: {  	s31 =	simm.s32 $0x40;
	v2 =	vld [tilespmem:s1+$0x7620]  }
.LBB2_10:
0x92: {  	p0 =	sne.s32 s31, $0x9C0;
	v3 =	vld [tilespmem:s1+$0x78A0];
	_ =	sdelay $0x2  }
.Ltmp4:
0x93: {  	(pc) =	sbr.rel @p0 .LBB2_10-.Ltmp4, $4  }
0x94: {  	_ = 	snop  }
0x95: {  	v3 =	vadd.f32 v2, v3  }
0x96: {  	s0 =	sshra.s32 s31, $0x2  }
0x97: {  	s31 =	sadd.s32 $0x40, s31;
	v2 =	vld [tilespmem:s0+$0x7620];
	[tilespmem:s1+$0x78A0] =	vst v3;
	s1 =	smov.u32 s0  }
0x98: {  	v3 =	vld [tilespmem:s1+$0x78A0];
	_ =	sdelay $0x4  }
0x99: {  	v2 =	vadd.f32 v2, v3;
	_ =	sdelay $0x1  }
0x9a: {  	[tilespmem:s1+$0x78A0] =	vst v2  }
0x9b: {  	[tilespmem:s28], [sflag:$0x1] =	stream.linear.gather [spmem:s9], $0x280, $0x38;
	[tilespmem:$0xA320] =	vst v63  }
0x9c: {  	_ =	swait.ge [sflag:s25], $0x280  }
0x9d: {  	[sflag:s25] =	ssyncset.done $0x0  }
0x9e: {  	s1 =	simm.s32 $0x0;
	[sflag:s25] =	ssyncadd.s32 $0xFFFFFD80  }
0x9f: {  	s31 =	simm.s32 $0x40;
	v2 =	vld [tilespmem:s1+$0x7620]  }
.LBB2_12:
0xa0: {  	p0 =	sne.s32 s31, $0x9C0;
	v3 =	vld [tilespmem:s1+$0x78A0];
	_ =	sdelay $0x2  }
.Ltmp5:
0xa1: {  	(pc) =	sbr.rel @p0 .LBB2_12-.Ltmp5, $4  }
0xa2: {  	_ = 	snop  }
0xa3: {  	v3 =	vadd.f32 v2, v3  }
0xa4: {  	s0 =	sshra.s32 s31, $0x2  }
0xa5: {  	s31 =	sadd.s32 $0x40, s31;
	v2 =	vld [tilespmem:s0+$0x7620];
	[tilespmem:s1+$0x78A0] =	vst v3;
	s1 =	smov.u32 s0  }
0xa6: {  	v3 =	vld [tilespmem:s1+$0x78A0];
	_ =	sdelay $0x4  }
0xa7: {  	v2 =	vadd.f32 v2, v3;
	_ =	sdelay $0x1  }
0xa8: {  	[tilespmem:s1+$0x78A0] =	vst v2  }
0xa9: {  	[tilespmem:s28], [sflag:$0x1] =	stream.linear.gather [spmem:s10], $0x280, $0x38;
	[tilespmem:$0xA320] =	vst v63  }
0xaa: {  	_ =	swait.ge [sflag:s25], $0x280  }
0xab: {  	[sflag:s25] =	ssyncset.done $0x0  }
0xac: {  	s1 =	simm.s32 $0x0;
	[sflag:s25] =	ssyncadd.s32 $0xFFFFFD80  }
0xad: {  	s31 =	simm.s32 $0x40;
	v2 =	vld [tilespmem:s1+$0x7620]  }
.LBB2_14:
0xae: {  	p0 =	sne.s32 s31, $0x9C0;
	v3 =	vld [tilespmem:s1+$0x78A0];
	_ =	sdelay $0x2  }
.Ltmp6:
0xaf: {  	(pc) =	sbr.rel @p0 .LBB2_14-.Ltmp6, $4  }
0xb0: {  	_ = 	snop  }
0xb1: {  	v3 =	vadd.f32 v2, v3  }
0xb2: {  	s0 =	sshra.s32 s31, $0x2  }
0xb3: {  	s31 =	sadd.s32 $0x40, s31;
	v2 =	vld [tilespmem:s0+$0x7620];
	[tilespmem:s1+$0x78A0] =	vst v3;
	s1 =	smov.u32 s0  }
0xb4: {  	v3 =	vld [tilespmem:s1+$0x78A0];
	_ =	sdelay $0x4  }
0xb5: {  	v2 =	vadd.f32 v2, v3;
	_ =	sdelay $0x1  }
0xb6: {  	[tilespmem:s1+$0x78A0] =	vst v2  }
0xb7: {  	[tilespmem:s28], [sflag:$0x1] =	stream.linear.gather [spmem:s11], $0x280, $0x38;
	[tilespmem:$0xA320] =	vst v63  }
0xb8: {  	_ =	swait.ge [sflag:s25], $0x280  }
0xb9: {  	[sflag:s25] =	ssyncset.done $0x0  }
0xba: {  	s1 =	simm.s32 $0x0;
	[sflag:s25] =	ssyncadd.s32 $0xFFFFFD80  }
0xbb: {  	s31 =	simm.s32 $0x40;
	v2 =	vld [tilespmem:s1+$0x7620]  }
.LBB2_16:
0xbc: {  	p0 =	sne.s32 s31, $0x9C0;
	v3 =	vld [tilespmem:s1+$0x78A0];
	_ =	sdelay $0x2  }
.Ltmp7:
0xbd: {  	(pc) =	sbr.rel @p0 .LBB2_16-.Ltmp7, $4  }
0xbe: {  	_ = 	snop  }
0xbf: {  	v3 =	vadd.f32 v2, v3  }
0xc0: {  	s0 =	sshra.s32 s31, $0x2  }
0xc1: {  	s31 =	sadd.s32 $0x40, s31;
	v2 =	vld [tilespmem:s0+$0x7620];
	[tilespmem:s1+$0x78A0] =	vst v3;
	s1 =	smov.u32 s0  }
0xc2: {  	v3 =	vld [tilespmem:s1+$0x78A0];
	_ =	sdelay $0x4  }
0xc3: {  	v2 =	vadd.f32 v2, v3;
	_ =	sdelay $0x1  }
0xc4: {  	[tilespmem:s1+$0x78A0] =	vst v2  }
0xc5: {  	[tilespmem:s28], [sflag:$0x1] =	stream.linear.gather [spmem:s12], $0x280, $0x38;
	[tilespmem:$0xA320] =	vst v63  }
0xc6: {  	_ =	swait.ge [sflag:s25], $0x280  }
0xc7: {  	[sflag:s25] =	ssyncset.done $0x0  }
0xc8: {  	s1 =	simm.s32 $0x0;
	[sflag:s25] =	ssyncadd.s32 $0xFFFFFD80  }
0xc9: {  	s31 =	simm.s32 $0x40;
	v2 =	vld [tilespmem:s1+$0x7620]  }
.LBB2_18:
0xca: {  	p0 =	sne.s32 s31, $0x9C0;
	v3 =	vld [tilespmem:s1+$0x78A0];
	_ =	sdelay $0x2  }
.Ltmp8:
0xcb: {  	(pc) =	sbr.rel @p0 .LBB2_18-.Ltmp8, $4  }
0xcc: {  	_ = 	snop  }
0xcd: {  	v3 =	vadd.f32 v2, v3  }
0xce: {  	s0 =	sshra.s32 s31, $0x2  }
0xcf: {  	s31 =	sadd.s32 $0x40, s31;
	v2 =	vld [tilespmem:s0+$0x7620];
	[tilespmem:s1+$0x78A0] =	vst v3;
	s1 =	smov.u32 s0  }
0xd0: {  	v3 =	vld [tilespmem:s1+$0x78A0];
	_ =	sdelay $0x4  }
0xd1: {  	v2 =	vadd.f32 v2, v3;
	_ =	sdelay $0x1  }
0xd2: {  	[tilespmem:s1+$0x78A0] =	vst v2  }
0xd3: {  	[tilespmem:s28], [sflag:$0x1] =	stream.linear.gather [spmem:s13], $0x280, $0x38;
	[tilespmem:$0xA320] =	vst v63  }
0xd4: {  	_ =	swait.ge [sflag:s25], $0x280  }
0xd5: {  	[sflag:s25] =	ssyncset.done $0x0  }
0xd6: {  	s1 =	simm.s32 $0x0;
	[sflag:s25] =	ssyncadd.s32 $0xFFFFFD80  }
0xd7: {  	s31 =	simm.s32 $0x40;
	v2 =	vld [tilespmem:s1+$0x7620]  }
.LBB2_20:
0xd8: {  	p0 =	sne.s32 s31, $0x9C0;
	v3 =	vld [tilespmem:s1+$0x78A0];
	_ =	sdelay $0x2  }
.Ltmp9:
0xd9: {  	(pc) =	sbr.rel @p0 .LBB2_20-.Ltmp9, $4  }
0xda: {  	_ = 	snop  }
0xdb: {  	v3 =	vadd.f32 v2, v3  }
0xdc: {  	s0 =	sshra.s32 s31, $0x2  }
0xdd: {  	s31 =	sadd.s32 $0x40, s31;
	v2 =	vld [tilespmem:s0+$0x7620];
	[tilespmem:s1+$0x78A0] =	vst v3;
	s1 =	smov.u32 s0  }
0xde: {  	v3 =	vld [tilespmem:s1+$0x78A0];
	_ =	sdelay $0x4  }
0xdf: {  	v2 =	vadd.f32 v2, v3;
	_ =	sdelay $0x1  }
0xe0: {  	[tilespmem:s1+$0x78A0] =	vst v2  }
0xe1: {  	[tilespmem:s28], [sflag:$0x1] =	stream.linear.gather [spmem:s14], $0x280, $0x38;
	[tilespmem:$0xA320] =	vst v63  }
0xe2: {  	_ =	swait.ge [sflag:s25], $0x280  }
0xe3: {  	[sflag:s25] =	ssyncset.done $0x0  }
0xe4: {  	s1 =	simm.s32 $0x0;
	[sflag:s25] =	ssyncadd.s32 $0xFFFFFD80  }
0xe5: {  	s31 =	simm.s32 $0x40;
	v2 =	vld [tilespmem:s1+$0x7620]  }
.LBB2_22:
0xe6: {  	p0 =	sne.s32 s31, $0x9C0;
	v3 =	vld [tilespmem:s1+$0x78A0];
	_ =	sdelay $0x2  }
.Ltmp10:
0xe7: {  	(pc) =	sbr.rel @p0 .LBB2_22-.Ltmp10, $4  }
0xe8: {  	_ = 	snop  }
0xe9: {  	v3 =	vadd.f32 v2, v3  }
0xea: {  	s0 =	sshra.s32 s31, $0x2  }
0xeb: {  	s31 =	sadd.s32 $0x40, s31;
	v2 =	vld [tilespmem:s0+$0x7620];
	[tilespmem:s1+$0x78A0] =	vst v3;
	s1 =	smov.u32 s0  }
0xec: {  	v3 =	vld [tilespmem:s1+$0x78A0];
	_ =	sdelay $0x4  }
0xed: {  	v2 =	vadd.f32 v2, v3;
	_ =	sdelay $0x1  }
0xee: {  	[tilespmem:s1+$0x78A0] =	vst v2  }
0xef: {  	[tilespmem:s28], [sflag:$0x1] =	stream.linear.gather [spmem:s15], $0x280, $0x38;
	[tilespmem:$0xA320] =	vst v63  }
0xf0: {  	_ =	swait.ge [sflag:s25], $0x280  }
0xf1: {  	[sflag:s25] =	ssyncset.done $0x0  }
0xf2: {  	s1 =	simm.s32 $0x0;
	[sflag:s25] =	ssyncadd.s32 $0xFFFFFD80  }
0xf3: {  	s31 =	simm.s32 $0x40;
	v2 =	vld [tilespmem:s1+$0x7620]  }
.LBB2_24:
0xf4: {  	p0 =	sne.s32 s31, $0x9C0;
	v3 =	vld [tilespmem:s1+$0x78A0];
	_ =	sdelay $0x2  }
.Ltmp11:
0xf5: {  	(pc) =	sbr.rel @p0 .LBB2_24-.Ltmp11, $4  }
0xf6: {  	_ = 	snop  }
0xf7: {  	v3 =	vadd.f32 v2, v3  }
0xf8: {  	s0 =	sshra.s32 s31, $0x2  }
0xf9: {  	s31 =	sadd.s32 $0x40, s31;
	v2 =	vld [tilespmem:s0+$0x7620];
	[tilespmem:s1+$0x78A0] =	vst v3;
	s1 =	smov.u32 s0  }
0xfa: {  	v3 =	vld [tilespmem:s1+$0x78A0];
	_ =	sdelay $0x4  }
0xfb: {  	v2 =	vadd.f32 v2, v3;
	_ =	sdelay $0x1  }
0xfc: {  	[tilespmem:s1+$0x78A0] =	vst v2  }
0xfd: {  	[tilespmem:s28], [sflag:$0x1] =	stream.linear.gather [spmem:s16], $0x280, $0x38;
	[tilespmem:$0xA320] =	vst v63  }
0xfe: {  	_ =	swait.ge [sflag:s25], $0x280  }
0xff: {  	[sflag:s25] =	ssyncset.done $0x0  }
0x100: {  	s1 =	simm.s32 $0x0;
	[sflag:s25] =	ssyncadd.s32 $0xFFFFFD80  }
0x101: {  	s31 =	simm.s32 $0x40;
	v2 =	vld [tilespmem:s1+$0x7620]  }
.LBB2_26:
0x102: {  	p0 =	sne.s32 s31, $0x9C0;
	v3 =	vld [tilespmem:s1+$0x78A0];
	_ =	sdelay $0x2  }
.Ltmp12:
0x103: {  	(pc) =	sbr.rel @p0 .LBB2_26-.Ltmp12, $4  }
0x104: {  	_ = 	snop  }
0x105: {  	v3 =	vadd.f32 v2, v3  }
0x106: {  	s0 =	sshra.s32 s31, $0x2  }
0x107: {  	s31 =	sadd.s32 $0x40, s31;
	v2 =	vld [tilespmem:s0+$0x7620];
	[tilespmem:s1+$0x78A0] =	vst v3;
	s1 =	smov.u32 s0  }
0x108: {  	v3 =	vld [tilespmem:s1+$0x78A0];
	_ =	sdelay $0x4  }
0x109: {  	v2 =	vadd.f32 v2, v3;
	_ =	sdelay $0x1  }
0x10a: {  	[tilespmem:s1+$0x78A0] =	vst v2  }
0x10b: {  	[tilespmem:s28], [sflag:$0x1] =	stream.linear.gather [spmem:s17], $0x280, $0x38;
	[tilespmem:$0xA320] =	vst v63  }
0x10c: {  	_ =	swait.ge [sflag:s25], $0x280  }
0x10d: {  	[sflag:s25] =	ssyncset.done $0x0  }
0x10e: {  	s1 =	simm.s32 $0x0;
	[sflag:s25] =	ssyncadd.s32 $0xFFFFFD80  }
0x10f: {  	s31 =	simm.s32 $0x40;
	v2 =	vld [tilespmem:s1+$0x7620]  }
.LBB2_28:
0x110: {  	p0 =	sne.s32 s31, $0x9C0;
	v3 =	vld [tilespmem:s1+$0x78A0];
	_ =	sdelay $0x2  }
.Ltmp13:
0x111: {  	(pc) =	sbr.rel @p0 .LBB2_28-.Ltmp13, $4  }
0x112: {  	_ = 	snop  }
0x113: {  	v3 =	vadd.f32 v2, v3  }
0x114: {  	s0 =	sshra.s32 s31, $0x2  }
0x115: {  	s31 =	sadd.s32 $0x40, s31;
	v2 =	vld [tilespmem:s0+$0x7620];
	[tilespmem:s1+$0x78A0] =	vst v3;
	s1 =	smov.u32 s0  }
0x116: {  	v3 =	vld [tilespmem:s1+$0x78A0];
	_ =	sdelay $0x4  }
0x117: {  	v2 =	vadd.f32 v2, v3;
	_ =	sdelay $0x1  }
0x118: {  	[tilespmem:s1+$0x78A0] =	vst v2  }
0x119: {  	[tilespmem:s28], [sflag:$0x1] =	stream.linear.gather [spmem:s18], $0x280, $0x38;
	[tilespmem:$0xA320] =	vst v63  }
0x11a: {  	_ =	swait.ge [sflag:s25], $0x280  }
0x11b: {  	[sflag:s25] =	ssyncset.done $0x0  }
0x11c: {  	s1 =	simm.s32 $0x0;
	[sflag:s25] =	ssyncadd.s32 $0xFFFFFD80  }
0x11d: {  	s31 =	simm.s32 $0x40;
	v2 =	vld [tilespmem:s1+$0x7620]  }
.LBB2_30:
0x11e: {  	p0 =	sne.s32 s31, $0x9C0;
	v3 =	vld [tilespmem:s1+$0x78A0];
	_ =	sdelay $0x2  }
.Ltmp14:
0x11f: {  	(pc) =	sbr.rel @p0 .LBB2_30-.Ltmp14, $4  }
0x120: {  	_ = 	snop  }
0x121: {  	v3 =	vadd.f32 v2, v3  }
0x122: {  	s0 =	sshra.s32 s31, $0x2  }
0x123: {  	s31 =	sadd.s32 $0x40, s31;
	v2 =	vld [tilespmem:s0+$0x7620];
	[tilespmem:s1+$0x78A0] =	vst v3;
	s1 =	smov.u32 s0  }
0x124: {  	v3 =	vld [tilespmem:s1+$0x78A0];
	_ =	sdelay $0x4  }
0x125: {  	v2 =	vadd.f32 v2, v3;
	_ =	sdelay $0x1  }
0x126: {  	[tilespmem:s1+$0x78A0] =	vst v2  }
0x127: {  	[tilespmem:s28], [sflag:$0x1] =	stream.linear.gather [spmem:s19], $0x280, $0x38;
	[tilespmem:$0xA320] =	vst v63  }
0x128: {  	_ =	swait.ge [sflag:s25], $0x280  }
0x129: {  	[sflag:s25] =	ssyncset.done $0x0  }
0x12a: {  	s1 =	simm.s32 $0x0;
	[sflag:s25] =	ssyncadd.s32 $0xFFFFFD80  }
0x12b: {  	s31 =	simm.s32 $0x40;
	v2 =	vld [tilespmem:s1+$0x7620]  }
.LBB2_32:
0x12c: {  	p0 =	sne.s32 s31, $0x9C0;
	v3 =	vld [tilespmem:s1+$0x78A0];
	_ =	sdelay $0x2  }
.Ltmp15:
0x12d: {  	(pc) =	sbr.rel @p0 .LBB2_32-.Ltmp15, $4  }
0x12e: {  	_ = 	snop  }
0x12f: {  	v3 =	vadd.f32 v2, v3  }
0x130: {  	s0 =	sshra.s32 s31, $0x2  }
0x131: {  	s31 =	sadd.s32 $0x40, s31;
	v2 =	vld [tilespmem:s0+$0x7620];
	[tilespmem:s1+$0x78A0] =	vst v3;
	s1 =	smov.u32 s0  }
0x132: {  	v3 =	vld [tilespmem:s1+$0x78A0];
	_ =	sdelay $0x4  }
0x133: {  	v2 =	vadd.f32 v2, v3;
	_ =	sdelay $0x1  }
0x134: {  	[tilespmem:s1+$0x78A0] =	vst v2  }
0x135: {  	[tilespmem:s28], [sflag:$0x1] =	stream.linear.gather [spmem:s20], $0x280, $0x38;
	[tilespmem:$0xA320] =	vst v63  }
0x136: {  	_ =	swait.ge [sflag:s25], $0x280  }
0x137: {  	[sflag:s25] =	ssyncset.done $0x0  }
0x138: {  	s1 =	simm.s32 $0x0;
	[sflag:s25] =	ssyncadd.s32 $0xFFFFFD80  }
0x139: {  	s31 =	simm.s32 $0x40;
	v2 =	vld [tilespmem:s1+$0x7620]  }
.LBB2_34:
0x13a: {  	p0 =	sne.s32 s31, $0x9C0;
	v3 =	vld [tilespmem:s1+$0x78A0];
	_ =	sdelay $0x2  }
.Ltmp16:
0x13b: {  	(pc) =	sbr.rel @p0 .LBB2_34-.Ltmp16, $4  }
0x13c: {  	_ = 	snop  }
0x13d: {  	v3 =	vadd.f32 v2, v3  }
0x13e: {  	s0 =	sshra.s32 s31, $0x2  }
0x13f: {  	s31 =	sadd.s32 $0x40, s31;
	v2 =	vld [tilespmem:s0+$0x7620];
	[tilespmem:s1+$0x78A0] =	vst v3;
	s1 =	smov.u32 s0  }
0x140: {  	v3 =	vld [tilespmem:s1+$0x78A0];
	_ =	sdelay $0x4  }
0x141: {  	v2 =	vadd.f32 v2, v3;
	_ =	sdelay $0x1  }
0x142: {  	[tilespmem:s1+$0x78A0] =	vst v2  }
0x143: {  	[tilespmem:s28], [sflag:$0x1] =	stream.linear.gather [spmem:s21], $0x280, $0x38;
	[tilespmem:$0xA320] =	vst v63  }
0x144: {  	_ =	swait.ge [sflag:s25], $0x280  }
0x145: {  	[sflag:s25] =	ssyncset.done $0x0  }
0x146: {  	s1 =	simm.s32 $0x0;
	[sflag:s25] =	ssyncadd.s32 $0xFFFFFD80  }
0x147: {  	s31 =	simm.s32 $0x40;
	v2 =	vld [tilespmem:s1+$0x7620]  }
.LBB2_36:
0x148: {  	p0 =	sne.s32 s31, $0x9C0;
	v3 =	vld [tilespmem:s1+$0x78A0];
	_ =	sdelay $0x2  }
.Ltmp17:
0x149: {  	(pc) =	sbr.rel @p0 .LBB2_36-.Ltmp17, $4  }
0x14a: {  	_ = 	snop  }
0x14b: {  	v3 =	vadd.f32 v2, v3  }
0x14c: {  	s0 =	sshra.s32 s31, $0x2  }
0x14d: {  	s31 =	sadd.s32 $0x40, s31;
	v2 =	vld [tilespmem:s0+$0x7620];
	[tilespmem:s1+$0x78A0] =	vst v3;
	s1 =	smov.u32 s0  }
0x14e: {  	v3 =	vld [tilespmem:s1+$0x78A0];
	_ =	sdelay $0x4  }
0x14f: {  	s30 =	sadd.s32 $0x1, s30;
	v2 =	vadd.f32 v2, v3  }
0x150: {  	p0 =	sne.s32 s30, s23  }
.Ltmp18:
0x151: {  	[tilespmem:s1+$0x78A0] =	vst v2;
	(pc) =	sbr.rel @p0 .LBB2_1-.Ltmp18, $4  }
0x152: {  	[hbm4b:s22+s2] =	stream.linear.scatter [tilespmem:s29], [sflag:$0x1], $0x280, $0x38;
	[tilespmem:$0xA320] =	vst v63  }
0x153: {  	_ =	swait.ge [sflag:s25], $0x280  }
0x154: {  	[sflag:s25] =	ssyncset.done $0x0  }
0x155: {  	[sflag:s25] =	ssyncadd.s32 $0xFFFFFD80  }
0x156: {  	_ =	sfence.sel $0x180000  }
0x157: {  	[bflag:$0x0] =	sbarrier.arrive $0xFFFF  }
0x158: {  	_ =	strace $0x90000047  }
0x159: {  	s0 =	stileid.u32;
	[bflag:$0x2] =	sbarrier.arrive $0xFFFF  }
0x15a: {  	p0 =	sne.s32 s0, $0x0;
	s0 =	rddreg [dreg:$0x2]  }
0x15b: {  	s0 =	sadd.s32 @!p0 $0x100000, s0  }
0x15c: {  	[sflag:s0] =	ssyncadd.tile.s32 @!p0 $0x1;
	_ =	shalt  }
.Lfunc_end2:
_tile_overlayer_lowered:
.L_overlay_start_2:
0x15d: {  	(tag) =	ssettag $0x2  }
0x15e: {  	s0 =	rddreg [dreg:$0x0];
	s2 =	stileid.u32  }
0x15f: {  	s1 =	rddreg [dreg:$0x1];
	p0 =	sne.s32 s2, $0x0  }
0x160: {  	s3 =	rddreg [dreg:$0x2];
	[bflag:$0x3] =	sbarrier.arrive $0xFFFF;
	s2 =	simm.s32 @!p0 $0x1C01  }
0x161: {  	[timem:s3], [sflag:s2] =	dma.local @!p0 [hbm:s0], s1  }
0x162: {  	s0 =	simm.s32 @!p0 $0x1  }
0x163: {  	_ =	swait.ge @!p0 [sflag:s0], s1  }
0x164: {  	s1 =	ssub.s32 @!p0 $0x0, s1;
	[sflag:s0] =	ssyncset.done @!p0 $0x0  }
0x165: {  	[sflag:s0] =	ssyncadd.s32 @!p0 s1  }
0x166: {  	[bflag:$0x3] =	sbarrier.arrive $0xFFFF  }
0x167: {  	_ =	shalt  }

// kernel: kernel.14.cloned.1.call-start
scs
__scs_entry_jumppad:
0x0: {  	(pc) =	sbr.rel $0x88, $3  }
0x1: {  	(tag) =	ssettag $0x0;
	lr =	simm.s32 $0x1  }
0x2: {  	[smem:$0x3F99] =	sst lr;
	_ =	strace $0xD0000000  }
0x3: {  	_ = 	snop  }
0x4: {  	_ = 	snop  }
0x5: {  	_ = 	snop  }
0x6: {  	_ = 	snop  }
0x7: {  	_ = 	snop  }
__scs_overlays_trampoline_lowered:
0x8: {  	[smem:$0x3FA8] =	sst s0  }
0x9: {  	[smem:$0x3FA9] =	sst s1  }
0xa: {  	[smem:$0x3FAA] =	sst s2  }
0xb: {  	[smem:$0x3FAB] =	sst s3  }
0xc: {  	[smem:$0x3FAC] =	sst s4  }
0xd: {  	[smem:$0x3FAD] =	sst s5  }
0xe: {  	[smem:$0x3FAE] =	sst s6  }
0xf: {  	[smem:$0x3FAF] =	sst s7  }
0x10: {  	[smem:$0x3FB0] =	sst s8  }
0x11: {  	[smem:$0x3FB1] =	sst s9;
	s0 =	simm.s32 @!p0 $0x0  }
0x12: {  	s1 =	sld [smem:$0x3F97];
	s0 =	simm.s32 @p0 $0x1  }
0x13: {  	[smem:$0x3FB2] =	sst s0;
	s0 =	simm.s32 @!p1 $0x0  }
0x14: {  	s2 =	sld [smem:$0x3F96];
	s0 =	simm.s32 @p1 $0x1  }
0x15: {  	[smem:$0x3FB3] =	sst s0;
	s0 =	simm.s32 @!p2 $0x0  }
0x16: {  	s3 =	sld [smem:$0x3FDB];
	s0 =	simm.s32 @p2 $0x1  }
0x17: {  	s4 =	simm.s32 $0x1BF5;
	[smem:$0x3FB5] =	sst s0  }
0x18: {  	s0 =	sld [smem:$0x3F98];
	_ =	swait.ge [sflag:s4], $0x0  }
0x19: {  	s7 =	sld [smem:$0x3F99]  }
0x1a: {  	s8 =	sadd.s32 $0xFFFFE003, lr  }
0x1b: {  	s9 =	sadd.s32 $0xFFFFFEF7, lr;
	s5 =	simm.s32 $0xFFFFFFFF;
	p2 =	slt.u32 s8, $0xFFFFF086  }
0x1c: {  	p1 =	slt.u32 s9, $0xF7A;
	s5 =	simm.s32 @!p2 $0x0  }
0x1d: {  	s5 =	simm.s32 @p1 $0x1;
	p0 =	seq.s32 s7, s2  }
0x1e: {  	s7 =	smul.u32 @!p0 $0xF7A, s2;
	p2 =	seq.s32 @!p0 s5, $0x0  }
0x1f: {  	s9 =	smul.u32 $0xF7A, s1;
	s8 =	simm.s32 @!p0 $0x1BF5;
	p2 =	por !p2, p0  }
0x20: {  	[sflag:s8] =	ssyncset.s32 @!p0 $0xFFFFF086;
	s6 =	sadd.s32 @!p0 s3, s7;
	s7 =	simm.s32 @!p0 $0x108  }
0x21: {  	s3 =	sadd.s32 s3, s9;
	s6 =	sadd.s32 @!p0 $0x88, s6;
	s7 =	simm.s32 @p2 $0x1082  }
0x22: {  	[simem:s7], [sflag:s8] =	dma.local @!p0 [hbm:s6], $0xF7A  }
0x23: {  	s9 =	sor.u32 $0xD0000000, s2;
	s6 =	simm.s32 $0x108;
	_ =	swait.ge @!p0 [sflag:s8], $0x0  }
0x24: {  	s3 =	sadd.s32 $0x88, s3;
	s6 =	simm.s32 @!p1 $0x1082;
	[sflag:s4] =	ssyncset.s32 $0xFFFFF086  }
0x25: {  	[simem:s6], [sflag:s4] =	dma.local [hbm:s3], $0xF7A  }
0x26: {  	[smem:$0x3F99] =	sst s1;
	(tag) =	ssettag s2;
	_ =	strace s9  }
0x27: {  	s1 =	sld [smem:$0x3FA9]  }
0x28: {  	s2 =	sld [smem:$0x3FAA]  }
0x29: {  	s4 =	sld [smem:$0x3FAC]  }
0x2a: {  	p0 =	seq.s32 s5, $0x0;
	s5 =	sld [smem:$0x3FAD]  }
0x2b: {  	s6 =	sld [smem:$0x3FAE]  }
0x2c: {  	s7 =	sld [smem:$0x3FAF]  }
0x2d: {  	s3 =	simm.s32 $0x108;
	s8 =	sld [smem:$0x3FB0]  }
0x2e: {  	s3 =	simm.s32 @!p0 $0x1082;
	s9 =	sld [smem:$0x3FB1]  }
0x2f: {  	lr =	sadd.s32 s0, s3;
	s0 =	sld [smem:$0x3FA8]  }
0x30: {  	s3 =	sld [smem:$0x3FAB]  }
0x31: {  	[smem:$0x3FB4] =	sst s10  }
0x32: {  	s10 =	sld [smem:$0x3FB2];
	_ =	sdelay $0x3  }
0x33: {  	p0 =	seq.s32 s10, $0x1;
	s10 =	sld [smem:$0x3FB4];
	_ =	sdelay $0x3  }
0x34: {  	[smem:$0x3FB4] =	sst s10  }
0x35: {  	s10 =	sld [smem:$0x3FB3];
	_ =	sdelay $0x3  }
0x36: {  	p1 =	seq.s32 s10, $0x1;
	s10 =	sld [smem:$0x3FB4];
	_ =	sdelay $0x3  }
0x37: {  	[smem:$0x3FB4] =	sst s10  }
0x38: {  	s10 =	sld [smem:$0x3FB5]  }
0x39: {  	_ = 	snop;
	(pc) =	sbr.ind lr, $3  }
0x3a: {  	_ = 	snop  }
0x3b: {  	_ = 	snop  }
0x3c: {  	p2 =	seq.s32 s10, $0x1;
	s10 =	sld [smem:$0x3FB4]  }
0x3d: {  	_ =	shalt  }
0x3e: {  	_ =	shalt  }
0x3f: {  	_ =	shalt  }
0x40: {  	_ =	shalt  }
0x41: {  	_ =	shalt  }
0x42: {  	_ =	shalt  }
0x43: {  	_ =	shalt  }
0x44: {  	_ =	shalt  }
0x45: {  	_ =	shalt  }
0x46: {  	_ =	shalt  }
0x47: {  	_ =	shalt  }
0x48: {  	_ =	shalt  }
0x49: {  	_ =	shalt  }
0x4a: {  	_ =	shalt  }
0x4b: {  	_ =	shalt  }
0x4c: {  	_ =	shalt  }
0x4d: {  	_ =	shalt  }
0x4e: {  	_ =	shalt  }
0x4f: {  	_ =	shalt  }
0x50: {  	_ =	shalt  }
0x51: {  	_ =	shalt  }
0x52: {  	_ =	shalt  }
0x53: {  	_ =	shalt  }
0x54: {  	_ =	shalt  }
0x55: {  	_ =	shalt  }
0x56: {  	_ =	shalt  }
0x57: {  	_ =	shalt  }
0x58: {  	_ =	shalt  }
0x59: {  	_ =	shalt  }
0x5a: {  	_ =	shalt  }
0x5b: {  	_ =	shalt  }
0x5c: {  	_ =	shalt  }
0x5d: {  	_ =	shalt  }
0x5e: {  	_ =	shalt  }
0x5f: {  	_ =	shalt  }
0x60: {  	_ =	shalt  }
0x61: {  	_ =	shalt  }
0x62: {  	_ =	shalt  }
0x63: {  	_ =	shalt  }
0x64: {  	_ =	shalt  }
0x65: {  	_ =	shalt  }
0x66: {  	_ =	shalt  }
0x67: {  	_ =	shalt  }
0x68: {  	_ =	shalt  }
0x69: {  	_ =	shalt  }
0x6a: {  	_ =	shalt  }
0x6b: {  	_ =	shalt  }
0x6c: {  	_ =	shalt  }
0x6d: {  	_ =	shalt  }
0x6e: {  	_ =	shalt  }
0x6f: {  	_ =	shalt  }
0x70: {  	_ =	shalt  }
0x71: {  	_ =	shalt  }
0x72: {  	_ =	shalt  }
0x73: {  	_ =	shalt  }
0x74: {  	_ =	shalt  }
0x75: {  	_ =	shalt  }
0x76: {  	_ =	shalt  }
0x77: {  	_ =	shalt  }
0x78: {  	_ =	shalt  }
0x79: {  	_ =	shalt  }
0x7a: {  	_ =	shalt  }
0x7b: {  	_ =	shalt  }
0x7c: {  	_ =	shalt  }
0x7d: {  	_ =	shalt  }
0x7e: {  	_ =	shalt  }
0x7f: {  	_ =	shalt  }
0x80: {  	_ =	shalt  }
0x81: {  	_ =	shalt  }
0x82: {  	_ =	shalt  }
0x83: {  	_ =	shalt  }
0x84: {  	_ =	shalt  }
0x85: {  	_ =	shalt  }
0x86: {  	_ =	shalt  }
0x87: {  	_ =	shalt  }
.Lfunc_end0:
.L_simem_size_0:
called_computation.1_lowered:
.L_overlay_start_0:
0x88: {  	s2 =	sld [smem:$0x3FD9]  }
0x89: {  	s3 =	sld [smem:$0x3FFE];
	_ =	sdelay $0x1  }
0x8a: {  	s1 =	srdreg.scid  }
0x8b: {  	s0 =	sand.u32 $0x1, s1  }
0x8c: {  	s16 =	sshll.u32 s0, $0xA;
	s2 =	sadd.s32 s3, s2  }
0x8d: {  	s2 =	sadd.s32 s2, s16  }
0x8e: {  	[smem:$0x3FC0] =	sst s2  }
0x8f: {  	_ = 	snop  }
0x90: {  	(tm) =	ssettm $0x1  }
0x91: {  	s17 =	sld [smem:$0x3FFB];
	_ =	sdelay $0x3  }
0x92: {  	_ =	strace s17  }
0x93: {  	s2 =	sld [smem:$0x3FFC];
	_ =	sdelay $0x3  }
0x94: {  	_ =	strace s2  }
0x95: {  	s2 =	sld [smem:$0x3FFD];
	_ =	sdelay $0x3  }
0x96: {  	_ =	strace s2  }
0x97: {  	_ =	strace $0x8FFFFFFF  }
0x98: {  	s18 =	sld [smem:$0x3FDB];
	_ =	sdelay $0x1  }
0x99: {  	s19 =	simm.s32 $_scs_section_size  }
0x9a: {  	s4 =	simm.s32 $_size__tile_overlayer_lowered;
	s5 =	simm.s32 $_tile_overlayer_lowered  }
0x9b: {  	s22 =	simm.s32 $0x1BFF;
	s21 =	sshll.u32 s5, $0x1;
	s2 =	sadd.s32 s19, s18  }
0x9c: {  	s6 =	simm.s32 $0x0;
	s20 =	sshll.u32 s4, $0x1;
	s4 =	sadd.s32 s21, s2  }
0x9d: {  	[timem:s6], [sflag:s22] =	dma.local [hbm:s4], s20  }
0x9e: {  	_ =	swait.ge [sflag:s22], s20  }
0x9f: {  	s3 =	ssub.s32 $0x0, s20;
	[sflag:s22] =	ssyncset.done $0x0  }
0xa0: {  	[sflag:s22] =	ssyncadd.s32 s3;
	_ =	sdelay $0x1  }
0xa1: {  	s23 =	simm.s32 $0x1B8B  }
0xa2: {  	_ =	swait.ge [sflag:s23], $0x1  }
0xa3: {  	[sflag:s23] =	ssyncset.done $0x0  }
0xa4: {  	s25 =	simm.s32 $0x1B8E;
	s24 =	sld [smem:$0x3FFE];
	[sflag:s23] =	ssyncadd.s32 $0xFFFFFFFF  }
0xa5: {  	s26 =	simm.s32 $execute0_lowered;
	[smem:$0x3FD2] =	sst s25  }
0xa6: {  	s4 =	sshll.u32 s26, $0x1;
	_ =	strace $0x80000049;
	[dreg:$0x1] =	wrdreg $0xFFFFFFFF  }
0xa7: {  	s28 =	simm.s32 $_size_execute0_lowered;
	s2 =	sadd.s32 s2, s4;
	[dreg:$0x0] =	wrdreg $0x0  }
0xa8: {  	s4 =	sshll.u32 s28, $0x1;
	[dreg:$0x2] =	wrdreg s2  }
0xa9: {  	[dreg:$0x3] =	wrdreg s4  }
0xaa: {  	[dreg:$0x4] =	wrdreg $0xC0  }
0xab: {  	_ =	task [dreg:s6], $0x5FFFF  }
0xac: {  	[dreg:$0x1] =	wrdreg $0xFFFFFFFF  }
0xad: {  	[dreg:$0x0] =	wrdreg $0x60  }
0xae: {  	[dreg:$0x2] =	wrdreg s24  }
0xaf: {  	[dreg:$0x3] =	wrdreg $0xB5400  }
0xb0: {  	[dreg:$0x4] =	wrdreg $0x9  }
0xb1: {  	_ =	task.clear_ibuf [dreg:s6], $0x5FFFF;
	_ =	strace $0x90000049  }
0xb2: {  	s29 =	simm.s32 $0x9;
	_ =	strace $0x8000004B  }
0xb3: {  	_ =	swait.ge [sflag:s29], $0x1  }
0xb4: {  	[sflag:s29] =	ssyncadd.s32 $0xFFFFFFFF  }
0xb5: {  	_ =	strace $0x9000004B  }
0xb6: {  	_ =	sfence  }
0xb7: {  	s30 =	sld [smem:$0x0];
	_ =	sdelay $0x2  }
0xb8: {  	s31 =	sshll.u32 s1, $0xD;
	s1 =	sshrl.u32 s1, $0x2  }
0xb9: {  	s3 =	sand.u32 $0x4000, s31;
	s1 =	sadd.s32 s1, s30  }
0xba: {  	s0 =	sor.u32 s3, s0;
	s1 =	sshll.u32 s1, $0x11  }
0xbb: {  	s0 =	sor.u32 s1, s0  }
0xbc: {  	s0 =	sadd.s32 $0x8F2B, s0  }
0xbd: {  	[sflag:s0] =	ssyncadd.remote.s32 $0x1  }
0xbe: {  	_ =	sfence.sel $0xFFFF  }
0xbf: {  	[dreg:$0x0] =	wrdreg $0xFFFFFFFF;
	(pc) =	sbr.abs _section_cstart, $3  }
0xc0: {  	[dreg:$0x1] =	wrdreg $0xFFFFFFFF  }
0xc1: {  	_ =	task.clear_ibuf [dreg:s6], $0x2FFFF;
	_ =	strace $0x9FFFFFFF  }
0xc2: {  	(tm) =	ssettm $0x7FFFFFFF  }
0xc3: {  	_ =	shalt  }
tec
execute0_lowered:
.L_overlay_start_1:
0x0: {  	(tag) =	ssettag $0x1  }
0x1: {  	s0 =	srdreg.scid;
	s6 =	rddreg [dreg:$0x0]  }
0x2: {  	s2 =	rddreg [dreg:$0x1];
	s3 =	simm.s32 $0x0;
	s16 =	simm.s32 $0x3  }
0x3: {  	s17 =	simm.s32 $0x28A0;
	s18 =	simm.s32 $0x5140;
	s19 =	simm.s32 $0x64  }
0x4: {  	s20 =	simm.s32 $0x8340;
	s21 =	simm.s32 $0x1;
	s22 =	simm.s32 $0x2  }
0x5: {  	s23 =	simm.s32 $0x2838;
	s24 =	simm.s32 $0x5070;
	s25 =	simm.s32 $0x50D8  }
0x6: {  	s26 =	simm.s32 $0x0;
	s5 =	sand.u32 $0x1, s0;
	s0 =	stileid.u32  }
0x7: {  	[smem:$0x7FF] =	sst s3;
	s4 =	sadd.s32 $0x2BC00, s6;
	s8 =	smul.u32 $0x13A00, s0  }
0x8: {  	s1 =	sshll.u32 s5, $0x4;
	s9 =	smul.u32 $0x13A000, s5;
	_ =	strace $0x8000004A  }
0x9: {  	s10 =	smul.u32 $0x4E800, s0;
	s5 =	ssub.s32 $0x2, s5;
	s1 =	sor.u32 s0, s1  }
0xa: {  	s30 =	sshrl.u32 s5, $0x1;
	s7 =	smul.u32 $0x28A0, s1;
	s9 =	sadd.s32 s8, s9  }
0xb: {  	s31 =	sshrl.u32 s10, $0x2;
	s15 =	ssub.s32 s5, s30;
	s9 =	sshrl.u32 s9, $0x3  }
0xc: {  	s13 =	sadd.s32 s31, s2;
	s15 =	smax.u32 s15, $0x1;
	s7 =	sshrl.u32 s7, $0x3  }
0xd: {  	s14 =	sadd.s32 s9, s6;
	s9 =	sadd.s32 $0x6400, s13;
	s10 =	sadd.s32 $0x9600, s13  }
0xe: {  	s11 =	sadd.s32 $0xC800, s13;
	s12 =	sadd.s32 $0xFA00, s13;
	s7 =	sadd.s32 s7, s6  }
0xf: {  	s14 =	sadd.s32 $0x7A000, s14;
	s5 =	sadd.s32 $0x17600, s7;
	s6 =	sadd.s32 $0x21880, s7  }
0x10: {  	v0 =	vimm.f32 $0.0e+00;
	s7 =	sadd.s32 s8, s2;
	s8 =	sadd.s32 $0x3200, s13;
	s13 =	sadd.s32 $0x12C00, s13  }
.LBB2_1:
0x11: {  	[tilespmem:s3], [sflag:$0x3] =	stream.linear.gather [hbm4b:s5+s3], $0x28A0, $0x38;
	[tilespmem:$0x1EF40] =	vst v63  }
0x12: {  	_ =	swait.ge [sflag:s16], $0x28A0  }
0x13: {  	[sflag:s16] =	ssyncset.done $0x0  }
0x14: {  	[sflag:s16] =	ssyncadd.s32 $0xFFFFD760  }
0x15: {  	[tilespmem:s17], [sflag:$0x3] =	stream.linear.gather [hbm4b:s6+s3], $0x28A0, $0x38;
	[tilespmem:$0x1EF40] =	vst v63  }
0x16: {  	s28 =	sand.u32 $0xFE00, s3;
	s29 =	sand.u32 $0x70, s3;
	_ =	swait.ge [sflag:s16], $0x28A0  }
0x17: {  	s30 =	sshrl.u32 s28, $0x2;
	s28 =	simm.s32 $0x40;
	[sflag:s16] =	ssyncset.done $0x0  }
0x18: {  	s30 =	sor.u32 s29, s30;
	s29 =	simm.s32 $0x0;
	[sflag:s16] =	ssyncadd.s32 $0xFFFFD760  }
.LBB2_2:
0x19: {  	p0 =	sne.s32 s28, $0xC7C0  }
0x1a: {  	[tilespmem:s30+$0x5140] =	vst v0;
	s29 =	sadd.s32 $0x10, s29;
	s30 =	smov.u32 s28;
	s28 =	sadd.s32 $0x40, s28  }
.Ltmp0:
0x1b: {  	(pc) =	sbr.rel @p0 .LBB2_2-.Ltmp0, $4  }
0x1c: {  	_ = 	snop  }
0x1d: {  	s30 =	sand.u32 $0xFE00, s30  }
0x1e: {  	s31 =	sand.u32 $0x70, s29;
	s30 =	sshrl.u32 s30, $0x2  }
0x1f: {  	s30 =	sor.u32 s31, s30  }
0x20: {  	[tilespmem:s30+$0x5140] =	vst v0  }
0x21: {  	[spmem:s7] =	stream.linear.scatter [tilespmem:s18], [sflag:$0x3], $0x3200, $0x38;
	[tilespmem:$0x1EF40] =	vst v63  }
0x22: {  	_ =	swait.ge [sflag:s16], $0x3200  }
0x23: {  	[sflag:s16] =	ssyncset.done $0x0  }
0x24: {  	[sflag:s16] =	ssyncadd.s32 $0xFFFFCE00  }
0x25: {  	[spmem:s8] =	stream.linear.scatter [tilespmem:s18], [sflag:$0x3], $0x3200, $0x38;
	[tilespmem:$0x1EF40] =	vst v63  }
0x26: {  	_ =	swait.ge [sflag:s16], $0x3200  }
0x27: {  	[sflag:s16] =	ssyncset.done $0x0  }
0x28: {  	[sflag:s16] =	ssyncadd.s32 $0xFFFFCE00  }
0x29: {  	[spmem:s9] =	stream.linear.scatter [tilespmem:s18], [sflag:$0x3], $0x3200, $0x38;
	[tilespmem:$0x1EF40] =	vst v63  }
0x2a: {  	_ =	swait.ge [sflag:s16], $0x3200  }
0x2b: {  	[sflag:s16] =	ssyncset.done $0x0  }
0x2c: {  	[sflag:s16] =	ssyncadd.s32 $0xFFFFCE00  }
0x2d: {  	[spmem:s10] =	stream.linear.scatter [tilespmem:s18], [sflag:$0x3], $0x3200, $0x38;
	[tilespmem:$0x1EF40] =	vst v63  }
0x2e: {  	_ =	swait.ge [sflag:s16], $0x3200  }
0x2f: {  	[sflag:s16] =	ssyncset.done $0x0  }
0x30: {  	[sflag:s16] =	ssyncadd.s32 $0xFFFFCE00  }
0x31: {  	[spmem:s11] =	stream.linear.scatter [tilespmem:s18], [sflag:$0x3], $0x3200, $0x38;
	[tilespmem:$0x1EF40] =	vst v63  }
0x32: {  	_ =	swait.ge [sflag:s16], $0x3200  }
0x33: {  	[sflag:s16] =	ssyncset.done $0x0  }
0x34: {  	[sflag:s16] =	ssyncadd.s32 $0xFFFFCE00  }
0x35: {  	[spmem:s12] =	stream.linear.scatter [tilespmem:s18], [sflag:$0x3], $0x3200, $0x38;
	[tilespmem:$0x1EF40] =	vst v63  }
0x36: {  	_ =	swait.ge [sflag:s16], $0x3200  }
0x37: {  	[sflag:s16] =	ssyncset.done $0x0  }
0x38: {  	[sflag:s16] =	ssyncadd.s32 $0xFFFFCE00  }
0x39: {  	[spmem:s13] =	stream.linear.scatter [tilespmem:s18], [sflag:$0x3], $0xE00, $0x38;
	[tilespmem:$0x1EF40] =	vst v63  }
0x3a: {  	_ =	swait.ge [sflag:s16], $0xE00  }
0x3b: {  	[sflag:s16] =	ssyncset.done $0x0  }
0x3c: {  	[sflag:s16] =	ssyncadd.s32 $0xFFFFF200  }
0x3d: {  	s28 =	simm.s32 $0x0;
	[bflag:$0x0] =	sbarrier.arrive $0xFFFF  }
0x3e: {  	[tilespmem:s18], [sflag:$0x1] =	stream.indirect.gather [hbm4b:s4+s19], $0x80, s28, s19, $0xb8;
	[tilespmem:$0x1EF40] =	vst v63  }
0x3f: {  	s28 =	simm.s32 $0x68  }
0x40: {  	[tilespmem:s20], [sflag:$0x2] =	stream.indirect.gather [hbm4b:s4+s19], $0x80, s28, s19, $0xb8;
	[tilespmem:$0x1EF40] =	vst v63  }
0x41: {  	_ =	swait.ge [sflag:s21], $0x3200  }
0x42: {  	[sflag:s21] =	ssyncset.done $0x0  }
0x43: {  	s28 =	simm.s32 $0x28A0;
	[sflag:s21] =	ssyncadd.s32 $0xFFFFCE00  }
0x44: {  	[spmem:s2] =	stream.indirect.scatter.add.f32 [tilespmem:s18], [sflag:$0x3], $0x80, s28, s19, $0xb8;
	[tilespmem:$0x1EF40] =	vst v63  }
0x45: {  	_ =	swait.ge [sflag:s16], $0x3200  }
0x46: {  	[sflag:s16] =	ssyncset.done $0x0  }
0x47: {  	s28 =	simm.s32 $0xD0;
	[sflag:s16] =	ssyncadd.s32 $0xFFFFCE00  }
0x48: {  	[tilespmem:s18], [sflag:$0x1] =	stream.indirect.gather [hbm4b:s4+s19], $0x80, s28, s19, $0xb8;
	[tilespmem:$0x1EF40] =	vst v63  }
0x49: {  	_ =	swait.ge [sflag:s22], $0x3200  }
0x4a: {  	[sflag:s22] =	ssyncset.done $0x0  }
0x4b: {  	s28 =	simm.s32 $0x2908;
	[sflag:s22] =	ssyncadd.s32 $0xFFFFCE00  }
0x4c: {  	[spmem:s2] =	stream.indirect.scatter.add.f32 [tilespmem:s20], [sflag:$0x3], $0x80, s28, s19, $0xb8;
	[tilespmem:$0x1EF40] =	vst v63  }
0x4d: {  	_ =	swait.ge [sflag:s16], $0x3200  }
0x4e: {  	s29 =	simm.s32 $0x680;
	s28 =	simm.s32 $0xD0;
	[sflag:s16] =	ssyncset.done $0x0  }
.LBB2_4:
0x4f: {  	s30 =	sadd.s32 $0x68, s28  }
0x50: {  	[sflag:s16] =	ssyncadd.s32 $0xFFFFCE00;
	s31 =	smov.u32 s29;
	s1 =	sadd.s32 $0x340, s29  }
0x51: {  	[tilespmem:s20], [sflag:$0x2] =	stream.indirect.gather [hbm4b:s4+s19], $0x80, s30, s19, $0xb8;
	[tilespmem:$0x1EF40] =	vst v63  }
0x52: {  	p0 =	sne.s32 s29, $0x9C00;
	_ =	swait.ge [sflag:s21], $0x3200  }
0x53: {  	[sflag:s21] =	ssyncset.done $0x0  }
0x54: {  	s29 =	sadd.s32 $0x28A0, s28;
	[sflag:s21] =	ssyncadd.s32 $0xFFFFCE00  }
0x55: {  	[spmem:s2] =	stream.indirect.scatter.add.f32 [tilespmem:s18], [sflag:$0x3], $0x80, s29, s19, $0xb8;
	[tilespmem:$0x1EF40] =	vst v63  }
0x56: {  	_ =	swait.ge [sflag:s16], $0x3200  }
0x57: {  	[sflag:s16] =	ssyncset.done $0x0  }
0x58: {  	s29 =	sadd.s32 $0xD0, s28;
	[sflag:s16] =	ssyncadd.s32 $0xFFFFCE00  }
0x59: {  	[tilespmem:s18], [sflag:$0x1] =	stream.indirect.gather [hbm4b:s4+s19], $0x80, s29, s19, $0xb8;
	[tilespmem:$0x1EF40] =	vst v63  }
0x5a: {  	_ =	swait.ge [sflag:s22], $0x3200  }
.Ltmp1:
0x5b: {  	[sflag:s22] =	ssyncset.done $0x0;
	(pc) =	sbr.rel @p0 .LBB2_4-.Ltmp1, $4  }
0x5c: {  	s28 =	sadd.s32 $0x2908, s28;
	[sflag:s22] =	ssyncadd.s32 $0xFFFFCE00  }
0x5d: {  	[spmem:s2] =	stream.indirect.scatter.add.f32 [tilespmem:s20], [sflag:$0x3], $0x80, s28, s19, $0xb8;
	[tilespmem:$0x1EF40] =	vst v63  }
0x5e: {  	_ =	swait.ge [sflag:s16], $0x3200  }
0x5f: {  	s29 =	smov.u32 s1;
	s28 =	sshra.s32 s31, $0x2;
	[sflag:s16] =	ssyncset.done $0x0  }
0x60: {  	s1 =	sadd.s32 $0x68, s28;
	[sflag:s16] =	ssyncadd.s32 $0xFFFFCE00  }
0x61: {  	[tilespmem:s20], [sflag:$0x2] =	stream.indirect.gather [hbm4b:s4+s19], $0x80, s1, s19, $0xb8;
	[tilespmem:$0x1EF40] =	vst v63  }
0x62: {  	_ =	swait.ge [sflag:s21], $0x3200  }
0x63: {  	[sflag:s21] =	ssyncset.done $0x0  }
0x64: {  	s30 =	sadd.s32 $0x28A0, s28;
	[sflag:s21] =	ssyncadd.s32 $0xFFFFCE00  }
0x65: {  	[spmem:s2] =	stream.indirect.scatter.add.f32 [tilespmem:s18], [sflag:$0x3], $0x80, s30, s19, $0xb8;
	[tilespmem:$0x1EF40] =	vst v63  }
0x66: {  	_ =	swait.ge [sflag:s16], $0x3200  }
0x67: {  	[sflag:s16] =	ssyncset.done $0x0  }
0x68: {  	s31 =	sadd.s32 $0xD0, s28;
	[sflag:s16] =	ssyncadd.s32 $0xFFFFCE00  }
0x69: {  	[tilespmem:s18], [sflag:$0x1] =	stream.indirect.gather [hbm4b:s4+s19], $0x80, s31, s19, $0xb8;
	[tilespmem:$0x1EF40] =	vst v63  }
0x6a: {  	_ =	swait.ge [sflag:s22], $0x3200  }
0x6b: {  	[sflag:s22] =	ssyncset.done $0x0  }
0x6c: {  	s29 =	sadd.s32 $0x2908, s28;
	[sflag:s22] =	ssyncadd.s32 $0xFFFFCE00  }
0x6d: {  	[spmem:s2] =	stream.indirect.scatter.add.f32 [tilespmem:s20], [sflag:$0x3], $0x80, s29, s19, $0xb8;
	[tilespmem:$0x1EF40] =	vst v63  }
0x6e: {  	_ =	swait.ge [sflag:s16], $0x3200  }
0x6f: {  	[sflag:s16] =	ssyncset.done $0x0  }
0x70: {  	[sflag:s16] =	ssyncadd.s32 $0xFFFFCE00  }
0x71: {  	[tilespmem:s20], [sflag:$0x2] =	stream.indirect.gather [hbm4b:s4+s19], $0x80, s23, s19, $0xb8;
	[tilespmem:$0x1EF40] =	vst v63  }
0x72: {  	_ =	swait.ge [sflag:s21], $0x3200  }
0x73: {  	[sflag:s21] =	ssyncset.done $0x0  }
0x74: {  	[sflag:s21] =	ssyncadd.s32 $0xFFFFCE00  }
0x75: {  	[spmem:s2] =	stream.indirect.scatter.add.f32 [tilespmem:s18], [sflag:$0x3], $0x80, s24, s19, $0xb8;
	[tilespmem:$0x1EF40] =	vst v63  }
0x76: {  	_ =	swait.ge [sflag:s16], $0x3200  }
0x77: {  	[sflag:s16] =	ssyncset.done $0x0  }
0x78: {  	[sflag:s16] =	ssyncadd.s32 $0xFFFFCE00  }
0x79: {  	_ =	swait.ge [sflag:s22], $0x3200  }
0x7a: {  	[sflag:s22] =	ssyncset.done $0x0  }
0x7b: {  	[sflag:s22] =	ssyncadd.s32 $0xFFFFCE00  }
0x7c: {  	[spmem:s2] =	stream.indirect.scatter.add.f32 [tilespmem:s20], [sflag:$0x3], $0x80, s25, s19, $0xb8;
	[tilespmem:$0x1EF40] =	vst v63  }
0x7d: {  	_ =	swait.ge [sflag:s16], $0x3200  }
0x7e: {  	s26 =	sadd.s32 $0x1, s26;
	s30 =	sshll.u32 s0, $0x6;
	[sflag:s16] =	ssyncset.done $0x0  }
0x7f: {  	p0 =	sne.s32 s26, s15;
	s1 =	sor.u32 $0x1C03, s30;
	[sflag:s16] =	ssyncadd.s32 $0xFFFFCE00  }
.Ltmp2:
0x80: {  	s31 =	sshrl.u32 s7, $0x3;
	[bflag:$0x0] =	sbarrier.arrive $0xFFFF;
	(pc) =	sbr.rel @p0 .LBB2_1-.Ltmp2, $4  }
0x81: {  	[hbm:s14], [sflag:s1] =	dma.local [spmem:s31], $0x2740  }
0x82: {  	_ =	swait.ge [sflag:s16], $0x2740  }
0x83: {  	[sflag:s16] =	ssyncset.done $0x0  }
0x84: {  	[sflag:s16] =	ssyncadd.s32 $0xFFFFD8C0  }
0x85: {  	_ =	sfence.sel $0x180000  }
0x86: {  	[bflag:$0x0] =	sbarrier.arrive $0xFFFF  }
0x87: {  	_ =	strace $0x9000004A  }
0x88: {  	[bflag:$0x2] =	sbarrier.arrive $0xFFFF  }
0x89: {  	p0 =	sne.s32 s0, $0x0;
	s0 =	rddreg [dreg:$0x2]  }
0x8a: {  	s0 =	sadd.s32 @!p0 $0x100000, s0  }
0x8b: {  	[sflag:s0] =	ssyncadd.tile.s32 @!p0 $0x1;
	_ =	shalt  }
.Lfunc_end2:
_tile_overlayer_lowered:
.L_overlay_start_2:
0x8c: {  	(tag) =	ssettag $0x2  }
0x8d: {  	s0 =	rddreg [dreg:$0x0];
	s2 =	stileid.u32  }
0x8e: {  	s1 =	rddreg [dreg:$0x1];
	p0 =	sne.s32 s2, $0x0  }
0x8f: {  	s3 =	rddreg [dreg:$0x2];
	[bflag:$0x3] =	sbarrier.arrive $0xFFFF;
	s2 =	simm.s32 @!p0 $0x1C03  }
0x90: {  	[timem:s3], [sflag:s2] =	dma.local @!p0 [hbm:s0], s1  }
0x91: {  	s0 =	simm.s32 @!p0 $0x3  }
0x92: {  	_ =	swait.ge @!p0 [sflag:s0], s1  }
0x93: {  	s1 =	ssub.s32 @!p0 $0x0, s1;
	[sflag:s0] =	ssyncset.done @!p0 $0x0  }
0x94: {  	[sflag:s0] =	ssyncadd.s32 @!p0 s1  }
0x95: {  	[bflag:$0x3] =	sbarrier.arrive $0xFFFF  }
0x96: {  	_ =	shalt  }

// kernel: kernel.17.cloned.1.call-start
scs
__scs_entry_jumppad:
0x0: {  	(pc) =	sbr.rel $0x88, $3  }
0x1: {  	(tag) =	ssettag $0x0;
	lr =	simm.s32 $0x1  }
0x2: {  	[smem:$0x3F99] =	sst lr;
	_ =	strace $0xD0000000  }
0x3: {  	_ = 	snop  }
0x4: {  	_ = 	snop  }
0x5: {  	_ = 	snop  }
0x6: {  	_ = 	snop  }
0x7: {  	_ = 	snop  }
__scs_overlays_trampoline_lowered:
0x8: {  	[smem:$0x3FA8] =	sst s0  }
0x9: {  	[smem:$0x3FA9] =	sst s1  }
0xa: {  	[smem:$0x3FAA] =	sst s2  }
0xb: {  	[smem:$0x3FAB] =	sst s3  }
0xc: {  	[smem:$0x3FAC] =	sst s4  }
0xd: {  	[smem:$0x3FAD] =	sst s5  }
0xe: {  	[smem:$0x3FAE] =	sst s6  }
0xf: {  	[smem:$0x3FAF] =	sst s7  }
0x10: {  	[smem:$0x3FB0] =	sst s8  }
0x11: {  	[smem:$0x3FB1] =	sst s9;
	s0 =	simm.s32 @!p0 $0x0  }
0x12: {  	s1 =	sld [smem:$0x3F97];
	s0 =	simm.s32 @p0 $0x1  }
0x13: {  	[smem:$0x3FB2] =	sst s0;
	s0 =	simm.s32 @!p1 $0x0  }
0x14: {  	s2 =	sld [smem:$0x3F96];
	s0 =	simm.s32 @p1 $0x1  }
0x15: {  	[smem:$0x3FB3] =	sst s0;
	s0 =	simm.s32 @!p2 $0x0  }
0x16: {  	s3 =	sld [smem:$0x3FDB];
	s0 =	simm.s32 @p2 $0x1  }
0x17: {  	s4 =	simm.s32 $0x1BF5;
	[smem:$0x3FB5] =	sst s0  }
0x18: {  	s0 =	sld [smem:$0x3F98];
	_ =	swait.ge [sflag:s4], $0x0  }
0x19: {  	s7 =	sld [smem:$0x3F99]  }
0x1a: {  	s8 =	sadd.s32 $0xFFFFE003, lr  }
0x1b: {  	s9 =	sadd.s32 $0xFFFFFEF7, lr;
	s5 =	simm.s32 $0xFFFFFFFF;
	p2 =	slt.u32 s8, $0xFFFFF086  }
0x1c: {  	p1 =	slt.u32 s9, $0xF7A;
	s5 =	simm.s32 @!p2 $0x0  }
0x1d: {  	s5 =	simm.s32 @p1 $0x1;
	p0 =	seq.s32 s7, s2  }
0x1e: {  	s7 =	smul.u32 @!p0 $0xF7A, s2;
	p2 =	seq.s32 @!p0 s5, $0x0  }
0x1f: {  	s9 =	smul.u32 $0xF7A, s1;
	s8 =	simm.s32 @!p0 $0x1BF5;
	p2 =	por !p2, p0  }
0x20: {  	[sflag:s8] =	ssyncset.s32 @!p0 $0xFFFFF086;
	s6 =	sadd.s32 @!p0 s3, s7;
	s7 =	simm.s32 @!p0 $0x108  }
0x21: {  	s3 =	sadd.s32 s3, s9;
	s6 =	sadd.s32 @!p0 $0x88, s6;
	s7 =	simm.s32 @p2 $0x1082  }
0x22: {  	[simem:s7], [sflag:s8] =	dma.local @!p0 [hbm:s6], $0xF7A  }
0x23: {  	s9 =	sor.u32 $0xD0000000, s2;
	s6 =	simm.s32 $0x108;
	_ =	swait.ge @!p0 [sflag:s8], $0x0  }
0x24: {  	s3 =	sadd.s32 $0x88, s3;
	s6 =	simm.s32 @!p1 $0x1082;
	[sflag:s4] =	ssyncset.s32 $0xFFFFF086  }
0x25: {  	[simem:s6], [sflag:s4] =	dma.local [hbm:s3], $0xF7A  }
0x26: {  	[smem:$0x3F99] =	sst s1;
	(tag) =	ssettag s2;
	_ =	strace s9  }
0x27: {  	s1 =	sld [smem:$0x3FA9]  }
0x28: {  	s2 =	sld [smem:$0x3FAA]  }
0x29: {  	s4 =	sld [smem:$0x3FAC]  }
0x2a: {  	p0 =	seq.s32 s5, $0x0;
	s5 =	sld [smem:$0x3FAD]  }
0x2b: {  	s6 =	sld [smem:$0x3FAE]  }
0x2c: {  	s7 =	sld [smem:$0x3FAF]  }
0x2d: {  	s3 =	simm.s32 $0x108;
	s8 =	sld [smem:$0x3FB0]  }
0x2e: {  	s3 =	simm.s32 @!p0 $0x1082;
	s9 =	sld [smem:$0x3FB1]  }
0x2f: {  	lr =	sadd.s32 s0, s3;
	s0 =	sld [smem:$0x3FA8]  }
0x30: {  	s3 =	sld [smem:$0x3FAB]  }
0x31: {  	[smem:$0x3FB4] =	sst s10  }
0x32: {  	s10 =	sld [smem:$0x3FB2];
	_ =	sdelay $0x3  }
0x33: {  	p0 =	seq.s32 s10, $0x1;
	s10 =	sld [smem:$0x3FB4];
	_ =	sdelay $0x3  }
0x34: {  	[smem:$0x3FB4] =	sst s10  }
0x35: {  	s10 =	sld [smem:$0x3FB3];
	_ =	sdelay $0x3  }
0x36: {  	p1 =	seq.s32 s10, $0x1;
	s10 =	sld [smem:$0x3FB4];
	_ =	sdelay $0x3  }
0x37: {  	[smem:$0x3FB4] =	sst s10  }
0x38: {  	s10 =	sld [smem:$0x3FB5]  }
0x39: {  	_ = 	snop;
	(pc) =	sbr.ind lr, $3  }
0x3a: {  	_ = 	snop  }
0x3b: {  	_ = 	snop  }
0x3c: {  	p2 =	seq.s32 s10, $0x1;
	s10 =	sld [smem:$0x3FB4]  }
0x3d: {  	_ =	shalt  }
0x3e: {  	_ =	shalt  }
0x3f: {  	_ =	shalt  }
0x40: {  	_ =	shalt  }
0x41: {  	_ =	shalt  }
0x42: {  	_ =	shalt  }
0x43: {  	_ =	shalt  }
0x44: {  	_ =	shalt  }
0x45: {  	_ =	shalt  }
0x46: {  	_ =	shalt  }
0x47: {  	_ =	shalt  }
0x48: {  	_ =	shalt  }
0x49: {  	_ =	shalt  }
0x4a: {  	_ =	shalt  }
0x4b: {  	_ =	shalt  }
0x4c: {  	_ =	shalt  }
0x4d: {  	_ =	shalt  }
0x4e: {  	_ =	shalt  }
0x4f: {  	_ =	shalt  }
0x50: {  	_ =	shalt  }
0x51: {  	_ =	shalt  }
0x52: {  	_ =	shalt  }
0x53: {  	_ =	shalt  }
0x54: {  	_ =	shalt  }
0x55: {  	_ =	shalt  }
0x56: {  	_ =	shalt  }
0x57: {  	_ =	shalt  }
0x58: {  	_ =	shalt  }
0x59: {  	_ =	shalt  }
0x5a: {  	_ =	shalt  }
0x5b: {  	_ =	shalt  }
0x5c: {  	_ =	shalt  }
0x5d: {  	_ =	shalt  }
0x5e: {  	_ =	shalt  }
0x5f: {  	_ =	shalt  }
0x60: {  	_ =	shalt  }
0x61: {  	_ =	shalt  }
0x62: {  	_ =	shalt  }
0x63: {  	_ =	shalt  }
0x64: {  	_ =	shalt  }
0x65: {  	_ =	shalt  }
0x66: {  	_ =	shalt  }
0x67: {  	_ =	shalt  }
0x68: {  	_ =	shalt  }
0x69: {  	_ =	shalt  }
0x6a: {  	_ =	shalt  }
0x6b: {  	_ =	shalt  }
0x6c: {  	_ =	shalt  }
0x6d: {  	_ =	shalt  }
0x6e: {  	_ =	shalt  }
0x6f: {  	_ =	shalt  }
0x70: {  	_ =	shalt  }
0x71: {  	_ =	shalt  }
0x72: {  	_ =	shalt  }
0x73: {  	_ =	shalt  }
0x74: {  	_ =	shalt  }
0x75: {  	_ =	shalt  }
0x76: {  	_ =	shalt  }
0x77: {  	_ =	shalt  }
0x78: {  	_ =	shalt  }
0x79: {  	_ =	shalt  }
0x7a: {  	_ =	shalt  }
0x7b: {  	_ =	shalt  }
0x7c: {  	_ =	shalt  }
0x7d: {  	_ =	shalt  }
0x7e: {  	_ =	shalt  }
0x7f: {  	_ =	shalt  }
0x80: {  	_ =	shalt  }
0x81: {  	_ =	shalt  }
0x82: {  	_ =	shalt  }
0x83: {  	_ =	shalt  }
0x84: {  	_ =	shalt  }
0x85: {  	_ =	shalt  }
0x86: {  	_ =	shalt  }
0x87: {  	_ =	shalt  }
.Lfunc_end0:
.L_simem_size_0:
called_computation.2_lowered:
.L_overlay_start_0:
0x88: {  	s2 =	sld [smem:$0x3FD9]  }
0x89: {  	s3 =	sld [smem:$0x3FFE];
	_ =	sdelay $0x1  }
0x8a: {  	s1 =	srdreg.scid  }
0x8b: {  	s0 =	sand.u32 $0x1, s1  }
0x8c: {  	s16 =	sshll.u32 s0, $0xA;
	s2 =	sadd.s32 s3, s2  }
0x8d: {  	s2 =	sadd.s32 s2, s16  }
0x8e: {  	[smem:$0x3FC0] =	sst s2  }
0x8f: {  	_ = 	snop  }
0x90: {  	(tm) =	ssettm $0x1  }
0x91: {  	s17 =	sld [smem:$0x3FFB];
	_ =	sdelay $0x3  }
0x92: {  	_ =	strace s17  }
0x93: {  	s2 =	sld [smem:$0x3FFC];
	_ =	sdelay $0x3  }
0x94: {  	_ =	strace s2  }
0x95: {  	s2 =	sld [smem:$0x3FFD];
	_ =	sdelay $0x3  }
0x96: {  	_ =	strace s2  }
0x97: {  	_ =	strace $0x8FFFFFFF  }
0x98: {  	s18 =	sld [smem:$0x3FDB];
	_ =	sdelay $0x1  }
0x99: {  	s19 =	simm.s32 $_scs_section_size  }
0x9a: {  	s4 =	simm.s32 $_size__tile_overlayer_lowered;
	s5 =	simm.s32 $_tile_overlayer_lowered  }
0x9b: {  	s22 =	simm.s32 $0x1BFF;
	s21 =	sshll.u32 s5, $0x1;
	s2 =	sadd.s32 s19, s18  }
0x9c: {  	s6 =	simm.s32 $0x0;
	s20 =	sshll.u32 s4, $0x1;
	s4 =	sadd.s32 s21, s2  }
0x9d: {  	[timem:s6], [sflag:s22] =	dma.local [hbm:s4], s20  }
0x9e: {  	_ =	swait.ge [sflag:s22], s20  }
0x9f: {  	s3 =	ssub.s32 $0x0, s20;
	[sflag:s22] =	ssyncset.done $0x0  }
0xa0: {  	[sflag:s22] =	ssyncadd.s32 s3;
	_ =	sdelay $0x1  }
0xa1: {  	s23 =	simm.s32 $0x1B8B  }
0xa2: {  	_ =	swait.ge [sflag:s23], $0x1  }
0xa3: {  	[sflag:s23] =	ssyncset.done $0x0  }
0xa4: {  	s25 =	simm.s32 $0x1B8E;
	s24 =	sld [smem:$0x3FFE];
	[sflag:s23] =	ssyncadd.s32 $0xFFFFFFFF  }
0xa5: {  	s26 =	simm.s32 $execute0_lowered;
	[smem:$0x3FD2] =	sst s25  }
0xa6: {  	s4 =	sshll.u32 s26, $0x1;
	_ =	strace $0x8000004C;
	[dreg:$0x1] =	wrdreg $0xFFFFFFFF  }
0xa7: {  	s28 =	simm.s32 $_size_execute0_lowered;
	s2 =	sadd.s32 s2, s4;
	[dreg:$0x0] =	wrdreg $0x0  }
0xa8: {  	s4 =	sshll.u32 s28, $0x1;
	[dreg:$0x2] =	wrdreg s2  }
0xa9: {  	[dreg:$0x3] =	wrdreg s4  }
0xaa: {  	[dreg:$0x4] =	wrdreg $0xC0  }
0xab: {  	_ =	task [dreg:s6], $0x5FFFF  }
0xac: {  	[dreg:$0x1] =	wrdreg $0xFFFFFFFF  }
0xad: {  	[dreg:$0x0] =	wrdreg $0x60  }
0xae: {  	[dreg:$0x2] =	wrdreg s24  }
0xaf: {  	[dreg:$0x3] =	wrdreg $0xB5400  }
0xb0: {  	[dreg:$0x4] =	wrdreg $0x9  }
0xb1: {  	_ =	task.clear_ibuf [dreg:s6], $0x5FFFF;
	_ =	strace $0x9000004C  }
0xb2: {  	s29 =	simm.s32 $0x9;
	_ =	strace $0x8000004E  }
0xb3: {  	_ =	swait.ge [sflag:s29], $0x1  }
0xb4: {  	[sflag:s29] =	ssyncadd.s32 $0xFFFFFFFF  }
0xb5: {  	_ =	strace $0x9000004E  }
0xb6: {  	_ =	sfence  }
0xb7: {  	s30 =	sld [smem:$0x0];
	_ =	sdelay $0x2  }
0xb8: {  	s31 =	sshll.u32 s1, $0xD;
	s1 =	sshrl.u32 s1, $0x2  }
0xb9: {  	s3 =	sand.u32 $0x4000, s31;
	s1 =	sadd.s32 s1, s30  }
0xba: {  	s0 =	sor.u32 s3, s0;
	s1 =	sshll.u32 s1, $0x11  }
0xbb: {  	s0 =	sor.u32 s1, s0  }
0xbc: {  	s0 =	sadd.s32 $0x8F2B, s0  }
0xbd: {  	[sflag:s0] =	ssyncadd.remote.s32 $0x1  }
0xbe: {  	_ =	sfence.sel $0xFFFF  }
0xbf: {  	[dreg:$0x0] =	wrdreg $0xFFFFFFFF;
	(pc) =	sbr.abs _section_cstart, $3  }
0xc0: {  	[dreg:$0x1] =	wrdreg $0xFFFFFFFF  }
0xc1: {  	_ =	task.clear_ibuf [dreg:s6], $0x2FFFF;
	_ =	strace $0x9FFFFFFF  }
0xc2: {  	(tm) =	ssettm $0x7FFFFFFF  }
0xc3: {  	_ =	shalt  }
tec
execute0_lowered:
.L_overlay_start_1:
0x0: {  	(tag) =	ssettag $0x1  }
0x1: {  	s0 =	srdreg.scid;
	s6 =	rddreg [dreg:$0x0]  }
0x2: {  	s2 =	rddreg [dreg:$0x1];
	s3 =	simm.s32 $0x0;
	s16 =	simm.s32 $0x3  }
0x3: {  	s17 =	simm.s32 $0x28A0;
	s18 =	simm.s32 $0x5140;
	s19 =	simm.s32 $0x64  }
0x4: {  	s20 =	simm.s32 $0x8340;
	s21 =	simm.s32 $0x1;
	s22 =	simm.s32 $0x2  }
0x5: {  	s23 =	simm.s32 $0x2838;
	s24 =	simm.s32 $0x5070;
	s25 =	simm.s32 $0x50D8  }
0x6: {  	s26 =	simm.s32 $0x0;
	s5 =	sand.u32 $0x1, s0;
	s0 =	stileid.u32  }
0x7: {  	[smem:$0x7FF] =	sst s3;
	s4 =	sadd.s32 $0x2BC00, s6;
	s8 =	smul.u32 $0x13A00, s0  }
0x8: {  	s1 =	sshll.u32 s5, $0x4;
	s9 =	smul.u32 $0x13A000, s5;
	_ =	strace $0x8000004D  }
0x9: {  	s10 =	smul.u32 $0x4E800, s0;
	s5 =	ssub.s32 $0x2, s5;
	s1 =	sor.u32 s0, s1  }
0xa: {  	s30 =	sshrl.u32 s5, $0x1;
	s7 =	smul.u32 $0x28A0, s1;
	s9 =	sadd.s32 s8, s9  }
0xb: {  	s31 =	sshrl.u32 s10, $0x2;
	s15 =	ssub.s32 s5, s30;
	s9 =	sshrl.u32 s9, $0x3  }
0xc: {  	s13 =	sadd.s32 s31, s2;
	s15 =	smax.u32 s15, $0x1;
	s7 =	sshrl.u32 s7, $0x3  }
0xd: {  	s14 =	sadd.s32 s9, s6;
	s9 =	sadd.s32 $0x6400, s13;
	s10 =	sadd.s32 $0x9600, s13  }
0xe: {  	s11 =	sadd.s32 $0xC800, s13;
	s12 =	sadd.s32 $0xFA00, s13;
	s7 =	sadd.s32 s7, s6  }
0xf: {  	s14 =	sadd.s32 $0x7A000, s14;
	s5 =	sadd.s32 $0x17600, s7;
	s6 =	sadd.s32 $0x21880, s7  }
0x10: {  	v0 =	vimm.f32 $0.0e+00;
	s7 =	sadd.s32 s8, s2;
	s8 =	sadd.s32 $0x3200, s13;
	s13 =	sadd.s32 $0x12C00, s13  }
.LBB2_1:
0x11: {  	[tilespmem:s3], [sflag:$0x3] =	stream.linear.gather [hbm4b:s5+s3], $0x28A0, $0x38;
	[tilespmem:$0x1EF40] =	vst v63  }
0x12: {  	_ =	swait.ge [sflag:s16], $0x28A0  }
0x13: {  	[sflag:s16] =	ssyncset.done $0x0  }
0x14: {  	[sflag:s16] =	ssyncadd.s32 $0xFFFFD760  }
0x15: {  	[tilespmem:s17], [sflag:$0x3] =	stream.linear.gather [hbm4b:s6+s3], $0x28A0, $0x38;
	[tilespmem:$0x1EF40] =	vst v63  }
0x16: {  	s28 =	sand.u32 $0xFE00, s3;
	s29 =	sand.u32 $0x70, s3;
	_ =	swait.ge [sflag:s16], $0x28A0  }
0x17: {  	s30 =	sshrl.u32 s28, $0x2;
	s28 =	simm.s32 $0x40;
	[sflag:s16] =	ssyncset.done $0x0  }
0x18: {  	s30 =	sor.u32 s29, s30;
	s29 =	simm.s32 $0x0;
	[sflag:s16] =	ssyncadd.s32 $0xFFFFD760  }
.LBB2_2:
0x19: {  	p0 =	sne.s32 s28, $0xC7C0  }
0x1a: {  	[tilespmem:s30+$0x5140] =	vst v0;
	s29 =	sadd.s32 $0x10, s29;
	s30 =	smov.u32 s28;
	s28 =	sadd.s32 $0x40, s28  }
.Ltmp0:
0x1b: {  	(pc) =	sbr.rel @p0 .LBB2_2-.Ltmp0, $4  }
0x1c: {  	_ = 	snop  }
0x1d: {  	s30 =	sand.u32 $0xFE00, s30  }
0x1e: {  	s31 =	sand.u32 $0x70, s29;
	s30 =	sshrl.u32 s30, $0x2  }
0x1f: {  	s30 =	sor.u32 s31, s30  }
0x20: {  	[tilespmem:s30+$0x5140] =	vst v0  }
0x21: {  	[spmem:s7] =	stream.linear.scatter [tilespmem:s18], [sflag:$0x3], $0x3200, $0x38;
	[tilespmem:$0x1EF40] =	vst v63  }
0x22: {  	_ =	swait.ge [sflag:s16], $0x3200  }
0x23: {  	[sflag:s16] =	ssyncset.done $0x0  }
0x24: {  	[sflag:s16] =	ssyncadd.s32 $0xFFFFCE00  }
0x25: {  	[spmem:s8] =	stream.linear.scatter [tilespmem:s18], [sflag:$0x3], $0x3200, $0x38;
	[tilespmem:$0x1EF40] =	vst v63  }
0x26: {  	_ =	swait.ge [sflag:s16], $0x3200  }
0x27: {  	[sflag:s16] =	ssyncset.done $0x0  }
0x28: {  	[sflag:s16] =	ssyncadd.s32 $0xFFFFCE00  }
0x29: {  	[spmem:s9] =	stream.linear.scatter [tilespmem:s18], [sflag:$0x3], $0x3200, $0x38;
	[tilespmem:$0x1EF40] =	vst v63  }
0x2a: {  	_ =	swait.ge [sflag:s16], $0x3200  }
0x2b: {  	[sflag:s16] =	ssyncset.done $0x0  }
0x2c: {  	[sflag:s16] =	ssyncadd.s32 $0xFFFFCE00  }
0x2d: {  	[spmem:s10] =	stream.linear.scatter [tilespmem:s18], [sflag:$0x3], $0x3200, $0x38;
	[tilespmem:$0x1EF40] =	vst v63  }
0x2e: {  	_ =	swait.ge [sflag:s16], $0x3200  }
0x2f: {  	[sflag:s16] =	ssyncset.done $0x0  }
0x30: {  	[sflag:s16] =	ssyncadd.s32 $0xFFFFCE00  }
0x31: {  	[spmem:s11] =	stream.linear.scatter [tilespmem:s18], [sflag:$0x3], $0x3200, $0x38;
	[tilespmem:$0x1EF40] =	vst v63  }
0x32: {  	_ =	swait.ge [sflag:s16], $0x3200  }
0x33: {  	[sflag:s16] =	ssyncset.done $0x0  }
0x34: {  	[sflag:s16] =	ssyncadd.s32 $0xFFFFCE00  }
0x35: {  	[spmem:s12] =	stream.linear.scatter [tilespmem:s18], [sflag:$0x3], $0x3200, $0x38;
	[tilespmem:$0x1EF40] =	vst v63  }
0x36: {  	_ =	swait.ge [sflag:s16], $0x3200  }
0x37: {  	[sflag:s16] =	ssyncset.done $0x0  }
0x38: {  	[sflag:s16] =	ssyncadd.s32 $0xFFFFCE00  }
0x39: {  	[spmem:s13] =	stream.linear.scatter [tilespmem:s18], [sflag:$0x3], $0xE00, $0x38;
	[tilespmem:$0x1EF40] =	vst v63  }
0x3a: {  	_ =	swait.ge [sflag:s16], $0xE00  }
0x3b: {  	[sflag:s16] =	ssyncset.done $0x0  }
0x3c: {  	[sflag:s16] =	ssyncadd.s32 $0xFFFFF200  }
0x3d: {  	s28 =	simm.s32 $0x0;
	[bflag:$0x0] =	sbarrier.arrive $0xFFFF  }
0x3e: {  	[tilespmem:s18], [sflag:$0x1] =	stream.indirect.gather [hbm4b:s4+s19], $0x80, s28, s19, $0xb8;
	[tilespmem:$0x1EF40] =	vst v63  }
0x3f: {  	s28 =	simm.s32 $0x68  }
0x40: {  	[tilespmem:s20], [sflag:$0x2] =	stream.indirect.gather [hbm4b:s4+s19], $0x80, s28, s19, $0xb8;
	[tilespmem:$0x1EF40] =	vst v63  }
0x41: {  	_ =	swait.ge [sflag:s21], $0x3200  }
0x42: {  	[sflag:s21] =	ssyncset.done $0x0  }
0x43: {  	s28 =	simm.s32 $0x28A0;
	[sflag:s21] =	ssyncadd.s32 $0xFFFFCE00  }
0x44: {  	[spmem:s2] =	stream.indirect.scatter.add.f32 [tilespmem:s18], [sflag:$0x3], $0x80, s28, s19, $0xb8;
	[tilespmem:$0x1EF40] =	vst v63  }
0x45: {  	_ =	swait.ge [sflag:s16], $0x3200  }
0x46: {  	[sflag:s16] =	ssyncset.done $0x0  }
0x47: {  	s28 =	simm.s32 $0xD0;
	[sflag:s16] =	ssyncadd.s32 $0xFFFFCE00  }
0x48: {  	[tilespmem:s18], [sflag:$0x1] =	stream.indirect.gather [hbm4b:s4+s19], $0x80, s28, s19, $0xb8;
	[tilespmem:$0x1EF40] =	vst v63  }
0x49: {  	_ =	swait.ge [sflag:s22], $0x3200  }
0x4a: {  	[sflag:s22] =	ssyncset.done $0x0  }
0x4b: {  	s28 =	simm.s32 $0x2908;
	[sflag:s22] =	ssyncadd.s32 $0xFFFFCE00  }
0x4c: {  	[spmem:s2] =	stream.indirect.scatter.add.f32 [tilespmem:s20], [sflag:$0x3], $0x80, s28, s19, $0xb8;
	[tilespmem:$0x1EF40] =	vst v63  }
0x4d: {  	_ =	swait.ge [sflag:s16], $0x3200  }
0x4e: {  	s29 =	simm.s32 $0x680;
	s28 =	simm.s32 $0xD0;
	[sflag:s16] =	ssyncset.done $0x0  }
.LBB2_4:
0x4f: {  	s30 =	sadd.s32 $0x68, s28  }
0x50: {  	[sflag:s16] =	ssyncadd.s32 $0xFFFFCE00;
	s31 =	smov.u32 s29;
	s1 =	sadd.s32 $0x340, s29  }
0x51: {  	[tilespmem:s20], [sflag:$0x2] =	stream.indirect.gather [hbm4b:s4+s19], $0x80, s30, s19, $0xb8;
	[tilespmem:$0x1EF40] =	vst v63  }
0x52: {  	p0 =	sne.s32 s29, $0x9C00;
	_ =	swait.ge [sflag:s21], $0x3200  }
0x53: {  	[sflag:s21] =	ssyncset.done $0x0  }
0x54: {  	s29 =	sadd.s32 $0x28A0, s28;
	[sflag:s21] =	ssyncadd.s32 $0xFFFFCE00  }
0x55: {  	[spmem:s2] =	stream.indirect.scatter.add.f32 [tilespmem:s18], [sflag:$0x3], $0x80, s29, s19, $0xb8;
	[tilespmem:$0x1EF40] =	vst v63  }
0x56: {  	_ =	swait.ge [sflag:s16], $0x3200  }
0x57: {  	[sflag:s16] =	ssyncset.done $0x0  }
0x58: {  	s29 =	sadd.s32 $0xD0, s28;
	[sflag:s16] =	ssyncadd.s32 $0xFFFFCE00  }
0x59: {  	[tilespmem:s18], [sflag:$0x1] =	stream.indirect.gather [hbm4b:s4+s19], $0x80, s29, s19, $0xb8;
	[tilespmem:$0x1EF40] =	vst v63  }
0x5a: {  	_ =	swait.ge [sflag:s22], $0x3200  }
.Ltmp1:
0x5b: {  	[sflag:s22] =	ssyncset.done $0x0;
	(pc) =	sbr.rel @p0 .LBB2_4-.Ltmp1, $4  }
0x5c: {  	s28 =	sadd.s32 $0x2908, s28;
	[sflag:s22] =	ssyncadd.s32 $0xFFFFCE00  }
0x5d: {  	[spmem:s2] =	stream.indirect.scatter.add.f32 [tilespmem:s20], [sflag:$0x3], $0x80, s28, s19, $0xb8;
	[tilespmem:$0x1EF40] =	vst v63  }
0x5e: {  	_ =	swait.ge [sflag:s16], $0x3200  }
0x5f: {  	s29 =	smov.u32 s1;
	s28 =	sshra.s32 s31, $0x2;
	[sflag:s16] =	ssyncset.done $0x0  }
0x60: {  	s1 =	sadd.s32 $0x68, s28;
	[sflag:s16] =	ssyncadd.s32 $0xFFFFCE00  }
0x61: {  	[tilespmem:s20], [sflag:$0x2] =	stream.indirect.gather [hbm4b:s4+s19], $0x80, s1, s19, $0xb8;
	[tilespmem:$0x1EF40] =	vst v63  }
0x62: {  	_ =	swait.ge [sflag:s21], $0x3200  }
0x63: {  	[sflag:s21] =	ssyncset.done $0x0  }
0x64: {  	s30 =	sadd.s32 $0x28A0, s28;
	[sflag:s21] =	ssyncadd.s32 $0xFFFFCE00  }
0x65: {  	[spmem:s2] =	stream.indirect.scatter.add.f32 [tilespmem:s18], [sflag:$0x3], $0x80, s30, s19, $0xb8;
	[tilespmem:$0x1EF40] =	vst v63  }
0x66: {  	_ =	swait.ge [sflag:s16], $0x3200  }
0x67: {  	[sflag:s16] =	ssyncset.done $0x0  }
0x68: {  	s31 =	sadd.s32 $0xD0, s28;
	[sflag:s16] =	ssyncadd.s32 $0xFFFFCE00  }
0x69: {  	[tilespmem:s18], [sflag:$0x1] =	stream.indirect.gather [hbm4b:s4+s19], $0x80, s31, s19, $0xb8;
	[tilespmem:$0x1EF40] =	vst v63  }
0x6a: {  	_ =	swait.ge [sflag:s22], $0x3200  }
0x6b: {  	[sflag:s22] =	ssyncset.done $0x0  }
0x6c: {  	s29 =	sadd.s32 $0x2908, s28;
	[sflag:s22] =	ssyncadd.s32 $0xFFFFCE00  }
0x6d: {  	[spmem:s2] =	stream.indirect.scatter.add.f32 [tilespmem:s20], [sflag:$0x3], $0x80, s29, s19, $0xb8;
	[tilespmem:$0x1EF40] =	vst v63  }
0x6e: {  	_ =	swait.ge [sflag:s16], $0x3200  }
0x6f: {  	[sflag:s16] =	ssyncset.done $0x0  }
0x70: {  	[sflag:s16] =	ssyncadd.s32 $0xFFFFCE00  }
0x71: {  	[tilespmem:s20], [sflag:$0x2] =	stream.indirect.gather [hbm4b:s4+s19], $0x80, s23, s19, $0xb8;
	[tilespmem:$0x1EF40] =	vst v63  }
0x72: {  	_ =	swait.ge [sflag:s21], $0x3200  }
0x73: {  	[sflag:s21] =	ssyncset.done $0x0  }
0x74: {  	[sflag:s21] =	ssyncadd.s32 $0xFFFFCE00  }
0x75: {  	[spmem:s2] =	stream.indirect.scatter.add.f32 [tilespmem:s18], [sflag:$0x3], $0x80, s24, s19, $0xb8;
	[tilespmem:$0x1EF40] =	vst v63  }
0x76: {  	_ =	swait.ge [sflag:s16], $0x3200  }
0x77: {  	[sflag:s16] =	ssyncset.done $0x0  }
0x78: {  	[sflag:s16] =	ssyncadd.s32 $0xFFFFCE00  }
0x79: {  	_ =	swait.ge [sflag:s22], $0x3200  }
0x7a: {  	[sflag:s22] =	ssyncset.done $0x0  }
0x7b: {  	[sflag:s22] =	ssyncadd.s32 $0xFFFFCE00  }
0x7c: {  	[spmem:s2] =	stream.indirect.scatter.add.f32 [tilespmem:s20], [sflag:$0x3], $0x80, s25, s19, $0xb8;
	[tilespmem:$0x1EF40] =	vst v63  }
0x7d: {  	_ =	swait.ge [sflag:s16], $0x3200  }
0x7e: {  	s26 =	sadd.s32 $0x1, s26;
	s30 =	sshll.u32 s0, $0x6;
	[sflag:s16] =	ssyncset.done $0x0  }
0x7f: {  	p0 =	sne.s32 s26, s15;
	s1 =	sor.u32 $0x1C03, s30;
	[sflag:s16] =	ssyncadd.s32 $0xFFFFCE00  }
.Ltmp2:
0x80: {  	s31 =	sshrl.u32 s7, $0x3;
	[bflag:$0x0] =	sbarrier.arrive $0xFFFF;
	(pc) =	sbr.rel @p0 .LBB2_1-.Ltmp2, $4  }
0x81: {  	[hbm:s14], [sflag:s1] =	dma.local [spmem:s31], $0x2740  }
0x82: {  	_ =	swait.ge [sflag:s16], $0x2740  }
0x83: {  	[sflag:s16] =	ssyncset.done $0x0  }
0x84: {  	[sflag:s16] =	ssyncadd.s32 $0xFFFFD8C0  }
0x85: {  	_ =	sfence.sel $0x180000  }
0x86: {  	[bflag:$0x0] =	sbarrier.arrive $0xFFFF  }
0x87: {  	_ =	strace $0x9000004D  }
0x88: {  	[bflag:$0x2] =	sbarrier.arrive $0xFFFF  }
0x89: {  	p0 =	sne.s32 s0, $0x0;
	s0 =	rddreg [dreg:$0x2]  }
0x8a: {  	s0 =	sadd.s32 @!p0 $0x100000, s0  }
0x8b: {  	[sflag:s0] =	ssyncadd.tile.s32 @!p0 $0x1;
	_ =	shalt  }
.Lfunc_end2:
_tile_overlayer_lowered:
.L_overlay_start_2:
0x8c: {  	(tag) =	ssettag $0x2  }
0x8d: {  	s0 =	rddreg [dreg:$0x0];
	s2 =	stileid.u32  }
0x8e: {  	s1 =	rddreg [dreg:$0x1];
	p0 =	sne.s32 s2, $0x0  }
0x8f: {  	s3 =	rddreg [dreg:$0x2];
	[bflag:$0x3] =	sbarrier.arrive $0xFFFF;
	s2 =	simm.s32 @!p0 $0x1C03  }
0x90: {  	[timem:s3], [sflag:s2] =	dma.local @!p0 [hbm:s0], s1  }
0x91: {  	s0 =	simm.s32 @!p0 $0x3  }
0x92: {  	_ =	swait.ge @!p0 [sflag:s0], s1  }
0x93: {  	s1 =	ssub.s32 @!p0 $0x0, s1;
	[sflag:s0] =	ssyncset.done @!p0 $0x0  }
0x94: {  	[sflag:s0] =	ssyncadd.s32 @!p0 s1  }
0x95: {  	[bflag:$0x3] =	sbarrier.arrive $0xFFFF  }
0x96: {  	_ =	shalt  }

// kernel: kernel.20.cloned.1.call-start
scs
__scs_entry_jumppad:
0x0: {  	(pc) =	sbr.rel $0x88, $3  }
0x1: {  	(tag) =	ssettag $0x0;
	lr =	simm.s32 $0x1  }
0x2: {  	[smem:$0x3F99] =	sst lr;
	_ =	strace $0xD0000000  }
0x3: {  	_ = 	snop  }
0x4: {  	_ = 	snop  }
0x5: {  	_ = 	snop  }
0x6: {  	_ = 	snop  }
0x7: {  	_ = 	snop  }
__scs_overlays_trampoline_lowered:
0x8: {  	[smem:$0x3FA8] =	sst s0  }
0x9: {  	[smem:$0x3FA9] =	sst s1  }
0xa: {  	[smem:$0x3FAA] =	sst s2  }
0xb: {  	[smem:$0x3FAB] =	sst s3  }
0xc: {  	[smem:$0x3FAC] =	sst s4  }
0xd: {  	[smem:$0x3FAD] =	sst s5  }
0xe: {  	[smem:$0x3FAE] =	sst s6  }
0xf: {  	[smem:$0x3FAF] =	sst s7  }
0x10: {  	[smem:$0x3FB0] =	sst s8  }
0x11: {  	[smem:$0x3FB1] =	sst s9;
	s0 =	simm.s32 @!p0 $0x0  }
0x12: {  	s1 =	sld [smem:$0x3F97];
	s0 =	simm.s32 @p0 $0x1  }
0x13: {  	[smem:$0x3FB2] =	sst s0;
	s0 =	simm.s32 @!p1 $0x0  }
0x14: {  	s2 =	sld [smem:$0x3F96];
	s0 =	simm.s32 @p1 $0x1  }
0x15: {  	[smem:$0x3FB3] =	sst s0;
	s0 =	simm.s32 @!p2 $0x0  }
0x16: {  	s3 =	sld [smem:$0x3FDB];
	s0 =	simm.s32 @p2 $0x1  }
0x17: {  	s4 =	simm.s32 $0x1BF5;
	[smem:$0x3FB5] =	sst s0  }
0x18: {  	s0 =	sld [smem:$0x3F98];
	_ =	swait.ge [sflag:s4], $0x0  }
0x19: {  	s7 =	sld [smem:$0x3F99]  }
0x1a: {  	s8 =	sadd.s32 $0xFFFFE003, lr  }
0x1b: {  	s9 =	sadd.s32 $0xFFFFFEF7, lr;
	s5 =	simm.s32 $0xFFFFFFFF;
	p2 =	slt.u32 s8, $0xFFFFF086  }
0x1c: {  	p1 =	slt.u32 s9, $0xF7A;
	s5 =	simm.s32 @!p2 $0x0  }
0x1d: {  	s5 =	simm.s32 @p1 $0x1;
	p0 =	seq.s32 s7, s2  }
0x1e: {  	s7 =	smul.u32 @!p0 $0xF7A, s2;
	p2 =	seq.s32 @!p0 s5, $0x0  }
0x1f: {  	s9 =	smul.u32 $0xF7A, s1;
	s8 =	simm.s32 @!p0 $0x1BF5;
	p2 =	por !p2, p0  }
0x20: {  	[sflag:s8] =	ssyncset.s32 @!p0 $0xFFFFF086;
	s6 =	sadd.s32 @!p0 s3, s7;
	s7 =	simm.s32 @!p0 $0x108  }
0x21: {  	s3 =	sadd.s32 s3, s9;
	s6 =	sadd.s32 @!p0 $0x88, s6;
	s7 =	simm.s32 @p2 $0x1082  }
0x22: {  	[simem:s7], [sflag:s8] =	dma.local @!p0 [hbm:s6], $0xF7A  }
0x23: {  	s9 =	sor.u32 $0xD0000000, s2;
	s6 =	simm.s32 $0x108;
	_ =	swait.ge @!p0 [sflag:s8], $0x0  }
0x24: {  	s3 =	sadd.s32 $0x88, s3;
	s6 =	simm.s32 @!p1 $0x1082;
	[sflag:s4] =	ssyncset.s32 $0xFFFFF086  }
0x25: {  	[simem:s6], [sflag:s4] =	dma.local [hbm:s3], $0xF7A  }
0x26: {  	[smem:$0x3F99] =	sst s1;
	(tag) =	ssettag s2;
	_ =	strace s9  }
0x27: {  	s1 =	sld [smem:$0x3FA9]  }
0x28: {  	s2 =	sld [smem:$0x3FAA]  }
0x29: {  	s4 =	sld [smem:$0x3FAC]  }
0x2a: {  	p0 =	seq.s32 s5, $0x0;
	s5 =	sld [smem:$0x3FAD]  }
0x2b: {  	s6 =	sld [smem:$0x3FAE]  }
0x2c: {  	s7 =	sld [smem:$0x3FAF]  }
0x2d: {  	s3 =	simm.s32 $0x108;
	s8 =	sld [smem:$0x3FB0]  }
0x2e: {  	s3 =	simm.s32 @!p0 $0x1082;
	s9 =	sld [smem:$0x3FB1]  }
0x2f: {  	lr =	sadd.s32 s0, s3;
	s0 =	sld [smem:$0x3FA8]  }
0x30: {  	s3 =	sld [smem:$0x3FAB]  }
0x31: {  	[smem:$0x3FB4] =	sst s10  }
0x32: {  	s10 =	sld [smem:$0x3FB2];
	_ =	sdelay $0x3  }
0x33: {  	p0 =	seq.s32 s10, $0x1;
	s10 =	sld [smem:$0x3FB4];
	_ =	sdelay $0x3  }
0x34: {  	[smem:$0x3FB4] =	sst s10  }
0x35: {  	s10 =	sld [smem:$0x3FB3];
	_ =	sdelay $0x3  }
0x36: {  	p1 =	seq.s32 s10, $0x1;
	s10 =	sld [smem:$0x3FB4];
	_ =	sdelay $0x3  }
0x37: {  	[smem:$0x3FB4] =	sst s10  }
0x38: {  	s10 =	sld [smem:$0x3FB5]  }
0x39: {  	_ = 	snop;
	(pc) =	sbr.ind lr, $3  }
0x3a: {  	_ = 	snop  }
0x3b: {  	_ = 	snop  }
0x3c: {  	p2 =	seq.s32 s10, $0x1;
	s10 =	sld [smem:$0x3FB4]  }
0x3d: {  	_ =	shalt  }
0x3e: {  	_ =	shalt  }
0x3f: {  	_ =	shalt  }
0x40: {  	_ =	shalt  }
0x41: {  	_ =	shalt  }
0x42: {  	_ =	shalt  }
0x43: {  	_ =	shalt  }
0x44: {  	_ =	shalt  }
0x45: {  	_ =	shalt  }
0x46: {  	_ =	shalt  }
0x47: {  	_ =	shalt  }
0x48: {  	_ =	shalt  }
0x49: {  	_ =	shalt  }
0x4a: {  	_ =	shalt  }
0x4b: {  	_ =	shalt  }
0x4c: {  	_ =	shalt  }
0x4d: {  	_ =	shalt  }
0x4e: {  	_ =	shalt  }
0x4f: {  	_ =	shalt  }
0x50: {  	_ =	shalt  }
0x51: {  	_ =	shalt  }
0x52: {  	_ =	shalt  }
0x53: {  	_ =	shalt  }
0x54: {  	_ =	shalt  }
0x55: {  	_ =	shalt  }
0x56: {  	_ =	shalt  }
0x57: {  	_ =	shalt  }
0x58: {  	_ =	shalt  }
0x59: {  	_ =	shalt  }
0x5a: {  	_ =	shalt  }
0x5b: {  	_ =	shalt  }
0x5c: {  	_ =	shalt  }
0x5d: {  	_ =	shalt  }
0x5e: {  	_ =	shalt  }
0x5f: {  	_ =	shalt  }
0x60: {  	_ =	shalt  }
0x61: {  	_ =	shalt  }
0x62: {  	_ =	shalt  }
0x63: {  	_ =	shalt  }
0x64: {  	_ =	shalt  }
0x65: {  	_ =	shalt  }
0x66: {  	_ =	shalt  }
0x67: {  	_ =	shalt  }
0x68: {  	_ =	shalt  }
0x69: {  	_ =	shalt  }
0x6a: {  	_ =	shalt  }
0x6b: {  	_ =	shalt  }
0x6c: {  	_ =	shalt  }
0x6d: {  	_ =	shalt  }
0x6e: {  	_ =	shalt  }
0x6f: {  	_ =	shalt  }
0x70: {  	_ =	shalt  }
0x71: {  	_ =	shalt  }
0x72: {  	_ =	shalt  }
0x73: {  	_ =	shalt  }
0x74: {  	_ =	shalt  }
0x75: {  	_ =	shalt  }
0x76: {  	_ =	shalt  }
0x77: {  	_ =	shalt  }
0x78: {  	_ =	shalt  }
0x79: {  	_ =	shalt  }
0x7a: {  	_ =	shalt  }
0x7b: {  	_ =	shalt  }
0x7c: {  	_ =	shalt  }
0x7d: {  	_ =	shalt  }
0x7e: {  	_ =	shalt  }
0x7f: {  	_ =	shalt  }
0x80: {  	_ =	shalt  }
0x81: {  	_ =	shalt  }
0x82: {  	_ =	shalt  }
0x83: {  	_ =	shalt  }
0x84: {  	_ =	shalt  }
0x85: {  	_ =	shalt  }
0x86: {  	_ =	shalt  }
0x87: {  	_ =	shalt  }
.Lfunc_end0:
.L_simem_size_0:
called_computation.3_lowered:
.L_overlay_start_0:
0x88: {  	s2 =	sld [smem:$0x3FD9]  }
0x89: {  	s3 =	sld [smem:$0x3FFE];
	_ =	sdelay $0x1  }
0x8a: {  	s1 =	srdreg.scid  }
0x8b: {  	s0 =	sand.u32 $0x1, s1  }
0x8c: {  	s16 =	sshll.u32 s0, $0xA;
	s2 =	sadd.s32 s3, s2  }
0x8d: {  	s2 =	sadd.s32 s2, s16  }
0x8e: {  	[smem:$0x3FC0] =	sst s2  }
0x8f: {  	_ = 	snop  }
0x90: {  	(tm) =	ssettm $0x1  }
0x91: {  	s17 =	sld [smem:$0x3FFB];
	_ =	sdelay $0x3  }
0x92: {  	_ =	strace s17  }
0x93: {  	s2 =	sld [smem:$0x3FFC];
	_ =	sdelay $0x3  }
0x94: {  	_ =	strace s2  }
0x95: {  	s2 =	sld [smem:$0x3FFD];
	_ =	sdelay $0x3  }
0x96: {  	_ =	strace s2  }
0x97: {  	_ =	strace $0x8FFFFFFF  }
0x98: {  	s18 =	sld [smem:$0x3FDB];
	_ =	sdelay $0x1  }
0x99: {  	s19 =	simm.s32 $_scs_section_size  }
0x9a: {  	s4 =	simm.s32 $_size__tile_overlayer_lowered;
	s5 =	simm.s32 $_tile_overlayer_lowered  }
0x9b: {  	s22 =	simm.s32 $0x1BFF;
	s21 =	sshll.u32 s5, $0x1;
	s2 =	sadd.s32 s19, s18  }
0x9c: {  	s6 =	simm.s32 $0x0;
	s20 =	sshll.u32 s4, $0x1;
	s4 =	sadd.s32 s21, s2  }
0x9d: {  	[timem:s6], [sflag:s22] =	dma.local [hbm:s4], s20  }
0x9e: {  	_ =	swait.ge [sflag:s22], s20  }
0x9f: {  	s3 =	ssub.s32 $0x0, s20;
	[sflag:s22] =	ssyncset.done $0x0  }
0xa0: {  	[sflag:s22] =	ssyncadd.s32 s3;
	_ =	sdelay $0x1  }
0xa1: {  	s23 =	simm.s32 $0x1B8B  }
0xa2: {  	_ =	swait.ge [sflag:s23], $0x1  }
0xa3: {  	[sflag:s23] =	ssyncset.done $0x0  }
0xa4: {  	s25 =	simm.s32 $0x1B8E;
	s24 =	sld [smem:$0x3FFE];
	[sflag:s23] =	ssyncadd.s32 $0xFFFFFFFF  }
0xa5: {  	s26 =	simm.s32 $execute0_lowered;
	[smem:$0x3FD2] =	sst s25  }
0xa6: {  	s4 =	sshll.u32 s26, $0x1;
	_ =	strace $0x8000004F;
	[dreg:$0x1] =	wrdreg $0xFFFFFFFF  }
0xa7: {  	s28 =	simm.s32 $_size_execute0_lowered;
	s2 =	sadd.s32 s2, s4;
	[dreg:$0x0] =	wrdreg $0x0  }
0xa8: {  	s4 =	sshll.u32 s28, $0x1;
	[dreg:$0x2] =	wrdreg s2  }
0xa9: {  	[dreg:$0x3] =	wrdreg s4  }
0xaa: {  	[dreg:$0x4] =	wrdreg $0xC0  }
0xab: {  	_ =	task [dreg:s6], $0x5FFFF  }
0xac: {  	[dreg:$0x1] =	wrdreg $0xFFFFFFFF  }
0xad: {  	[dreg:$0x0] =	wrdreg $0x60  }
0xae: {  	[dreg:$0x2] =	wrdreg s24  }
0xaf: {  	[dreg:$0x3] =	wrdreg $0xA2300  }
0xb0: {  	[dreg:$0x4] =	wrdreg $0x9  }
0xb1: {  	_ =	task.clear_ibuf [dreg:s6], $0x5FFFF;
	_ =	strace $0x9000004F  }
0xb2: {  	s29 =	simm.s32 $0x9;
	_ =	strace $0x80000051  }
0xb3: {  	_ =	swait.ge [sflag:s29], $0x1  }
0xb4: {  	[sflag:s29] =	ssyncadd.s32 $0xFFFFFFFF  }
0xb5: {  	_ =	strace $0x90000051  }
0xb6: {  	_ =	sfence  }
0xb7: {  	s30 =	sld [smem:$0x0];
	_ =	sdelay $0x2  }
0xb8: {  	s31 =	sshll.u32 s1, $0xD;
	s1 =	sshrl.u32 s1, $0x2  }
0xb9: {  	s3 =	sand.u32 $0x4000, s31;
	s1 =	sadd.s32 s1, s30  }
0xba: {  	s0 =	sor.u32 s3, s0;
	s1 =	sshll.u32 s1, $0x11  }
0xbb: {  	s0 =	sor.u32 s1, s0  }
0xbc: {  	s0 =	sadd.s32 $0x8F2B, s0  }
0xbd: {  	[sflag:s0] =	ssyncadd.remote.s32 $0x1  }
0xbe: {  	_ =	sfence.sel $0xFFFF  }
0xbf: {  	[dreg:$0x0] =	wrdreg $0xFFFFFFFF;
	(pc) =	sbr.abs _section_cstart, $3  }
0xc0: {  	[dreg:$0x1] =	wrdreg $0xFFFFFFFF  }
0xc1: {  	_ =	task.clear_ibuf [dreg:s6], $0x2FFFF;
	_ =	strace $0x9FFFFFFF  }
0xc2: {  	(tm) =	ssettm $0x7FFFFFFF  }
0xc3: {  	_ =	shalt  }
tec
execute0_lowered:
.L_overlay_start_1:
0x0: {  	(tag) =	ssettag $0x1  }
0x1: {  	s0 =	srdreg.scid;
	s4 =	rddreg [dreg:$0x0]  }
0x2: {  	s6 =	stileid.u32;
	s7 =	rddreg [dreg:$0x1];
	s2 =	simm.s32 $0x0  }
0x3: {  	s25 =	simm.s32 $0x1;
	s29 =	simm.s32 $0x2710;
	s30 =	simm.s32 $0x9D30  }
0x4: {  	s31 =	simm.s32 $0x9FB0;
	s0 =	sand.u32 $0x1, s0;
	s8 =	smul.u32 $0x280, s6  }
0x5: {  	[smem:$0x7FF] =	sst s2;
	s3 =	sadd.s32 $0x16C00, s4;
	s1 =	sshll.u32 s0, $0x4  }
0x6: {  	s5 =	smul.u32 $0x2800, s0;
	_ =	strace $0x80000050;
	s0 =	ssub.s32 $0x2, s0  }
0x7: {  	s1 =	sor.u32 s6, s1;
	s6 =	smul.u32 $0xA000, s6;
	s28 =	sshrl.u32 s0, $0x1  }
0x8: {  	s1 =	smul.u32 $0x2710, s1;
	s5 =	sadd.s32 s8, s5;
	s0 =	ssub.s32 s0, s28  }
0x9: {  	s5 =	sshrl.u32 s5, $0x3;
	s6 =	sshrl.u32 s6, $0x2;
	s24 =	smax.u32 s0, $0x1  }
0xa: {  	s1 =	sshrl.u32 s1, $0x3;
	s6 =	sadd.s32 s6, s7;
	s7 =	sadd.s32 s8, s7  }
0xb: {  	s23 =	sadd.s32 s5, s4;
	s1 =	sadd.s32 s1, s4;
	s8 =	sadd.s32 $0x2800, s7  }
0xc: {  	s9 =	sadd.s32 $0x5000, s7;
	s10 =	sadd.s32 $0x7800, s7;
	s11 =	sadd.s32 $0xA000, s7  }
0xd: {  	s12 =	sadd.s32 $0xC800, s7;
	s13 =	sadd.s32 $0xF000, s7;
	s14 =	sadd.s32 $0x11800, s7  }
0xe: {  	s15 =	sadd.s32 $0x14000, s7;
	s16 =	sadd.s32 $0x16800, s7;
	s17 =	sadd.s32 $0x19000, s7  }
0xf: {  	s18 =	sadd.s32 $0x1B800, s7;
	s19 =	sadd.s32 $0x1E000, s7;
	s20 =	sadd.s32 $0x20800, s7  }
0x10: {  	s21 =	sadd.s32 $0x23000, s7;
	s22 =	sadd.s32 $0x25800, s7;
	s23 =	sadd.s32 $0x17200, s23  }
0x11: {  	v0 =	vimm.f32 $0.0e+00;
	s4 =	sadd.s32 $0x3200, s1;
	s5 =	sadd.s32 $0xCE40, s1;
	s1 =	simm.s32 $0x0  }
.LBB2_1:
0x12: {  	[tilespmem:s2], [sflag:$0x1] =	stream.linear.gather [hbm4b:s3+s2], $0x2710, $0x38;
	[tilespmem:$0xCA30] =	vst v63  }
0x13: {  	_ =	swait.ge [sflag:s25], $0x2710  }
0x14: {  	[sflag:s25] =	ssyncset.done $0x0  }
0x15: {  	s0 =	simm.s32 $0x40;
	s26 =	simm.s32 $0x0;
	[sflag:s25] =	ssyncadd.s32 $0xFFFFD8F0  }
.LBB2_2:
0x16: {  	p0 =	sne.s32 s0, $0x9FC0;
	[tilespmem:s26+$0x2710] =	vst v0;
	s26 =	smov.u32 s0;
	s0 =	sadd.s32 $0x40, s0  }
.Ltmp0:
0x17: {  	(pc) =	sbr.rel @p0 .LBB2_2-.Ltmp0, $2  }
0x18: {  	_ =	sdelay $0x2  }
0x19: {  	s26 =	sshra.s32 s26, $0x2  }
0x1a: {  	[tilespmem:s26+$0x2710] =	vst v0;
	s0 =	simm.s32 $0x4F10  }
0x1b: {  	[tilespmem:s0], [sflag:$0x1] =	stream.linear.gather [hbm4b:s4+s2], $0x2710, $0x38;
	[tilespmem:$0xCA30] =	vst v63  }
0x1c: {  	_ =	swait.ge [sflag:s25], $0x2710  }
0x1d: {  	[sflag:s25] =	ssyncset.done $0x0  }
0x1e: {  	s26 =	simm.s32 $0x7620;
	[sflag:s25] =	ssyncadd.s32 $0xFFFFD8F0  }
0x1f: {  	[tilespmem:s26], [sflag:$0x1] =	stream.linear.gather [hbm4b:s5+s2], $0x2710, $0x38;
	[tilespmem:$0xCA30] =	vst v63  }
0x20: {  	_ =	swait.ge [sflag:s25], $0x2710  }
0x21: {  	[sflag:s25] =	ssyncset.done $0x0  }
0x22: {  	s26 =	simm.s32 $0x4F50;
	[sflag:s25] =	ssyncadd.s32 $0xFFFFD8F0  }
0x23: {  	v1 =	vld [tilespmem:s26+$0x30]  }
0x24: {  	v2 =	vld [tilespmem:s26+$0xFFFFFFC0]  }
0x25: {  	v3 =	vld [tilespmem:s26+$0xFFFFFFD0]  }
0x26: {  	v4 =	vld [tilespmem:s26+$0xFFFFFFE0]  }
0x27: {  	v5 =	vld [tilespmem:s26+$0xFFFFFFF0]  }
0x28: {  	s0 =	simm.s32 $0x7660;
	v6 =	vld [tilespmem:s26+$0x0]  }
0x29: {  	v7 =	vld [tilespmem:s0+$0x30]  }
0x2a: {  	v8 =	vld [tilespmem:s26+$0x10]  }
0x2b: {  	v10 =	vld [tilespmem:s26+$0x20]  }
0x2c: {  	v62 =	vld [tilespmem:s0+$0xFFFFFFD0]  }
0x2d: {  	v63 =	vld [tilespmem:s0+$0xFFFFFFE0]  }
0x2e: {  	v11 =	vld [tilespmem:s0+$0xFFFFFFF0]  }
0x2f: {  	v12 =	vld [tilespmem:s0+$0x0]  }
0x30: {  	v13 =	vld [tilespmem:s0+$0x10]  }
0x31: {  	v14 =	vld [tilespmem:s0+$0x20]  }
0x32: {  	v9 =	vld.idx.msk [tilespmem:v1+s2+$0x0], $0xffff  }
0x33: {  	v1 =	vld.idx.msk [tilespmem:v2+s2+$0x0], $0xffff  }
0x34: {  	v3 =	vld.idx.msk [tilespmem:v3+s2+$0x0], $0xffff  }
0x35: {  	v4 =	vld.idx.msk [tilespmem:v4+s2+$0x0], $0xffff  }
0x36: {  	v5 =	vld.idx.msk [tilespmem:v5+s2+$0x0], $0xffff  }
0x37: {  	v6 =	vld.idx.msk [tilespmem:v6+s2+$0x0], $0xffff  }
0x38: {  	v61 =	vld.idx.msk [tilespmem:v8+s2+$0x0], $0xffff  }
0x39: {  	v10 =	vld.idx.msk [tilespmem:v10+s2+$0x0], $0xffff  }
0x3a: {  	v2 =	vld [tilespmem:s0+$0xFFFFFFC0]  }
0x3b: {  	[tilespmem:v7+s29+$0x0] =	vst.idx.add.f32.msk $0xffff, v9  }
0x3c: {  	[tilespmem:v62+s29+$0x0] =	vst.idx.add.f32.msk $0xffff, v3  }
0x3d: {  	[tilespmem:v63+s29+$0x0] =	vst.idx.add.f32.msk $0xffff, v4  }
0x3e: {  	[tilespmem:v11+s29+$0x0] =	vst.idx.add.f32.msk $0xffff, v5  }
0x3f: {  	[tilespmem:v12+s29+$0x0] =	vst.idx.add.f32.msk $0xffff, v6  }
0x40: {  	[tilespmem:v13+s29+$0x0] =	vst.idx.add.f32.msk $0xffff, v61  }
0x41: {  	s28 =	simm.s32 $0x4FD0;
	s26 =	simm.s32 $0x0;
	[tilespmem:v14+s29+$0x0] =	vst.idx.add.f32.msk $0xffff, v10  }
.LBB2_4:
0x42: {  	v3 =	vld [tilespmem:s28+$0x30];
	s26 =	sadd.s32 $0x8, s26  }
0x43: {  	v4 =	vld [tilespmem:s28+$0xFFFFFFC0];
	p0 =	slt.u32 s26, $0x268  }
0x44: {  	v5 =	vld [tilespmem:s28+$0xFFFFFFD0]  }
0x45: {  	v6 =	vld [tilespmem:s28+$0xFFFFFFE0]  }
0x46: {  	v7 =	vld [tilespmem:s28+$0xFFFFFFF0]  }
0x47: {  	s0 =	sadd.s32 $0x80, s0;
	v8 =	vld [tilespmem:s28+$0x0]  }
0x48: {  	v9 =	vld [tilespmem:s0+$0x30]  }
0x49: {  	v10 =	vld [tilespmem:s28+$0x10]  }
0x4a: {  	v3 =	vld.idx.msk [tilespmem:v3+s2+$0x0], $0xffff  }
0x4b: {  	v11 =	vld [tilespmem:s28+$0x20]  }
0x4c: {  	v4 =	vld.idx.msk [tilespmem:v4+s2+$0x0], $0xffff  }
0x4d: {  	v5 =	vld.idx.msk [tilespmem:v5+s2+$0x0], $0xffff  }
0x4e: {  	v6 =	vld.idx.msk [tilespmem:v6+s2+$0x0], $0xffff  }
0x4f: {  	v7 =	vld.idx.msk [tilespmem:v7+s2+$0x0], $0xffff  }
0x50: {  	[tilespmem:v9+s29+$0x0] =	vst.idx.add.f32.msk $0xffff, v3  }
0x51: {  	v3 =	vld.idx.msk [tilespmem:v8+s2+$0x0], $0xffff  }
0x52: {  	v8 =	vld.idx.msk [tilespmem:v10+s2+$0x0], $0xffff  }
0x53: {  	v9 =	vld.idx.msk [tilespmem:v11+s2+$0x0], $0xffff  }
0x54: {  	v10 =	vld [tilespmem:s0+$0xFFFFFFD0]  }
0x55: {  	v11 =	vld [tilespmem:s0+$0xFFFFFFE0]  }
0x56: {  	v12 =	vld [tilespmem:s0+$0xFFFFFFF0]  }
0x57: {  	v13 =	vld [tilespmem:s0+$0x0]  }
0x58: {  	v14 =	vld [tilespmem:s0+$0x10]  }
0x59: {  	v15 =	vld [tilespmem:s0+$0x20]  }
0x5a: {  	v16 =	vld [tilespmem:s0+$0xFFFFFFC0]  }
0x5b: {  	[tilespmem:v2+s29+$0x0] =	vst.idx.add.f32.msk $0xffff, v1;
	v1 =	vmov v4  }
0x5c: {  	[tilespmem:v10+s29+$0x0] =	vst.idx.add.f32.msk $0xffff, v5  }
.Ltmp1:
0x5d: {  	[tilespmem:v11+s29+$0x0] =	vst.idx.add.f32.msk $0xffff, v6;
	(pc) =	sbr.rel @p0 .LBB2_4-.Ltmp1, $4  }
0x5e: {  	[tilespmem:v12+s29+$0x0] =	vst.idx.add.f32.msk $0xffff, v7  }
0x5f: {  	[tilespmem:v13+s29+$0x0] =	vst.idx.add.f32.msk $0xffff, v3;
	v2 =	vmov v16  }
0x60: {  	[tilespmem:v14+s29+$0x0] =	vst.idx.add.f32.msk $0xffff, v8  }
0x61: {  	s28 =	sadd.s32 $0x80, s28;
	[tilespmem:v15+s29+$0x0] =	vst.idx.add.f32.msk $0xffff, v9  }
0x62: {  	_ =	sdelay $0x3  }
0x63: {  	[tilespmem:v2+s29+$0x0] =	vst.idx.add.f32.msk $0xffff, v1  }
0x64: {  	v1 =	vld [tilespmem:$0x7610];
	_ =	sdelay $0x4  }
0x65: {  	v2 =	vld [tilespmem:$0x9D20];
	_ =	sdelay $0x1  }
0x66: {  	s0 =	simm.s32 $0x0  }
0x67: {  	v1 =	vld.idx.msk [tilespmem:v1+s0+$0x0], $0xffff;
	_ =	sdelay $0x4  }
0x68: {  	[tilespmem:v2+s29+$0x0] =	vst.idx.add.f32.msk $0xffff, v1  }
0x69: {  	[spmem:s6] =	stream.linear.scatter [tilespmem:s29], [sflag:$0x1], $0x2800, $0x38;
	[tilespmem:$0xCA30] =	vst v63  }
0x6a: {  	_ =	swait.ge [sflag:s25], $0x2800  }
0x6b: {  	[sflag:s25] =	ssyncset.done $0x0  }
0x6c: {  	[sflag:s25] =	ssyncadd.s32 $0xFFFFD800  }
0x6d: {  	[bflag:$0x0] =	sbarrier.arrive $0xFFFF  }
0x6e: {  	[tilespmem:$0x9FB0] =	vst v0  }
0x6f: {  	[tilespmem:$0x9FC0] =	vst v0  }
0x70: {  	[tilespmem:$0x9FD0] =	vst v0  }
0x71: {  	[tilespmem:$0x9FE0] =	vst v0  }
0x72: {  	[tilespmem:$0x9FF0] =	vst v0  }
0x73: {  	[tilespmem:$0xA000] =	vst v0  }
0x74: {  	[tilespmem:$0xA010] =	vst v0  }
0x75: {  	[tilespmem:$0xA020] =	vst v0  }
0x76: {  	[tilespmem:$0xA030] =	vst v0  }
0x77: {  	[tilespmem:$0xA040] =	vst v0  }
0x78: {  	[tilespmem:$0xA050] =	vst v0  }
0x79: {  	[tilespmem:$0xA060] =	vst v0  }
0x7a: {  	[tilespmem:$0xA070] =	vst v0  }
0x7b: {  	[tilespmem:$0xA080] =	vst v0  }
0x7c: {  	[tilespmem:$0xA090] =	vst v0  }
0x7d: {  	[tilespmem:$0xA0A0] =	vst v0  }
0x7e: {  	[tilespmem:$0xA0B0] =	vst v0  }
0x7f: {  	[tilespmem:$0xA0C0] =	vst v0  }
0x80: {  	[tilespmem:$0xA0D0] =	vst v0  }
0x81: {  	[tilespmem:$0xA0E0] =	vst v0  }
0x82: {  	[tilespmem:$0xA0F0] =	vst v0  }
0x83: {  	[tilespmem:$0xA100] =	vst v0  }
0x84: {  	[tilespmem:$0xA110] =	vst v0  }
0x85: {  	[tilespmem:$0xA120] =	vst v0  }
0x86: {  	[tilespmem:$0xA130] =	vst v0  }
0x87: {  	[tilespmem:$0xA140] =	vst v0  }
0x88: {  	[tilespmem:$0xA150] =	vst v0  }
0x89: {  	[tilespmem:$0xA160] =	vst v0  }
0x8a: {  	[tilespmem:$0xA170] =	vst v0  }
0x8b: {  	[tilespmem:$0xA180] =	vst v0  }
0x8c: {  	[tilespmem:$0xA190] =	vst v0  }
0x8d: {  	[tilespmem:$0xA1A0] =	vst v0  }
0x8e: {  	[tilespmem:$0xA1B0] =	vst v0  }
0x8f: {  	[tilespmem:$0xA1C0] =	vst v0  }
0x90: {  	[tilespmem:$0xA1D0] =	vst v0  }
0x91: {  	[tilespmem:$0xA1E0] =	vst v0  }
0x92: {  	[tilespmem:$0xA1F0] =	vst v0  }
0x93: {  	[tilespmem:$0xA200] =	vst v0  }
0x94: {  	[tilespmem:$0xA210] =	vst v0  }
0x95: {  	[tilespmem:$0xA220] =	vst v0  }
0x96: {  	[tilespmem:s30], [sflag:$0x1] =	stream.linear.gather [spmem:s7], $0x280, $0x38;
	[tilespmem:$0xCA30] =	vst v63  }
0x97: {  	_ =	swait.ge [sflag:s25], $0x280  }
0x98: {  	[sflag:s25] =	ssyncset.done $0x0  }
0x99: {  	s0 =	simm.s32 $0x0;
	[sflag:s25] =	ssyncadd.s32 $0xFFFFFD80  }
0x9a: {  	s26 =	simm.s32 $0x40;
	v1 =	vld [tilespmem:s0+$0x9D30]  }
.LBB2_6:
0x9b: {  	p0 =	sne.s32 s26, $0x9C0;
	v2 =	vld [tilespmem:s0+$0x9FB0];
	_ =	sdelay $0x2  }
.Ltmp2:
0x9c: {  	(pc) =	sbr.rel @p0 .LBB2_6-.Ltmp2, $4  }
0x9d: {  	_ = 	snop  }
0x9e: {  	v2 =	vadd.f32 v1, v2  }
0x9f: {  	s28 =	sshra.s32 s26, $0x2  }
0xa0: {  	s26 =	sadd.s32 $0x40, s26;
	v1 =	vld [tilespmem:s28+$0x9D30];
	[tilespmem:s0+$0x9FB0] =	vst v2;
	s0 =	smov.u32 s28  }
0xa1: {  	v2 =	vld [tilespmem:s0+$0x9FB0];
	_ =	sdelay $0x4  }
0xa2: {  	v1 =	vadd.f32 v1, v2;
	_ =	sdelay $0x1  }
0xa3: {  	[tilespmem:s0+$0x9FB0] =	vst v1  }
0xa4: {  	[tilespmem:s30], [sflag:$0x1] =	stream.linear.gather [spmem:s8], $0x280, $0x38;
	[tilespmem:$0xCA30] =	vst v63  }
0xa5: {  	_ =	swait.ge [sflag:s25], $0x280  }
0xa6: {  	[sflag:s25] =	ssyncset.done $0x0  }
0xa7: {  	s0 =	simm.s32 $0x0;
	[sflag:s25] =	ssyncadd.s32 $0xFFFFFD80  }
0xa8: {  	s26 =	simm.s32 $0x40;
	v1 =	vld [tilespmem:s0+$0x9D30]  }
.LBB2_8:
0xa9: {  	p0 =	sne.s32 s26, $0x9C0;
	v2 =	vld [tilespmem:s0+$0x9FB0];
	_ =	sdelay $0x2  }
.Ltmp3:
0xaa: {  	(pc) =	sbr.rel @p0 .LBB2_8-.Ltmp3, $4  }
0xab: {  	_ = 	snop  }
0xac: {  	v2 =	vadd.f32 v1, v2  }
0xad: {  	s28 =	sshra.s32 s26, $0x2  }
0xae: {  	s26 =	sadd.s32 $0x40, s26;
	v1 =	vld [tilespmem:s28+$0x9D30];
	[tilespmem:s0+$0x9FB0] =	vst v2;
	s0 =	smov.u32 s28  }
0xaf: {  	v2 =	vld [tilespmem:s0+$0x9FB0];
	_ =	sdelay $0x4  }
0xb0: {  	v1 =	vadd.f32 v1, v2;
	_ =	sdelay $0x1  }
0xb1: {  	[tilespmem:s0+$0x9FB0] =	vst v1  }
0xb2: {  	[tilespmem:s30], [sflag:$0x1] =	stream.linear.gather [spmem:s9], $0x280, $0x38;
	[tilespmem:$0xCA30] =	vst v63  }
0xb3: {  	_ =	swait.ge [sflag:s25], $0x280  }
0xb4: {  	[sflag:s25] =	ssyncset.done $0x0  }
0xb5: {  	s0 =	simm.s32 $0x0;
	[sflag:s25] =	ssyncadd.s32 $0xFFFFFD80  }
0xb6: {  	s26 =	simm.s32 $0x40;
	v1 =	vld [tilespmem:s0+$0x9D30]  }
.LBB2_10:
0xb7: {  	p0 =	sne.s32 s26, $0x9C0;
	v2 =	vld [tilespmem:s0+$0x9FB0];
	_ =	sdelay $0x2  }
.Ltmp4:
0xb8: {  	(pc) =	sbr.rel @p0 .LBB2_10-.Ltmp4, $4  }
0xb9: {  	_ = 	snop  }
0xba: {  	v2 =	vadd.f32 v1, v2  }
0xbb: {  	s28 =	sshra.s32 s26, $0x2  }
0xbc: {  	s26 =	sadd.s32 $0x40, s26;
	v1 =	vld [tilespmem:s28+$0x9D30];
	[tilespmem:s0+$0x9FB0] =	vst v2;
	s0 =	smov.u32 s28  }
0xbd: {  	v2 =	vld [tilespmem:s0+$0x9FB0];
	_ =	sdelay $0x4  }
0xbe: {  	v1 =	vadd.f32 v1, v2;
	_ =	sdelay $0x1  }
0xbf: {  	[tilespmem:s0+$0x9FB0] =	vst v1  }
0xc0: {  	[tilespmem:s30], [sflag:$0x1] =	stream.linear.gather [spmem:s10], $0x280, $0x38;
	[tilespmem:$0xCA30] =	vst v63  }
0xc1: {  	_ =	swait.ge [sflag:s25], $0x280  }
0xc2: {  	[sflag:s25] =	ssyncset.done $0x0  }
0xc3: {  	s0 =	simm.s32 $0x0;
	[sflag:s25] =	ssyncadd.s32 $0xFFFFFD80  }
0xc4: {  	s26 =	simm.s32 $0x40;
	v1 =	vld [tilespmem:s0+$0x9D30]  }
.LBB2_12:
0xc5: {  	p0 =	sne.s32 s26, $0x9C0;
	v2 =	vld [tilespmem:s0+$0x9FB0];
	_ =	sdelay $0x2  }
.Ltmp5:
0xc6: {  	(pc) =	sbr.rel @p0 .LBB2_12-.Ltmp5, $4  }
0xc7: {  	_ = 	snop  }
0xc8: {  	v2 =	vadd.f32 v1, v2  }
0xc9: {  	s28 =	sshra.s32 s26, $0x2  }
0xca: {  	s26 =	sadd.s32 $0x40, s26;
	v1 =	vld [tilespmem:s28+$0x9D30];
	[tilespmem:s0+$0x9FB0] =	vst v2;
	s0 =	smov.u32 s28  }
0xcb: {  	v2 =	vld [tilespmem:s0+$0x9FB0];
	_ =	sdelay $0x4  }
0xcc: {  	v1 =	vadd.f32 v1, v2;
	_ =	sdelay $0x1  }
0xcd: {  	[tilespmem:s0+$0x9FB0] =	vst v1  }
0xce: {  	[tilespmem:s30], [sflag:$0x1] =	stream.linear.gather [spmem:s11], $0x280, $0x38;
	[tilespmem:$0xCA30] =	vst v63  }
0xcf: {  	_ =	swait.ge [sflag:s25], $0x280  }
0xd0: {  	[sflag:s25] =	ssyncset.done $0x0  }
0xd1: {  	s0 =	simm.s32 $0x0;
	[sflag:s25] =	ssyncadd.s32 $0xFFFFFD80  }
0xd2: {  	s26 =	simm.s32 $0x40;
	v1 =	vld [tilespmem:s0+$0x9D30]  }
.LBB2_14:
0xd3: {  	p0 =	sne.s32 s26, $0x9C0;
	v2 =	vld [tilespmem:s0+$0x9FB0];
	_ =	sdelay $0x2  }
.Ltmp6:
0xd4: {  	(pc) =	sbr.rel @p0 .LBB2_14-.Ltmp6, $4  }
0xd5: {  	_ = 	snop  }
0xd6: {  	v2 =	vadd.f32 v1, v2  }
0xd7: {  	s28 =	sshra.s32 s26, $0x2  }
0xd8: {  	s26 =	sadd.s32 $0x40, s26;
	v1 =	vld [tilespmem:s28+$0x9D30];
	[tilespmem:s0+$0x9FB0] =	vst v2;
	s0 =	smov.u32 s28  }
0xd9: {  	v2 =	vld [tilespmem:s0+$0x9FB0];
	_ =	sdelay $0x4  }
0xda: {  	v1 =	vadd.f32 v1, v2;
	_ =	sdelay $0x1  }
0xdb: {  	[tilespmem:s0+$0x9FB0] =	vst v1  }
0xdc: {  	[tilespmem:s30], [sflag:$0x1] =	stream.linear.gather [spmem:s12], $0x280, $0x38;
	[tilespmem:$0xCA30] =	vst v63  }
0xdd: {  	_ =	swait.ge [sflag:s25], $0x280  }
0xde: {  	[sflag:s25] =	ssyncset.done $0x0  }
0xdf: {  	s0 =	simm.s32 $0x0;
	[sflag:s25] =	ssyncadd.s32 $0xFFFFFD80  }
0xe0: {  	s26 =	simm.s32 $0x40;
	v1 =	vld [tilespmem:s0+$0x9D30]  }
.LBB2_16:
0xe1: {  	p0 =	sne.s32 s26, $0x9C0;
	v2 =	vld [tilespmem:s0+$0x9FB0];
	_ =	sdelay $0x2  }
.Ltmp7:
0xe2: {  	(pc) =	sbr.rel @p0 .LBB2_16-.Ltmp7, $4  }
0xe3: {  	_ = 	snop  }
0xe4: {  	v2 =	vadd.f32 v1, v2  }
0xe5: {  	s28 =	sshra.s32 s26, $0x2  }
0xe6: {  	s26 =	sadd.s32 $0x40, s26;
	v1 =	vld [tilespmem:s28+$0x9D30];
	[tilespmem:s0+$0x9FB0] =	vst v2;
	s0 =	smov.u32 s28  }
0xe7: {  	v2 =	vld [tilespmem:s0+$0x9FB0];
	_ =	sdelay $0x4  }
0xe8: {  	v1 =	vadd.f32 v1, v2;
	_ =	sdelay $0x1  }
0xe9: {  	[tilespmem:s0+$0x9FB0] =	vst v1  }
0xea: {  	[tilespmem:s30], [sflag:$0x1] =	stream.linear.gather [spmem:s13], $0x280, $0x38;
	[tilespmem:$0xCA30] =	vst v63  }
0xeb: {  	_ =	swait.ge [sflag:s25], $0x280  }
0xec: {  	[sflag:s25] =	ssyncset.done $0x0  }
0xed: {  	s0 =	simm.s32 $0x0;
	[sflag:s25] =	ssyncadd.s32 $0xFFFFFD80  }
0xee: {  	s26 =	simm.s32 $0x40;
	v1 =	vld [tilespmem:s0+$0x9D30]  }
.LBB2_18:
0xef: {  	p0 =	sne.s32 s26, $0x9C0;
	v2 =	vld [tilespmem:s0+$0x9FB0];
	_ =	sdelay $0x2  }
.Ltmp8:
0xf0: {  	(pc) =	sbr.rel @p0 .LBB2_18-.Ltmp8, $4  }
0xf1: {  	_ = 	snop  }
0xf2: {  	v2 =	vadd.f32 v1, v2  }
0xf3: {  	s28 =	sshra.s32 s26, $0x2  }
0xf4: {  	s26 =	sadd.s32 $0x40, s26;
	v1 =	vld [tilespmem:s28+$0x9D30];
	[tilespmem:s0+$0x9FB0] =	vst v2;
	s0 =	smov.u32 s28  }
0xf5: {  	v2 =	vld [tilespmem:s0+$0x9FB0];
	_ =	sdelay $0x4  }
0xf6: {  	v1 =	vadd.f32 v1, v2;
	_ =	sdelay $0x1  }
0xf7: {  	[tilespmem:s0+$0x9FB0] =	vst v1  }
0xf8: {  	[tilespmem:s30], [sflag:$0x1] =	stream.linear.gather [spmem:s14], $0x280, $0x38;
	[tilespmem:$0xCA30] =	vst v63  }
0xf9: {  	_ =	swait.ge [sflag:s25], $0x280  }
0xfa: {  	[sflag:s25] =	ssyncset.done $0x0  }
0xfb: {  	s0 =	simm.s32 $0x0;
	[sflag:s25] =	ssyncadd.s32 $0xFFFFFD80  }
0xfc: {  	s26 =	simm.s32 $0x40;
	v1 =	vld [tilespmem:s0+$0x9D30]  }
.LBB2_20:
0xfd: {  	p0 =	sne.s32 s26, $0x9C0;
	v2 =	vld [tilespmem:s0+$0x9FB0];
	_ =	sdelay $0x2  }
.Ltmp9:
0xfe: {  	(pc) =	sbr.rel @p0 .LBB2_20-.Ltmp9, $4  }
0xff: {  	_ = 	snop  }
0x100: {  	v2 =	vadd.f32 v1, v2  }
0x101: {  	s28 =	sshra.s32 s26, $0x2  }
0x102: {  	s26 =	sadd.s32 $0x40, s26;
	v1 =	vld [tilespmem:s28+$0x9D30];
	[tilespmem:s0+$0x9FB0] =	vst v2;
	s0 =	smov.u32 s28  }
0x103: {  	v2 =	vld [tilespmem:s0+$0x9FB0];
	_ =	sdelay $0x4  }
0x104: {  	v1 =	vadd.f32 v1, v2;
	_ =	sdelay $0x1  }
0x105: {  	[tilespmem:s0+$0x9FB0] =	vst v1  }
0x106: {  	[tilespmem:s30], [sflag:$0x1] =	stream.linear.gather [spmem:s15], $0x280, $0x38;
	[tilespmem:$0xCA30] =	vst v63  }
0x107: {  	_ =	swait.ge [sflag:s25], $0x280  }
0x108: {  	[sflag:s25] =	ssyncset.done $0x0  }
0x109: {  	s0 =	simm.s32 $0x0;
	[sflag:s25] =	ssyncadd.s32 $0xFFFFFD80  }
0x10a: {  	s26 =	simm.s32 $0x40;
	v1 =	vld [tilespmem:s0+$0x9D30]  }
.LBB2_22:
0x10b: {  	p0 =	sne.s32 s26, $0x9C0;
	v2 =	vld [tilespmem:s0+$0x9FB0];
	_ =	sdelay $0x2  }
.Ltmp10:
0x10c: {  	(pc) =	sbr.rel @p0 .LBB2_22-.Ltmp10, $4  }
0x10d: {  	_ = 	snop  }
0x10e: {  	v2 =	vadd.f32 v1, v2  }
0x10f: {  	s28 =	sshra.s32 s26, $0x2  }
0x110: {  	s26 =	sadd.s32 $0x40, s26;
	v1 =	vld [tilespmem:s28+$0x9D30];
	[tilespmem:s0+$0x9FB0] =	vst v2;
	s0 =	smov.u32 s28  }
0x111: {  	v2 =	vld [tilespmem:s0+$0x9FB0];
	_ =	sdelay $0x4  }
0x112: {  	v1 =	vadd.f32 v1, v2;
	_ =	sdelay $0x1  }
0x113: {  	[tilespmem:s0+$0x9FB0] =	vst v1  }
0x114: {  	[tilespmem:s30], [sflag:$0x1] =	stream.linear.gather [spmem:s16], $0x280, $0x38;
	[tilespmem:$0xCA30] =	vst v63  }
0x115: {  	_ =	swait.ge [sflag:s25], $0x280  }
0x116: {  	[sflag:s25] =	ssyncset.done $0x0  }
0x117: {  	s0 =	simm.s32 $0x0;
	[sflag:s25] =	ssyncadd.s32 $0xFFFFFD80  }
0x118: {  	s26 =	simm.s32 $0x40;
	v1 =	vld [tilespmem:s0+$0x9D30]  }
.LBB2_24:
0x119: {  	p0 =	sne.s32 s26, $0x9C0;
	v2 =	vld [tilespmem:s0+$0x9FB0];
	_ =	sdelay $0x2  }
.Ltmp11:
0x11a: {  	(pc) =	sbr.rel @p0 .LBB2_24-.Ltmp11, $4  }
0x11b: {  	_ = 	snop  }
0x11c: {  	v2 =	vadd.f32 v1, v2  }
0x11d: {  	s28 =	sshra.s32 s26, $0x2  }
0x11e: {  	s26 =	sadd.s32 $0x40, s26;
	v1 =	vld [tilespmem:s28+$0x9D30];
	[tilespmem:s0+$0x9FB0] =	vst v2;
	s0 =	smov.u32 s28  }
0x11f: {  	v2 =	vld [tilespmem:s0+$0x9FB0];
	_ =	sdelay $0x4  }
0x120: {  	v1 =	vadd.f32 v1, v2;
	_ =	sdelay $0x1  }
0x121: {  	[tilespmem:s0+$0x9FB0] =	vst v1  }
0x122: {  	[tilespmem:s30], [sflag:$0x1] =	stream.linear.gather [spmem:s17], $0x280, $0x38;
	[tilespmem:$0xCA30] =	vst v63  }
0x123: {  	_ =	swait.ge [sflag:s25], $0x280  }
0x124: {  	[sflag:s25] =	ssyncset.done $0x0  }
0x125: {  	s0 =	simm.s32 $0x0;
	[sflag:s25] =	ssyncadd.s32 $0xFFFFFD80  }
0x126: {  	s26 =	simm.s32 $0x40;
	v1 =	vld [tilespmem:s0+$0x9D30]  }
.LBB2_26:
0x127: {  	p0 =	sne.s32 s26, $0x9C0;
	v2 =	vld [tilespmem:s0+$0x9FB0];
	_ =	sdelay $0x2  }
.Ltmp12:
0x128: {  	(pc) =	sbr.rel @p0 .LBB2_26-.Ltmp12, $4  }
0x129: {  	_ = 	snop  }
0x12a: {  	v2 =	vadd.f32 v1, v2  }
0x12b: {  	s28 =	sshra.s32 s26, $0x2  }
0x12c: {  	s26 =	sadd.s32 $0x40, s26;
	v1 =	vld [tilespmem:s28+$0x9D30];
	[tilespmem:s0+$0x9FB0] =	vst v2;
	s0 =	smov.u32 s28  }
0x12d: {  	v2 =	vld [tilespmem:s0+$0x9FB0];
	_ =	sdelay $0x4  }
0x12e: {  	v1 =	vadd.f32 v1, v2;
	_ =	sdelay $0x1  }
0x12f: {  	[tilespmem:s0+$0x9FB0] =	vst v1  }
0x130: {  	[tilespmem:s30], [sflag:$0x1] =	stream.linear.gather [spmem:s18], $0x280, $0x38;
	[tilespmem:$0xCA30] =	vst v63  }
0x131: {  	_ =	swait.ge [sflag:s25], $0x280  }
0x132: {  	[sflag:s25] =	ssyncset.done $0x0  }
0x133: {  	s0 =	simm.s32 $0x0;
	[sflag:s25] =	ssyncadd.s32 $0xFFFFFD80  }
0x134: {  	s26 =	simm.s32 $0x40;
	v1 =	vld [tilespmem:s0+$0x9D30]  }
.LBB2_28:
0x135: {  	p0 =	sne.s32 s26, $0x9C0;
	v2 =	vld [tilespmem:s0+$0x9FB0];
	_ =	sdelay $0x2  }
.Ltmp13:
0x136: {  	(pc) =	sbr.rel @p0 .LBB2_28-.Ltmp13, $4  }
0x137: {  	_ = 	snop  }
0x138: {  	v2 =	vadd.f32 v1, v2  }
0x139: {  	s28 =	sshra.s32 s26, $0x2  }
0x13a: {  	s26 =	sadd.s32 $0x40, s26;
	v1 =	vld [tilespmem:s28+$0x9D30];
	[tilespmem:s0+$0x9FB0] =	vst v2;
	s0 =	smov.u32 s28  }
0x13b: {  	v2 =	vld [tilespmem:s0+$0x9FB0];
	_ =	sdelay $0x4  }
0x13c: {  	v1 =	vadd.f32 v1, v2;
	_ =	sdelay $0x1  }
0x13d: {  	[tilespmem:s0+$0x9FB0] =	vst v1  }
0x13e: {  	[tilespmem:s30], [sflag:$0x1] =	stream.linear.gather [spmem:s19], $0x280, $0x38;
	[tilespmem:$0xCA30] =	vst v63  }
0x13f: {  	_ =	swait.ge [sflag:s25], $0x280  }
0x140: {  	[sflag:s25] =	ssyncset.done $0x0  }
0x141: {  	s0 =	simm.s32 $0x0;
	[sflag:s25] =	ssyncadd.s32 $0xFFFFFD80  }
0x142: {  	s26 =	simm.s32 $0x40;
	v1 =	vld [tilespmem:s0+$0x9D30]  }
.LBB2_30:
0x143: {  	p0 =	sne.s32 s26, $0x9C0;
	v2 =	vld [tilespmem:s0+$0x9FB0];
	_ =	sdelay $0x2  }
.Ltmp14:
0x144: {  	(pc) =	sbr.rel @p0 .LBB2_30-.Ltmp14, $4  }
0x145: {  	_ = 	snop  }
0x146: {  	v2 =	vadd.f32 v1, v2  }
0x147: {  	s28 =	sshra.s32 s26, $0x2  }
0x148: {  	s26 =	sadd.s32 $0x40, s26;
	v1 =	vld [tilespmem:s28+$0x9D30];
	[tilespmem:s0+$0x9FB0] =	vst v2;
	s0 =	smov.u32 s28  }
0x149: {  	v2 =	vld [tilespmem:s0+$0x9FB0];
	_ =	sdelay $0x4  }
0x14a: {  	v1 =	vadd.f32 v1, v2;
	_ =	sdelay $0x1  }
0x14b: {  	[tilespmem:s0+$0x9FB0] =	vst v1  }
0x14c: {  	[tilespmem:s30], [sflag:$0x1] =	stream.linear.gather [spmem:s20], $0x280, $0x38;
	[tilespmem:$0xCA30] =	vst v63  }
0x14d: {  	_ =	swait.ge [sflag:s25], $0x280  }
0x14e: {  	[sflag:s25] =	ssyncset.done $0x0  }
0x14f: {  	s0 =	simm.s32 $0x0;
	[sflag:s25] =	ssyncadd.s32 $0xFFFFFD80  }
0x150: {  	s26 =	simm.s32 $0x40;
	v1 =	vld [tilespmem:s0+$0x9D30]  }
.LBB2_32:
0x151: {  	p0 =	sne.s32 s26, $0x9C0;
	v2 =	vld [tilespmem:s0+$0x9FB0];
	_ =	sdelay $0x2  }
.Ltmp15:
0x152: {  	(pc) =	sbr.rel @p0 .LBB2_32-.Ltmp15, $4  }
0x153: {  	_ = 	snop  }
0x154: {  	v2 =	vadd.f32 v1, v2  }
0x155: {  	s28 =	sshra.s32 s26, $0x2  }
0x156: {  	s26 =	sadd.s32 $0x40, s26;
	v1 =	vld [tilespmem:s28+$0x9D30];
	[tilespmem:s0+$0x9FB0] =	vst v2;
	s0 =	smov.u32 s28  }
0x157: {  	v2 =	vld [tilespmem:s0+$0x9FB0];
	_ =	sdelay $0x4  }
0x158: {  	v1 =	vadd.f32 v1, v2;
	_ =	sdelay $0x1  }
0x159: {  	[tilespmem:s0+$0x9FB0] =	vst v1  }
0x15a: {  	[tilespmem:s30], [sflag:$0x1] =	stream.linear.gather [spmem:s21], $0x280, $0x38;
	[tilespmem:$0xCA30] =	vst v63  }
0x15b: {  	_ =	swait.ge [sflag:s25], $0x280  }
0x15c: {  	[sflag:s25] =	ssyncset.done $0x0  }
0x15d: {  	s0 =	simm.s32 $0x0;
	[sflag:s25] =	ssyncadd.s32 $0xFFFFFD80  }
0x15e: {  	s26 =	simm.s32 $0x40;
	v1 =	vld [tilespmem:s0+$0x9D30]  }
.LBB2_34:
0x15f: {  	p0 =	sne.s32 s26, $0x9C0;
	v2 =	vld [tilespmem:s0+$0x9FB0];
	_ =	sdelay $0x2  }
.Ltmp16:
0x160: {  	(pc) =	sbr.rel @p0 .LBB2_34-.Ltmp16, $4  }
0x161: {  	_ = 	snop  }
0x162: {  	v2 =	vadd.f32 v1, v2  }
0x163: {  	s28 =	sshra.s32 s26, $0x2  }
0x164: {  	s26 =	sadd.s32 $0x40, s26;
	v1 =	vld [tilespmem:s28+$0x9D30];
	[tilespmem:s0+$0x9FB0] =	vst v2;
	s0 =	smov.u32 s28  }
0x165: {  	v2 =	vld [tilespmem:s0+$0x9FB0];
	_ =	sdelay $0x4  }
0x166: {  	v1 =	vadd.f32 v1, v2;
	_ =	sdelay $0x1  }
0x167: {  	[tilespmem:s0+$0x9FB0] =	vst v1  }
0x168: {  	[tilespmem:s30], [sflag:$0x1] =	stream.linear.gather [spmem:s22], $0x280, $0x38;
	[tilespmem:$0xCA30] =	vst v63  }
0x169: {  	_ =	swait.ge [sflag:s25], $0x280  }
0x16a: {  	[sflag:s25] =	ssyncset.done $0x0  }
0x16b: {  	s0 =	simm.s32 $0x0;
	[sflag:s25] =	ssyncadd.s32 $0xFFFFFD80  }
0x16c: {  	s26 =	simm.s32 $0x40;
	v1 =	vld [tilespmem:s0+$0x9D30]  }
.LBB2_36:
0x16d: {  	p0 =	sne.s32 s26, $0x9C0;
	v2 =	vld [tilespmem:s0+$0x9FB0];
	_ =	sdelay $0x2  }
.Ltmp17:
0x16e: {  	(pc) =	sbr.rel @p0 .LBB2_36-.Ltmp17, $4  }
0x16f: {  	_ = 	snop  }
0x170: {  	v2 =	vadd.f32 v1, v2  }
0x171: {  	s28 =	sshra.s32 s26, $0x2  }
0x172: {  	s26 =	sadd.s32 $0x40, s26;
	v1 =	vld [tilespmem:s28+$0x9D30];
	[tilespmem:s0+$0x9FB0] =	vst v2;
	s0 =	smov.u32 s28  }
0x173: {  	v2 =	vld [tilespmem:s0+$0x9FB0];
	_ =	sdelay $0x4  }
0x174: {  	s1 =	sadd.s32 $0x1, s1;
	v1 =	vadd.f32 v1, v2  }
0x175: {  	p0 =	sne.s32 s1, s24  }
.Ltmp18:
0x176: {  	[tilespmem:s0+$0x9FB0] =	vst v1;
	(pc) =	sbr.rel @p0 .LBB2_1-.Ltmp18, $4  }
0x177: {  	[hbm4b:s23+s2] =	stream.linear.scatter [tilespmem:s31], [sflag:$0x1], $0x280, $0x38;
	[tilespmem:$0xCA30] =	vst v63  }
0x178: {  	_ =	swait.ge [sflag:s25], $0x280  }
0x179: {  	[sflag:s25] =	ssyncset.done $0x0  }
0x17a: {  	[sflag:s25] =	ssyncadd.s32 $0xFFFFFD80  }
0x17b: {  	_ =	sfence.sel $0x180000  }
0x17c: {  	[bflag:$0x0] =	sbarrier.arrive $0xFFFF  }
0x17d: {  	_ =	strace $0x90000050  }
0x17e: {  	s0 =	stileid.u32;
	[bflag:$0x2] =	sbarrier.arrive $0xFFFF  }
0x17f: {  	p0 =	sne.s32 s0, $0x0;
	s0 =	rddreg [dreg:$0x2]  }
0x180: {  	s0 =	sadd.s32 @!p0 $0x100000, s0  }
0x181: {  	[sflag:s0] =	ssyncadd.tile.s32 @!p0 $0x1;
	_ =	shalt  }
.Lfunc_end2:
_tile_overlayer_lowered:
.L_overlay_start_2:
0x182: {  	(tag) =	ssettag $0x2  }
0x183: {  	s0 =	rddreg [dreg:$0x0];
	s2 =	stileid.u32  }
0x184: {  	s1 =	rddreg [dreg:$0x1];
	p0 =	sne.s32 s2, $0x0  }
0x185: {  	s3 =	rddreg [dreg:$0x2];
	[bflag:$0x3] =	sbarrier.arrive $0xFFFF;
	s2 =	simm.s32 @!p0 $0x1C01  }
0x186: {  	[timem:s3], [sflag:s2] =	dma.local @!p0 [hbm:s0], s1  }
0x187: {  	s0 =	simm.s32 @!p0 $0x1  }
0x188: {  	_ =	swait.ge @!p0 [sflag:s0], s1  }
0x189: {  	s1 =	ssub.s32 @!p0 $0x0, s1;
	[sflag:s0] =	ssyncset.done @!p0 $0x0  }
0x18a: {  	[sflag:s0] =	ssyncadd.s32 @!p0 s1  }
0x18b: {  	[bflag:$0x3] =	sbarrier.arrive $0xFFFF  }
0x18c: {  	_ =	shalt  }

</sc_bundles>
